<compile_context>
chip_gen: v7x
topology: tpu7x:2x2x1
jax: 0.10.2.dev20260603
libtpu: 0.0.44.dev20260713+nightly
codegen_flags: <defaults>
</compile_context>

<pallas_src>
import functools

import jax
import jax.numpy as jnp
from jax import lax
from jax.experimental import pallas as pl
from jax.experimental.pallas import tpu as pltpu
from jax.experimental.pallas import tpu_sc as plsc

N = 10000
E = 320000
IN_NF = 128
H = 64
OUT_NF = 128
EF = 16

NW = 32
CHUNK = 128
BN = 512
BE = 8192
N_PAD = 10240
E_PAD = 327680
NSEG = 2
ESEG = E_PAD // NSEG
EPW = ESEG // NW
NCH = EPW // CHUNK
PW = 80
TW = 80



def _node_pre_body(nf_ref, c8_ref, Win_ref, bin_ref, We1_ref,
                   h_ref, tR_ref, tC_ref):
    h = jnp.dot(nf_ref[...], Win_ref[...],
                preferred_element_type=jnp.float32) + bin_ref[...]
    h_ref[...] = h
    hA = jnp.dot(h, We1_ref[0:H], preferred_element_type=jnp.float32)
    hB = jnp.dot(h, We1_ref[H:2 * H], preferred_element_type=jnp.float32)
    c8 = c8_ref[...]
    z = jnp.zeros((BN, TW - H - 8), jnp.float32)
    tR_ref[...] = jnp.concatenate([hA, c8, z], axis=1)
    tC_ref[...] = jnp.concatenate([hB, -c8, z], axis=1)


def _node_pre(nf_p, c8, W_in, b_in, We1):
    grid = (N_PAD // BN,)
    return pl.pallas_call(
        _node_pre_body,
        grid=grid,
        in_specs=[
            pl.BlockSpec((BN, IN_NF), lambda i: (i, 0)),
            pl.BlockSpec((BN, 8), lambda i: (i, 0)),
            pl.BlockSpec((IN_NF, H), lambda i: (0, 0)),
            pl.BlockSpec((1, H), lambda i: (0, 0)),
            pl.BlockSpec((2 * H + 1 + EF, H), lambda i: (0, 0)),
        ],
        out_specs=[
            pl.BlockSpec((BN, H), lambda i: (i, 0)),
            pl.BlockSpec((BN, TW), lambda i: (i, 0)),
            pl.BlockSpec((BN, TW), lambda i: (i, 0)),
        ],
        out_shape=[
            jax.ShapeDtypeStruct((N_PAD, H), jnp.float32),
            jax.ShapeDtypeStruct((N_PAD, TW), jnp.float32),
            jax.ShapeDtypeStruct((N_PAD, TW), jnp.float32),
        ],
    )(nf_p, c8, W_in, b_in.reshape(1, H), We1)



_MESH = plsc.VectorSubcoreMesh(core_axis_name="c", subcore_axis_name="s")


NBUF = 4
DEPTH = 3


@functools.partial(
    pl.kernel,
    out_type=jax.ShapeDtypeStruct((ESEG, TW), jnp.float32),
    mesh=_MESH,
    compiler_params=pltpu.CompilerParams(use_tc_tiling_on_sc=False),
    scratch_types=[
        pltpu.VMEM((NCH, CHUNK), jnp.int32),
        pltpu.VMEM((NCH, CHUNK), jnp.int32),
        pltpu.VMEM((NBUF, CHUNK, TW), jnp.float32),
        pltpu.VMEM((NBUF, CHUNK, TW), jnp.float32),
        pltpu.SemaphoreType.DMA((NBUF,)),
        pltpu.SemaphoreType.DMA((NBUF,)),
    ],
)
def _sc_gather(tR_hbm, tC_hbm, row_hbm, col_hbm, gS_hbm,
               row_v, col_v, bufR, bufC, semG, semW):
    c = lax.axis_index("c")
    s = lax.axis_index("s")
    wid = s * 2 + c
    pltpu.sync_copy(row_hbm.at[pl.ds(wid * NCH, NCH)], row_v)
    pltpu.sync_copy(col_hbm.at[pl.ds(wid * NCH, NCH)], col_v)

    def start_gather(j, b):
        pltpu.async_copy(tR_hbm.at[row_v.at[j]], bufR.at[b], semG.at[b])
        pltpu.async_copy(tC_hbm.at[col_v.at[j]], bufC.at[b], semG.at[b])

    def wait_gather(j, b):
        pltpu.make_async_copy(tR_hbm.at[row_v.at[j]], bufR.at[b],
                              semG.at[b]).wait()
        pltpu.make_async_copy(tC_hbm.at[col_v.at[j]], bufC.at[b],
                              semG.at[b]).wait()

    def wait_write(j, b):
        base = wid * EPW + j * CHUNK
        pltpu.make_async_copy(bufR.at[b], gS_hbm.at[pl.ds(base, CHUNK)],
                              semW.at[b]).wait()

    for b in range(DEPTH):
        start_gather(b, b)

    def body(jj, carry):
        for b in range(NBUF):
            j = jj * NBUF + b
            wait_gather(j, b)

            def add_row(r, carry2):
                for l in range(TW // 16):
                    bufR[b, r, pl.ds(l * 16, 16)] = (
                        bufR[b, r, pl.ds(l * 16, 16)]
                        + bufC[b, r, pl.ds(l * 16, 16)])
                return carry2

            lax.fori_loop(0, CHUNK, add_row, 0, unroll=2)
            base = wid * EPW + j * CHUNK
            pltpu.async_copy(bufR.at[b], gS_hbm.at[pl.ds(base, CHUNK)],
                             semW.at[b])
            ns = (b + DEPTH) % NBUF

            @pl.when(j + DEPTH < NCH)
            def _():
                @pl.when(j >= 1)
                def _():
                    wait_write(j - 1, ns)
                start_gather(j + DEPTH, ns)

        return carry

    lax.fori_loop(0, NCH // NBUF, body, 0)
    for b in range(NBUF):
        wait_write(NCH - NBUF + b, b)



def _edge_body(g_ref, ea_ref, We1e_ref, wrad_ref, be1_ref,
               We2_ref, be2_ref, Wc1_ref, bc1_ref, wc2_ref, o_ref):
    g = g_ref[...].astype(jnp.float32)
    cd = g[:, H:H + 3]
    radial = jnp.sum(cd * cd, axis=1, keepdims=True)
    pre = (g[:, 0:H] + radial * wrad_ref[...]
           + jnp.dot(ea_ref[...], We1e_ref[...],
                     preferred_element_type=jnp.float32)
           + be1_ref[...])
    m1 = jnp.maximum(pre, 0.0)
    m = jnp.maximum(jnp.dot(m1, We2_ref[...],
                            preferred_element_type=jnp.float32)
                    + be2_ref[...], 0.0)
    cc = jnp.maximum(jnp.dot(m, Wc1_ref[...],
                             preferred_element_type=jnp.float32)
                     + bc1_ref[...], 0.0)
    sca = jnp.sum(cc * wc2_ref[...], axis=1, keepdims=True)
    trans = cd * sca
    ones = jnp.ones((BE, 1), jnp.float32)
    z = jnp.zeros((BE, PW - H - 4), jnp.float32)
    o_ref[...] = jnp.concatenate([m, trans, ones, z], axis=1)


def _edge_mlp(gS, ea_p, We1, be1, We2, be2, Wc1, bc1, Wc2):
    grid = (ESEG // BE,)
    We1e = We1[2 * H + 1:]
    wrad = We1[2 * H:2 * H + 1]
    return pl.pallas_call(
        _edge_body,
        grid=grid,
        in_specs=[
            pl.BlockSpec((BE, TW), lambda i: (i, 0)),
            pl.BlockSpec((BE, EF), lambda i: (i, 0)),
            pl.BlockSpec((EF, H), lambda i: (0, 0)),
            pl.BlockSpec((1, H), lambda i: (0, 0)),
            pl.BlockSpec((1, H), lambda i: (0, 0)),
            pl.BlockSpec((H, H), lambda i: (0, 0)),
            pl.BlockSpec((1, H), lambda i: (0, 0)),
            pl.BlockSpec((H, H), lambda i: (0, 0)),
            pl.BlockSpec((1, H), lambda i: (0, 0)),
            pl.BlockSpec((1, H), lambda i: (0, 0)),
        ],
        out_specs=pl.BlockSpec((BE, PW), lambda i: (i, 0)),
        out_shape=jax.ShapeDtypeStruct((ESEG, PW), jnp.float32),
    )(gS, ea_p, We1e, wrad, be1.reshape(1, H), We2,
      be2.reshape(1, H), Wc1, bc1.reshape(1, H), Wc2.reshape(1, H))



@functools.partial(
    pl.kernel,
    out_type=jax.ShapeDtypeStruct((2, N_PAD, PW), jnp.float32),
    mesh=_MESH,
    compiler_params=pltpu.CompilerParams(use_tc_tiling_on_sc=False),
    scratch_types=[
        pltpu.VMEM((2 * NCH, CHUNK), jnp.int32),
        pltpu.VMEM((2, CHUNK, PW), jnp.float32),
        pltpu.VMEM_SHARED((N_PAD, PW), jnp.float32),
        pltpu.SemaphoreType.DMA((2,)),
    ],
)
def _sc_scatter(dataA_hbm, dataB_hbm, row_hbm, zero_hbm, out_hbm,
                idx_v, buf, acc, semL):
    c = lax.axis_index("c")
    s = lax.axis_index("s")
    wid = s * 2 + c

    @pl.when(s == 0)
    def _init():
        pltpu.sync_copy(zero_hbm, acc)

    plsc.subcore_barrier()
    nhalf = NW * NCH
    pltpu.sync_copy(row_hbm.at[pl.ds(wid * NCH, NCH)],
                    idx_v.at[pl.ds(0, NCH)])
    pltpu.sync_copy(row_hbm.at[pl.ds(nhalf + wid * NCH, NCH)],
                    idx_v.at[pl.ds(NCH, NCH)])

    def run_seg(data_hbm, idx_off):
        def start_load(j, b):
            base = wid * EPW + j * CHUNK
            pltpu.async_copy(data_hbm.at[pl.ds(base, CHUNK)], buf.at[b],
                             semL.at[b])

        def wait_load(j, b):
            base = wid * EPW + j * CHUNK
            pltpu.make_async_copy(data_hbm.at[pl.ds(base, CHUNK)],
                                  buf.at[b], semL.at[b]).wait()

        start_load(0, 0)
        start_load(1, 1)

        def body(jj, carry):
            for b in range(2):
                j = jj * 2 + b
                wait_load(j, b)
                pltpu.sync_copy(buf.at[b], acc.at[idx_v.at[idx_off + j]],
                                add=True)

                @pl.when(j + 2 < NCH)
                def _():
                    start_load(j + 2, b)

            return carry

        lax.fori_loop(0, NCH // 2, body, 0)

    run_seg(dataA_hbm, 0)
    run_seg(dataB_hbm, NCH)
    plsc.subcore_barrier()

    @pl.when(s == 0)
    def _out():
        pltpu.sync_copy(acc, out_hbm.at[c])



def _node_post_body(h_ref, c8_ref, p_ref, Wn1_ref, bn1_ref,
                    Wn2_ref, bn2_ref, Wout_ref, bout_ref, o_ref, co_ref):
    agg = p_ref[0] + p_ref[1]
    aggm = agg[:, 0:H]
    tr = agg[:, H:H + 3]
    cnt = agg[:, H + 3:H + 4]
    c8 = c8_ref[...]
    co3 = c8[:, 0:3] + tr / jnp.maximum(cnt, 1.0)
    co_ref[...] = jnp.concatenate([co3, jnp.zeros((BN, 5), jnp.float32)],
                                  axis=1)
    h = h_ref[...]
    t = jnp.maximum(
        jnp.dot(h, Wn1_ref[0:H], preferred_element_type=jnp.float32)
        + jnp.dot(aggm, Wn1_ref[H:2 * H], preferred_element_type=jnp.float32)
        + bn1_ref[...], 0.0)
    h2 = h + jnp.dot(t, Wn2_ref[...],
                     preferred_element_type=jnp.float32) + bn2_ref[...]
    o_ref[...] = jnp.dot(h2, Wout_ref[...],
                         preferred_element_type=jnp.float32) + bout_ref[...]


def _node_post(h, c8, partials, Wn1, bn1, Wn2, bn2, W_out, b_out):
    grid = (N_PAD // BN,)
    return pl.pallas_call(
        _node_post_body,
        grid=grid,
        in_specs=[
            pl.BlockSpec((BN, H), lambda i: (i, 0)),
            pl.BlockSpec((BN, 8), lambda i: (i, 0)),
            pl.BlockSpec((2, BN, PW), lambda i: (0, i, 0)),
            pl.BlockSpec((2 * H, H), lambda i: (0, 0)),
            pl.BlockSpec((1, H), lambda i: (0, 0)),
            pl.BlockSpec((H, H), lambda i: (0, 0)),
            pl.BlockSpec((1, H), lambda i: (0, 0)),
            pl.BlockSpec((H, OUT_NF), lambda i: (0, 0)),
            pl.BlockSpec((1, OUT_NF), lambda i: (0, 0)),
        ],
        out_specs=[
            pl.BlockSpec((BN, OUT_NF), lambda i: (i, 0)),
            pl.BlockSpec((BN, 8), lambda i: (i, 0)),
        ],
        out_shape=[
            jax.ShapeDtypeStruct((N_PAD, OUT_NF), jnp.float32),
            jax.ShapeDtypeStruct((N_PAD, 8), jnp.float32),
        ],
    )(h, c8, partials, Wn1, bn1.reshape(1, H), Wn2, bn2.reshape(1, H),
      W_out, b_out.reshape(1, OUT_NF))



def kernel(node_feats, edge_index, edge_attr, coords, W_in, b_in, We1, be1,
           We2, be2, Wc1, bc1, Wc2, Wn1, bn1, Wn2, bn2, W_out, b_out):
    f32 = jnp.float32
    nf_p = jnp.pad(node_feats, ((0, N_PAD - N), (0, 0)))
    c8 = jnp.pad(coords.astype(f32), ((0, N_PAD - N), (0, 5)))
    row = edge_index[0]
    col = edge_index[1]
    row_p = jnp.pad(row, (0, E_PAD - E),
                    constant_values=N).reshape(E_PAD // CHUNK, CHUNK)
    col_p = jnp.pad(col, (0, E_PAD - E)).reshape(E_PAD // CHUNK, CHUNK)
    ea_p = jnp.pad(edge_attr, ((0, E_PAD - E), (0, 0)))

    h, tR, tC = _node_pre(nf_p, c8, W_in, b_in, We1)
    nseg_rows = NW * NCH
    gs = []
    for g in range(NSEG):
        gs.append(_sc_gather(tR, tC,
                             row_p[g * nseg_rows:(g + 1) * nseg_rows],
                             col_p[g * nseg_rows:(g + 1) * nseg_rows]))
    ps = []
    for g in range(NSEG):
        ps.append(_edge_mlp(gs[g], ea_p[g * ESEG:(g + 1) * ESEG],
                            We1, be1, We2, be2, Wc1, bc1, Wc2))
    zero = jnp.zeros((N_PAD, PW), f32)
    partials = _sc_scatter(ps[0], ps[1], row_p, zero)
    out, co8 = _node_post(h, c8, partials,
                          Wn1, bn1, Wn2, bn2, W_out, b_out)
    return out[:N], co8[:N, :3]

# --- scband reference (transcript-rebuilt; emitter-appended) ---
"""Pipeline reference for scband-egnn-nec-50654844289863 (READ-ONLY COPY).

The authoritative reference and input builder live on the scoring server;
editing this copy changes nothing except your own understanding.
"""

import jax, jax.numpy as jnp
import numpy as np

N = 10000
E = 320000
IN_NF = 128
H = 64
OUT_NF = 128
EF = 16


def setup_inputs(seed: int = 0) -> dict:
    key = jax.random.key(seed)
    ks = jax.random.split(key, 16)
    def p(i, shape):
        return jax.random.normal(ks[i], shape, jnp.float32) * 0.1
    inp = {
        "node_feats": jax.random.normal(ks[0], (N, IN_NF), jnp.float32),
        "edge_index": jax.random.randint(ks[1], (2, E), 0, N, jnp.int32),
        "edge_attr": jax.random.normal(ks[2], (E, EF), jnp.float32),
        "coords": jax.random.normal(ks[3], (N, 3), jnp.float32),
        "W_in": p(4, (IN_NF, H)), "b_in": jnp.zeros((H,), jnp.float32),
        "We1": p(5, (2 * H + 1 + EF, H)), "be1": jnp.zeros((H,), jnp.float32),
        "We2": p(6, (H, H)), "be2": jnp.zeros((H,), jnp.float32),
        "Wc1": p(7, (H, H)), "bc1": jnp.zeros((H,), jnp.float32),
        "Wc2": p(8, (H, 1)),
        "Wn1": p(9, (2 * H, H)), "bn1": jnp.zeros((H,), jnp.float32),
        "Wn2": p(10, (H, H)), "bn2": jnp.zeros((H,), jnp.float32),
        "W_out": p(11, (H, OUT_NF)), "b_out": jnp.zeros((OUT_NF,), jnp.float32),
    }
    return inp


def reference(node_feats, edge_index, edge_attr, coords, W_in, b_in, We1, be1, We2, be2, Wc1, bc1, Wc2, Wn1, bn1, Wn2, bn2, W_out, b_out):
    # emb_in
    h = node_feats @ W_in + b_in
    row, col = edge_index[0], edge_index[1]
    # NEC layer (EGNN-style node/edge/coord update)
    coord_diff = coords[row] - coords[col]
    radial = jnp.sum(coord_diff ** 2, axis=1, keepdims=True)
    # edge model
    e_in = jnp.concatenate([h[row], h[col], radial, edge_attr], axis=1)
    m = jax.nn.relu(e_in @ We1 + be1)
    m = jax.nn.relu(m @ We2 + be2)
    # coord model (mean aggregation of relative translations)
    c = jax.nn.relu(m @ Wc1 + bc1)
    trans = coord_diff * (c @ Wc2)
    agg_trans = jax.ops.segment_sum(trans, row, num_segments=N)
    cnt = jax.ops.segment_sum(jnp.ones((E, 1), jnp.float32), row, num_segments=N)
    coords_out = coords + agg_trans / jnp.maximum(cnt, 1.0)
    # node model (sum aggregation of messages, residual)
    agg_m = jax.ops.segment_sum(m, row, num_segments=N)
    n_in = jnp.concatenate([h, agg_m], axis=1)
    h = h + (jax.nn.relu(n_in @ Wn1 + bn1) @ Wn2 + bn2)
    # emb_out
    out = h @ W_out + b_out
    return (out, coords_out)

if __name__ == "__main__":
    import jax
    _d = setup_inputs()
    print(jax.jit(kernel)(*tuple(_d.values())))

</pallas_src>

<mosaic_0001>
#map = affine_map<(d0, d1) -> (0, 0)>
module attributes {stable_mosaic.version = 14 : i64} {
  func.func @_sc_gather(%arg0: i32, %arg1: i32, %arg2: memref<10240x80xf32, #tpu.memory_space<hbm>>, %arg3: memref<10240x80xf32, #tpu.memory_space<hbm>>, %arg4: memref<1280x128xi32, #tpu.memory_space<hbm>>, %arg5: memref<1280x128xi32, #tpu.memory_space<hbm>>, %arg6: memref<163840x80xf32, #tpu.memory_space<hbm>>, %arg7: memref<40x128xi32, #tpu.memory_space<vmem>>, %arg8: memref<40x128xi32, #tpu.memory_space<vmem>>, %arg9: memref<4x128x80xf32, #tpu.memory_space<vmem>>, %arg10: memref<4x128x80xf32, #tpu.memory_space<vmem>>, %arg11: memref<4x!tpu.dma_semaphore, #tpu.memory_space<semaphore_mem>>, %arg12: memref<4x!tpu.dma_semaphore, #tpu.memory_space<semaphore_mem>>) attributes {dimension_semantics = [#tpu.dimension_semantics<core_parallel>, #tpu.dimension_semantics<subcore_parallel>], iteration_bounds = array<i64: 2, 16>, scalar_prefetch = 0 : i64, scratch_operands = 6 : i64, tpu.core_type = #tpu.core_type<sc_vector_subcore>, window_params = [{transform_indices = #map}, {transform_indices = #map}, {transform_indices = #map}, {transform_indices = #map}, {transform_indices = #map}]} {
    %mul3A = arith.constant 2 : i32
    %mul3A_0 = arith.muli %arg1, %mul3A : i32
    %add3A = arith.addi %mul3A_0, %arg0 : i32
    %mul3A_1 = arith.constant 40 : i32
    %mul3A_2 = arith.muli %add3A, %mul3A_1 : i32
    "tpu.region"() ({
      %run_scoped3A = tpu.sem_alloc : memref<!tpu.dma_semaphore, #tpu.memory_space<semaphore_mem>>
      %dma_start3A_178 = arith.constant 0 : i32
      %dma_start3A_179 = tpu.memref_slice %arg4[%mul3A_2, %dma_start3A_178] : memref<1280x128xi32, #tpu.memory_space<hbm>> -> memref<40x128xi32, #tpu.memory_space<hbm>>
      %dma_start3A_180 = arith.constant 0 : i32
      %dma_start3A_181 = tpu.memref_slice %arg4[%mul3A_2, %dma_start3A_180] : memref<1280x128xi32, #tpu.memory_space<hbm>> -> memref<40x128xi32, #tpu.memory_space<hbm>>
      tpu.enqueue_dma source(%dma_start3A_181 : memref<40x128xi32, #tpu.memory_space<hbm>>) target(%arg7 : memref<40x128xi32, #tpu.memory_space<vmem>>) target_semaphore(%run_scoped3A : memref<!tpu.dma_semaphore, #tpu.memory_space<semaphore_mem>>)
      %dma_wait3A_182 = arith.constant 0 : i32
      %dma_wait3A_183 = tpu.memref_slice %arg4[%mul3A_2, %dma_wait3A_182] : memref<1280x128xi32, #tpu.memory_space<hbm>> -> memref<40x128xi32, #tpu.memory_space<hbm>>
      %dma_wait3A_184 = arith.constant 0 : i32
      %dma_wait3A_185 = tpu.memref_slice %arg4[%mul3A_2, %dma_wait3A_184] : memref<1280x128xi32, #tpu.memory_space<hbm>> -> memref<40x128xi32, #tpu.memory_space<hbm>>
      tpu.wait_dma2 semaphore(%run_scoped3A : memref<!tpu.dma_semaphore, #tpu.memory_space<semaphore_mem>>) src(%dma_wait3A_185 : memref<40x128xi32, #tpu.memory_space<hbm>>) dst(%arg7 : memref<40x128xi32, #tpu.memory_space<vmem>>)
      tpu.yield
    }) : () -> ()
    %mul3A_3 = arith.constant 40 : i32
    %mul3A_4 = arith.muli %add3A, %mul3A_3 : i32
    "tpu.region"() ({
      %run_scoped3A = tpu.sem_alloc : memref<!tpu.dma_semaphore, #tpu.memory_space<semaphore_mem>>
      %dma_start3A_178 = arith.constant 0 : i32
      %dma_start3A_179 = tpu.memref_slice %arg5[%mul3A_4, %dma_start3A_178] : memref<1280x128xi32, #tpu.memory_space<hbm>> -> memref<40x128xi32, #tpu.memory_space<hbm>>
      %dma_start3A_180 = arith.constant 0 : i32
      %dma_start3A_181 = tpu.memref_slice %arg5[%mul3A_4, %dma_start3A_180] : memref<1280x128xi32, #tpu.memory_space<hbm>> -> memref<40x128xi32, #tpu.memory_space<hbm>>
      tpu.enqueue_dma source(%dma_start3A_181 : memref<40x128xi32, #tpu.memory_space<hbm>>) target(%arg8 : memref<40x128xi32, #tpu.memory_space<vmem>>) target_semaphore(%run_scoped3A : memref<!tpu.dma_semaphore, #tpu.memory_space<semaphore_mem>>)
      %dma_wait3A_182 = arith.constant 0 : i32
      %dma_wait3A_183 = tpu.memref_slice %arg5[%mul3A_4, %dma_wait3A_182] : memref<1280x128xi32, #tpu.memory_space<hbm>> -> memref<40x128xi32, #tpu.memory_space<hbm>>
      %dma_wait3A_184 = arith.constant 0 : i32
      %dma_wait3A_185 = tpu.memref_slice %arg5[%mul3A_4, %dma_wait3A_184] : memref<1280x128xi32, #tpu.memory_space<hbm>> -> memref<40x128xi32, #tpu.memory_space<hbm>>
      tpu.wait_dma2 semaphore(%run_scoped3A : memref<!tpu.dma_semaphore, #tpu.memory_space<semaphore_mem>>) src(%dma_wait3A_185 : memref<40x128xi32, #tpu.memory_space<hbm>>) dst(%arg8 : memref<40x128xi32, #tpu.memory_space<vmem>>)
      tpu.yield
    }) : () -> ()
    %dma_start3A = arith.constant 0 : i32
    %dma_start3A_5 = arith.constant 0 : i32
    %dma_start3A_6 = arith.constant 0 : i32
    %dma_start3A_7 = arith.constant 0 : i32
    %dma_start3A_8 = arith.constant 0 : i32
    %dma_start3A_9 = tpu.memref_slice %arg9[%dma_start3A_5, %dma_start3A_7, %dma_start3A_8] : memref<4x128x80xf32, #tpu.memory_space<vmem>> -> memref<1x128x80xf32, #tpu.memory_space<vmem>>
    %dma_start3A_10 = tpu.memref_squeeze %dma_start3A_9 : memref<1x128x80xf32, #tpu.memory_space<vmem>> -> memref<128x80xf32, #tpu.memory_space<vmem>>
    %dma_start3A_11 = arith.constant 0 : i32
    %dma_start3A_12 = tpu.memref_slice %arg7[%dma_start3A, %dma_start3A_11] : memref<40x128xi32, #tpu.memory_space<vmem>> -> memref<1x128xi32, #tpu.memory_space<vmem>>
    %dma_start3A_13 = tpu.memref_squeeze %dma_start3A_12 : memref<1x128xi32, #tpu.memory_space<vmem>> -> memref<128xi32, #tpu.memory_space<vmem>>
    %dma_start3A_14 = arith.constant 0 : i32
    %dma_start3A_15 = arith.constant 0 : i32
    %dma_start3A_16 = tpu.memref_slice %arg2[%dma_start3A_14, %dma_start3A_15] : memref<10240x80xf32, #tpu.memory_space<hbm>> -> memref<10240x80xf32, #tpu.memory_space<hbm>>
    %dma_start3A_17 = tpu.memref_slice %arg11[%dma_start3A_6] : memref<4x!tpu.dma_semaphore, #tpu.memory_space<semaphore_mem>> -> memref<1x!tpu.dma_semaphore, #tpu.memory_space<semaphore_mem>>
    %dma_start3A_18 = tpu.memref_squeeze %dma_start3A_17 : memref<1x!tpu.dma_semaphore, #tpu.memory_space<semaphore_mem>> -> memref<!tpu.dma_semaphore, #tpu.memory_space<semaphore_mem>>
    tpu.enqueue_indirect_dma source(%dma_start3A_16 : memref<10240x80xf32, #tpu.memory_space<hbm>>) target(%dma_start3A_10 : memref<128x80xf32, #tpu.memory_space<vmem>>) offsets(%dma_start3A_13 : memref<128xi32, #tpu.memory_space<vmem>>) semaphore(%dma_start3A_18 : memref<!tpu.dma_semaphore, #tpu.memory_space<semaphore_mem>>)
    %dma_start3A_19 = arith.constant 0 : i32
    %dma_start3A_20 = arith.constant 0 : i32
    %dma_start3A_21 = arith.constant 0 : i32
    %dma_start3A_22 = arith.constant 0 : i32
    %dma_start3A_23 = arith.constant 0 : i32
    %dma_start3A_24 = tpu.memref_slice %arg10[%dma_start3A_20, %dma_start3A_22, %dma_start3A_23] : memref<4x128x80xf32, #tpu.memory_space<vmem>> -> memref<1x128x80xf32, #tpu.memory_space<vmem>>
    %dma_start3A_25 = tpu.memref_squeeze %dma_start3A_24 : memref<1x128x80xf32, #tpu.memory_space<vmem>> -> memref<128x80xf32, #tpu.memory_space<vmem>>
    %dma_start3A_26 = arith.constant 0 : i32
    %dma_start3A_27 = tpu.memref_slice %arg8[%dma_start3A_19, %dma_start3A_26] : memref<40x128xi32, #tpu.memory_space<vmem>> -> memref<1x128xi32, #tpu.memory_space<vmem>>
    %dma_start3A_28 = tpu.memref_squeeze %dma_start3A_27 : memref<1x128xi32, #tpu.memory_space<vmem>> -> memref<128xi32, #tpu.memory_space<vmem>>
    %dma_start3A_29 = arith.constant 0 : i32
    %dma_start3A_30 = arith.constant 0 : i32
    %dma_start3A_31 = tpu.memref_slice %arg3[%dma_start3A_29, %dma_start3A_30] : memref<10240x80xf32, #tpu.memory_space<hbm>> -> memref<10240x80xf32, #tpu.memory_space<hbm>>
    %dma_start3A_32 = tpu.memref_slice %arg11[%dma_start3A_21] : memref<4x!tpu.dma_semaphore, #tpu.memory_space<semaphore_mem>> -> memref<1x!tpu.dma_semaphore, #tpu.memory_space<semaphore_mem>>
    %dma_start3A_33 = tpu.memref_squeeze %dma_start3A_32 : memref<1x!tpu.dma_semaphore, #tpu.memory_space<semaphore_mem>> -> memref<!tpu.dma_semaphore, #tpu.memory_space<semaphore_mem>>
    tpu.enqueue_indirect_dma source(%dma_start3A_31 : memref<10240x80xf32, #tpu.memory_space<hbm>>) target(%dma_start3A_25 : memref<128x80xf32, #tpu.memory_space<vmem>>) offsets(%dma_start3A_28 : memref<128xi32, #tpu.memory_space<vmem>>) semaphore(%dma_start3A_33 : memref<!tpu.dma_semaphore, #tpu.memory_space<semaphore_mem>>)
    %dma_start3A_34 = arith.constant 1 : i32
    %dma_start3A_35 = arith.constant 1 : i32
    %dma_start3A_36 = arith.constant 1 : i32
    %dma_start3A_37 = arith.constant 0 : i32
    %dma_start3A_38 = arith.constant 0 : i32
    %dma_start3A_39 = tpu.memref_slice %arg9[%dma_start3A_35, %dma_start3A_37, %dma_start3A_38] : memref<4x128x80xf32, #tpu.memory_space<vmem>> -> memref<1x128x80xf32, #tpu.memory_space<vmem>>
    %dma_start3A_40 = tpu.memref_squeeze %dma_start3A_39 : memref<1x128x80xf32, #tpu.memory_space<vmem>> -> memref<128x80xf32, #tpu.memory_space<vmem>>
    %dma_start3A_41 = arith.constant 0 : i32
    %dma_start3A_42 = tpu.memref_slice %arg7[%dma_start3A_34, %dma_start3A_41] : memref<40x128xi32, #tpu.memory_space<vmem>> -> memref<1x128xi32, #tpu.memory_space<vmem>>
    %dma_start3A_43 = tpu.memref_squeeze %dma_start3A_42 : memref<1x128xi32, #tpu.memory_space<vmem>> -> memref<128xi32, #tpu.memory_space<vmem>>
    %dma_start3A_44 = arith.constant 0 : i32
    %dma_start3A_45 = arith.constant 0 : i32
    %dma_start3A_46 = tpu.memref_slice %arg2[%dma_start3A_44, %dma_start3A_45] : memref<10240x80xf32, #tpu.memory_space<hbm>> -> memref<10240x80xf32, #tpu.memory_space<hbm>>
    %dma_start3A_47 = tpu.memref_slice %arg11[%dma_start3A_36] : memref<4x!tpu.dma_semaphore, #tpu.memory_space<semaphore_mem>> -> memref<1x!tpu.dma_semaphore, #tpu.memory_space<semaphore_mem>>
    %dma_start3A_48 = tpu.memref_squeeze %dma_start3A_47 : memref<1x!tpu.dma_semaphore, #tpu.memory_space<semaphore_mem>> -> memref<!tpu.dma_semaphore, #tpu.memory_space<semaphore_mem>>
    tpu.enqueue_indirect_dma source(%dma_start3A_46 : memref<10240x80xf32, #tpu.memory_space<hbm>>) target(%dma_start3A_40 : memref<128x80xf32, #tpu.memory_space<vmem>>) offsets(%dma_start3A_43 : memref<128xi32, #tpu.memory_space<vmem>>) semaphore(%dma_start3A_48 : memref<!tpu.dma_semaphore, #tpu.memory_space<semaphore_mem>>)
    %dma_start3A_49 = arith.constant 1 : i32
    %dma_start3A_50 = arith.constant 1 : i32
    %dma_start3A_51 = arith.constant 1 : i32
    %dma_start3A_52 = arith.constant 0 : i32
    %dma_start3A_53 = arith.constant 0 : i32
    %dma_start3A_54 = tpu.memref_slice %arg10[%dma_start3A_50, %dma_start3A_52, %dma_start3A_53] : memref<4x128x80xf32, #tpu.memory_space<vmem>> -> memref<1x128x80xf32, #tpu.memory_space<vmem>>
    %dma_start3A_55 = tpu.memref_squeeze %dma_start3A_54 : memref<1x128x80xf32, #tpu.memory_space<vmem>> -> memref<128x80xf32, #tpu.memory_space<vmem>>
    %dma_start3A_56 = arith.constant 0 : i32
    %dma_start3A_57 = tpu.memref_slice %arg8[%dma_start3A_49, %dma_start3A_56] : memref<40x128xi32, #tpu.memory_space<vmem>> -> memref<1x128xi32, #tpu.memory_space<vmem>>
    %dma_start3A_58 = tpu.memref_squeeze %dma_start3A_57 : memref<1x128xi32, #tpu.memory_space<vmem>> -> memref<128xi32, #tpu.memory_space<vmem>>
    %dma_start3A_59 = arith.constant 0 : i32
    %dma_start3A_60 = arith.constant 0 : i32
    %dma_start3A_61 = tpu.memref_slice %arg3[%dma_start3A_59, %dma_start3A_60] : memref<10240x80xf32, #tpu.memory_space<hbm>> -> memref<10240x80xf32, #tpu.memory_space<hbm>>
    %dma_start3A_62 = tpu.memref_slice %arg11[%dma_start3A_51] : memref<4x!tpu.dma_semaphore, #tpu.memory_space<semaphore_mem>> -> memref<1x!tpu.dma_semaphore, #tpu.memory_space<semaphore_mem>>
    %dma_start3A_63 = tpu.memref_squeeze %dma_start3A_62 : memref<1x!tpu.dma_semaphore, #tpu.memory_space<semaphore_mem>> -> memref<!tpu.dma_semaphore, #tpu.memory_space<semaphore_mem>>
    tpu.enqueue_indirect_dma source(%dma_start3A_61 : memref<10240x80xf32, #tpu.memory_space<hbm>>) target(%dma_start3A_55 : memref<128x80xf32, #tpu.memory_space<vmem>>) offsets(%dma_start3A_58 : memref<128xi32, #tpu.memory_space<vmem>>) semaphore(%dma_start3A_63 : memref<!tpu.dma_semaphore, #tpu.memory_space<semaphore_mem>>)
    %dma_start3A_64 = arith.constant 2 : i32
    %dma_start3A_65 = arith.constant 2 : i32
    %dma_start3A_66 = arith.constant 2 : i32
    %dma_start3A_67 = arith.constant 0 : i32
    %dma_start3A_68 = arith.constant 0 : i32
    %dma_start3A_69 = tpu.memref_slice %arg9[%dma_start3A_65, %dma_start3A_67, %dma_start3A_68] : memref<4x128x80xf32, #tpu.memory_space<vmem>> -> memref<1x128x80xf32, #tpu.memory_space<vmem>>
    %dma_start3A_70 = tpu.memref_squeeze %dma_start3A_69 : memref<1x128x80xf32, #tpu.memory_space<vmem>> -> memref<128x80xf32, #tpu.memory_space<vmem>>
    %dma_start3A_71 = arith.constant 0 : i32
    %dma_start3A_72 = tpu.memref_slice %arg7[%dma_start3A_64, %dma_start3A_71] : memref<40x128xi32, #tpu.memory_space<vmem>> -> memref<1x128xi32, #tpu.memory_space<vmem>>
    %dma_start3A_73 = tpu.memref_squeeze %dma_start3A_72 : memref<1x128xi32, #tpu.memory_space<vmem>> -> memref<128xi32, #tpu.memory_space<vmem>>
    %dma_start3A_74 = arith.constant 0 : i32
    %dma_start3A_75 = arith.constant 0 : i32
    %dma_start3A_76 = tpu.memref_slice %arg2[%dma_start3A_74, %dma_start3A_75] : memref<10240x80xf32, #tpu.memory_space<hbm>> -> memref<10240x80xf32, #tpu.memory_space<hbm>>
    %dma_start3A_77 = tpu.memref_slice %arg11[%dma_start3A_66] : memref<4x!tpu.dma_semaphore, #tpu.memory_space<semaphore_mem>> -> memref<1x!tpu.dma_semaphore, #tpu.memory_space<semaphore_mem>>
    %dma_start3A_78 = tpu.memref_squeeze %dma_start3A_77 : memref<1x!tpu.dma_semaphore, #tpu.memory_space<semaphore_mem>> -> memref<!tpu.dma_semaphore, #tpu.memory_space<semaphore_mem>>
    tpu.enqueue_indirect_dma source(%dma_start3A_76 : memref<10240x80xf32, #tpu.memory_space<hbm>>) target(%dma_start3A_70 : memref<128x80xf32, #tpu.memory_space<vmem>>) offsets(%dma_start3A_73 : memref<128xi32, #tpu.memory_space<vmem>>) semaphore(%dma_start3A_78 : memref<!tpu.dma_semaphore, #tpu.memory_space<semaphore_mem>>)
    %dma_start3A_79 = arith.constant 2 : i32
    %dma_start3A_80 = arith.constant 2 : i32
    %dma_start3A_81 = arith.constant 2 : i32
    %dma_start3A_82 = arith.constant 0 : i32
    %dma_start3A_83 = arith.constant 0 : i32
    %dma_start3A_84 = tpu.memref_slice %arg10[%dma_start3A_80, %dma_start3A_82, %dma_start3A_83] : memref<4x128x80xf32, #tpu.memory_space<vmem>> -> memref<1x128x80xf32, #tpu.memory_space<vmem>>
    %dma_start3A_85 = tpu.memref_squeeze %dma_start3A_84 : memref<1x128x80xf32, #tpu.memory_space<vmem>> -> memref<128x80xf32, #tpu.memory_space<vmem>>
    %dma_start3A_86 = arith.constant 0 : i32
    %dma_start3A_87 = tpu.memref_slice %arg8[%dma_start3A_79, %dma_start3A_86] : memref<40x128xi32, #tpu.memory_space<vmem>> -> memref<1x128xi32, #tpu.memory_space<vmem>>
    %dma_start3A_88 = tpu.memref_squeeze %dma_start3A_87 : memref<1x128xi32, #tpu.memory_space<vmem>> -> memref<128xi32, #tpu.memory_space<vmem>>
    %dma_start3A_89 = arith.constant 0 : i32
    %dma_start3A_90 = arith.constant 0 : i32
    %dma_start3A_91 = tpu.memref_slice %arg3[%dma_start3A_89, %dma_start3A_90] : memref<10240x80xf32, #tpu.memory_space<hbm>> -> memref<10240x80xf32, #tpu.memory_space<hbm>>
    %dma_start3A_92 = tpu.memref_slice %arg11[%dma_start3A_81] : memref<4x!tpu.dma_semaphore, #tpu.memory_space<semaphore_mem>> -> memref<1x!tpu.dma_semaphore, #tpu.memory_space<semaphore_mem>>
    %dma_start3A_93 = tpu.memref_squeeze %dma_start3A_92 : memref<1x!tpu.dma_semaphore, #tpu.memory_space<semaphore_mem>> -> memref<!tpu.dma_semaphore, #tpu.memory_space<semaphore_mem>>
    tpu.enqueue_indirect_dma source(%dma_start3A_91 : memref<10240x80xf32, #tpu.memory_space<hbm>>) target(%dma_start3A_85 : memref<128x80xf32, #tpu.memory_space<vmem>>) offsets(%dma_start3A_88 : memref<128xi32, #tpu.memory_space<vmem>>) semaphore(%dma_start3A_93 : memref<!tpu.dma_semaphore, #tpu.memory_space<semaphore_mem>>)
    %scan3A = arith.constant 0 : i32
    %scan3A_94 = arith.constant 0 : i32
    %scan3A_95 = arith.constant 10 : i32
    %scan3A_96 = arith.addi %scan3A_94, %scan3A_95 : i32
    %scan3A_97 = arith.constant 1 : i32
    scf.for %scan3A_178 = %scan3A_94 to %scan3A_96 step %scan3A_97  : i32 {
      %mul3A_179 = arith.constant 4 : i32
      %mul3A_180 = arith.muli %scan3A_178, %mul3A_179 : i32
      %add3A_181 = arith.constant 0 : i32
      %add3A_182 = arith.addi %mul3A_180, %add3A_181 : i32
      %dma_wait3A_183 = arith.constant 0 : i32
      %dma_wait3A_184 = arith.constant 0 : i32
      %dma_wait3A_185 = arith.constant 0 : i32
      %dma_wait3A_186 = arith.constant 0 : i32
      %dma_wait3A_187 = tpu.memref_slice %arg9[%dma_wait3A_183, %dma_wait3A_185, %dma_wait3A_186] : memref<4x128x80xf32, #tpu.memory_space<vmem>> -> memref<1x128x80xf32, #tpu.memory_space<vmem>>
      %dma_wait3A_188 = tpu.memref_squeeze %dma_wait3A_187 : memref<1x128x80xf32, #tpu.memory_space<vmem>> -> memref<128x80xf32, #tpu.memory_space<vmem>>
      %dma_wait3A_189 = arith.constant 0 : i32
      %dma_wait3A_190 = tpu.memref_slice %arg7[%add3A_182, %dma_wait3A_189] : memref<40x128xi32, #tpu.memory_space<vmem>> -> memref<1x128xi32, #tpu.memory_space<vmem>>
      %dma_wait3A_191 = tpu.memref_squeeze %dma_wait3A_190 : memref<1x128xi32, #tpu.memory_space<vmem>> -> memref<128xi32, #tpu.memory_space<vmem>>
      %dma_wait3A_192 = arith.constant 0 : i32
      %dma_wait3A_193 = arith.constant 0 : i32
      %dma_wait3A_194 = tpu.memref_slice %arg2[%dma_wait3A_192, %dma_wait3A_193] : memref<10240x80xf32, #tpu.memory_space<hbm>> -> memref<10240x80xf32, #tpu.memory_space<hbm>>
      %dma_wait3A_195 = tpu.memref_slice %arg11[%dma_wait3A_184] : memref<4x!tpu.dma_semaphore, #tpu.memory_space<semaphore_mem>> -> memref<1x!tpu.dma_semaphore, #tpu.memory_space<semaphore_mem>>
      %dma_wait3A_196 = tpu.memref_squeeze %dma_wait3A_195 : memref<1x!tpu.dma_semaphore, #tpu.memory_space<semaphore_mem>> -> memref<!tpu.dma_semaphore, #tpu.memory_space<semaphore_mem>>
      tpu.wait_indirect_dma semaphore(%dma_wait3A_196 : memref<!tpu.dma_semaphore, #tpu.memory_space<semaphore_mem>>) src(%dma_wait3A_194 : memref<10240x80xf32, #tpu.memory_space<hbm>>) dst(%dma_wait3A_188 : memref<128x80xf32, #tpu.memory_space<vmem>>)
      %dma_wait3A_197 = arith.constant 0 : i32
      %dma_wait3A_198 = arith.constant 0 : i32
      %dma_wait3A_199 = arith.constant 0 : i32
      %dma_wait3A_200 = arith.constant 0 : i32
      %dma_wait3A_201 = tpu.memref_slice %arg10[%dma_wait3A_197, %dma_wait3A_199, %dma_wait3A_200] : memref<4x128x80xf32, #tpu.memory_space<vmem>> -> memref<1x128x80xf32, #tpu.memory_space<vmem>>
      %dma_wait3A_202 = tpu.memref_squeeze %dma_wait3A_201 : memref<1x128x80xf32, #tpu.memory_space<vmem>> -> memref<128x80xf32, #tpu.memory_space<vmem>>
      %dma_wait3A_203 = arith.constant 0 : i32
      %dma_wait3A_204 = tpu.memref_slice %arg8[%add3A_182, %dma_wait3A_203] : memref<40x128xi32, #tpu.memory_space<vmem>> -> memref<1x128xi32, #tpu.memory_space<vmem>>
      %dma_wait3A_205 = tpu.memref_squeeze %dma_wait3A_204 : memref<1x128xi32, #tpu.memory_space<vmem>> -> memref<128xi32, #tpu.memory_space<vmem>>
      %dma_wait3A_206 = arith.constant 0 : i32
      %dma_wait3A_207 = arith.constant 0 : i32
      %dma_wait3A_208 = tpu.memref_slice %arg3[%dma_wait3A_206, %dma_wait3A_207] : memref<10240x80xf32, #tpu.memory_space<hbm>> -> memref<10240x80xf32, #tpu.memory_space<hbm>>
      %dma_wait3A_209 = tpu.memref_slice %arg11[%dma_wait3A_198] : memref<4x!tpu.dma_semaphore, #tpu.memory_space<semaphore_mem>> -> memref<1x!tpu.dma_semaphore, #tpu.memory_space<semaphore_mem>>
      %dma_wait3A_210 = tpu.memref_squeeze %dma_wait3A_209 : memref<1x!tpu.dma_semaphore, #tpu.memory_space<semaphore_mem>> -> memref<!tpu.dma_semaphore, #tpu.memory_space<semaphore_mem>>
      tpu.wait_indirect_dma semaphore(%dma_wait3A_210 : memref<!tpu.dma_semaphore, #tpu.memory_space<semaphore_mem>>) src(%dma_wait3A_208 : memref<10240x80xf32, #tpu.memory_space<hbm>>) dst(%dma_wait3A_202 : memref<128x80xf32, #tpu.memory_space<vmem>>)
      %scan3A_211 = arith.constant 0 : i32
      %scan3A_212 = arith.constant 0 : i32
      %scan3A_213 = arith.constant 128 : i32
      %scan3A_214 = arith.addi %scan3A_212, %scan3A_213 : i32
      %scan3A_215 = arith.constant 2 : i32
      scf.for %scan3A_440 = %scan3A_212 to %scan3A_214 step %scan3A_215  : i32 {
        %get3A = arith.constant 0 : i32
        %get3A_441 = arith.index_cast %get3A : i32 to index
        %get3A_442 = arith.index_cast %scan3A_440 : i32 to index
        %get3A_443 = arith.constant 0 : index
        %get3A_444 = tpu.vector_load %arg9[%get3A_441, %get3A_442, %get3A_443] {strides = array<i32>} : memref<4x128x80xf32, #tpu.memory_space<vmem>>, vector<1x1x16xf32>,
        %get3A_445 = vector.shape_cast %get3A_444 : vector<1x1x16xf32> to vector<16xf32>
        %get3A_446 = arith.constant 0 : i32
        %get3A_447 = arith.index_cast %get3A_446 : i32 to index
        %get3A_448 = arith.index_cast %scan3A_440 : i32 to index
        %get3A_449 = arith.constant 0 : index
        %get3A_450 = tpu.vector_load %arg10[%get3A_447, %get3A_448, %get3A_449] {strides = array<i32>} : memref<4x128x80xf32, #tpu.memory_space<vmem>>, vector<1x1x16xf32>,
        %get3A_451 = vector.shape_cast %get3A_450 : vector<1x1x16xf32> to vector<16xf32>
        %add3A_452 = arith.addf %get3A_445, %get3A_451 : vector<16xf32>
        %swap3A = arith.constant 0 : i32
        %swap3A_453 = arith.index_cast %swap3A : i32 to index
        %swap3A_454 = arith.index_cast %scan3A_440 : i32 to index
        %swap3A_455 = arith.constant 0 : index
        %swap3A_456 = tpu.vector_load %arg9[%swap3A_453, %swap3A_454, %swap3A_455] {strides = array<i32>} : memref<4x128x80xf32, #tpu.memory_space<vmem>>, vector<1x1x16xf32>,
        %swap3A_457 = vector.shape_cast %swap3A_456 : vector<1x1x16xf32> to vector<16xf32>
        %swap3A_458 = vector.shape_cast %add3A_452 : vector<16xf32> to vector<1x1x16xf32>
        tpu.vector_store %arg9[%swap3A_453, %swap3A_454, %swap3A_455], %swap3A_458 {strides = array<i32>} : memref<4x128x80xf32, #tpu.memory_space<vmem>>, vector<1x1x16xf32>,
        %get3A_459 = arith.constant 0 : i32
        %get3A_460 = arith.index_cast %get3A_459 : i32 to index
        %get3A_461 = arith.index_cast %scan3A_440 : i32 to index
        %get3A_462 = arith.constant 16 : index
        %get3A_463 = tpu.vector_load %arg9[%get3A_460, %get3A_461, %get3A_462] {strides = array<i32>} : memref<4x128x80xf32, #tpu.memory_space<vmem>>, vector<1x1x16xf32>,
        %get3A_464 = vector.shape_cast %get3A_463 : vector<1x1x16xf32> to vector<16xf32>
        %get3A_465 = arith.constant 0 : i32
        %get3A_466 = arith.index_cast %get3A_465 : i32 to index
        %get3A_467 = arith.index_cast %scan3A_440 : i32 to index
        %get3A_468 = arith.constant 16 : index
        %get3A_469 = tpu.vector_load %arg10[%get3A_466, %get3A_467, %get3A_468] {strides = array<i32>} : memref<4x128x80xf32, #tpu.memory_space<vmem>>, vector<1x1x16xf32>,
        %get3A_470 = vector.shape_cast %get3A_469 : vector<1x1x16xf32> to vector<16xf32>
        %add3A_471 = arith.addf %get3A_464, %get3A_470 : vector<16xf32>
        %swap3A_472 = arith.constant 0 : i32
        %swap3A_473 = arith.index_cast %swap3A_472 : i32 to index
        %swap3A_474 = arith.index_cast %scan3A_440 : i32 to index
        %swap3A_475 = arith.constant 16 : index
        %swap3A_476 = tpu.vector_load %arg9[%swap3A_473, %swap3A_474, %swap3A_475] {strides = array<i32>} : memref<4x128x80xf32, #tpu.memory_space<vmem>>, vector<1x1x16xf32>,
        %swap3A_477 = vector.shape_cast %swap3A_476 : vector<1x1x16xf32> to vector<16xf32>
        %swap3A_478 = vector.shape_cast %add3A_471 : vector<16xf32> to vector<1x1x16xf32>
        tpu.vector_store %arg9[%swap3A_473, %swap3A_474, %swap3A_475], %swap3A_478 {strides = array<i32>} : memref<4x128x80xf32, #tpu.memory_space<vmem>>, vector<1x1x16xf32>,
        %get3A_479 = arith.constant 0 : i32
        %get3A_480 = arith.index_cast %get3A_479 : i32 to index
        %get3A_481 = arith.index_cast %scan3A_440 : i32 to index
        %get3A_482 = arith.constant 32 : index
        %get3A_483 = tpu.vector_load %arg9[%get3A_480, %get3A_481, %get3A_482] {strides = array<i32>} : memref<4x128x80xf32, #tpu.memory_space<vmem>>, vector<1x1x16xf32>,
        %get3A_484 = vector.shape_cast %get3A_483 : vector<1x1x16xf32> to vector<16xf32>
        %get3A_485 = arith.constant 0 : i32
        %get3A_486 = arith.index_cast %get3A_485 : i32 to index
        %get3A_487 = arith.index_cast %scan3A_440 : i32 to index
        %get3A_488 = arith.constant 32 : index
        %get3A_489 = tpu.vector_load %arg10[%get3A_486, %get3A_487, %get3A_488] {strides = array<i32>} : memref<4x128x80xf32, #tpu.memory_space<vmem>>, vector<1x1x16xf32>,
        %get3A_490 = vector.shape_cast %get3A_489 : vector<1x1x16xf32> to vector<16xf32>
        %add3A_491 = arith.addf %get3A_484, %get3A_490 : vector<16xf32>
        %swap3A_492 = arith.constant 0 : i32
        %swap3A_493 = arith.index_cast %swap3A_492 : i32 to index
        %swap3A_494 = arith.index_cast %scan3A_440 : i32 to index
        %swap3A_495 = arith.constant 32 : index
        %swap3A_496 = tpu.vector_load %arg9[%swap3A_493, %swap3A_494, %swap3A_495] {strides = array<i32>} : memref<4x128x80xf32, #tpu.memory_space<vmem>>, vector<1x1x16xf32>,
        %swap3A_497 = vector.shape_cast %swap3A_496 : vector<1x1x16xf32> to vector<16xf32>
        %swap3A_498 = vector.shape_cast %add3A_491 : vector<16xf32> to vector<1x1x16xf32>
        tpu.vector_store %arg9[%swap3A_493, %swap3A_494, %swap3A_495], %swap3A_498 {strides = array<i32>} : memref<4x128x80xf32, #tpu.memory_space<vmem>>, vector<1x1x16xf32>,
        %get3A_499 = arith.constant 0 : i32
        %get3A_500 = arith.index_cast %get3A_499 : i32 to index
        %get3A_501 = arith.index_cast %scan3A_440 : i32 to index
        %get3A_502 = arith.constant 48 : index
        %get3A_503 = tpu.vector_load %arg9[%get3A_500, %get3A_501, %get3A_502] {strides = array<i32>} : memref<4x128x80xf32, #tpu.memory_space<vmem>>, vector<1x1x16xf32>,
        %get3A_504 = vector.shape_cast %get3A_503 : vector<1x1x16xf32> to vector<16xf32>
        %get3A_505 = arith.constant 0 : i32
        %get3A_506 = arith.index_cast %get3A_505 : i32 to index
        %get3A_507 = arith.index_cast %scan3A_440 : i32 to index
        %get3A_508 = arith.constant 48 : index
        %get3A_509 = tpu.vector_load %arg10[%get3A_506, %get3A_507, %get3A_508] {strides = array<i32>} : memref<4x128x80xf32, #tpu.memory_space<vmem>>, vector<1x1x16xf32>,
        %get3A_510 = vector.shape_cast %get3A_509 : vector<1x1x16xf32> to vector<16xf32>
        %add3A_511 = arith.addf %get3A_504, %get3A_510 : vector<16xf32>
        %swap3A_512 = arith.constant 0 : i32
        %swap3A_513 = arith.index_cast %swap3A_512 : i32 to index
        %swap3A_514 = arith.index_cast %scan3A_440 : i32 to index
        %swap3A_515 = arith.constant 48 : index
        %swap3A_516 = tpu.vector_load %arg9[%swap3A_513, %swap3A_514, %swap3A_515] {strides = array<i32>} : memref<4x128x80xf32, #tpu.memory_space<vmem>>, vector<1x1x16xf32>,
        %swap3A_517 = vector.shape_cast %swap3A_516 : vector<1x1x16xf32> to vector<16xf32>
        %swap3A_518 = vector.shape_cast %add3A_511 : vector<16xf32> to vector<1x1x16xf32>
        tpu.vector_store %arg9[%swap3A_513, %swap3A_514, %swap3A_515], %swap3A_518 {strides = array<i32>} : memref<4x128x80xf32, #tpu.memory_space<vmem>>, vector<1x1x16xf32>,
        %get3A_519 = arith.constant 0 : i32
        %get3A_520 = arith.index_cast %get3A_519 : i32 to index
        %get3A_521 = arith.index_cast %scan3A_440 : i32 to index
        %get3A_522 = arith.constant 64 : index
        %get3A_523 = tpu.vector_load %arg9[%get3A_520, %get3A_521, %get3A_522] {strides = array<i32>} : memref<4x128x80xf32, #tpu.memory_space<vmem>>, vector<1x1x16xf32>,
        %get3A_524 = vector.shape_cast %get3A_523 : vector<1x1x16xf32> to vector<16xf32>
        %get3A_525 = arith.constant 0 : i32
        %get3A_526 = arith.index_cast %get3A_525 : i32 to index
        %get3A_527 = arith.index_cast %scan3A_440 : i32 to index
        %get3A_528 = arith.constant 64 : index
        %get3A_529 = tpu.vector_load %arg10[%get3A_526, %get3A_527, %get3A_528] {strides = array<i32>} : memref<4x128x80xf32, #tpu.memory_space<vmem>>, vector<1x1x16xf32>,
        %get3A_530 = vector.shape_cast %get3A_529 : vector<1x1x16xf32> to vector<16xf32>
        %add3A_531 = arith.addf %get3A_524, %get3A_530 : vector<16xf32>
        %swap3A_532 = arith.constant 0 : i32
        %swap3A_533 = arith.index_cast %swap3A_532 : i32 to index
        %swap3A_534 = arith.index_cast %scan3A_440 : i32 to index
        %swap3A_535 = arith.constant 64 : index
        %swap3A_536 = tpu.vector_load %arg9[%swap3A_533, %swap3A_534, %swap3A_535] {strides = array<i32>} : memref<4x128x80xf32, #tpu.memory_space<vmem>>, vector<1x1x16xf32>,
        %swap3A_537 = vector.shape_cast %swap3A_536 : vector<1x1x16xf32> to vector<16xf32>
        %swap3A_538 = vector.shape_cast %add3A_531 : vector<16xf32> to vector<1x1x16xf32>
        tpu.vector_store %arg9[%swap3A_533, %swap3A_534, %swap3A_535], %swap3A_538 {strides = array<i32>} : memref<4x128x80xf32, #tpu.memory_space<vmem>>, vector<1x1x16xf32>,
        %scan3A_539 = arith.constant 1 : i32
        %scan3A_540 = arith.addi %scan3A_440, %scan3A_539 : i32
        %get3A_541 = arith.constant 0 : i32
        %get3A_542 = arith.index_cast %get3A_541 : i32 to index
        %get3A_543 = arith.index_cast %scan3A_540 : i32 to index
        %get3A_544 = arith.constant 0 : index
        %get3A_545 = tpu.vector_load %arg9[%get3A_542, %get3A_543, %get3A_544] {strides = array<i32>} : memref<4x128x80xf32, #tpu.memory_space<vmem>>, vector<1x1x16xf32>,
        %get3A_546 = vector.shape_cast %get3A_545 : vector<1x1x16xf32> to vector<16xf32>
        %get3A_547 = arith.constant 0 : i32
        %get3A_548 = arith.index_cast %get3A_547 : i32 to index
        %get3A_549 = arith.index_cast %scan3A_540 : i32 to index
        %get3A_550 = arith.constant 0 : index
        %get3A_551 = tpu.vector_load %arg10[%get3A_548, %get3A_549, %get3A_550] {strides = array<i32>} : memref<4x128x80xf32, #tpu.memory_space<vmem>>, vector<1x1x16xf32>,
        %get3A_552 = vector.shape_cast %get3A_551 : vector<1x1x16xf32> to vector<16xf32>
        %add3A_553 = arith.addf %get3A_546, %get3A_552 : vector<16xf32>
        %swap3A_554 = arith.constant 0 : i32
        %swap3A_555 = arith.index_cast %swap3A_554 : i32 to index
        %swap3A_556 = arith.index_cast %scan3A_540 : i32 to index
        %swap3A_557 = arith.constant 0 : index
        %swap3A_558 = tpu.vector_load %arg9[%swap3A_555, %swap3A_556, %swap3A_557] {strides = array<i32>} : memref<4x128x80xf32, #tpu.memory_space<vmem>>, vector<1x1x16xf32>,
        %swap3A_559 = vector.shape_cast %swap3A_558 : vector<1x1x16xf32> to vector<16xf32>
        %swap3A_560 = vector.shape_cast %add3A_553 : vector<16xf32> to vector<1x1x16xf32>
        tpu.vector_store %arg9[%swap3A_555, %swap3A_556, %swap3A_557], %swap3A_560 {strides = array<i32>} : memref<4x128x80xf32, #tpu.memory_space<vmem>>, vector<1x1x16xf32>,
        %get3A_561 = arith.constant 0 : i32
        %get3A_562 = arith.index_cast %get3A_561 : i32 to index
        %get3A_563 = arith.index_cast %scan3A_540 : i32 to index
        %get3A_564 = arith.constant 16 : index
        %get3A_565 = tpu.vector_load %arg9[%get3A_562, %get3A_563, %get3A_564] {strides = array<i32>} : memref<4x128x80xf32, #tpu.memory_space<vmem>>, vector<1x1x16xf32>,
        %get3A_566 = vector.shape_cast %get3A_565 : vector<1x1x16xf32> to vector<16xf32>
        %get3A_567 = arith.constant 0 : i32
        %get3A_568 = arith.index_cast %get3A_567 : i32 to index
        %get3A_569 = arith.index_cast %scan3A_540 : i32 to index
        %get3A_570 = arith.constant 16 : index
        %get3A_571 = tpu.vector_load %arg10[%get3A_568, %get3A_569, %get3A_570] {strides = array<i32>} : memref<4x128x80xf32, #tpu.memory_space<vmem>>, vector<1x1x16xf32>,
        %get3A_572 = vector.shape_cast %get3A_571 : vector<1x1x16xf32> to vector<16xf32>
        %add3A_573 = arith.addf %get3A_566, %get3A_572 : vector<16xf32>
        %swap3A_574 = arith.constant 0 : i32
        %swap3A_575 = arith.index_cast %swap3A_574 : i32 to index
        %swap3A_576 = arith.index_cast %scan3A_540 : i32 to index
        %swap3A_577 = arith.constant 16 : index
        %swap3A_578 = tpu.vector_load %arg9[%swap3A_575, %swap3A_576, %swap3A_577] {strides = array<i32>} : memref<4x128x80xf32, #tpu.memory_space<vmem>>, vector<1x1x16xf32>,
        %swap3A_579 = vector.shape_cast %swap3A_578 : vector<1x1x16xf32> to vector<16xf32>
        %swap3A_580 = vector.shape_cast %add3A_573 : vector<16xf32> to vector<1x1x16xf32>
        tpu.vector_store %arg9[%swap3A_575, %swap3A_576, %swap3A_577], %swap3A_580 {strides = array<i32>} : memref<4x128x80xf32, #tpu.memory_space<vmem>>, vector<1x1x16xf32>,
        %get3A_581 = arith.constant 0 : i32
        %get3A_582 = arith.index_cast %get3A_581 : i32 to index
        %get3A_583 = arith.index_cast %scan3A_540 : i32 to index
        %get3A_584 = arith.constant 32 : index
        %get3A_585 = tpu.vector_load %arg9[%get3A_582, %get3A_583, %get3A_584] {strides = array<i32>} : memref<4x128x80xf32, #tpu.memory_space<vmem>>, vector<1x1x16xf32>,
        %get3A_586 = vector.shape_cast %get3A_585 : vector<1x1x16xf32> to vector<16xf32>
        %get3A_587 = arith.constant 0 : i32
        %get3A_588 = arith.index_cast %get3A_587 : i32 to index
        %get3A_589 = arith.index_cast %scan3A_540 : i32 to index
        %get3A_590 = arith.constant 32 : index
        %get3A_591 = tpu.vector_load %arg10[%get3A_588, %get3A_589, %get3A_590] {strides = array<i32>} : memref<4x128x80xf32, #tpu.memory_space<vmem>>, vector<1x1x16xf32>,
        %get3A_592 = vector.shape_cast %get3A_591 : vector<1x1x16xf32> to vector<16xf32>
        %add3A_593 = arith.addf %get3A_586, %get3A_592 : vector<16xf32>
        %swap3A_594 = arith.constant 0 : i32
        %swap3A_595 = arith.index_cast %swap3A_594 : i32 to index
        %swap3A_596 = arith.index_cast %scan3A_540 : i32 to index
        %swap3A_597 = arith.constant 32 : index
        %swap3A_598 = tpu.vector_load %arg9[%swap3A_595, %swap3A_596, %swap3A_597] {strides = array<i32>} : memref<4x128x80xf32, #tpu.memory_space<vmem>>, vector<1x1x16xf32>,
        %swap3A_599 = vector.shape_cast %swap3A_598 : vector<1x1x16xf32> to vector<16xf32>
        %swap3A_600 = vector.shape_cast %add3A_593 : vector<16xf32> to vector<1x1x16xf32>
        tpu.vector_store %arg9[%swap3A_595, %swap3A_596, %swap3A_597], %swap3A_600 {strides = array<i32>} : memref<4x128x80xf32, #tpu.memory_space<vmem>>, vector<1x1x16xf32>,
        %get3A_601 = arith.constant 0 : i32
        %get3A_602 = arith.index_cast %get3A_601 : i32 to index
        %get3A_603 = arith.index_cast %scan3A_540 : i32 to index
        %get3A_604 = arith.constant 48 : index
        %get3A_605 = tpu.vector_load %arg9[%get3A_602, %get3A_603, %get3A_604] {strides = array<i32>} : memref<4x128x80xf32, #tpu.memory_space<vmem>>, vector<1x1x16xf32>,
        %get3A_606 = vector.shape_cast %get3A_605 : vector<1x1x16xf32> to vector<16xf32>
        %get3A_607 = arith.constant 0 : i32
        %get3A_608 = arith.index_cast %get3A_607 : i32 to index
        %get3A_609 = arith.index_cast %scan3A_540 : i32 to index
        %get3A_610 = arith.constant 48 : index
        %get3A_611 = tpu.vector_load %arg10[%get3A_608, %get3A_609, %get3A_610] {strides = array<i32>} : memref<4x128x80xf32, #tpu.memory_space<vmem>>, vector<1x1x16xf32>,
        %get3A_612 = vector.shape_cast %get3A_611 : vector<1x1x16xf32> to vector<16xf32>
        %add3A_613 = arith.addf %get3A_606, %get3A_612 : vector<16xf32>
        %swap3A_614 = arith.constant 0 : i32
        %swap3A_615 = arith.index_cast %swap3A_614 : i32 to index
        %swap3A_616 = arith.index_cast %scan3A_540 : i32 to index
        %swap3A_617 = arith.constant 48 : index
        %swap3A_618 = tpu.vector_load %arg9[%swap3A_615, %swap3A_616, %swap3A_617] {strides = array<i32>} : memref<4x128x80xf32, #tpu.memory_space<vmem>>, vector<1x1x16xf32>,
        %swap3A_619 = vector.shape_cast %swap3A_618 : vector<1x1x16xf32> to vector<16xf32>
        %swap3A_620 = vector.shape_cast %add3A_613 : vector<16xf32> to vector<1x1x16xf32>
        tpu.vector_store %arg9[%swap3A_615, %swap3A_616, %swap3A_617], %swap3A_620 {strides = array<i32>} : memref<4x128x80xf32, #tpu.memory_space<vmem>>, vector<1x1x16xf32>,
        %get3A_621 = arith.constant 0 : i32
        %get3A_622 = arith.index_cast %get3A_621 : i32 to index
        %get3A_623 = arith.index_cast %scan3A_540 : i32 to index
        %get3A_624 = arith.constant 64 : index
        %get3A_625 = tpu.vector_load %arg9[%get3A_622, %get3A_623, %get3A_624] {strides = array<i32>} : memref<4x128x80xf32, #tpu.memory_space<vmem>>, vector<1x1x16xf32>,
        %get3A_626 = vector.shape_cast %get3A_625 : vector<1x1x16xf32> to vector<16xf32>
        %get3A_627 = arith.constant 0 : i32
        %get3A_628 = arith.index_cast %get3A_627 : i32 to index
        %get3A_629 = arith.index_cast %scan3A_540 : i32 to index
        %get3A_630 = arith.constant 64 : index
        %get3A_631 = tpu.vector_load %arg10[%get3A_628, %get3A_629, %get3A_630] {strides = array<i32>} : memref<4x128x80xf32, #tpu.memory_space<vmem>>, vector<1x1x16xf32>,
        %get3A_632 = vector.shape_cast %get3A_631 : vector<1x1x16xf32> to vector<16xf32>
        %add3A_633 = arith.addf %get3A_626, %get3A_632 : vector<16xf32>
        %swap3A_634 = arith.constant 0 : i32
        %swap3A_635 = arith.index_cast %swap3A_634 : i32 to index
        %swap3A_636 = arith.index_cast %scan3A_540 : i32 to index
        %swap3A_637 = arith.constant 64 : index
        %swap3A_638 = tpu.vector_load %arg9[%swap3A_635, %swap3A_636, %swap3A_637] {strides = array<i32>} : memref<4x128x80xf32, #tpu.memory_space<vmem>>, vector<1x1x16xf32>,
        %swap3A_639 = vector.shape_cast %swap3A_638 : vector<1x1x16xf32> to vector<16xf32>
        %swap3A_640 = vector.shape_cast %add3A_633 : vector<16xf32> to vector<1x1x16xf32>
        tpu.vector_store %arg9[%swap3A_635, %swap3A_636, %swap3A_637], %swap3A_640 {strides = array<i32>} : memref<4x128x80xf32, #tpu.memory_space<vmem>>, vector<1x1x16xf32>,
      }
      %scan3A_216 = arith.constant 128 : i32
      %mul3A_217 = arith.constant 5120 : i32
      %mul3A_218 = arith.muli %add3A, %mul3A_217 : i32
      %mul3A_219 = arith.constant 128 : i32
      %mul3A_220 = arith.muli %add3A_182, %mul3A_219 : i32
      %add3A_221 = arith.addi %mul3A_218, %mul3A_220 : i32
      %dma_start3A_222 = arith.constant 0 : i32
      %dma_start3A_223 = arith.constant 0 : i32
      %dma_start3A_224 = arith.constant 0 : i32
      %dma_start3A_225 = arith.constant 0 : i32
      %dma_start3A_226 = tpu.memref_slice %arg9[%dma_start3A_222, %dma_start3A_224, %dma_start3A_225] : memref<4x128x80xf32, #tpu.memory_space<vmem>> -> memref<1x128x80xf32, #tpu.memory_space<vmem>>
      %dma_start3A_227 = tpu.memref_squeeze %dma_start3A_226 : memref<1x128x80xf32, #tpu.memory_space<vmem>> -> memref<128x80xf32, #tpu.memory_space<vmem>>
      %dma_start3A_228 = arith.constant 0 : i32
      %dma_start3A_229 = tpu.memref_slice %arg6[%add3A_221, %dma_start3A_228] : memref<163840x80xf32, #tpu.memory_space<hbm>> -> memref<128x80xf32, #tpu.memory_space<hbm>>
      %dma_start3A_230 = tpu.memref_slice %arg12[%dma_start3A_223] : memref<4x!tpu.dma_semaphore, #tpu.memory_space<semaphore_mem>> -> memref<1x!tpu.dma_semaphore, #tpu.memory_space<semaphore_mem>>
      %dma_start3A_231 = tpu.memref_squeeze %dma_start3A_230 : memref<1x!tpu.dma_semaphore, #tpu.memory_space<semaphore_mem>> -> memref<!tpu.dma_semaphore, #tpu.memory_space<semaphore_mem>>
      %dma_start3A_232 = arith.constant 0 : i32
      %dma_start3A_233 = tpu.memref_slice %arg6[%add3A_221, %dma_start3A_232] : memref<163840x80xf32, #tpu.memory_space<hbm>> -> memref<128x80xf32, #tpu.memory_space<hbm>>
      %dma_start3A_234 = arith.constant 0 : i32
      %dma_start3A_235 = arith.constant 0 : i32
      %dma_start3A_236 = tpu.memref_slice %arg9[%dma_start3A_222, %dma_start3A_234, %dma_start3A_235] : memref<4x128x80xf32, #tpu.memory_space<vmem>> -> memref<1x128x80xf32, #tpu.memory_space<vmem>>
      %dma_start3A_237 = tpu.memref_squeeze %dma_start3A_236 : memref<1x128x80xf32, #tpu.memory_space<vmem>> -> memref<128x80xf32, #tpu.memory_space<vmem>>
      tpu.enqueue_dma source(%dma_start3A_237 : memref<128x80xf32, #tpu.memory_space<vmem>>) target(%dma_start3A_233 : memref<128x80xf32, #tpu.memory_space<hbm>>) target_semaphore(%dma_start3A_231 : memref<!tpu.dma_semaphore, #tpu.memory_space<semaphore_mem>>)
      %add3A_238 = arith.constant 3 : i32
      %add3A_239 = arith.addi %add3A_182, %add3A_238 : i32
      %lt3A = arith.constant 40 : i32
      %lt3A_240 = arith.cmpi slt, %add3A_239, %lt3A : i32
      %convert_element_type3A = arith.extui %lt3A_240 : i1 to i32
      %cond3A = arith.constant 0 : i32
      %cond3A_241 = arith.cmpi ne, %convert_element_type3A, %cond3A : i32
      scf.if %cond3A_241 {
        %ge3A = arith.constant 1 : i32
        %ge3A_440 = arith.cmpi sge, %add3A_182, %ge3A : i32
        %convert_element_type3A_441 = arith.extui %ge3A_440 : i1 to i32
        %cond3A_442 = arith.constant 0 : i32
        %cond3A_443 = arith.cmpi ne, %convert_element_type3A_441, %cond3A_442 : i32
        scf.if %cond3A_443 {
          %sub3A = arith.constant 1 : i32
          %sub3A_474 = arith.subi %add3A_182, %sub3A : i32
          %mul3A_475 = arith.constant 5120 : i32
          %mul3A_476 = arith.muli %add3A, %mul3A_475 : i32
          %mul3A_477 = arith.constant 128 : i32
          %mul3A_478 = arith.muli %sub3A_474, %mul3A_477 : i32
          %add3A_479 = arith.addi %mul3A_476, %mul3A_478 : i32
          %dma_wait3A_480 = arith.constant 3 : i32
          %dma_wait3A_481 = arith.constant 3 : i32
          %dma_wait3A_482 = arith.constant 0 : i32
          %dma_wait3A_483 = arith.constant 0 : i32
          %dma_wait3A_484 = tpu.memref_slice %arg9[%dma_wait3A_480, %dma_wait3A_482, %dma_wait3A_483] : memref<4x128x80xf32, #tpu.memory_space<vmem>> -> memref<1x128x80xf32, #tpu.memory_space<vmem>>
          %dma_wait3A_485 = tpu.memref_squeeze %dma_wait3A_484 : memref<1x128x80xf32, #tpu.memory_space<vmem>> -> memref<128x80xf32, #tpu.memory_space<vmem>>
          %dma_wait3A_486 = arith.constant 0 : i32
          %dma_wait3A_487 = tpu.memref_slice %arg6[%add3A_479, %dma_wait3A_486] : memref<163840x80xf32, #tpu.memory_space<hbm>> -> memref<128x80xf32, #tpu.memory_space<hbm>>
          %dma_wait3A_488 = tpu.memref_slice %arg12[%dma_wait3A_481] : memref<4x!tpu.dma_semaphore, #tpu.memory_space<semaphore_mem>> -> memref<1x!tpu.dma_semaphore, #tpu.memory_space<semaphore_mem>>
          %dma_wait3A_489 = tpu.memref_squeeze %dma_wait3A_488 : memref<1x!tpu.dma_semaphore, #tpu.memory_space<semaphore_mem>> -> memref<!tpu.dma_semaphore, #tpu.memory_space<semaphore_mem>>
          %dma_wait3A_490 = arith.constant 0 : i32
          %dma_wait3A_491 = tpu.memref_slice %arg6[%add3A_479, %dma_wait3A_490] : memref<163840x80xf32, #tpu.memory_space<hbm>> -> memref<128x80xf32, #tpu.memory_space<hbm>>
          %dma_wait3A_492 = arith.constant 0 : i32
          %dma_wait3A_493 = arith.constant 0 : i32
          %dma_wait3A_494 = tpu.memref_slice %arg9[%dma_wait3A_480, %dma_wait3A_492, %dma_wait3A_493] : memref<4x128x80xf32, #tpu.memory_space<vmem>> -> memref<1x128x80xf32, #tpu.memory_space<vmem>>
          %dma_wait3A_495 = tpu.memref_squeeze %dma_wait3A_494 : memref<1x128x80xf32, #tpu.memory_space<vmem>> -> memref<128x80xf32, #tpu.memory_space<vmem>>
          tpu.wait_dma2 semaphore(%dma_wait3A_489 : memref<!tpu.dma_semaphore, #tpu.memory_space<semaphore_mem>>) src(%dma_wait3A_495 : memref<128x80xf32, #tpu.memory_space<vmem>>) dst(%dma_wait3A_491 : memref<128x80xf32, #tpu.memory_space<hbm>>)
        } else {
        }
        %add3A_444 = arith.constant 3 : i32
        %add3A_445 = arith.addi %add3A_182, %add3A_444 : i32
        %dma_start3A_446 = arith.constant 3 : i32
        %dma_start3A_447 = arith.constant 3 : i32
        %dma_start3A_448 = arith.constant 0 : i32
        %dma_start3A_449 = arith.constant 0 : i32
        %dma_start3A_450 = tpu.memref_slice %arg9[%dma_start3A_446, %dma_start3A_448, %dma_start3A_449] : memref<4x128x80xf32, #tpu.memory_space<vmem>> -> memref<1x128x80xf32, #tpu.memory_space<vmem>>
        %dma_start3A_451 = tpu.memref_squeeze %dma_start3A_450 : memref<1x128x80xf32, #tpu.memory_space<vmem>> -> memref<128x80xf32, #tpu.memory_space<vmem>>
        %dma_start3A_452 = arith.constant 0 : i32
        %dma_start3A_453 = tpu.memref_slice %arg7[%add3A_445, %dma_start3A_452] : memref<40x128xi32, #tpu.memory_space<vmem>> -> memref<1x128xi32, #tpu.memory_space<vmem>>
        %dma_start3A_454 = tpu.memref_squeeze %dma_start3A_453 : memref<1x128xi32, #tpu.memory_space<vmem>> -> memref<128xi32, #tpu.memory_space<vmem>>
        %dma_start3A_455 = arith.constant 0 : i32
        %dma_start3A_456 = arith.constant 0 : i32
        %dma_start3A_457 = tpu.memref_slice %arg2[%dma_start3A_455, %dma_start3A_456] : memref<10240x80xf32, #tpu.memory_space<hbm>> -> memref<10240x80xf32, #tpu.memory_space<hbm>>
        %dma_start3A_458 = tpu.memref_slice %arg11[%dma_start3A_447] : memref<4x!tpu.dma_semaphore, #tpu.memory_space<semaphore_mem>> -> memref<1x!tpu.dma_semaphore, #tpu.memory_space<semaphore_mem>>
        %dma_start3A_459 = tpu.memref_squeeze %dma_start3A_458 : memref<1x!tpu.dma_semaphore, #tpu.memory_space<semaphore_mem>> -> memref<!tpu.dma_semaphore, #tpu.memory_space<semaphore_mem>>
        tpu.enqueue_indirect_dma source(%dma_start3A_457 : memref<10240x80xf32, #tpu.memory_space<hbm>>) target(%dma_start3A_451 : memref<128x80xf32, #tpu.memory_space<vmem>>) offsets(%dma_start3A_454 : memref<128xi32, #tpu.memory_space<vmem>>) semaphore(%dma_start3A_459 : memref<!tpu.dma_semaphore, #tpu.memory_space<semaphore_mem>>)
        %dma_start3A_460 = arith.constant 3 : i32
        %dma_start3A_461 = arith.constant 3 : i32
        %dma_start3A_462 = arith.constant 0 : i32
        %dma_start3A_463 = arith.constant 0 : i32
        %dma_start3A_464 = tpu.memref_slice %arg10[%dma_start3A_460, %dma_start3A_462, %dma_start3A_463] : memref<4x128x80xf32, #tpu.memory_space<vmem>> -> memref<1x128x80xf32, #tpu.memory_space<vmem>>
        %dma_start3A_465 = tpu.memref_squeeze %dma_start3A_464 : memref<1x128x80xf32, #tpu.memory_space<vmem>> -> memref<128x80xf32, #tpu.memory_space<vmem>>
        %dma_start3A_466 = arith.constant 0 : i32
        %dma_start3A_467 = tpu.memref_slice %arg8[%add3A_445, %dma_start3A_466] : memref<40x128xi32, #tpu.memory_space<vmem>> -> memref<1x128xi32, #tpu.memory_space<vmem>>
        %dma_start3A_468 = tpu.memref_squeeze %dma_start3A_467 : memref<1x128xi32, #tpu.memory_space<vmem>> -> memref<128xi32, #tpu.memory_space<vmem>>
        %dma_start3A_469 = arith.constant 0 : i32
        %dma_start3A_470 = arith.constant 0 : i32
        %dma_start3A_471 = tpu.memref_slice %arg3[%dma_start3A_469, %dma_start3A_470] : memref<10240x80xf32, #tpu.memory_space<hbm>> -> memref<10240x80xf32, #tpu.memory_space<hbm>>
        %dma_start3A_472 = tpu.memref_slice %arg11[%dma_start3A_461] : memref<4x!tpu.dma_semaphore, #tpu.memory_space<semaphore_mem>> -> memref<1x!tpu.dma_semaphore, #tpu.memory_space<semaphore_mem>>
        %dma_start3A_473 = tpu.memref_squeeze %dma_start3A_472 : memref<1x!tpu.dma_semaphore, #tpu.memory_space<semaphore_mem>> -> memref<!tpu.dma_semaphore, #tpu.memory_space<semaphore_mem>>
        tpu.enqueue_indirect_dma source(%dma_start3A_471 : memref<10240x80xf32, #tpu.memory_space<hbm>>) target(%dma_start3A_465 : memref<128x80xf32, #tpu.memory_space<vmem>>) offsets(%dma_start3A_468 : memref<128xi32, #tpu.memory_space<vmem>>) semaphore(%dma_start3A_473 : memref<!tpu.dma_semaphore, #tpu.memory_space<semaphore_mem>>)
      } else {
      }
      %mul3A_242 = arith.constant 4 : i32
      %mul3A_243 = arith.muli %scan3A_178, %mul3A_242 : i32
      %add3A_244 = arith.constant 1 : i32
      %add3A_245 = arith.addi %mul3A_243, %add3A_244 : i32
      %dma_wait3A_246 = arith.constant 1 : i32
      %dma_wait3A_247 = arith.constant 1 : i32
      %dma_wait3A_248 = arith.constant 0 : i32
      %dma_wait3A_249 = arith.constant 0 : i32
      %dma_wait3A_250 = tpu.memref_slice %arg9[%dma_wait3A_246, %dma_wait3A_248, %dma_wait3A_249] : memref<4x128x80xf32, #tpu.memory_space<vmem>> -> memref<1x128x80xf32, #tpu.memory_space<vmem>>
      %dma_wait3A_251 = tpu.memref_squeeze %dma_wait3A_250 : memref<1x128x80xf32, #tpu.memory_space<vmem>> -> memref<128x80xf32, #tpu.memory_space<vmem>>
      %dma_wait3A_252 = arith.constant 0 : i32
      %dma_wait3A_253 = tpu.memref_slice %arg7[%add3A_245, %dma_wait3A_252] : memref<40x128xi32, #tpu.memory_space<vmem>> -> memref<1x128xi32, #tpu.memory_space<vmem>>
      %dma_wait3A_254 = tpu.memref_squeeze %dma_wait3A_253 : memref<1x128xi32, #tpu.memory_space<vmem>> -> memref<128xi32, #tpu.memory_space<vmem>>
      %dma_wait3A_255 = arith.constant 0 : i32
      %dma_wait3A_256 = arith.constant 0 : i32
      %dma_wait3A_257 = tpu.memref_slice %arg2[%dma_wait3A_255, %dma_wait3A_256] : memref<10240x80xf32, #tpu.memory_space<hbm>> -> memref<10240x80xf32, #tpu.memory_space<hbm>>
      %dma_wait3A_258 = tpu.memref_slice %arg11[%dma_wait3A_247] : memref<4x!tpu.dma_semaphore, #tpu.memory_space<semaphore_mem>> -> memref<1x!tpu.dma_semaphore, #tpu.memory_space<semaphore_mem>>
      %dma_wait3A_259 = tpu.memref_squeeze %dma_wait3A_258 : memref<1x!tpu.dma_semaphore, #tpu.memory_space<semaphore_mem>> -> memref<!tpu.dma_semaphore, #tpu.memory_space<semaphore_mem>>
      tpu.wait_indirect_dma semaphore(%dma_wait3A_259 : memref<!tpu.dma_semaphore, #tpu.memory_space<semaphore_mem>>) src(%dma_wait3A_257 : memref<10240x80xf32, #tpu.memory_space<hbm>>) dst(%dma_wait3A_251 : memref<128x80xf32, #tpu.memory_space<vmem>>)
      %dma_wait3A_260 = arith.constant 1 : i32
      %dma_wait3A_261 = arith.constant 1 : i32
      %dma_wait3A_262 = arith.constant 0 : i32
      %dma_wait3A_263 = arith.constant 0 : i32
      %dma_wait3A_264 = tpu.memref_slice %arg10[%dma_wait3A_260, %dma_wait3A_262, %dma_wait3A_263] : memref<4x128x80xf32, #tpu.memory_space<vmem>> -> memref<1x128x80xf32, #tpu.memory_space<vmem>>
      %dma_wait3A_265 = tpu.memref_squeeze %dma_wait3A_264 : memref<1x128x80xf32, #tpu.memory_space<vmem>> -> memref<128x80xf32, #tpu.memory_space<vmem>>
      %dma_wait3A_266 = arith.constant 0 : i32
      %dma_wait3A_267 = tpu.memref_slice %arg8[%add3A_245, %dma_wait3A_266] : memref<40x128xi32, #tpu.memory_space<vmem>> -> memref<1x128xi32, #tpu.memory_space<vmem>>
      %dma_wait3A_268 = tpu.memref_squeeze %dma_wait3A_267 : memref<1x128xi32, #tpu.memory_space<vmem>> -> memref<128xi32, #tpu.memory_space<vmem>>
      %dma_wait3A_269 = arith.constant 0 : i32
      %dma_wait3A_270 = arith.constant 0 : i32
      %dma_wait3A_271 = tpu.memref_slice %arg3[%dma_wait3A_269, %dma_wait3A_270] : memref<10240x80xf32, #tpu.memory_space<hbm>> -> memref<10240x80xf32, #tpu.memory_space<hbm>>
      %dma_wait3A_272 = tpu.memref_slice %arg11[%dma_wait3A_261] : memref<4x!tpu.dma_semaphore, #tpu.memory_space<semaphore_mem>> -> memref<1x!tpu.dma_semaphore, #tpu.memory_space<semaphore_mem>>
      %dma_wait3A_273 = tpu.memref_squeeze %dma_wait3A_272 : memref<1x!tpu.dma_semaphore, #tpu.memory_space<semaphore_mem>> -> memref<!tpu.dma_semaphore, #tpu.memory_space<semaphore_mem>>
      tpu.wait_indirect_dma semaphore(%dma_wait3A_273 : memref<!tpu.dma_semaphore, #tpu.memory_space<semaphore_mem>>) src(%dma_wait3A_271 : memref<10240x80xf32, #tpu.memory_space<hbm>>) dst(%dma_wait3A_265 : memref<128x80xf32, #tpu.memory_space<vmem>>)
      %scan3A_274 = arith.constant 0 : i32
      %scan3A_275 = arith.constant 0 : i32
      %scan3A_276 = arith.constant 128 : i32
      %scan3A_277 = arith.addi %scan3A_275, %scan3A_276 : i32
      %scan3A_278 = arith.constant 2 : i32
      scf.for %scan3A_440 = %scan3A_275 to %scan3A_277 step %scan3A_278  : i32 {
        %get3A = arith.constant 1 : i32
        %get3A_441 = arith.index_cast %get3A : i32 to index
        %get3A_442 = arith.index_cast %scan3A_440 : i32 to index
        %get3A_443 = arith.constant 0 : index
        %get3A_444 = tpu.vector_load %arg9[%get3A_441, %get3A_442, %get3A_443] {strides = array<i32>} : memref<4x128x80xf32, #tpu.memory_space<vmem>>, vector<1x1x16xf32>,
        %get3A_445 = vector.shape_cast %get3A_444 : vector<1x1x16xf32> to vector<16xf32>
        %get3A_446 = arith.constant 1 : i32
        %get3A_447 = arith.index_cast %get3A_446 : i32 to index
        %get3A_448 = arith.index_cast %scan3A_440 : i32 to index
        %get3A_449 = arith.constant 0 : index
        %get3A_450 = tpu.vector_load %arg10[%get3A_447, %get3A_448, %get3A_449] {strides = array<i32>} : memref<4x128x80xf32, #tpu.memory_space<vmem>>, vector<1x1x16xf32>,
        %get3A_451 = vector.shape_cast %get3A_450 : vector<1x1x16xf32> to vector<16xf32>
        %add3A_452 = arith.addf %get3A_445, %get3A_451 : vector<16xf32>
        %swap3A = arith.constant 1 : i32
        %swap3A_453 = arith.index_cast %swap3A : i32 to index
        %swap3A_454 = arith.index_cast %scan3A_440 : i32 to index
        %swap3A_455 = arith.constant 0 : index
        %swap3A_456 = tpu.vector_load %arg9[%swap3A_453, %swap3A_454, %swap3A_455] {strides = array<i32>} : memref<4x128x80xf32, #tpu.memory_space<vmem>>, vector<1x1x16xf32>,
        %swap3A_457 = vector.shape_cast %swap3A_456 : vector<1x1x16xf32> to vector<16xf32>
        %swap3A_458 = vector.shape_cast %add3A_452 : vector<16xf32> to vector<1x1x16xf32>
        tpu.vector_store %arg9[%swap3A_453, %swap3A_454, %swap3A_455], %swap3A_458 {strides = array<i32>} : memref<4x128x80xf32, #tpu.memory_space<vmem>>, vector<1x1x16xf32>,
        %get3A_459 = arith.constant 1 : i32
        %get3A_460 = arith.index_cast %get3A_459 : i32 to index
        %get3A_461 = arith.index_cast %scan3A_440 : i32 to index
        %get3A_462 = arith.constant 16 : index
        %get3A_463 = tpu.vector_load %arg9[%get3A_460, %get3A_461, %get3A_462] {strides = array<i32>} : memref<4x128x80xf32, #tpu.memory_space<vmem>>, vector<1x1x16xf32>,
        %get3A_464 = vector.shape_cast %get3A_463 : vector<1x1x16xf32> to vector<16xf32>
        %get3A_465 = arith.constant 1 : i32
        %get3A_466 = arith.index_cast %get3A_465 : i32 to index
        %get3A_467 = arith.index_cast %scan3A_440 : i32 to index
        %get3A_468 = arith.constant 16 : index
        %get3A_469 = tpu.vector_load %arg10[%get3A_466, %get3A_467, %get3A_468] {strides = array<i32>} : memref<4x128x80xf32, #tpu.memory_space<vmem>>, vector<1x1x16xf32>,
        %get3A_470 = vector.shape_cast %get3A_469 : vector<1x1x16xf32> to vector<16xf32>
        %add3A_471 = arith.addf %get3A_464, %get3A_470 : vector<16xf32>
        %swap3A_472 = arith.constant 1 : i32
        %swap3A_473 = arith.index_cast %swap3A_472 : i32 to index
        %swap3A_474 = arith.index_cast %scan3A_440 : i32 to index
        %swap3A_475 = arith.constant 16 : index
        %swap3A_476 = tpu.vector_load %arg9[%swap3A_473, %swap3A_474, %swap3A_475] {strides = array<i32>} : memref<4x128x80xf32, #tpu.memory_space<vmem>>, vector<1x1x16xf32>,
        %swap3A_477 = vector.shape_cast %swap3A_476 : vector<1x1x16xf32> to vector<16xf32>
        %swap3A_478 = vector.shape_cast %add3A_471 : vector<16xf32> to vector<1x1x16xf32>
        tpu.vector_store %arg9[%swap3A_473, %swap3A_474, %swap3A_475], %swap3A_478 {strides = array<i32>} : memref<4x128x80xf32, #tpu.memory_space<vmem>>, vector<1x1x16xf32>,
        %get3A_479 = arith.constant 1 : i32
        %get3A_480 = arith.index_cast %get3A_479 : i32 to index
        %get3A_481 = arith.index_cast %scan3A_440 : i32 to index
        %get3A_482 = arith.constant 32 : index
        %get3A_483 = tpu.vector_load %arg9[%get3A_480, %get3A_481, %get3A_482] {strides = array<i32>} : memref<4x128x80xf32, #tpu.memory_space<vmem>>, vector<1x1x16xf32>,
        %get3A_484 = vector.shape_cast %get3A_483 : vector<1x1x16xf32> to vector<16xf32>
        %get3A_485 = arith.constant 1 : i32
        %get3A_486 = arith.index_cast %get3A_485 : i32 to index
        %get3A_487 = arith.index_cast %scan3A_440 : i32 to index
        %get3A_488 = arith.constant 32 : index
        %get3A_489 = tpu.vector_load %arg10[%get3A_486, %get3A_487, %get3A_488] {strides = array<i32>} : memref<4x128x80xf32, #tpu.memory_space<vmem>>, vector<1x1x16xf32>,
        %get3A_490 = vector.shape_cast %get3A_489 : vector<1x1x16xf32> to vector<16xf32>
        %add3A_491 = arith.addf %get3A_484, %get3A_490 : vector<16xf32>
        %swap3A_492 = arith.constant 1 : i32
        %swap3A_493 = arith.index_cast %swap3A_492 : i32 to index
        %swap3A_494 = arith.index_cast %scan3A_440 : i32 to index
        %swap3A_495 = arith.constant 32 : index
        %swap3A_496 = tpu.vector_load %arg9[%swap3A_493, %swap3A_494, %swap3A_495] {strides = array<i32>} : memref<4x128x80xf32, #tpu.memory_space<vmem>>, vector<1x1x16xf32>,
        %swap3A_497 = vector.shape_cast %swap3A_496 : vector<1x1x16xf32> to vector<16xf32>
        %swap3A_498 = vector.shape_cast %add3A_491 : vector<16xf32> to vector<1x1x16xf32>
        tpu.vector_store %arg9[%swap3A_493, %swap3A_494, %swap3A_495], %swap3A_498 {strides = array<i32>} : memref<4x128x80xf32, #tpu.memory_space<vmem>>, vector<1x1x16xf32>,
        %get3A_499 = arith.constant 1 : i32
        %get3A_500 = arith.index_cast %get3A_499 : i32 to index
        %get3A_501 = arith.index_cast %scan3A_440 : i32 to index
        %get3A_502 = arith.constant 48 : index
        %get3A_503 = tpu.vector_load %arg9[%get3A_500, %get3A_501, %get3A_502] {strides = array<i32>} : memref<4x128x80xf32, #tpu.memory_space<vmem>>, vector<1x1x16xf32>,
        %get3A_504 = vector.shape_cast %get3A_503 : vector<1x1x16xf32> to vector<16xf32>
        %get3A_505 = arith.constant 1 : i32
        %get3A_506 = arith.index_cast %get3A_505 : i32 to index
        %get3A_507 = arith.index_cast %scan3A_440 : i32 to index
        %get3A_508 = arith.constant 48 : index
        %get3A_509 = tpu.vector_load %arg10[%get3A_506, %get3A_507, %get3A_508] {strides = array<i32>} : memref<4x128x80xf32, #tpu.memory_space<vmem>>, vector<1x1x16xf32>,
        %get3A_510 = vector.shape_cast %get3A_509 : vector<1x1x16xf32> to vector<16xf32>
        %add3A_511 = arith.addf %get3A_504, %get3A_510 : vector<16xf32>
        %swap3A_512 = arith.constant 1 : i32
        %swap3A_513 = arith.index_cast %swap3A_512 : i32 to index
        %swap3A_514 = arith.index_cast %scan3A_440 : i32 to index
        %swap3A_515 = arith.constant 48 : index
        %swap3A_516 = tpu.vector_load %arg9[%swap3A_513, %swap3A_514, %swap3A_515] {strides = array<i32>} : memref<4x128x80xf32, #tpu.memory_space<vmem>>, vector<1x1x16xf32>,
        %swap3A_517 = vector.shape_cast %swap3A_516 : vector<1x1x16xf32> to vector<16xf32>
        %swap3A_518 = vector.shape_cast %add3A_511 : vector<16xf32> to vector<1x1x16xf32>
        tpu.vector_store %arg9[%swap3A_513, %swap3A_514, %swap3A_515], %swap3A_518 {strides = array<i32>} : memref<4x128x80xf32, #tpu.memory_space<vmem>>, vector<1x1x16xf32>,
        %get3A_519 = arith.constant 1 : i32
        %get3A_520 = arith.index_cast %get3A_519 : i32 to index
        %get3A_521 = arith.index_cast %scan3A_440 : i32 to index
        %get3A_522 = arith.constant 64 : index
        %get3A_523 = tpu.vector_load %arg9[%get3A_520, %get3A_521, %get3A_522] {strides = array<i32>} : memref<4x128x80xf32, #tpu.memory_space<vmem>>, vector<1x1x16xf32>,
        %get3A_524 = vector.shape_cast %get3A_523 : vector<1x1x16xf32> to vector<16xf32>
        %get3A_525 = arith.constant 1 : i32
        %get3A_526 = arith.index_cast %get3A_525 : i32 to index
        %get3A_527 = arith.index_cast %scan3A_440 : i32 to index
        %get3A_528 = arith.constant 64 : index
        %get3A_529 = tpu.vector_load %arg10[%get3A_526, %get3A_527, %get3A_528] {strides = array<i32>} : memref<4x128x80xf32, #tpu.memory_space<vmem>>, vector<1x1x16xf32>,
        %get3A_530 = vector.shape_cast %get3A_529 : vector<1x1x16xf32> to vector<16xf32>
        %add3A_531 = arith.addf %get3A_524, %get3A_530 : vector<16xf32>
        %swap3A_532 = arith.constant 1 : i32
        %swap3A_533 = arith.index_cast %swap3A_532 : i32 to index
        %swap3A_534 = arith.index_cast %scan3A_440 : i32 to index
        %swap3A_535 = arith.constant 64 : index
        %swap3A_536 = tpu.vector_load %arg9[%swap3A_533, %swap3A_534, %swap3A_535] {strides = array<i32>} : memref<4x128x80xf32, #tpu.memory_space<vmem>>, vector<1x1x16xf32>,
        %swap3A_537 = vector.shape_cast %swap3A_536 : vector<1x1x16xf32> to vector<16xf32>
        %swap3A_538 = vector.shape_cast %add3A_531 : vector<16xf32> to vector<1x1x16xf32>
        tpu.vector_store %arg9[%swap3A_533, %swap3A_534, %swap3A_535], %swap3A_538 {strides = array<i32>} : memref<4x128x80xf32, #tpu.memory_space<vmem>>, vector<1x1x16xf32>,
        %scan3A_539 = arith.constant 1 : i32
        %scan3A_540 = arith.addi %scan3A_440, %scan3A_539 : i32
        %get3A_541 = arith.constant 1 : i32
        %get3A_542 = arith.index_cast %get3A_541 : i32 to index
        %get3A_543 = arith.index_cast %scan3A_540 : i32 to index
        %get3A_544 = arith.constant 0 : index
        %get3A_545 = tpu.vector_load %arg9[%get3A_542, %get3A_543, %get3A_544] {strides = array<i32>} : memref<4x128x80xf32, #tpu.memory_space<vmem>>, vector<1x1x16xf32>,
        %get3A_546 = vector.shape_cast %get3A_545 : vector<1x1x16xf32> to vector<16xf32>
        %get3A_547 = arith.constant 1 : i32
        %get3A_548 = arith.index_cast %get3A_547 : i32 to index
        %get3A_549 = arith.index_cast %scan3A_540 : i32 to index
        %get3A_550 = arith.constant 0 : index
        %get3A_551 = tpu.vector_load %arg10[%get3A_548, %get3A_549, %get3A_550] {strides = array<i32>} : memref<4x128x80xf32, #tpu.memory_space<vmem>>, vector<1x1x16xf32>,
        %get3A_552 = vector.shape_cast %get3A_551 : vector<1x1x16xf32> to vector<16xf32>
        %add3A_553 = arith.addf %get3A_546, %get3A_552 : vector<16xf32>
        %swap3A_554 = arith.constant 1 : i32
        %swap3A_555 = arith.index_cast %swap3A_554 : i32 to index
        %swap3A_556 = arith.index_cast %scan3A_540 : i32 to index
        %swap3A_557 = arith.constant 0 : index
        %swap3A_558 = tpu.vector_load %arg9[%swap3A_555, %swap3A_556, %swap3A_557] {strides = array<i32>} : memref<4x128x80xf32, #tpu.memory_space<vmem>>, vector<1x1x16xf32>,
        %swap3A_559 = vector.shape_cast %swap3A_558 : vector<1x1x16xf32> to vector<16xf32>
        %swap3A_560 = vector.shape_cast %add3A_553 : vector<16xf32> to vector<1x1x16xf32>
        tpu.vector_store %arg9[%swap3A_555, %swap3A_556, %swap3A_557], %swap3A_560 {strides = array<i32>} : memref<4x128x80xf32, #tpu.memory_space<vmem>>, vector<1x1x16xf32>,
        %get3A_561 = arith.constant 1 : i32
        %get3A_562 = arith.index_cast %get3A_561 : i32 to index
        %get3A_563 = arith.index_cast %scan3A_540 : i32 to index
        %get3A_564 = arith.constant 16 : index
        %get3A_565 = tpu.vector_load %arg9[%get3A_562, %get3A_563, %get3A_564] {strides = array<i32>} : memref<4x128x80xf32, #tpu.memory_space<vmem>>, vector<1x1x16xf32>,
        %get3A_566 = vector.shape_cast %get3A_565 : vector<1x1x16xf32> to vector<16xf32>
        %get3A_567 = arith.constant 1 : i32
        %get3A_568 = arith.index_cast %get3A_567 : i32 to index
        %get3A_569 = arith.index_cast %scan3A_540 : i32 to index
        %get3A_570 = arith.constant 16 : index
        %get3A_571 = tpu.vector_load %arg10[%get3A_568, %get3A_569, %get3A_570] {strides = array<i32>} : memref<4x128x80xf32, #tpu.memory_space<vmem>>, vector<1x1x16xf32>,
        %get3A_572 = vector.shape_cast %get3A_571 : vector<1x1x16xf32> to vector<16xf32>
        %add3A_573 = arith.addf %get3A_566, %get3A_572 : vector<16xf32>
        %swap3A_574 = arith.constant 1 : i32
        %swap3A_575 = arith.index_cast %swap3A_574 : i32 to index
        %swap3A_576 = arith.index_cast %scan3A_540 : i32 to index
        %swap3A_577 = arith.constant 16 : index
        %swap3A_578 = tpu.vector_load %arg9[%swap3A_575, %swap3A_576, %swap3A_577] {strides = array<i32>} : memref<4x128x80xf32, #tpu.memory_space<vmem>>, vector<1x1x16xf32>,
        %swap3A_579 = vector.shape_cast %swap3A_578 : vector<1x1x16xf32> to vector<16xf32>
        %swap3A_580 = vector.shape_cast %add3A_573 : vector<16xf32> to vector<1x1x16xf32>
        tpu.vector_store %arg9[%swap3A_575, %swap3A_576, %swap3A_577], %swap3A_580 {strides = array<i32>} : memref<4x128x80xf32, #tpu.memory_space<vmem>>, vector<1x1x16xf32>,
        %get3A_581 = arith.constant 1 : i32
        %get3A_582 = arith.index_cast %get3A_581 : i32 to index
        %get3A_583 = arith.index_cast %scan3A_540 : i32 to index
        %get3A_584 = arith.constant 32 : index
        %get3A_585 = tpu.vector_load %arg9[%get3A_582, %get3A_583, %get3A_584] {strides = array<i32>} : memref<4x128x80xf32, #tpu.memory_space<vmem>>, vector<1x1x16xf32>,
        %get3A_586 = vector.shape_cast %get3A_585 : vector<1x1x16xf32> to vector<16xf32>
        %get3A_587 = arith.constant 1 : i32
        %get3A_588 = arith.index_cast %get3A_587 : i32 to index
        %get3A_589 = arith.index_cast %scan3A_540 : i32 to index
        %get3A_590 = arith.constant 32 : index
        %get3A_591 = tpu.vector_load %arg10[%get3A_588, %get3A_589, %get3A_590] {strides = array<i32>} : memref<4x128x80xf32, #tpu.memory_space<vmem>>, vector<1x1x16xf32>,
        %get3A_592 = vector.shape_cast %get3A_591 : vector<1x1x16xf32> to vector<16xf32>
        %add3A_593 = arith.addf %get3A_586, %get3A_592 : vector<16xf32>
        %swap3A_594 = arith.constant 1 : i32
        %swap3A_595 = arith.index_cast %swap3A_594 : i32 to index
        %swap3A_596 = arith.index_cast %scan3A_540 : i32 to index
        %swap3A_597 = arith.constant 32 : index
        %swap3A_598 = tpu.vector_load %arg9[%swap3A_595, %swap3A_596, %swap3A_597] {strides = array<i32>} : memref<4x128x80xf32, #tpu.memory_space<vmem>>, vector<1x1x16xf32>,
        %swap3A_599 = vector.shape_cast %swap3A_598 : vector<1x1x16xf32> to vector<16xf32>
        %swap3A_600 = vector.shape_cast %add3A_593 : vector<16xf32> to vector<1x1x16xf32>
        tpu.vector_store %arg9[%swap3A_595, %swap3A_596, %swap3A_597], %swap3A_600 {strides = array<i32>} : memref<4x128x80xf32, #tpu.memory_space<vmem>>, vector<1x1x16xf32>,
        %get3A_601 = arith.constant 1 : i32
        %get3A_602 = arith.index_cast %get3A_601 : i32 to index
        %get3A_603 = arith.index_cast %scan3A_540 : i32 to index
        %get3A_604 = arith.constant 48 : index
        %get3A_605 = tpu.vector_load %arg9[%get3A_602, %get3A_603, %get3A_604] {strides = array<i32>} : memref<4x128x80xf32, #tpu.memory_space<vmem>>, vector<1x1x16xf32>,
        %get3A_606 = vector.shape_cast %get3A_605 : vector<1x1x16xf32> to vector<16xf32>
        %get3A_607 = arith.constant 1 : i32
        %get3A_608 = arith.index_cast %get3A_607 : i32 to index
        %get3A_609 = arith.index_cast %scan3A_540 : i32 to index
        %get3A_610 = arith.constant 48 : index
        %get3A_611 = tpu.vector_load %arg10[%get3A_608, %get3A_609, %get3A_610] {strides = array<i32>} : memref<4x128x80xf32, #tpu.memory_space<vmem>>, vector<1x1x16xf32>,
        %get3A_612 = vector.shape_cast %get3A_611 : vector<1x1x16xf32> to vector<16xf32>
        %add3A_613 = arith.addf %get3A_606, %get3A_612 : vector<16xf32>
        %swap3A_614 = arith.constant 1 : i32
        %swap3A_615 = arith.index_cast %swap3A_614 : i32 to index
        %swap3A_616 = arith.index_cast %scan3A_540 : i32 to index
        %swap3A_617 = arith.constant 48 : index
        %swap3A_618 = tpu.vector_load %arg9[%swap3A_615, %swap3A_616, %swap3A_617] {strides = array<i32>} : memref<4x128x80xf32, #tpu.memory_space<vmem>>, vector<1x1x16xf32>,
        %swap3A_619 = vector.shape_cast %swap3A_618 : vector<1x1x16xf32> to vector<16xf32>
        %swap3A_620 = vector.shape_cast %add3A_613 : vector<16xf32> to vector<1x1x16xf32>
        tpu.vector_store %arg9[%swap3A_615, %swap3A_616, %swap3A_617], %swap3A_620 {strides = array<i32>} : memref<4x128x80xf32, #tpu.memory_space<vmem>>, vector<1x1x16xf32>,
        %get3A_621 = arith.constant 1 : i32
        %get3A_622 = arith.index_cast %get3A_621 : i32 to index
        %get3A_623 = arith.index_cast %scan3A_540 : i32 to index
        %get3A_624 = arith.constant 64 : index
        %get3A_625 = tpu.vector_load %arg9[%get3A_622, %get3A_623, %get3A_624] {strides = array<i32>} : memref<4x128x80xf32, #tpu.memory_space<vmem>>, vector<1x1x16xf32>,
        %get3A_626 = vector.shape_cast %get3A_625 : vector<1x1x16xf32> to vector<16xf32>
        %get3A_627 = arith.constant 1 : i32
        %get3A_628 = arith.index_cast %get3A_627 : i32 to index
        %get3A_629 = arith.index_cast %scan3A_540 : i32 to index
        %get3A_630 = arith.constant 64 : index
        %get3A_631 = tpu.vector_load %arg10[%get3A_628, %get3A_629, %get3A_630] {strides = array<i32>} : memref<4x128x80xf32, #tpu.memory_space<vmem>>, vector<1x1x16xf32>,
        %get3A_632 = vector.shape_cast %get3A_631 : vector<1x1x16xf32> to vector<16xf32>
        %add3A_633 = arith.addf %get3A_626, %get3A_632 : vector<16xf32>
        %swap3A_634 = arith.constant 1 : i32
        %swap3A_635 = arith.index_cast %swap3A_634 : i32 to index
        %swap3A_636 = arith.index_cast %scan3A_540 : i32 to index
        %swap3A_637 = arith.constant 64 : index
        %swap3A_638 = tpu.vector_load %arg9[%swap3A_635, %swap3A_636, %swap3A_637] {strides = array<i32>} : memref<4x128x80xf32, #tpu.memory_space<vmem>>, vector<1x1x16xf32>,
        %swap3A_639 = vector.shape_cast %swap3A_638 : vector<1x1x16xf32> to vector<16xf32>
        %swap3A_640 = vector.shape_cast %add3A_633 : vector<16xf32> to vector<1x1x16xf32>
        tpu.vector_store %arg9[%swap3A_635, %swap3A_636, %swap3A_637], %swap3A_640 {strides = array<i32>} : memref<4x128x80xf32, #tpu.memory_space<vmem>>, vector<1x1x16xf32>,
      }
      %scan3A_279 = arith.constant 128 : i32
      %mul3A_280 = arith.constant 5120 : i32
      %mul3A_281 = arith.muli %add3A, %mul3A_280 : i32
      %mul3A_282 = arith.constant 128 : i32
      %mul3A_283 = arith.muli %add3A_245, %mul3A_282 : i32
      %add3A_284 = arith.addi %mul3A_281, %mul3A_283 : i32
      %dma_start3A_285 = arith.constant 1 : i32
      %dma_start3A_286 = arith.constant 1 : i32
      %dma_start3A_287 = arith.constant 0 : i32
      %dma_start3A_288 = arith.constant 0 : i32
      %dma_start3A_289 = tpu.memref_slice %arg9[%dma_start3A_285, %dma_start3A_287, %dma_start3A_288] : memref<4x128x80xf32, #tpu.memory_space<vmem>> -> memref<1x128x80xf32, #tpu.memory_space<vmem>>
      %dma_start3A_290 = tpu.memref_squeeze %dma_start3A_289 : memref<1x128x80xf32, #tpu.memory_space<vmem>> -> memref<128x80xf32, #tpu.memory_space<vmem>>
      %dma_start3A_291 = arith.constant 0 : i32
      %dma_start3A_292 = tpu.memref_slice %arg6[%add3A_284, %dma_start3A_291] : memref<163840x80xf32, #tpu.memory_space<hbm>> -> memref<128x80xf32, #tpu.memory_space<hbm>>
      %dma_start3A_293 = tpu.memref_slice %arg12[%dma_start3A_286] : memref<4x!tpu.dma_semaphore, #tpu.memory_space<semaphore_mem>> -> memref<1x!tpu.dma_semaphore, #tpu.memory_space<semaphore_mem>>
      %dma_start3A_294 = tpu.memref_squeeze %dma_start3A_293 : memref<1x!tpu.dma_semaphore, #tpu.memory_space<semaphore_mem>> -> memref<!tpu.dma_semaphore, #tpu.memory_space<semaphore_mem>>
      %dma_start3A_295 = arith.constant 0 : i32
      %dma_start3A_296 = tpu.memref_slice %arg6[%add3A_284, %dma_start3A_295] : memref<163840x80xf32, #tpu.memory_space<hbm>> -> memref<128x80xf32, #tpu.memory_space<hbm>>
      %dma_start3A_297 = arith.constant 0 : i32
      %dma_start3A_298 = arith.constant 0 : i32
      %dma_start3A_299 = tpu.memref_slice %arg9[%dma_start3A_285, %dma_start3A_297, %dma_start3A_298] : memref<4x128x80xf32, #tpu.memory_space<vmem>> -> memref<1x128x80xf32, #tpu.memory_space<vmem>>
      %dma_start3A_300 = tpu.memref_squeeze %dma_start3A_299 : memref<1x128x80xf32, #tpu.memory_space<vmem>> -> memref<128x80xf32, #tpu.memory_space<vmem>>
      tpu.enqueue_dma source(%dma_start3A_300 : memref<128x80xf32, #tpu.memory_space<vmem>>) target(%dma_start3A_296 : memref<128x80xf32, #tpu.memory_space<hbm>>) target_semaphore(%dma_start3A_294 : memref<!tpu.dma_semaphore, #tpu.memory_space<semaphore_mem>>)
      %add3A_301 = arith.constant 3 : i32
      %add3A_302 = arith.addi %add3A_245, %add3A_301 : i32
      %lt3A_303 = arith.constant 40 : i32
      %lt3A_304 = arith.cmpi slt, %add3A_302, %lt3A_303 : i32
      %convert_element_type3A_305 = arith.extui %lt3A_304 : i1 to i32
      %cond3A_306 = arith.constant 0 : i32
      %cond3A_307 = arith.cmpi ne, %convert_element_type3A_305, %cond3A_306 : i32
      scf.if %cond3A_307 {
        %ge3A = arith.constant 1 : i32
        %ge3A_440 = arith.cmpi sge, %add3A_245, %ge3A : i32
        %convert_element_type3A_441 = arith.extui %ge3A_440 : i1 to i32
        %cond3A_442 = arith.constant 0 : i32
        %cond3A_443 = arith.cmpi ne, %convert_element_type3A_441, %cond3A_442 : i32
        scf.if %cond3A_443 {
          %sub3A = arith.constant 1 : i32
          %sub3A_474 = arith.subi %add3A_245, %sub3A : i32
          %mul3A_475 = arith.constant 5120 : i32
          %mul3A_476 = arith.muli %add3A, %mul3A_475 : i32
          %mul3A_477 = arith.constant 128 : i32
          %mul3A_478 = arith.muli %sub3A_474, %mul3A_477 : i32
          %add3A_479 = arith.addi %mul3A_476, %mul3A_478 : i32
          %dma_wait3A_480 = arith.constant 0 : i32
          %dma_wait3A_481 = arith.constant 0 : i32
          %dma_wait3A_482 = arith.constant 0 : i32
          %dma_wait3A_483 = arith.constant 0 : i32
          %dma_wait3A_484 = tpu.memref_slice %arg9[%dma_wait3A_480, %dma_wait3A_482, %dma_wait3A_483] : memref<4x128x80xf32, #tpu.memory_space<vmem>> -> memref<1x128x80xf32, #tpu.memory_space<vmem>>
          %dma_wait3A_485 = tpu.memref_squeeze %dma_wait3A_484 : memref<1x128x80xf32, #tpu.memory_space<vmem>> -> memref<128x80xf32, #tpu.memory_space<vmem>>
          %dma_wait3A_486 = arith.constant 0 : i32
          %dma_wait3A_487 = tpu.memref_slice %arg6[%add3A_479, %dma_wait3A_486] : memref<163840x80xf32, #tpu.memory_space<hbm>> -> memref<128x80xf32, #tpu.memory_space<hbm>>
          %dma_wait3A_488 = tpu.memref_slice %arg12[%dma_wait3A_481] : memref<4x!tpu.dma_semaphore, #tpu.memory_space<semaphore_mem>> -> memref<1x!tpu.dma_semaphore, #tpu.memory_space<semaphore_mem>>
          %dma_wait3A_489 = tpu.memref_squeeze %dma_wait3A_488 : memref<1x!tpu.dma_semaphore, #tpu.memory_space<semaphore_mem>> -> memref<!tpu.dma_semaphore, #tpu.memory_space<semaphore_mem>>
          %dma_wait3A_490 = arith.constant 0 : i32
          %dma_wait3A_491 = tpu.memref_slice %arg6[%add3A_479, %dma_wait3A_490] : memref<163840x80xf32, #tpu.memory_space<hbm>> -> memref<128x80xf32, #tpu.memory_space<hbm>>
          %dma_wait3A_492 = arith.constant 0 : i32
          %dma_wait3A_493 = arith.constant 0 : i32
          %dma_wait3A_494 = tpu.memref_slice %arg9[%dma_wait3A_480, %dma_wait3A_492, %dma_wait3A_493] : memref<4x128x80xf32, #tpu.memory_space<vmem>> -> memref<1x128x80xf32, #tpu.memory_space<vmem>>
          %dma_wait3A_495 = tpu.memref_squeeze %dma_wait3A_494 : memref<1x128x80xf32, #tpu.memory_space<vmem>> -> memref<128x80xf32, #tpu.memory_space<vmem>>
          tpu.wait_dma2 semaphore(%dma_wait3A_489 : memref<!tpu.dma_semaphore, #tpu.memory_space<semaphore_mem>>) src(%dma_wait3A_495 : memref<128x80xf32, #tpu.memory_space<vmem>>) dst(%dma_wait3A_491 : memref<128x80xf32, #tpu.memory_space<hbm>>)
        } else {
        }
        %add3A_444 = arith.constant 3 : i32
        %add3A_445 = arith.addi %add3A_245, %add3A_444 : i32
        %dma_start3A_446 = arith.constant 0 : i32
        %dma_start3A_447 = arith.constant 0 : i32
        %dma_start3A_448 = arith.constant 0 : i32
        %dma_start3A_449 = arith.constant 0 : i32
        %dma_start3A_450 = tpu.memref_slice %arg9[%dma_start3A_446, %dma_start3A_448, %dma_start3A_449] : memref<4x128x80xf32, #tpu.memory_space<vmem>> -> memref<1x128x80xf32, #tpu.memory_space<vmem>>
        %dma_start3A_451 = tpu.memref_squeeze %dma_start3A_450 : memref<1x128x80xf32, #tpu.memory_space<vmem>> -> memref<128x80xf32, #tpu.memory_space<vmem>>
        %dma_start3A_452 = arith.constant 0 : i32
        %dma_start3A_453 = tpu.memref_slice %arg7[%add3A_445, %dma_start3A_452] : memref<40x128xi32, #tpu.memory_space<vmem>> -> memref<1x128xi32, #tpu.memory_space<vmem>>
        %dma_start3A_454 = tpu.memref_squeeze %dma_start3A_453 : memref<1x128xi32, #tpu.memory_space<vmem>> -> memref<128xi32, #tpu.memory_space<vmem>>
        %dma_start3A_455 = arith.constant 0 : i32
        %dma_start3A_456 = arith.constant 0 : i32
        %dma_start3A_457 = tpu.memref_slice %arg2[%dma_start3A_455, %dma_start3A_456] : memref<10240x80xf32, #tpu.memory_space<hbm>> -> memref<10240x80xf32, #tpu.memory_space<hbm>>
        %dma_start3A_458 = tpu.memref_slice %arg11[%dma_start3A_447] : memref<4x!tpu.dma_semaphore, #tpu.memory_space<semaphore_mem>> -> memref<1x!tpu.dma_semaphore, #tpu.memory_space<semaphore_mem>>
        %dma_start3A_459 = tpu.memref_squeeze %dma_start3A_458 : memref<1x!tpu.dma_semaphore, #tpu.memory_space<semaphore_mem>> -> memref<!tpu.dma_semaphore, #tpu.memory_space<semaphore_mem>>
        tpu.enqueue_indirect_dma source(%dma_start3A_457 : memref<10240x80xf32, #tpu.memory_space<hbm>>) target(%dma_start3A_451 : memref<128x80xf32, #tpu.memory_space<vmem>>) offsets(%dma_start3A_454 : memref<128xi32, #tpu.memory_space<vmem>>) semaphore(%dma_start3A_459 : memref<!tpu.dma_semaphore, #tpu.memory_space<semaphore_mem>>)
        %dma_start3A_460 = arith.constant 0 : i32
        %dma_start3A_461 = arith.constant 0 : i32
        %dma_start3A_462 = arith.constant 0 : i32
        %dma_start3A_463 = arith.constant 0 : i32
        %dma_start3A_464 = tpu.memref_slice %arg10[%dma_start3A_460, %dma_start3A_462, %dma_start3A_463] : memref<4x128x80xf32, #tpu.memory_space<vmem>> -> memref<1x128x80xf32, #tpu.memory_space<vmem>>
        %dma_start3A_465 = tpu.memref_squeeze %dma_start3A_464 : memref<1x128x80xf32, #tpu.memory_space<vmem>> -> memref<128x80xf32, #tpu.memory_space<vmem>>
        %dma_start3A_466 = arith.constant 0 : i32
        %dma_start3A_467 = tpu.memref_slice %arg8[%add3A_445, %dma_start3A_466] : memref<40x128xi32, #tpu.memory_space<vmem>> -> memref<1x128xi32, #tpu.memory_space<vmem>>
        %dma_start3A_468 = tpu.memref_squeeze %dma_start3A_467 : memref<1x128xi32, #tpu.memory_space<vmem>> -> memref<128xi32, #tpu.memory_space<vmem>>
        %dma_start3A_469 = arith.constant 0 : i32
        %dma_start3A_470 = arith.constant 0 : i32
        %dma_start3A_471 = tpu.memref_slice %arg3[%dma_start3A_469, %dma_start3A_470] : memref<10240x80xf32, #tpu.memory_space<hbm>> -> memref<10240x80xf32, #tpu.memory_space<hbm>>
        %dma_start3A_472 = tpu.memref_slice %arg11[%dma_start3A_461] : memref<4x!tpu.dma_semaphore, #tpu.memory_space<semaphore_mem>> -> memref<1x!tpu.dma_semaphore, #tpu.memory_space<semaphore_mem>>
        %dma_start3A_473 = tpu.memref_squeeze %dma_start3A_472 : memref<1x!tpu.dma_semaphore, #tpu.memory_space<semaphore_mem>> -> memref<!tpu.dma_semaphore, #tpu.memory_space<semaphore_mem>>
        tpu.enqueue_indirect_dma source(%dma_start3A_471 : memref<10240x80xf32, #tpu.memory_space<hbm>>) target(%dma_start3A_465 : memref<128x80xf32, #tpu.memory_space<vmem>>) offsets(%dma_start3A_468 : memref<128xi32, #tpu.memory_space<vmem>>) semaphore(%dma_start3A_473 : memref<!tpu.dma_semaphore, #tpu.memory_space<semaphore_mem>>)
      } else {
      }
      %mul3A_308 = arith.constant 4 : i32
      %mul3A_309 = arith.muli %scan3A_178, %mul3A_308 : i32
      %add3A_310 = arith.constant 2 : i32
      %add3A_311 = arith.addi %mul3A_309, %add3A_310 : i32
      %dma_wait3A_312 = arith.constant 2 : i32
      %dma_wait3A_313 = arith.constant 2 : i32
      %dma_wait3A_314 = arith.constant 0 : i32
      %dma_wait3A_315 = arith.constant 0 : i32
      %dma_wait3A_316 = tpu.memref_slice %arg9[%dma_wait3A_312, %dma_wait3A_314, %dma_wait3A_315] : memref<4x128x80xf32, #tpu.memory_space<vmem>> -> memref<1x128x80xf32, #tpu.memory_space<vmem>>
      %dma_wait3A_317 = tpu.memref_squeeze %dma_wait3A_316 : memref<1x128x80xf32, #tpu.memory_space<vmem>> -> memref<128x80xf32, #tpu.memory_space<vmem>>
      %dma_wait3A_318 = arith.constant 0 : i32
      %dma_wait3A_319 = tpu.memref_slice %arg7[%add3A_311, %dma_wait3A_318] : memref<40x128xi32, #tpu.memory_space<vmem>> -> memref<1x128xi32, #tpu.memory_space<vmem>>
      %dma_wait3A_320 = tpu.memref_squeeze %dma_wait3A_319 : memref<1x128xi32, #tpu.memory_space<vmem>> -> memref<128xi32, #tpu.memory_space<vmem>>
      %dma_wait3A_321 = arith.constant 0 : i32
      %dma_wait3A_322 = arith.constant 0 : i32
      %dma_wait3A_323 = tpu.memref_slice %arg2[%dma_wait3A_321, %dma_wait3A_322] : memref<10240x80xf32, #tpu.memory_space<hbm>> -> memref<10240x80xf32, #tpu.memory_space<hbm>>
      %dma_wait3A_324 = tpu.memref_slice %arg11[%dma_wait3A_313] : memref<4x!tpu.dma_semaphore, #tpu.memory_space<semaphore_mem>> -> memref<1x!tpu.dma_semaphore, #tpu.memory_space<semaphore_mem>>
      %dma_wait3A_325 = tpu.memref_squeeze %dma_wait3A_324 : memref<1x!tpu.dma_semaphore, #tpu.memory_space<semaphore_mem>> -> memref<!tpu.dma_semaphore, #tpu.memory_space<semaphore_mem>>
      tpu.wait_indirect_dma semaphore(%dma_wait3A_325 : memref<!tpu.dma_semaphore, #tpu.memory_space<semaphore_mem>>) src(%dma_wait3A_323 : memref<10240x80xf32, #tpu.memory_space<hbm>>) dst(%dma_wait3A_317 : memref<128x80xf32, #tpu.memory_space<vmem>>)
      %dma_wait3A_326 = arith.constant 2 : i32
      %dma_wait3A_327 = arith.constant 2 : i32
      %dma_wait3A_328 = arith.constant 0 : i32
      %dma_wait3A_329 = arith.constant 0 : i32
      %dma_wait3A_330 = tpu.memref_slice %arg10[%dma_wait3A_326, %dma_wait3A_328, %dma_wait3A_329] : memref<4x128x80xf32, #tpu.memory_space<vmem>> -> memref<1x128x80xf32, #tpu.memory_space<vmem>>
      %dma_wait3A_331 = tpu.memref_squeeze %dma_wait3A_330 : memref<1x128x80xf32, #tpu.memory_space<vmem>> -> memref<128x80xf32, #tpu.memory_space<vmem>>
      %dma_wait3A_332 = arith.constant 0 : i32
      %dma_wait3A_333 = tpu.memref_slice %arg8[%add3A_311, %dma_wait3A_332] : memref<40x128xi32, #tpu.memory_space<vmem>> -> memref<1x128xi32, #tpu.memory_space<vmem>>
      %dma_wait3A_334 = tpu.memref_squeeze %dma_wait3A_333 : memref<1x128xi32, #tpu.memory_space<vmem>> -> memref<128xi32, #tpu.memory_space<vmem>>
      %dma_wait3A_335 = arith.constant 0 : i32
      %dma_wait3A_336 = arith.constant 0 : i32
      %dma_wait3A_337 = tpu.memref_slice %arg3[%dma_wait3A_335, %dma_wait3A_336] : memref<10240x80xf32, #tpu.memory_space<hbm>> -> memref<10240x80xf32, #tpu.memory_space<hbm>>
      %dma_wait3A_338 = tpu.memref_slice %arg11[%dma_wait3A_327] : memref<4x!tpu.dma_semaphore, #tpu.memory_space<semaphore_mem>> -> memref<1x!tpu.dma_semaphore, #tpu.memory_space<semaphore_mem>>
      %dma_wait3A_339 = tpu.memref_squeeze %dma_wait3A_338 : memref<1x!tpu.dma_semaphore, #tpu.memory_space<semaphore_mem>> -> memref<!tpu.dma_semaphore, #tpu.memory_space<semaphore_mem>>
      tpu.wait_indirect_dma semaphore(%dma_wait3A_339 : memref<!tpu.dma_semaphore, #tpu.memory_space<semaphore_mem>>) src(%dma_wait3A_337 : memref<10240x80xf32, #tpu.memory_space<hbm>>) dst(%dma_wait3A_331 : memref<128x80xf32, #tpu.memory_space<vmem>>)
      %scan3A_340 = arith.constant 0 : i32
      %scan3A_341 = arith.constant 0 : i32
      %scan3A_342 = arith.constant 128 : i32
      %scan3A_343 = arith.addi %scan3A_341, %scan3A_342 : i32
      %scan3A_344 = arith.constant 2 : i32
      scf.for %scan3A_440 = %scan3A_341 to %scan3A_343 step %scan3A_344  : i32 {
        %get3A = arith.constant 2 : i32
        %get3A_441 = arith.index_cast %get3A : i32 to index
        %get3A_442 = arith.index_cast %scan3A_440 : i32 to index
        %get3A_443 = arith.constant 0 : index
        %get3A_444 = tpu.vector_load %arg9[%get3A_441, %get3A_442, %get3A_443] {strides = array<i32>} : memref<4x128x80xf32, #tpu.memory_space<vmem>>, vector<1x1x16xf32>,
        %get3A_445 = vector.shape_cast %get3A_444 : vector<1x1x16xf32> to vector<16xf32>
        %get3A_446 = arith.constant 2 : i32
        %get3A_447 = arith.index_cast %get3A_446 : i32 to index
        %get3A_448 = arith.index_cast %scan3A_440 : i32 to index
        %get3A_449 = arith.constant 0 : index
        %get3A_450 = tpu.vector_load %arg10[%get3A_447, %get3A_448, %get3A_449] {strides = array<i32>} : memref<4x128x80xf32, #tpu.memory_space<vmem>>, vector<1x1x16xf32>,
        %get3A_451 = vector.shape_cast %get3A_450 : vector<1x1x16xf32> to vector<16xf32>
        %add3A_452 = arith.addf %get3A_445, %get3A_451 : vector<16xf32>
        %swap3A = arith.constant 2 : i32
        %swap3A_453 = arith.index_cast %swap3A : i32 to index
        %swap3A_454 = arith.index_cast %scan3A_440 : i32 to index
        %swap3A_455 = arith.constant 0 : index
        %swap3A_456 = tpu.vector_load %arg9[%swap3A_453, %swap3A_454, %swap3A_455] {strides = array<i32>} : memref<4x128x80xf32, #tpu.memory_space<vmem>>, vector<1x1x16xf32>,
        %swap3A_457 = vector.shape_cast %swap3A_456 : vector<1x1x16xf32> to vector<16xf32>
        %swap3A_458 = vector.shape_cast %add3A_452 : vector<16xf32> to vector<1x1x16xf32>
        tpu.vector_store %arg9[%swap3A_453, %swap3A_454, %swap3A_455], %swap3A_458 {strides = array<i32>} : memref<4x128x80xf32, #tpu.memory_space<vmem>>, vector<1x1x16xf32>,
        %get3A_459 = arith.constant 2 : i32
        %get3A_460 = arith.index_cast %get3A_459 : i32 to index
        %get3A_461 = arith.index_cast %scan3A_440 : i32 to index
        %get3A_462 = arith.constant 16 : index
        %get3A_463 = tpu.vector_load %arg9[%get3A_460, %get3A_461, %get3A_462] {strides = array<i32>} : memref<4x128x80xf32, #tpu.memory_space<vmem>>, vector<1x1x16xf32>,
        %get3A_464 = vector.shape_cast %get3A_463 : vector<1x1x16xf32> to vector<16xf32>
        %get3A_465 = arith.constant 2 : i32
        %get3A_466 = arith.index_cast %get3A_465 : i32 to index
        %get3A_467 = arith.index_cast %scan3A_440 : i32 to index
        %get3A_468 = arith.constant 16 : index
        %get3A_469 = tpu.vector_load %arg10[%get3A_466, %get3A_467, %get3A_468] {strides = array<i32>} : memref<4x128x80xf32, #tpu.memory_space<vmem>>, vector<1x1x16xf32>,
        %get3A_470 = vector.shape_cast %get3A_469 : vector<1x1x16xf32> to vector<16xf32>
        %add3A_471 = arith.addf %get3A_464, %get3A_470 : vector<16xf32>
        %swap3A_472 = arith.constant 2 : i32
        %swap3A_473 = arith.index_cast %swap3A_472 : i32 to index
        %swap3A_474 = arith.index_cast %scan3A_440 : i32 to index
        %swap3A_475 = arith.constant 16 : index
        %swap3A_476 = tpu.vector_load %arg9[%swap3A_473, %swap3A_474, %swap3A_475] {strides = array<i32>} : memref<4x128x80xf32, #tpu.memory_space<vmem>>, vector<1x1x16xf32>,
        %swap3A_477 = vector.shape_cast %swap3A_476 : vector<1x1x16xf32> to vector<16xf32>
        %swap3A_478 = vector.shape_cast %add3A_471 : vector<16xf32> to vector<1x1x16xf32>
        tpu.vector_store %arg9[%swap3A_473, %swap3A_474, %swap3A_475], %swap3A_478 {strides = array<i32>} : memref<4x128x80xf32, #tpu.memory_space<vmem>>, vector<1x1x16xf32>,
        %get3A_479 = arith.constant 2 : i32
        %get3A_480 = arith.index_cast %get3A_479 : i32 to index
        %get3A_481 = arith.index_cast %scan3A_440 : i32 to index
        %get3A_482 = arith.constant 32 : index
        %get3A_483 = tpu.vector_load %arg9[%get3A_480, %get3A_481, %get3A_482] {strides = array<i32>} : memref<4x128x80xf32, #tpu.memory_space<vmem>>, vector<1x1x16xf32>,
        %get3A_484 = vector.shape_cast %get3A_483 : vector<1x1x16xf32> to vector<16xf32>
        %get3A_485 = arith.constant 2 : i32
        %get3A_486 = arith.index_cast %get3A_485 : i32 to index
        %get3A_487 = arith.index_cast %scan3A_440 : i32 to index
        %get3A_488 = arith.constant 32 : index
        %get3A_489 = tpu.vector_load %arg10[%get3A_486, %get3A_487, %get3A_488] {strides = array<i32>} : memref<4x128x80xf32, #tpu.memory_space<vmem>>, vector<1x1x16xf32>,
        %get3A_490 = vector.shape_cast %get3A_489 : vector<1x1x16xf32> to vector<16xf32>
        %add3A_491 = arith.addf %get3A_484, %get3A_490 : vector<16xf32>
        %swap3A_492 = arith.constant 2 : i32
        %swap3A_493 = arith.index_cast %swap3A_492 : i32 to index
        %swap3A_494 = arith.index_cast %scan3A_440 : i32 to index
        %swap3A_495 = arith.constant 32 : index
        %swap3A_496 = tpu.vector_load %arg9[%swap3A_493, %swap3A_494, %swap3A_495] {strides = array<i32>} : memref<4x128x80xf32, #tpu.memory_space<vmem>>, vector<1x1x16xf32>,
        %swap3A_497 = vector.shape_cast %swap3A_496 : vector<1x1x16xf32> to vector<16xf32>
        %swap3A_498 = vector.shape_cast %add3A_491 : vector<16xf32> to vector<1x1x16xf32>
        tpu.vector_store %arg9[%swap3A_493, %swap3A_494, %swap3A_495], %swap3A_498 {strides = array<i32>} : memref<4x128x80xf32, #tpu.memory_space<vmem>>, vector<1x1x16xf32>,
        %get3A_499 = arith.constant 2 : i32
        %get3A_500 = arith.index_cast %get3A_499 : i32 to index
        %get3A_501 = arith.index_cast %scan3A_440 : i32 to index
        %get3A_502 = arith.constant 48 : index
        %get3A_503 = tpu.vector_load %arg9[%get3A_500, %get3A_501, %get3A_502] {strides = array<i32>} : memref<4x128x80xf32, #tpu.memory_space<vmem>>, vector<1x1x16xf32>,
        %get3A_504 = vector.shape_cast %get3A_503 : vector<1x1x16xf32> to vector<16xf32>
        %get3A_505 = arith.constant 2 : i32
        %get3A_506 = arith.index_cast %get3A_505 : i32 to index
        %get3A_507 = arith.index_cast %scan3A_440 : i32 to index
        %get3A_508 = arith.constant 48 : index
        %get3A_509 = tpu.vector_load %arg10[%get3A_506, %get3A_507, %get3A_508] {strides = array<i32>} : memref<4x128x80xf32, #tpu.memory_space<vmem>>, vector<1x1x16xf32>,
        %get3A_510 = vector.shape_cast %get3A_509 : vector<1x1x16xf32> to vector<16xf32>
        %add3A_511 = arith.addf %get3A_504, %get3A_510 : vector<16xf32>
        %swap3A_512 = arith.constant 2 : i32
        %swap3A_513 = arith.index_cast %swap3A_512 : i32 to index
        %swap3A_514 = arith.index_cast %scan3A_440 : i32 to index
        %swap3A_515 = arith.constant 48 : index
        %swap3A_516 = tpu.vector_load %arg9[%swap3A_513, %swap3A_514, %swap3A_515] {strides = array<i32>} : memref<4x128x80xf32, #tpu.memory_space<vmem>>, vector<1x1x16xf32>,
        %swap3A_517 = vector.shape_cast %swap3A_516 : vector<1x1x16xf32> to vector<16xf32>
        %swap3A_518 = vector.shape_cast %add3A_511 : vector<16xf32> to vector<1x1x16xf32>
        tpu.vector_store %arg9[%swap3A_513, %swap3A_514, %swap3A_515], %swap3A_518 {strides = array<i32>} : memref<4x128x80xf32, #tpu.memory_space<vmem>>, vector<1x1x16xf32>,
        %get3A_519 = arith.constant 2 : i32
        %get3A_520 = arith.index_cast %get3A_519 : i32 to index
        %get3A_521 = arith.index_cast %scan3A_440 : i32 to index
        %get3A_522 = arith.constant 64 : index
        %get3A_523 = tpu.vector_load %arg9[%get3A_520, %get3A_521, %get3A_522] {strides = array<i32>} : memref<4x128x80xf32, #tpu.memory_space<vmem>>, vector<1x1x16xf32>,
        %get3A_524 = vector.shape_cast %get3A_523 : vector<1x1x16xf32> to vector<16xf32>
        %get3A_525 = arith.constant 2 : i32
        %get3A_526 = arith.index_cast %get3A_525 : i32 to index
        %get3A_527 = arith.index_cast %scan3A_440 : i32 to index
        %get3A_528 = arith.constant 64 : index
        %get3A_529 = tpu.vector_load %arg10[%get3A_526, %get3A_527, %get3A_528] {strides = array<i32>} : memref<4x128x80xf32, #tpu.memory_space<vmem>>, vector<1x1x16xf32>,
        %get3A_530 = vector.shape_cast %get3A_529 : vector<1x1x16xf32> to vector<16xf32>
        %add3A_531 = arith.addf %get3A_524, %get3A_530 : vector<16xf32>
        %swap3A_532 = arith.constant 2 : i32
        %swap3A_533 = arith.index_cast %swap3A_532 : i32 to index
        %swap3A_534 = arith.index_cast %scan3A_440 : i32 to index
        %swap3A_535 = arith.constant 64 : index
        %swap3A_536 = tpu.vector_load %arg9[%swap3A_533, %swap3A_534, %swap3A_535] {strides = array<i32>} : memref<4x128x80xf32, #tpu.memory_space<vmem>>, vector<1x1x16xf32>,
        %swap3A_537 = vector.shape_cast %swap3A_536 : vector<1x1x16xf32> to vector<16xf32>
        %swap3A_538 = vector.shape_cast %add3A_531 : vector<16xf32> to vector<1x1x16xf32>
        tpu.vector_store %arg9[%swap3A_533, %swap3A_534, %swap3A_535], %swap3A_538 {strides = array<i32>} : memref<4x128x80xf32, #tpu.memory_space<vmem>>, vector<1x1x16xf32>,
        %scan3A_539 = arith.constant 1 : i32
        %scan3A_540 = arith.addi %scan3A_440, %scan3A_539 : i32
        %get3A_541 = arith.constant 2 : i32
        %get3A_542 = arith.index_cast %get3A_541 : i32 to index
        %get3A_543 = arith.index_cast %scan3A_540 : i32 to index
        %get3A_544 = arith.constant 0 : index
        %get3A_545 = tpu.vector_load %arg9[%get3A_542, %get3A_543, %get3A_544] {strides = array<i32>} : memref<4x128x80xf32, #tpu.memory_space<vmem>>, vector<1x1x16xf32>,
        %get3A_546 = vector.shape_cast %get3A_545 : vector<1x1x16xf32> to vector<16xf32>
        %get3A_547 = arith.constant 2 : i32
        %get3A_548 = arith.index_cast %get3A_547 : i32 to index
        %get3A_549 = arith.index_cast %scan3A_540 : i32 to index
        %get3A_550 = arith.constant 0 : index
        %get3A_551 = tpu.vector_load %arg10[%get3A_548, %get3A_549, %get3A_550] {strides = array<i32>} : memref<4x128x80xf32, #tpu.memory_space<vmem>>, vector<1x1x16xf32>,
        %get3A_552 = vector.shape_cast %get3A_551 : vector<1x1x16xf32> to vector<16xf32>
        %add3A_553 = arith.addf %get3A_546, %get3A_552 : vector<16xf32>
        %swap3A_554 = arith.constant 2 : i32
        %swap3A_555 = arith.index_cast %swap3A_554 : i32 to index
        %swap3A_556 = arith.index_cast %scan3A_540 : i32 to index
        %swap3A_557 = arith.constant 0 : index
        %swap3A_558 = tpu.vector_load %arg9[%swap3A_555, %swap3A_556, %swap3A_557] {strides = array<i32>} : memref<4x128x80xf32, #tpu.memory_space<vmem>>, vector<1x1x16xf32>,
        %swap3A_559 = vector.shape_cast %swap3A_558 : vector<1x1x16xf32> to vector<16xf32>
        %swap3A_560 = vector.shape_cast %add3A_553 : vector<16xf32> to vector<1x1x16xf32>
        tpu.vector_store %arg9[%swap3A_555, %swap3A_556, %swap3A_557], %swap3A_560 {strides = array<i32>} : memref<4x128x80xf32, #tpu.memory_space<vmem>>, vector<1x1x16xf32>,
        %get3A_561 = arith.constant 2 : i32
        %get3A_562 = arith.index_cast %get3A_561 : i32 to index
        %get3A_563 = arith.index_cast %scan3A_540 : i32 to index
        %get3A_564 = arith.constant 16 : index
        %get3A_565 = tpu.vector_load %arg9[%get3A_562, %get3A_563, %get3A_564] {strides = array<i32>} : memref<4x128x80xf32, #tpu.memory_space<vmem>>, vector<1x1x16xf32>,
        %get3A_566 = vector.shape_cast %get3A_565 : vector<1x1x16xf32> to vector<16xf32>
        %get3A_567 = arith.constant 2 : i32
        %get3A_568 = arith.index_cast %get3A_567 : i32 to index
        %get3A_569 = arith.index_cast %scan3A_540 : i32 to index
        %get3A_570 = arith.constant 16 : index
        %get3A_571 = tpu.vector_load %arg10[%get3A_568, %get3A_569, %get3A_570] {strides = array<i32>} : memref<4x128x80xf32, #tpu.memory_space<vmem>>, vector<1x1x16xf32>,
        %get3A_572 = vector.shape_cast %get3A_571 : vector<1x1x16xf32> to vector<16xf32>
        %add3A_573 = arith.addf %get3A_566, %get3A_572 : vector<16xf32>
        %swap3A_574 = arith.constant 2 : i32
        %swap3A_575 = arith.index_cast %swap3A_574 : i32 to index
        %swap3A_576 = arith.index_cast %scan3A_540 : i32 to index
        %swap3A_577 = arith.constant 16 : index
        %swap3A_578 = tpu.vector_load %arg9[%swap3A_575, %swap3A_576, %swap3A_577] {strides = array<i32>} : memref<4x128x80xf32, #tpu.memory_space<vmem>>, vector<1x1x16xf32>,
        %swap3A_579 = vector.shape_cast %swap3A_578 : vector<1x1x16xf32> to vector<16xf32>
        %swap3A_580 = vector.shape_cast %add3A_573 : vector<16xf32> to vector<1x1x16xf32>
        tpu.vector_store %arg9[%swap3A_575, %swap3A_576, %swap3A_577], %swap3A_580 {strides = array<i32>} : memref<4x128x80xf32, #tpu.memory_space<vmem>>, vector<1x1x16xf32>,
        %get3A_581 = arith.constant 2 : i32
        %get3A_582 = arith.index_cast %get3A_581 : i32 to index
        %get3A_583 = arith.index_cast %scan3A_540 : i32 to index
        %get3A_584 = arith.constant 32 : index
        %get3A_585 = tpu.vector_load %arg9[%get3A_582, %get3A_583, %get3A_584] {strides = array<i32>} : memref<4x128x80xf32, #tpu.memory_space<vmem>>, vector<1x1x16xf32>,
        %get3A_586 = vector.shape_cast %get3A_585 : vector<1x1x16xf32> to vector<16xf32>
        %get3A_587 = arith.constant 2 : i32
        %get3A_588 = arith.index_cast %get3A_587 : i32 to index
        %get3A_589 = arith.index_cast %scan3A_540 : i32 to index
        %get3A_590 = arith.constant 32 : index
        %get3A_591 = tpu.vector_load %arg10[%get3A_588, %get3A_589, %get3A_590] {strides = array<i32>} : memref<4x128x80xf32, #tpu.memory_space<vmem>>, vector<1x1x16xf32>,
        %get3A_592 = vector.shape_cast %get3A_591 : vector<1x1x16xf32> to vector<16xf32>
        %add3A_593 = arith.addf %get3A_586, %get3A_592 : vector<16xf32>
        %swap3A_594 = arith.constant 2 : i32
        %swap3A_595 = arith.index_cast %swap3A_594 : i32 to index
        %swap3A_596 = arith.index_cast %scan3A_540 : i32 to index
        %swap3A_597 = arith.constant 32 : index
        %swap3A_598 = tpu.vector_load %arg9[%swap3A_595, %swap3A_596, %swap3A_597] {strides = array<i32>} : memref<4x128x80xf32, #tpu.memory_space<vmem>>, vector<1x1x16xf32>,
        %swap3A_599 = vector.shape_cast %swap3A_598 : vector<1x1x16xf32> to vector<16xf32>
        %swap3A_600 = vector.shape_cast %add3A_593 : vector<16xf32> to vector<1x1x16xf32>
        tpu.vector_store %arg9[%swap3A_595, %swap3A_596, %swap3A_597], %swap3A_600 {strides = array<i32>} : memref<4x128x80xf32, #tpu.memory_space<vmem>>, vector<1x1x16xf32>,
        %get3A_601 = arith.constant 2 : i32
        %get3A_602 = arith.index_cast %get3A_601 : i32 to index
        %get3A_603 = arith.index_cast %scan3A_540 : i32 to index
        %get3A_604 = arith.constant 48 : index
        %get3A_605 = tpu.vector_load %arg9[%get3A_602, %get3A_603, %get3A_604] {strides = array<i32>} : memref<4x128x80xf32, #tpu.memory_space<vmem>>, vector<1x1x16xf32>,
        %get3A_606 = vector.shape_cast %get3A_605 : vector<1x1x16xf32> to vector<16xf32>
        %get3A_607 = arith.constant 2 : i32
        %get3A_608 = arith.index_cast %get3A_607 : i32 to index
        %get3A_609 = arith.index_cast %scan3A_540 : i32 to index
        %get3A_610 = arith.constant 48 : index
        %get3A_611 = tpu.vector_load %arg10[%get3A_608, %get3A_609, %get3A_610] {strides = array<i32>} : memref<4x128x80xf32, #tpu.memory_space<vmem>>, vector<1x1x16xf32>,
        %get3A_612 = vector.shape_cast %get3A_611 : vector<1x1x16xf32> to vector<16xf32>
        %add3A_613 = arith.addf %get3A_606, %get3A_612 : vector<16xf32>
        %swap3A_614 = arith.constant 2 : i32
        %swap3A_615 = arith.index_cast %swap3A_614 : i32 to index
        %swap3A_616 = arith.index_cast %scan3A_540 : i32 to index
        %swap3A_617 = arith.constant 48 : index
        %swap3A_618 = tpu.vector_load %arg9[%swap3A_615, %swap3A_616, %swap3A_617] {strides = array<i32>} : memref<4x128x80xf32, #tpu.memory_space<vmem>>, vector<1x1x16xf32>,
        %swap3A_619 = vector.shape_cast %swap3A_618 : vector<1x1x16xf32> to vector<16xf32>
        %swap3A_620 = vector.shape_cast %add3A_613 : vector<16xf32> to vector<1x1x16xf32>
        tpu.vector_store %arg9[%swap3A_615, %swap3A_616, %swap3A_617], %swap3A_620 {strides = array<i32>} : memref<4x128x80xf32, #tpu.memory_space<vmem>>, vector<1x1x16xf32>,
        %get3A_621 = arith.constant 2 : i32
        %get3A_622 = arith.index_cast %get3A_621 : i32 to index
        %get3A_623 = arith.index_cast %scan3A_540 : i32 to index
        %get3A_624 = arith.constant 64 : index
        %get3A_625 = tpu.vector_load %arg9[%get3A_622, %get3A_623, %get3A_624] {strides = array<i32>} : memref<4x128x80xf32, #tpu.memory_space<vmem>>, vector<1x1x16xf32>,
        %get3A_626 = vector.shape_cast %get3A_625 : vector<1x1x16xf32> to vector<16xf32>
        %get3A_627 = arith.constant 2 : i32
        %get3A_628 = arith.index_cast %get3A_627 : i32 to index
        %get3A_629 = arith.index_cast %scan3A_540 : i32 to index
        %get3A_630 = arith.constant 64 : index
        %get3A_631 = tpu.vector_load %arg10[%get3A_628, %get3A_629, %get3A_630] {strides = array<i32>} : memref<4x128x80xf32, #tpu.memory_space<vmem>>, vector<1x1x16xf32>,
        %get3A_632 = vector.shape_cast %get3A_631 : vector<1x1x16xf32> to vector<16xf32>
        %add3A_633 = arith.addf %get3A_626, %get3A_632 : vector<16xf32>
        %swap3A_634 = arith.constant 2 : i32
        %swap3A_635 = arith.index_cast %swap3A_634 : i32 to index
        %swap3A_636 = arith.index_cast %scan3A_540 : i32 to index
        %swap3A_637 = arith.constant 64 : index
        %swap3A_638 = tpu.vector_load %arg9[%swap3A_635, %swap3A_636, %swap3A_637] {strides = array<i32>} : memref<4x128x80xf32, #tpu.memory_space<vmem>>, vector<1x1x16xf32>,
        %swap3A_639 = vector.shape_cast %swap3A_638 : vector<1x1x16xf32> to vector<16xf32>
        %swap3A_640 = vector.shape_cast %add3A_633 : vector<16xf32> to vector<1x1x16xf32>
        tpu.vector_store %arg9[%swap3A_635, %swap3A_636, %swap3A_637], %swap3A_640 {strides = array<i32>} : memref<4x128x80xf32, #tpu.memory_space<vmem>>, vector<1x1x16xf32>,
      }
      %scan3A_345 = arith.constant 128 : i32
      %mul3A_346 = arith.constant 5120 : i32
      %mul3A_347 = arith.muli %add3A, %mul3A_346 : i32
      %mul3A_348 = arith.constant 128 : i32
      %mul3A_349 = arith.muli %add3A_311, %mul3A_348 : i32
      %add3A_350 = arith.addi %mul3A_347, %mul3A_349 : i32
      %dma_start3A_351 = arith.constant 2 : i32
      %dma_start3A_352 = arith.constant 2 : i32
      %dma_start3A_353 = arith.constant 0 : i32
      %dma_start3A_354 = arith.constant 0 : i32
      %dma_start3A_355 = tpu.memref_slice %arg9[%dma_start3A_351, %dma_start3A_353, %dma_start3A_354] : memref<4x128x80xf32, #tpu.memory_space<vmem>> -> memref<1x128x80xf32, #tpu.memory_space<vmem>>
      %dma_start3A_356 = tpu.memref_squeeze %dma_start3A_355 : memref<1x128x80xf32, #tpu.memory_space<vmem>> -> memref<128x80xf32, #tpu.memory_space<vmem>>
      %dma_start3A_357 = arith.constant 0 : i32
      %dma_start3A_358 = tpu.memref_slice %arg6[%add3A_350, %dma_start3A_357] : memref<163840x80xf32, #tpu.memory_space<hbm>> -> memref<128x80xf32, #tpu.memory_space<hbm>>
      %dma_start3A_359 = tpu.memref_slice %arg12[%dma_start3A_352] : memref<4x!tpu.dma_semaphore, #tpu.memory_space<semaphore_mem>> -> memref<1x!tpu.dma_semaphore, #tpu.memory_space<semaphore_mem>>
      %dma_start3A_360 = tpu.memref_squeeze %dma_start3A_359 : memref<1x!tpu.dma_semaphore, #tpu.memory_space<semaphore_mem>> -> memref<!tpu.dma_semaphore, #tpu.memory_space<semaphore_mem>>
      %dma_start3A_361 = arith.constant 0 : i32
      %dma_start3A_362 = tpu.memref_slice %arg6[%add3A_350, %dma_start3A_361] : memref<163840x80xf32, #tpu.memory_space<hbm>> -> memref<128x80xf32, #tpu.memory_space<hbm>>
      %dma_start3A_363 = arith.constant 0 : i32
      %dma_start3A_364 = arith.constant 0 : i32
      %dma_start3A_365 = tpu.memref_slice %arg9[%dma_start3A_351, %dma_start3A_363, %dma_start3A_364] : memref<4x128x80xf32, #tpu.memory_space<vmem>> -> memref<1x128x80xf32, #tpu.memory_space<vmem>>
      %dma_start3A_366 = tpu.memref_squeeze %dma_start3A_365 : memref<1x128x80xf32, #tpu.memory_space<vmem>> -> memref<128x80xf32, #tpu.memory_space<vmem>>
      tpu.enqueue_dma source(%dma_start3A_366 : memref<128x80xf32, #tpu.memory_space<vmem>>) target(%dma_start3A_362 : memref<128x80xf32, #tpu.memory_space<hbm>>) target_semaphore(%dma_start3A_360 : memref<!tpu.dma_semaphore, #tpu.memory_space<semaphore_mem>>)
      %add3A_367 = arith.constant 3 : i32
      %add3A_368 = arith.addi %add3A_311, %add3A_367 : i32
      %lt3A_369 = arith.constant 40 : i32
      %lt3A_370 = arith.cmpi slt, %add3A_368, %lt3A_369 : i32
      %convert_element_type3A_371 = arith.extui %lt3A_370 : i1 to i32
      %cond3A_372 = arith.constant 0 : i32
      %cond3A_373 = arith.cmpi ne, %convert_element_type3A_371, %cond3A_372 : i32
      scf.if %cond3A_373 {
        %ge3A = arith.constant 1 : i32
        %ge3A_440 = arith.cmpi sge, %add3A_311, %ge3A : i32
        %convert_element_type3A_441 = arith.extui %ge3A_440 : i1 to i32
        %cond3A_442 = arith.constant 0 : i32
        %cond3A_443 = arith.cmpi ne, %convert_element_type3A_441, %cond3A_442 : i32
        scf.if %cond3A_443 {
          %sub3A = arith.constant 1 : i32
          %sub3A_474 = arith.subi %add3A_311, %sub3A : i32
          %mul3A_475 = arith.constant 5120 : i32
          %mul3A_476 = arith.muli %add3A, %mul3A_475 : i32
          %mul3A_477 = arith.constant 128 : i32
          %mul3A_478 = arith.muli %sub3A_474, %mul3A_477 : i32
          %add3A_479 = arith.addi %mul3A_476, %mul3A_478 : i32
          %dma_wait3A_480 = arith.constant 1 : i32
          %dma_wait3A_481 = arith.constant 1 : i32
          %dma_wait3A_482 = arith.constant 0 : i32
          %dma_wait3A_483 = arith.constant 0 : i32
          %dma_wait3A_484 = tpu.memref_slice %arg9[%dma_wait3A_480, %dma_wait3A_482, %dma_wait3A_483] : memref<4x128x80xf32, #tpu.memory_space<vmem>> -> memref<1x128x80xf32, #tpu.memory_space<vmem>>
          %dma_wait3A_485 = tpu.memref_squeeze %dma_wait3A_484 : memref<1x128x80xf32, #tpu.memory_space<vmem>> -> memref<128x80xf32, #tpu.memory_space<vmem>>
          %dma_wait3A_486 = arith.constant 0 : i32
          %dma_wait3A_487 = tpu.memref_slice %arg6[%add3A_479, %dma_wait3A_486] : memref<163840x80xf32, #tpu.memory_space<hbm>> -> memref<128x80xf32, #tpu.memory_space<hbm>>
          %dma_wait3A_488 = tpu.memref_slice %arg12[%dma_wait3A_481] : memref<4x!tpu.dma_semaphore, #tpu.memory_space<semaphore_mem>> -> memref<1x!tpu.dma_semaphore, #tpu.memory_space<semaphore_mem>>
          %dma_wait3A_489 = tpu.memref_squeeze %dma_wait3A_488 : memref<1x!tpu.dma_semaphore, #tpu.memory_space<semaphore_mem>> -> memref<!tpu.dma_semaphore, #tpu.memory_space<semaphore_mem>>
          %dma_wait3A_490 = arith.constant 0 : i32
          %dma_wait3A_491 = tpu.memref_slice %arg6[%add3A_479, %dma_wait3A_490] : memref<163840x80xf32, #tpu.memory_space<hbm>> -> memref<128x80xf32, #tpu.memory_space<hbm>>
          %dma_wait3A_492 = arith.constant 0 : i32
          %dma_wait3A_493 = arith.constant 0 : i32
          %dma_wait3A_494 = tpu.memref_slice %arg9[%dma_wait3A_480, %dma_wait3A_492, %dma_wait3A_493] : memref<4x128x80xf32, #tpu.memory_space<vmem>> -> memref<1x128x80xf32, #tpu.memory_space<vmem>>
          %dma_wait3A_495 = tpu.memref_squeeze %dma_wait3A_494 : memref<1x128x80xf32, #tpu.memory_space<vmem>> -> memref<128x80xf32, #tpu.memory_space<vmem>>
          tpu.wait_dma2 semaphore(%dma_wait3A_489 : memref<!tpu.dma_semaphore, #tpu.memory_space<semaphore_mem>>) src(%dma_wait3A_495 : memref<128x80xf32, #tpu.memory_space<vmem>>) dst(%dma_wait3A_491 : memref<128x80xf32, #tpu.memory_space<hbm>>)
        } else {
        }
        %add3A_444 = arith.constant 3 : i32
        %add3A_445 = arith.addi %add3A_311, %add3A_444 : i32
        %dma_start3A_446 = arith.constant 1 : i32
        %dma_start3A_447 = arith.constant 1 : i32
        %dma_start3A_448 = arith.constant 0 : i32
        %dma_start3A_449 = arith.constant 0 : i32
        %dma_start3A_450 = tpu.memref_slice %arg9[%dma_start3A_446, %dma_start3A_448, %dma_start3A_449] : memref<4x128x80xf32, #tpu.memory_space<vmem>> -> memref<1x128x80xf32, #tpu.memory_space<vmem>>
        %dma_start3A_451 = tpu.memref_squeeze %dma_start3A_450 : memref<1x128x80xf32, #tpu.memory_space<vmem>> -> memref<128x80xf32, #tpu.memory_space<vmem>>
        %dma_start3A_452 = arith.constant 0 : i32
        %dma_start3A_453 = tpu.memref_slice %arg7[%add3A_445, %dma_start3A_452] : memref<40x128xi32, #tpu.memory_space<vmem>> -> memref<1x128xi32, #tpu.memory_space<vmem>>
        %dma_start3A_454 = tpu.memref_squeeze %dma_start3A_453 : memref<1x128xi32, #tpu.memory_space<vmem>> -> memref<128xi32, #tpu.memory_space<vmem>>
        %dma_start3A_455 = arith.constant 0 : i32
        %dma_start3A_456 = arith.constant 0 : i32
        %dma_start3A_457 = tpu.memref_slice %arg2[%dma_start3A_455, %dma_start3A_456] : memref<10240x80xf32, #tpu.memory_space<hbm>> -> memref<10240x80xf32, #tpu.memory_space<hbm>>
        %dma_start3A_458 = tpu.memref_slice %arg11[%dma_start3A_447] : memref<4x!tpu.dma_semaphore, #tpu.memory_space<semaphore_mem>> -> memref<1x!tpu.dma_semaphore, #tpu.memory_space<semaphore_mem>>
        %dma_start3A_459 = tpu.memref_squeeze %dma_start3A_458 : memref<1x!tpu.dma_semaphore, #tpu.memory_space<semaphore_mem>> -> memref<!tpu.dma_semaphore, #tpu.memory_space<semaphore_mem>>
        tpu.enqueue_indirect_dma source(%dma_start3A_457 : memref<10240x80xf32, #tpu.memory_space<hbm>>) target(%dma_start3A_451 : memref<128x80xf32, #tpu.memory_space<vmem>>) offsets(%dma_start3A_454 : memref<128xi32, #tpu.memory_space<vmem>>) semaphore(%dma_start3A_459 : memref<!tpu.dma_semaphore, #tpu.memory_space<semaphore_mem>>)
        %dma_start3A_460 = arith.constant 1 : i32
        %dma_start3A_461 = arith.constant 1 : i32
        %dma_start3A_462 = arith.constant 0 : i32
        %dma_start3A_463 = arith.constant 0 : i32
        %dma_start3A_464 = tpu.memref_slice %arg10[%dma_start3A_460, %dma_start3A_462, %dma_start3A_463] : memref<4x128x80xf32, #tpu.memory_space<vmem>> -> memref<1x128x80xf32, #tpu.memory_space<vmem>>
        %dma_start3A_465 = tpu.memref_squeeze %dma_start3A_464 : memref<1x128x80xf32, #tpu.memory_space<vmem>> -> memref<128x80xf32, #tpu.memory_space<vmem>>
        %dma_start3A_466 = arith.constant 0 : i32
        %dma_start3A_467 = tpu.memref_slice %arg8[%add3A_445, %dma_start3A_466] : memref<40x128xi32, #tpu.memory_space<vmem>> -> memref<1x128xi32, #tpu.memory_space<vmem>>
        %dma_start3A_468 = tpu.memref_squeeze %dma_start3A_467 : memref<1x128xi32, #tpu.memory_space<vmem>> -> memref<128xi32, #tpu.memory_space<vmem>>
        %dma_start3A_469 = arith.constant 0 : i32
        %dma_start3A_470 = arith.constant 0 : i32
        %dma_start3A_471 = tpu.memref_slice %arg3[%dma_start3A_469, %dma_start3A_470] : memref<10240x80xf32, #tpu.memory_space<hbm>> -> memref<10240x80xf32, #tpu.memory_space<hbm>>
        %dma_start3A_472 = tpu.memref_slice %arg11[%dma_start3A_461] : memref<4x!tpu.dma_semaphore, #tpu.memory_space<semaphore_mem>> -> memref<1x!tpu.dma_semaphore, #tpu.memory_space<semaphore_mem>>
        %dma_start3A_473 = tpu.memref_squeeze %dma_start3A_472 : memref<1x!tpu.dma_semaphore, #tpu.memory_space<semaphore_mem>> -> memref<!tpu.dma_semaphore, #tpu.memory_space<semaphore_mem>>
        tpu.enqueue_indirect_dma source(%dma_start3A_471 : memref<10240x80xf32, #tpu.memory_space<hbm>>) target(%dma_start3A_465 : memref<128x80xf32, #tpu.memory_space<vmem>>) offsets(%dma_start3A_468 : memref<128xi32, #tpu.memory_space<vmem>>) semaphore(%dma_start3A_473 : memref<!tpu.dma_semaphore, #tpu.memory_space<semaphore_mem>>)
      } else {
      }
      %mul3A_374 = arith.constant 4 : i32
      %mul3A_375 = arith.muli %scan3A_178, %mul3A_374 : i32
      %add3A_376 = arith.constant 3 : i32
      %add3A_377 = arith.addi %mul3A_375, %add3A_376 : i32
      %dma_wait3A_378 = arith.constant 3 : i32
      %dma_wait3A_379 = arith.constant 3 : i32
      %dma_wait3A_380 = arith.constant 0 : i32
      %dma_wait3A_381 = arith.constant 0 : i32
      %dma_wait3A_382 = tpu.memref_slice %arg9[%dma_wait3A_378, %dma_wait3A_380, %dma_wait3A_381] : memref<4x128x80xf32, #tpu.memory_space<vmem>> -> memref<1x128x80xf32, #tpu.memory_space<vmem>>
      %dma_wait3A_383 = tpu.memref_squeeze %dma_wait3A_382 : memref<1x128x80xf32, #tpu.memory_space<vmem>> -> memref<128x80xf32, #tpu.memory_space<vmem>>
      %dma_wait3A_384 = arith.constant 0 : i32
      %dma_wait3A_385 = tpu.memref_slice %arg7[%add3A_377, %dma_wait3A_384] : memref<40x128xi32, #tpu.memory_space<vmem>> -> memref<1x128xi32, #tpu.memory_space<vmem>>
      %dma_wait3A_386 = tpu.memref_squeeze %dma_wait3A_385 : memref<1x128xi32, #tpu.memory_space<vmem>> -> memref<128xi32, #tpu.memory_space<vmem>>
      %dma_wait3A_387 = arith.constant 0 : i32
      %dma_wait3A_388 = arith.constant 0 : i32
      %dma_wait3A_389 = tpu.memref_slice %arg2[%dma_wait3A_387, %dma_wait3A_388] : memref<10240x80xf32, #tpu.memory_space<hbm>> -> memref<10240x80xf32, #tpu.memory_space<hbm>>
      %dma_wait3A_390 = tpu.memref_slice %arg11[%dma_wait3A_379] : memref<4x!tpu.dma_semaphore, #tpu.memory_space<semaphore_mem>> -> memref<1x!tpu.dma_semaphore, #tpu.memory_space<semaphore_mem>>
      %dma_wait3A_391 = tpu.memref_squeeze %dma_wait3A_390 : memref<1x!tpu.dma_semaphore, #tpu.memory_space<semaphore_mem>> -> memref<!tpu.dma_semaphore, #tpu.memory_space<semaphore_mem>>
      tpu.wait_indirect_dma semaphore(%dma_wait3A_391 : memref<!tpu.dma_semaphore, #tpu.memory_space<semaphore_mem>>) src(%dma_wait3A_389 : memref<10240x80xf32, #tpu.memory_space<hbm>>) dst(%dma_wait3A_383 : memref<128x80xf32, #tpu.memory_space<vmem>>)
      %dma_wait3A_392 = arith.constant 3 : i32
      %dma_wait3A_393 = arith.constant 3 : i32
      %dma_wait3A_394 = arith.constant 0 : i32
      %dma_wait3A_395 = arith.constant 0 : i32
      %dma_wait3A_396 = tpu.memref_slice %arg10[%dma_wait3A_392, %dma_wait3A_394, %dma_wait3A_395] : memref<4x128x80xf32, #tpu.memory_space<vmem>> -> memref<1x128x80xf32, #tpu.memory_space<vmem>>
      %dma_wait3A_397 = tpu.memref_squeeze %dma_wait3A_396 : memref<1x128x80xf32, #tpu.memory_space<vmem>> -> memref<128x80xf32, #tpu.memory_space<vmem>>
      %dma_wait3A_398 = arith.constant 0 : i32
      %dma_wait3A_399 = tpu.memref_slice %arg8[%add3A_377, %dma_wait3A_398] : memref<40x128xi32, #tpu.memory_space<vmem>> -> memref<1x128xi32, #tpu.memory_space<vmem>>
      %dma_wait3A_400 = tpu.memref_squeeze %dma_wait3A_399 : memref<1x128xi32, #tpu.memory_space<vmem>> -> memref<128xi32, #tpu.memory_space<vmem>>
      %dma_wait3A_401 = arith.constant 0 : i32
      %dma_wait3A_402 = arith.constant 0 : i32
      %dma_wait3A_403 = tpu.memref_slice %arg3[%dma_wait3A_401, %dma_wait3A_402] : memref<10240x80xf32, #tpu.memory_space<hbm>> -> memref<10240x80xf32, #tpu.memory_space<hbm>>
      %dma_wait3A_404 = tpu.memref_slice %arg11[%dma_wait3A_393] : memref<4x!tpu.dma_semaphore, #tpu.memory_space<semaphore_mem>> -> memref<1x!tpu.dma_semaphore, #tpu.memory_space<semaphore_mem>>
      %dma_wait3A_405 = tpu.memref_squeeze %dma_wait3A_404 : memref<1x!tpu.dma_semaphore, #tpu.memory_space<semaphore_mem>> -> memref<!tpu.dma_semaphore, #tpu.memory_space<semaphore_mem>>
      tpu.wait_indirect_dma semaphore(%dma_wait3A_405 : memref<!tpu.dma_semaphore, #tpu.memory_space<semaphore_mem>>) src(%dma_wait3A_403 : memref<10240x80xf32, #tpu.memory_space<hbm>>) dst(%dma_wait3A_397 : memref<128x80xf32, #tpu.memory_space<vmem>>)
      %scan3A_406 = arith.constant 0 : i32
      %scan3A_407 = arith.constant 0 : i32
      %scan3A_408 = arith.constant 128 : i32
      %scan3A_409 = arith.addi %scan3A_407, %scan3A_408 : i32
      %scan3A_410 = arith.constant 2 : i32
      scf.for %scan3A_440 = %scan3A_407 to %scan3A_409 step %scan3A_410  : i32 {
        %get3A = arith.constant 3 : i32
        %get3A_441 = arith.index_cast %get3A : i32 to index
        %get3A_442 = arith.index_cast %scan3A_440 : i32 to index
        %get3A_443 = arith.constant 0 : index
        %get3A_444 = tpu.vector_load %arg9[%get3A_441, %get3A_442, %get3A_443] {strides = array<i32>} : memref<4x128x80xf32, #tpu.memory_space<vmem>>, vector<1x1x16xf32>,
        %get3A_445 = vector.shape_cast %get3A_444 : vector<1x1x16xf32> to vector<16xf32>
        %get3A_446 = arith.constant 3 : i32
        %get3A_447 = arith.index_cast %get3A_446 : i32 to index
        %get3A_448 = arith.index_cast %scan3A_440 : i32 to index
        %get3A_449 = arith.constant 0 : index
        %get3A_450 = tpu.vector_load %arg10[%get3A_447, %get3A_448, %get3A_449] {strides = array<i32>} : memref<4x128x80xf32, #tpu.memory_space<vmem>>, vector<1x1x16xf32>,
        %get3A_451 = vector.shape_cast %get3A_450 : vector<1x1x16xf32> to vector<16xf32>
        %add3A_452 = arith.addf %get3A_445, %get3A_451 : vector<16xf32>
        %swap3A = arith.constant 3 : i32
        %swap3A_453 = arith.index_cast %swap3A : i32 to index
        %swap3A_454 = arith.index_cast %scan3A_440 : i32 to index
        %swap3A_455 = arith.constant 0 : index
        %swap3A_456 = tpu.vector_load %arg9[%swap3A_453, %swap3A_454, %swap3A_455] {strides = array<i32>} : memref<4x128x80xf32, #tpu.memory_space<vmem>>, vector<1x1x16xf32>,
        %swap3A_457 = vector.shape_cast %swap3A_456 : vector<1x1x16xf32> to vector<16xf32>
        %swap3A_458 = vector.shape_cast %add3A_452 : vector<16xf32> to vector<1x1x16xf32>
        tpu.vector_store %arg9[%swap3A_453, %swap3A_454, %swap3A_455], %swap3A_458 {strides = array<i32>} : memref<4x128x80xf32, #tpu.memory_space<vmem>>, vector<1x1x16xf32>,
        %get3A_459 = arith.constant 3 : i32
        %get3A_460 = arith.index_cast %get3A_459 : i32 to index
        %get3A_461 = arith.index_cast %scan3A_440 : i32 to index
        %get3A_462 = arith.constant 16 : index
        %get3A_463 = tpu.vector_load %arg9[%get3A_460, %get3A_461, %get3A_462] {strides = array<i32>} : memref<4x128x80xf32, #tpu.memory_space<vmem>>, vector<1x1x16xf32>,
        %get3A_464 = vector.shape_cast %get3A_463 : vector<1x1x16xf32> to vector<16xf32>
        %get3A_465 = arith.constant 3 : i32
        %get3A_466 = arith.index_cast %get3A_465 : i32 to index
        %get3A_467 = arith.index_cast %scan3A_440 : i32 to index
        %get3A_468 = arith.constant 16 : index
        %get3A_469 = tpu.vector_load %arg10[%get3A_466, %get3A_467, %get3A_468] {strides = array<i32>} : memref<4x128x80xf32, #tpu.memory_space<vmem>>, vector<1x1x16xf32>,
        %get3A_470 = vector.shape_cast %get3A_469 : vector<1x1x16xf32> to vector<16xf32>
        %add3A_471 = arith.addf %get3A_464, %get3A_470 : vector<16xf32>
        %swap3A_472 = arith.constant 3 : i32
        %swap3A_473 = arith.index_cast %swap3A_472 : i32 to index
        %swap3A_474 = arith.index_cast %scan3A_440 : i32 to index
        %swap3A_475 = arith.constant 16 : index
        %swap3A_476 = tpu.vector_load %arg9[%swap3A_473, %swap3A_474, %swap3A_475] {strides = array<i32>} : memref<4x128x80xf32, #tpu.memory_space<vmem>>, vector<1x1x16xf32>,
        %swap3A_477 = vector.shape_cast %swap3A_476 : vector<1x1x16xf32> to vector<16xf32>
        %swap3A_478 = vector.shape_cast %add3A_471 : vector<16xf32> to vector<1x1x16xf32>
        tpu.vector_store %arg9[%swap3A_473, %swap3A_474, %swap3A_475], %swap3A_478 {strides = array<i32>} : memref<4x128x80xf32, #tpu.memory_space<vmem>>, vector<1x1x16xf32>,
        %get3A_479 = arith.constant 3 : i32
        %get3A_480 = arith.index_cast %get3A_479 : i32 to index
        %get3A_481 = arith.index_cast %scan3A_440 : i32 to index
        %get3A_482 = arith.constant 32 : index
        %get3A_483 = tpu.vector_load %arg9[%get3A_480, %get3A_481, %get3A_482] {strides = array<i32>} : memref<4x128x80xf32, #tpu.memory_space<vmem>>, vector<1x1x16xf32>,
        %get3A_484 = vector.shape_cast %get3A_483 : vector<1x1x16xf32> to vector<16xf32>
        %get3A_485 = arith.constant 3 : i32
        %get3A_486 = arith.index_cast %get3A_485 : i32 to index
        %get3A_487 = arith.index_cast %scan3A_440 : i32 to index
        %get3A_488 = arith.constant 32 : index
        %get3A_489 = tpu.vector_load %arg10[%get3A_486, %get3A_487, %get3A_488] {strides = array<i32>} : memref<4x128x80xf32, #tpu.memory_space<vmem>>, vector<1x1x16xf32>,
        %get3A_490 = vector.shape_cast %get3A_489 : vector<1x1x16xf32> to vector<16xf32>
        %add3A_491 = arith.addf %get3A_484, %get3A_490 : vector<16xf32>
        %swap3A_492 = arith.constant 3 : i32
        %swap3A_493 = arith.index_cast %swap3A_492 : i32 to index
        %swap3A_494 = arith.index_cast %scan3A_440 : i32 to index
        %swap3A_495 = arith.constant 32 : index
        %swap3A_496 = tpu.vector_load %arg9[%swap3A_493, %swap3A_494, %swap3A_495] {strides = array<i32>} : memref<4x128x80xf32, #tpu.memory_space<vmem>>, vector<1x1x16xf32>,
        %swap3A_497 = vector.shape_cast %swap3A_496 : vector<1x1x16xf32> to vector<16xf32>
        %swap3A_498 = vector.shape_cast %add3A_491 : vector<16xf32> to vector<1x1x16xf32>
        tpu.vector_store %arg9[%swap3A_493, %swap3A_494, %swap3A_495], %swap3A_498 {strides = array<i32>} : memref<4x128x80xf32, #tpu.memory_space<vmem>>, vector<1x1x16xf32>,
        %get3A_499 = arith.constant 3 : i32
        %get3A_500 = arith.index_cast %get3A_499 : i32 to index
        %get3A_501 = arith.index_cast %scan3A_440 : i32 to index
        %get3A_502 = arith.constant 48 : index
        %get3A_503 = tpu.vector_load %arg9[%get3A_500, %get3A_501, %get3A_502] {strides = array<i32>} : memref<4x128x80xf32, #tpu.memory_space<vmem>>, vector<1x1x16xf32>,
        %get3A_504 = vector.shape_cast %get3A_503 : vector<1x1x16xf32> to vector<16xf32>
        %get3A_505 = arith.constant 3 : i32
        %get3A_506 = arith.index_cast %get3A_505 : i32 to index
        %get3A_507 = arith.index_cast %scan3A_440 : i32 to index
        %get3A_508 = arith.constant 48 : index
        %get3A_509 = tpu.vector_load %arg10[%get3A_506, %get3A_507, %get3A_508] {strides = array<i32>} : memref<4x128x80xf32, #tpu.memory_space<vmem>>, vector<1x1x16xf32>,
        %get3A_510 = vector.shape_cast %get3A_509 : vector<1x1x16xf32> to vector<16xf32>
        %add3A_511 = arith.addf %get3A_504, %get3A_510 : vector<16xf32>
        %swap3A_512 = arith.constant 3 : i32
        %swap3A_513 = arith.index_cast %swap3A_512 : i32 to index
        %swap3A_514 = arith.index_cast %scan3A_440 : i32 to index
        %swap3A_515 = arith.constant 48 : index
        %swap3A_516 = tpu.vector_load %arg9[%swap3A_513, %swap3A_514, %swap3A_515] {strides = array<i32>} : memref<4x128x80xf32, #tpu.memory_space<vmem>>, vector<1x1x16xf32>,
        %swap3A_517 = vector.shape_cast %swap3A_516 : vector<1x1x16xf32> to vector<16xf32>
        %swap3A_518 = vector.shape_cast %add3A_511 : vector<16xf32> to vector<1x1x16xf32>
        tpu.vector_store %arg9[%swap3A_513, %swap3A_514, %swap3A_515], %swap3A_518 {strides = array<i32>} : memref<4x128x80xf32, #tpu.memory_space<vmem>>, vector<1x1x16xf32>,
        %get3A_519 = arith.constant 3 : i32
        %get3A_520 = arith.index_cast %get3A_519 : i32 to index
        %get3A_521 = arith.index_cast %scan3A_440 : i32 to index
        %get3A_522 = arith.constant 64 : index
        %get3A_523 = tpu.vector_load %arg9[%get3A_520, %get3A_521, %get3A_522] {strides = array<i32>} : memref<4x128x80xf32, #tpu.memory_space<vmem>>, vector<1x1x16xf32>,
        %get3A_524 = vector.shape_cast %get3A_523 : vector<1x1x16xf32> to vector<16xf32>
        %get3A_525 = arith.constant 3 : i32
        %get3A_526 = arith.index_cast %get3A_525 : i32 to index
        %get3A_527 = arith.index_cast %scan3A_440 : i32 to index
        %get3A_528 = arith.constant 64 : index
        %get3A_529 = tpu.vector_load %arg10[%get3A_526, %get3A_527, %get3A_528] {strides = array<i32>} : memref<4x128x80xf32, #tpu.memory_space<vmem>>, vector<1x1x16xf32>,
        %get3A_530 = vector.shape_cast %get3A_529 : vector<1x1x16xf32> to vector<16xf32>
        %add3A_531 = arith.addf %get3A_524, %get3A_530 : vector<16xf32>
        %swap3A_532 = arith.constant 3 : i32
        %swap3A_533 = arith.index_cast %swap3A_532 : i32 to index
        %swap3A_534 = arith.index_cast %scan3A_440 : i32 to index
        %swap3A_535 = arith.constant 64 : index
        %swap3A_536 = tpu.vector_load %arg9[%swap3A_533, %swap3A_534, %swap3A_535] {strides = array<i32>} : memref<4x128x80xf32, #tpu.memory_space<vmem>>, vector<1x1x16xf32>,
        %swap3A_537 = vector.shape_cast %swap3A_536 : vector<1x1x16xf32> to vector<16xf32>
        %swap3A_538 = vector.shape_cast %add3A_531 : vector<16xf32> to vector<1x1x16xf32>
        tpu.vector_store %arg9[%swap3A_533, %swap3A_534, %swap3A_535], %swap3A_538 {strides = array<i32>} : memref<4x128x80xf32, #tpu.memory_space<vmem>>, vector<1x1x16xf32>,
        %scan3A_539 = arith.constant 1 : i32
        %scan3A_540 = arith.addi %scan3A_440, %scan3A_539 : i32
        %get3A_541 = arith.constant 3 : i32
        %get3A_542 = arith.index_cast %get3A_541 : i32 to index
        %get3A_543 = arith.index_cast %scan3A_540 : i32 to index
        %get3A_544 = arith.constant 0 : index
        %get3A_545 = tpu.vector_load %arg9[%get3A_542, %get3A_543, %get3A_544] {strides = array<i32>} : memref<4x128x80xf32, #tpu.memory_space<vmem>>, vector<1x1x16xf32>,
        %get3A_546 = vector.shape_cast %get3A_545 : vector<1x1x16xf32> to vector<16xf32>
        %get3A_547 = arith.constant 3 : i32
        %get3A_548 = arith.index_cast %get3A_547 : i32 to index
        %get3A_549 = arith.index_cast %scan3A_540 : i32 to index
        %get3A_550 = arith.constant 0 : index
        %get3A_551 = tpu.vector_load %arg10[%get3A_548, %get3A_549, %get3A_550] {strides = array<i32>} : memref<4x128x80xf32, #tpu.memory_space<vmem>>, vector<1x1x16xf32>,
        %get3A_552 = vector.shape_cast %get3A_551 : vector<1x1x16xf32> to vector<16xf32>
        %add3A_553 = arith.addf %get3A_546, %get3A_552 : vector<16xf32>
        %swap3A_554 = arith.constant 3 : i32
        %swap3A_555 = arith.index_cast %swap3A_554 : i32 to index
        %swap3A_556 = arith.index_cast %scan3A_540 : i32 to index
        %swap3A_557 = arith.constant 0 : index
        %swap3A_558 = tpu.vector_load %arg9[%swap3A_555, %swap3A_556, %swap3A_557] {strides = array<i32>} : memref<4x128x80xf32, #tpu.memory_space<vmem>>, vector<1x1x16xf32>,
        %swap3A_559 = vector.shape_cast %swap3A_558 : vector<1x1x16xf32> to vector<16xf32>
        %swap3A_560 = vector.shape_cast %add3A_553 : vector<16xf32> to vector<1x1x16xf32>
        tpu.vector_store %arg9[%swap3A_555, %swap3A_556, %swap3A_557], %swap3A_560 {strides = array<i32>} : memref<4x128x80xf32, #tpu.memory_space<vmem>>, vector<1x1x16xf32>,
        %get3A_561 = arith.constant 3 : i32
        %get3A_562 = arith.index_cast %get3A_561 : i32 to index
        %get3A_563 = arith.index_cast %scan3A_540 : i32 to index
        %get3A_564 = arith.constant 16 : index
        %get3A_565 = tpu.vector_load %arg9[%get3A_562, %get3A_563, %get3A_564] {strides = array<i32>} : memref<4x128x80xf32, #tpu.memory_space<vmem>>, vector<1x1x16xf32>,
        %get3A_566 = vector.shape_cast %get3A_565 : vector<1x1x16xf32> to vector<16xf32>
        %get3A_567 = arith.constant 3 : i32
        %get3A_568 = arith.index_cast %get3A_567 : i32 to index
        %get3A_569 = arith.index_cast %scan3A_540 : i32 to index
        %get3A_570 = arith.constant 16 : index
        %get3A_571 = tpu.vector_load %arg10[%get3A_568, %get3A_569, %get3A_570] {strides = array<i32>} : memref<4x128x80xf32, #tpu.memory_space<vmem>>, vector<1x1x16xf32>,
        %get3A_572 = vector.shape_cast %get3A_571 : vector<1x1x16xf32> to vector<16xf32>
        %add3A_573 = arith.addf %get3A_566, %get3A_572 : vector<16xf32>
        %swap3A_574 = arith.constant 3 : i32
        %swap3A_575 = arith.index_cast %swap3A_574 : i32 to index
        %swap3A_576 = arith.index_cast %scan3A_540 : i32 to index
        %swap3A_577 = arith.constant 16 : index
        %swap3A_578 = tpu.vector_load %arg9[%swap3A_575, %swap3A_576, %swap3A_577] {strides = array<i32>} : memref<4x128x80xf32, #tpu.memory_space<vmem>>, vector<1x1x16xf32>,
        %swap3A_579 = vector.shape_cast %swap3A_578 : vector<1x1x16xf32> to vector<16xf32>
        %swap3A_580 = vector.shape_cast %add3A_573 : vector<16xf32> to vector<1x1x16xf32>
        tpu.vector_store %arg9[%swap3A_575, %swap3A_576, %swap3A_577], %swap3A_580 {strides = array<i32>} : memref<4x128x80xf32, #tpu.memory_space<vmem>>, vector<1x1x16xf32>,
        %get3A_581 = arith.constant 3 : i32
        %get3A_582 = arith.index_cast %get3A_581 : i32 to index
        %get3A_583 = arith.index_cast %scan3A_540 : i32 to index
        %get3A_584 = arith.constant 32 : index
        %get3A_585 = tpu.vector_load %arg9[%get3A_582, %get3A_583, %get3A_584] {strides = array<i32>} : memref<4x128x80xf32, #tpu.memory_space<vmem>>, vector<1x1x16xf32>,
        %get3A_586 = vector.shape_cast %get3A_585 : vector<1x1x16xf32> to vector<16xf32>
        %get3A_587 = arith.constant 3 : i32
        %get3A_588 = arith.index_cast %get3A_587 : i32 to index
        %get3A_589 = arith.index_cast %scan3A_540 : i32 to index
        %get3A_590 = arith.constant 32 : index
        %get3A_591 = tpu.vector_load %arg10[%get3A_588, %get3A_589, %get3A_590] {strides = array<i32>} : memref<4x128x80xf32, #tpu.memory_space<vmem>>, vector<1x1x16xf32>,
        %get3A_592 = vector.shape_cast %get3A_591 : vector<1x1x16xf32> to vector<16xf32>
        %add3A_593 = arith.addf %get3A_586, %get3A_592 : vector<16xf32>
        %swap3A_594 = arith.constant 3 : i32
        %swap3A_595 = arith.index_cast %swap3A_594 : i32 to index
        %swap3A_596 = arith.index_cast %scan3A_540 : i32 to index
        %swap3A_597 = arith.constant 32 : index
        %swap3A_598 = tpu.vector_load %arg9[%swap3A_595, %swap3A_596, %swap3A_597] {strides = array<i32>} : memref<4x128x80xf32, #tpu.memory_space<vmem>>, vector<1x1x16xf32>,
        %swap3A_599 = vector.shape_cast %swap3A_598 : vector<1x1x16xf32> to vector<16xf32>
        %swap3A_600 = vector.shape_cast %add3A_593 : vector<16xf32> to vector<1x1x16xf32>
        tpu.vector_store %arg9[%swap3A_595, %swap3A_596, %swap3A_597], %swap3A_600 {strides = array<i32>} : memref<4x128x80xf32, #tpu.memory_space<vmem>>, vector<1x1x16xf32>,
        %get3A_601 = arith.constant 3 : i32
        %get3A_602 = arith.index_cast %get3A_601 : i32 to index
        %get3A_603 = arith.index_cast %scan3A_540 : i32 to index
        %get3A_604 = arith.constant 48 : index
        %get3A_605 = tpu.vector_load %arg9[%get3A_602, %get3A_603, %get3A_604] {strides = array<i32>} : memref<4x128x80xf32, #tpu.memory_space<vmem>>, vector<1x1x16xf32>,
        %get3A_606 = vector.shape_cast %get3A_605 : vector<1x1x16xf32> to vector<16xf32>
        %get3A_607 = arith.constant 3 : i32
        %get3A_608 = arith.index_cast %get3A_607 : i32 to index
        %get3A_609 = arith.index_cast %scan3A_540 : i32 to index
        %get3A_610 = arith.constant 48 : index
        %get3A_611 = tpu.vector_load %arg10[%get3A_608, %get3A_609, %get3A_610] {strides = array<i32>} : memref<4x128x80xf32, #tpu.memory_space<vmem>>, vector<1x1x16xf32>,
        %get3A_612 = vector.shape_cast %get3A_611 : vector<1x1x16xf32> to vector<16xf32>
        %add3A_613 = arith.addf %get3A_606, %get3A_612 : vector<16xf32>
        %swap3A_614 = arith.constant 3 : i32
        %swap3A_615 = arith.index_cast %swap3A_614 : i32 to index
        %swap3A_616 = arith.index_cast %scan3A_540 : i32 to index
        %swap3A_617 = arith.constant 48 : index
        %swap3A_618 = tpu.vector_load %arg9[%swap3A_615, %swap3A_616, %swap3A_617] {strides = array<i32>} : memref<4x128x80xf32, #tpu.memory_space<vmem>>, vector<1x1x16xf32>,
        %swap3A_619 = vector.shape_cast %swap3A_618 : vector<1x1x16xf32> to vector<16xf32>
        %swap3A_620 = vector.shape_cast %add3A_613 : vector<16xf32> to vector<1x1x16xf32>
        tpu.vector_store %arg9[%swap3A_615, %swap3A_616, %swap3A_617], %swap3A_620 {strides = array<i32>} : memref<4x128x80xf32, #tpu.memory_space<vmem>>, vector<1x1x16xf32>,
        %get3A_621 = arith.constant 3 : i32
        %get3A_622 = arith.index_cast %get3A_621 : i32 to index
        %get3A_623 = arith.index_cast %scan3A_540 : i32 to index
        %get3A_624 = arith.constant 64 : index
        %get3A_625 = tpu.vector_load %arg9[%get3A_622, %get3A_623, %get3A_624] {strides = array<i32>} : memref<4x128x80xf32, #tpu.memory_space<vmem>>, vector<1x1x16xf32>,
        %get3A_626 = vector.shape_cast %get3A_625 : vector<1x1x16xf32> to vector<16xf32>
        %get3A_627 = arith.constant 3 : i32
        %get3A_628 = arith.index_cast %get3A_627 : i32 to index
        %get3A_629 = arith.index_cast %scan3A_540 : i32 to index
        %get3A_630 = arith.constant 64 : index
        %get3A_631 = tpu.vector_load %arg10[%get3A_628, %get3A_629, %get3A_630] {strides = array<i32>} : memref<4x128x80xf32, #tpu.memory_space<vmem>>, vector<1x1x16xf32>,
        %get3A_632 = vector.shape_cast %get3A_631 : vector<1x1x16xf32> to vector<16xf32>
        %add3A_633 = arith.addf %get3A_626, %get3A_632 : vector<16xf32>
        %swap3A_634 = arith.constant 3 : i32
        %swap3A_635 = arith.index_cast %swap3A_634 : i32 to index
        %swap3A_636 = arith.index_cast %scan3A_540 : i32 to index
        %swap3A_637 = arith.constant 64 : index
        %swap3A_638 = tpu.vector_load %arg9[%swap3A_635, %swap3A_636, %swap3A_637] {strides = array<i32>} : memref<4x128x80xf32, #tpu.memory_space<vmem>>, vector<1x1x16xf32>,
        %swap3A_639 = vector.shape_cast %swap3A_638 : vector<1x1x16xf32> to vector<16xf32>
        %swap3A_640 = vector.shape_cast %add3A_633 : vector<16xf32> to vector<1x1x16xf32>
        tpu.vector_store %arg9[%swap3A_635, %swap3A_636, %swap3A_637], %swap3A_640 {strides = array<i32>} : memref<4x128x80xf32, #tpu.memory_space<vmem>>, vector<1x1x16xf32>,
      }
      %scan3A_411 = arith.constant 128 : i32
      %mul3A_412 = arith.constant 5120 : i32
      %mul3A_413 = arith.muli %add3A, %mul3A_412 : i32
      %mul3A_414 = arith.constant 128 : i32
      %mul3A_415 = arith.muli %add3A_377, %mul3A_414 : i32
      %add3A_416 = arith.addi %mul3A_413, %mul3A_415 : i32
      %dma_start3A_417 = arith.constant 3 : i32
      %dma_start3A_418 = arith.constant 3 : i32
      %dma_start3A_419 = arith.constant 0 : i32
      %dma_start3A_420 = arith.constant 0 : i32
      %dma_start3A_421 = tpu.memref_slice %arg9[%dma_start3A_417, %dma_start3A_419, %dma_start3A_420] : memref<4x128x80xf32, #tpu.memory_space<vmem>> -> memref<1x128x80xf32, #tpu.memory_space<vmem>>
      %dma_start3A_422 = tpu.memref_squeeze %dma_start3A_421 : memref<1x128x80xf32, #tpu.memory_space<vmem>> -> memref<128x80xf32, #tpu.memory_space<vmem>>
      %dma_start3A_423 = arith.constant 0 : i32
      %dma_start3A_424 = tpu.memref_slice %arg6[%add3A_416, %dma_start3A_423] : memref<163840x80xf32, #tpu.memory_space<hbm>> -> memref<128x80xf32, #tpu.memory_space<hbm>>
      %dma_start3A_425 = tpu.memref_slice %arg12[%dma_start3A_418] : memref<4x!tpu.dma_semaphore, #tpu.memory_space<semaphore_mem>> -> memref<1x!tpu.dma_semaphore, #tpu.memory_space<semaphore_mem>>
      %dma_start3A_426 = tpu.memref_squeeze %dma_start3A_425 : memref<1x!tpu.dma_semaphore, #tpu.memory_space<semaphore_mem>> -> memref<!tpu.dma_semaphore, #tpu.memory_space<semaphore_mem>>
      %dma_start3A_427 = arith.constant 0 : i32
      %dma_start3A_428 = tpu.memref_slice %arg6[%add3A_416, %dma_start3A_427] : memref<163840x80xf32, #tpu.memory_space<hbm>> -> memref<128x80xf32, #tpu.memory_space<hbm>>
      %dma_start3A_429 = arith.constant 0 : i32
      %dma_start3A_430 = arith.constant 0 : i32
      %dma_start3A_431 = tpu.memref_slice %arg9[%dma_start3A_417, %dma_start3A_429, %dma_start3A_430] : memref<4x128x80xf32, #tpu.memory_space<vmem>> -> memref<1x128x80xf32, #tpu.memory_space<vmem>>
      %dma_start3A_432 = tpu.memref_squeeze %dma_start3A_431 : memref<1x128x80xf32, #tpu.memory_space<vmem>> -> memref<128x80xf32, #tpu.memory_space<vmem>>
      tpu.enqueue_dma source(%dma_start3A_432 : memref<128x80xf32, #tpu.memory_space<vmem>>) target(%dma_start3A_428 : memref<128x80xf32, #tpu.memory_space<hbm>>) target_semaphore(%dma_start3A_426 : memref<!tpu.dma_semaphore, #tpu.memory_space<semaphore_mem>>)
      %add3A_433 = arith.constant 3 : i32
      %add3A_434 = arith.addi %add3A_377, %add3A_433 : i32
      %lt3A_435 = arith.constant 40 : i32
      %lt3A_436 = arith.cmpi slt, %add3A_434, %lt3A_435 : i32
      %convert_element_type3A_437 = arith.extui %lt3A_436 : i1 to i32
      %cond3A_438 = arith.constant 0 : i32
      %cond3A_439 = arith.cmpi ne, %convert_element_type3A_437, %cond3A_438 : i32
      scf.if %cond3A_439 {
        %ge3A = arith.constant 1 : i32
        %ge3A_440 = arith.cmpi sge, %add3A_377, %ge3A : i32
        %convert_element_type3A_441 = arith.extui %ge3A_440 : i1 to i32
        %cond3A_442 = arith.constant 0 : i32
        %cond3A_443 = arith.cmpi ne, %convert_element_type3A_441, %cond3A_442 : i32
        scf.if %cond3A_443 {
          %sub3A = arith.constant 1 : i32
          %sub3A_474 = arith.subi %add3A_377, %sub3A : i32
          %mul3A_475 = arith.constant 5120 : i32
          %mul3A_476 = arith.muli %add3A, %mul3A_475 : i32
          %mul3A_477 = arith.constant 128 : i32
          %mul3A_478 = arith.muli %sub3A_474, %mul3A_477 : i32
          %add3A_479 = arith.addi %mul3A_476, %mul3A_478 : i32
          %dma_wait3A_480 = arith.constant 2 : i32
          %dma_wait3A_481 = arith.constant 2 : i32
          %dma_wait3A_482 = arith.constant 0 : i32
          %dma_wait3A_483 = arith.constant 0 : i32
          %dma_wait3A_484 = tpu.memref_slice %arg9[%dma_wait3A_480, %dma_wait3A_482, %dma_wait3A_483] : memref<4x128x80xf32, #tpu.memory_space<vmem>> -> memref<1x128x80xf32, #tpu.memory_space<vmem>>
          %dma_wait3A_485 = tpu.memref_squeeze %dma_wait3A_484 : memref<1x128x80xf32, #tpu.memory_space<vmem>> -> memref<128x80xf32, #tpu.memory_space<vmem>>
          %dma_wait3A_486 = arith.constant 0 : i32
          %dma_wait3A_487 = tpu.memref_slice %arg6[%add3A_479, %dma_wait3A_486] : memref<163840x80xf32, #tpu.memory_space<hbm>> -> memref<128x80xf32, #tpu.memory_space<hbm>>
          %dma_wait3A_488 = tpu.memref_slice %arg12[%dma_wait3A_481] : memref<4x!tpu.dma_semaphore, #tpu.memory_space<semaphore_mem>> -> memref<1x!tpu.dma_semaphore, #tpu.memory_space<semaphore_mem>>
          %dma_wait3A_489 = tpu.memref_squeeze %dma_wait3A_488 : memref<1x!tpu.dma_semaphore, #tpu.memory_space<semaphore_mem>> -> memref<!tpu.dma_semaphore, #tpu.memory_space<semaphore_mem>>
          %dma_wait3A_490 = arith.constant 0 : i32
          %dma_wait3A_491 = tpu.memref_slice %arg6[%add3A_479, %dma_wait3A_490] : memref<163840x80xf32, #tpu.memory_space<hbm>> -> memref<128x80xf32, #tpu.memory_space<hbm>>
          %dma_wait3A_492 = arith.constant 0 : i32
          %dma_wait3A_493 = arith.constant 0 : i32
          %dma_wait3A_494 = tpu.memref_slice %arg9[%dma_wait3A_480, %dma_wait3A_492, %dma_wait3A_493] : memref<4x128x80xf32, #tpu.memory_space<vmem>> -> memref<1x128x80xf32, #tpu.memory_space<vmem>>
          %dma_wait3A_495 = tpu.memref_squeeze %dma_wait3A_494 : memref<1x128x80xf32, #tpu.memory_space<vmem>> -> memref<128x80xf32, #tpu.memory_space<vmem>>
          tpu.wait_dma2 semaphore(%dma_wait3A_489 : memref<!tpu.dma_semaphore, #tpu.memory_space<semaphore_mem>>) src(%dma_wait3A_495 : memref<128x80xf32, #tpu.memory_space<vmem>>) dst(%dma_wait3A_491 : memref<128x80xf32, #tpu.memory_space<hbm>>)
        } else {
        }
        %add3A_444 = arith.constant 3 : i32
        %add3A_445 = arith.addi %add3A_377, %add3A_444 : i32
        %dma_start3A_446 = arith.constant 2 : i32
        %dma_start3A_447 = arith.constant 2 : i32
        %dma_start3A_448 = arith.constant 0 : i32
        %dma_start3A_449 = arith.constant 0 : i32
        %dma_start3A_450 = tpu.memref_slice %arg9[%dma_start3A_446, %dma_start3A_448, %dma_start3A_449] : memref<4x128x80xf32, #tpu.memory_space<vmem>> -> memref<1x128x80xf32, #tpu.memory_space<vmem>>
        %dma_start3A_451 = tpu.memref_squeeze %dma_start3A_450 : memref<1x128x80xf32, #tpu.memory_space<vmem>> -> memref<128x80xf32, #tpu.memory_space<vmem>>
        %dma_start3A_452 = arith.constant 0 : i32
        %dma_start3A_453 = tpu.memref_slice %arg7[%add3A_445, %dma_start3A_452] : memref<40x128xi32, #tpu.memory_space<vmem>> -> memref<1x128xi32, #tpu.memory_space<vmem>>
        %dma_start3A_454 = tpu.memref_squeeze %dma_start3A_453 : memref<1x128xi32, #tpu.memory_space<vmem>> -> memref<128xi32, #tpu.memory_space<vmem>>
        %dma_start3A_455 = arith.constant 0 : i32
        %dma_start3A_456 = arith.constant 0 : i32
        %dma_start3A_457 = tpu.memref_slice %arg2[%dma_start3A_455, %dma_start3A_456] : memref<10240x80xf32, #tpu.memory_space<hbm>> -> memref<10240x80xf32, #tpu.memory_space<hbm>>
        %dma_start3A_458 = tpu.memref_slice %arg11[%dma_start3A_447] : memref<4x!tpu.dma_semaphore, #tpu.memory_space<semaphore_mem>> -> memref<1x!tpu.dma_semaphore, #tpu.memory_space<semaphore_mem>>
        %dma_start3A_459 = tpu.memref_squeeze %dma_start3A_458 : memref<1x!tpu.dma_semaphore, #tpu.memory_space<semaphore_mem>> -> memref<!tpu.dma_semaphore, #tpu.memory_space<semaphore_mem>>
        tpu.enqueue_indirect_dma source(%dma_start3A_457 : memref<10240x80xf32, #tpu.memory_space<hbm>>) target(%dma_start3A_451 : memref<128x80xf32, #tpu.memory_space<vmem>>) offsets(%dma_start3A_454 : memref<128xi32, #tpu.memory_space<vmem>>) semaphore(%dma_start3A_459 : memref<!tpu.dma_semaphore, #tpu.memory_space<semaphore_mem>>)
        %dma_start3A_460 = arith.constant 2 : i32
        %dma_start3A_461 = arith.constant 2 : i32
        %dma_start3A_462 = arith.constant 0 : i32
        %dma_start3A_463 = arith.constant 0 : i32
        %dma_start3A_464 = tpu.memref_slice %arg10[%dma_start3A_460, %dma_start3A_462, %dma_start3A_463] : memref<4x128x80xf32, #tpu.memory_space<vmem>> -> memref<1x128x80xf32, #tpu.memory_space<vmem>>
        %dma_start3A_465 = tpu.memref_squeeze %dma_start3A_464 : memref<1x128x80xf32, #tpu.memory_space<vmem>> -> memref<128x80xf32, #tpu.memory_space<vmem>>
        %dma_start3A_466 = arith.constant 0 : i32
        %dma_start3A_467 = tpu.memref_slice %arg8[%add3A_445, %dma_start3A_466] : memref<40x128xi32, #tpu.memory_space<vmem>> -> memref<1x128xi32, #tpu.memory_space<vmem>>
        %dma_start3A_468 = tpu.memref_squeeze %dma_start3A_467 : memref<1x128xi32, #tpu.memory_space<vmem>> -> memref<128xi32, #tpu.memory_space<vmem>>
        %dma_start3A_469 = arith.constant 0 : i32
        %dma_start3A_470 = arith.constant 0 : i32
        %dma_start3A_471 = tpu.memref_slice %arg3[%dma_start3A_469, %dma_start3A_470] : memref<10240x80xf32, #tpu.memory_space<hbm>> -> memref<10240x80xf32, #tpu.memory_space<hbm>>
        %dma_start3A_472 = tpu.memref_slice %arg11[%dma_start3A_461] : memref<4x!tpu.dma_semaphore, #tpu.memory_space<semaphore_mem>> -> memref<1x!tpu.dma_semaphore, #tpu.memory_space<semaphore_mem>>
        %dma_start3A_473 = tpu.memref_squeeze %dma_start3A_472 : memref<1x!tpu.dma_semaphore, #tpu.memory_space<semaphore_mem>> -> memref<!tpu.dma_semaphore, #tpu.memory_space<semaphore_mem>>
        tpu.enqueue_indirect_dma source(%dma_start3A_471 : memref<10240x80xf32, #tpu.memory_space<hbm>>) target(%dma_start3A_465 : memref<128x80xf32, #tpu.memory_space<vmem>>) offsets(%dma_start3A_468 : memref<128xi32, #tpu.memory_space<vmem>>) semaphore(%dma_start3A_473 : memref<!tpu.dma_semaphore, #tpu.memory_space<semaphore_mem>>)
      } else {
      }
    }
    %scan3A_98 = arith.constant 10 : i32
    %mul3A_99 = arith.constant 5120 : i32
    %mul3A_100 = arith.muli %add3A, %mul3A_99 : i32
    %add3A_101 = arith.constant 4608 : i32
    %add3A_102 = arith.addi %mul3A_100, %add3A_101 : i32
    %dma_wait3A = arith.constant 0 : i32
    %dma_wait3A_103 = arith.constant 0 : i32
    %dma_wait3A_104 = arith.constant 0 : i32
    %dma_wait3A_105 = arith.constant 0 : i32
    %dma_wait3A_106 = tpu.memref_slice %arg9[%dma_wait3A, %dma_wait3A_104, %dma_wait3A_105] : memref<4x128x80xf32, #tpu.memory_space<vmem>> -> memref<1x128x80xf32, #tpu.memory_space<vmem>>
    %dma_wait3A_107 = tpu.memref_squeeze %dma_wait3A_106 : memref<1x128x80xf32, #tpu.memory_space<vmem>> -> memref<128x80xf32, #tpu.memory_space<vmem>>
    %dma_wait3A_108 = arith.constant 0 : i32
    %dma_wait3A_109 = tpu.memref_slice %arg6[%add3A_102, %dma_wait3A_108] : memref<163840x80xf32, #tpu.memory_space<hbm>> -> memref<128x80xf32, #tpu.memory_space<hbm>>
    %dma_wait3A_110 = tpu.memref_slice %arg12[%dma_wait3A_103] : memref<4x!tpu.dma_semaphore, #tpu.memory_space<semaphore_mem>> -> memref<1x!tpu.dma_semaphore, #tpu.memory_space<semaphore_mem>>
    %dma_wait3A_111 = tpu.memref_squeeze %dma_wait3A_110 : memref<1x!tpu.dma_semaphore, #tpu.memory_space<semaphore_mem>> -> memref<!tpu.dma_semaphore, #tpu.memory_space<semaphore_mem>>
    %dma_wait3A_112 = arith.constant 0 : i32
    %dma_wait3A_113 = tpu.memref_slice %arg6[%add3A_102, %dma_wait3A_112] : memref<163840x80xf32, #tpu.memory_space<hbm>> -> memref<128x80xf32, #tpu.memory_space<hbm>>
    %dma_wait3A_114 = arith.constant 0 : i32
    %dma_wait3A_115 = arith.constant 0 : i32
    %dma_wait3A_116 = tpu.memref_slice %arg9[%dma_wait3A, %dma_wait3A_114, %dma_wait3A_115] : memref<4x128x80xf32, #tpu.memory_space<vmem>> -> memref<1x128x80xf32, #tpu.memory_space<vmem>>
    %dma_wait3A_117 = tpu.memref_squeeze %dma_wait3A_116 : memref<1x128x80xf32, #tpu.memory_space<vmem>> -> memref<128x80xf32, #tpu.memory_space<vmem>>
    tpu.wait_dma2 semaphore(%dma_wait3A_111 : memref<!tpu.dma_semaphore, #tpu.memory_space<semaphore_mem>>) src(%dma_wait3A_117 : memref<128x80xf32, #tpu.memory_space<vmem>>) dst(%dma_wait3A_113 : memref<128x80xf32, #tpu.memory_space<hbm>>)
    %mul3A_118 = arith.constant 5120 : i32
    %mul3A_119 = arith.muli %add3A, %mul3A_118 : i32
    %add3A_120 = arith.constant 4736 : i32
    %add3A_121 = arith.addi %mul3A_119, %add3A_120 : i32
    %dma_wait3A_122 = arith.constant 1 : i32
    %dma_wait3A_123 = arith.constant 1 : i32
    %dma_wait3A_124 = arith.constant 0 : i32
    %dma_wait3A_125 = arith.constant 0 : i32
    %dma_wait3A_126 = tpu.memref_slice %arg9[%dma_wait3A_122, %dma_wait3A_124, %dma_wait3A_125] : memref<4x128x80xf32, #tpu.memory_space<vmem>> -> memref<1x128x80xf32, #tpu.memory_space<vmem>>
    %dma_wait3A_127 = tpu.memref_squeeze %dma_wait3A_126 : memref<1x128x80xf32, #tpu.memory_space<vmem>> -> memref<128x80xf32, #tpu.memory_space<vmem>>
    %dma_wait3A_128 = arith.constant 0 : i32
    %dma_wait3A_129 = tpu.memref_slice %arg6[%add3A_121, %dma_wait3A_128] : memref<163840x80xf32, #tpu.memory_space<hbm>> -> memref<128x80xf32, #tpu.memory_space<hbm>>
    %dma_wait3A_130 = tpu.memref_slice %arg12[%dma_wait3A_123] : memref<4x!tpu.dma_semaphore, #tpu.memory_space<semaphore_mem>> -> memref<1x!tpu.dma_semaphore, #tpu.memory_space<semaphore_mem>>
    %dma_wait3A_131 = tpu.memref_squeeze %dma_wait3A_130 : memref<1x!tpu.dma_semaphore, #tpu.memory_space<semaphore_mem>> -> memref<!tpu.dma_semaphore, #tpu.memory_space<semaphore_mem>>
    %dma_wait3A_132 = arith.constant 0 : i32
    %dma_wait3A_133 = tpu.memref_slice %arg6[%add3A_121, %dma_wait3A_132] : memref<163840x80xf32, #tpu.memory_space<hbm>> -> memref<128x80xf32, #tpu.memory_space<hbm>>
    %dma_wait3A_134 = arith.constant 0 : i32
    %dma_wait3A_135 = arith.constant 0 : i32
    %dma_wait3A_136 = tpu.memref_slice %arg9[%dma_wait3A_122, %dma_wait3A_134, %dma_wait3A_135] : memref<4x128x80xf32, #tpu.memory_space<vmem>> -> memref<1x128x80xf32, #tpu.memory_space<vmem>>
    %dma_wait3A_137 = tpu.memref_squeeze %dma_wait3A_136 : memref<1x128x80xf32, #tpu.memory_space<vmem>> -> memref<128x80xf32, #tpu.memory_space<vmem>>
    tpu.wait_dma2 semaphore(%dma_wait3A_131 : memref<!tpu.dma_semaphore, #tpu.memory_space<semaphore_mem>>) src(%dma_wait3A_137 : memref<128x80xf32, #tpu.memory_space<vmem>>) dst(%dma_wait3A_133 : memref<128x80xf32, #tpu.memory_space<hbm>>)
    %mul3A_138 = arith.constant 5120 : i32
    %mul3A_139 = arith.muli %add3A, %mul3A_138 : i32
    %add3A_140 = arith.constant 4864 : i32
    %add3A_141 = arith.addi %mul3A_139, %add3A_140 : i32
    %dma_wait3A_142 = arith.constant 2 : i32
    %dma_wait3A_143 = arith.constant 2 : i32
    %dma_wait3A_144 = arith.constant 0 : i32
    %dma_wait3A_145 = arith.constant 0 : i32
    %dma_wait3A_146 = tpu.memref_slice %arg9[%dma_wait3A_142, %dma_wait3A_144, %dma_wait3A_145] : memref<4x128x80xf32, #tpu.memory_space<vmem>> -> memref<1x128x80xf32, #tpu.memory_space<vmem>>
    %dma_wait3A_147 = tpu.memref_squeeze %dma_wait3A_146 : memref<1x128x80xf32, #tpu.memory_space<vmem>> -> memref<128x80xf32, #tpu.memory_space<vmem>>
    %dma_wait3A_148 = arith.constant 0 : i32
    %dma_wait3A_149 = tpu.memref_slice %arg6[%add3A_141, %dma_wait3A_148] : memref<163840x80xf32, #tpu.memory_space<hbm>> -> memref<128x80xf32, #tpu.memory_space<hbm>>
    %dma_wait3A_150 = tpu.memref_slice %arg12[%dma_wait3A_143] : memref<4x!tpu.dma_semaphore, #tpu.memory_space<semaphore_mem>> -> memref<1x!tpu.dma_semaphore, #tpu.memory_space<semaphore_mem>>
    %dma_wait3A_151 = tpu.memref_squeeze %dma_wait3A_150 : memref<1x!tpu.dma_semaphore, #tpu.memory_space<semaphore_mem>> -> memref<!tpu.dma_semaphore, #tpu.memory_space<semaphore_mem>>
    %dma_wait3A_152 = arith.constant 0 : i32
    %dma_wait3A_153 = tpu.memref_slice %arg6[%add3A_141, %dma_wait3A_152] : memref<163840x80xf32, #tpu.memory_space<hbm>> -> memref<128x80xf32, #tpu.memory_space<hbm>>
    %dma_wait3A_154 = arith.constant 0 : i32
    %dma_wait3A_155 = arith.constant 0 : i32
    %dma_wait3A_156 = tpu.memref_slice %arg9[%dma_wait3A_142, %dma_wait3A_154, %dma_wait3A_155] : memref<4x128x80xf32, #tpu.memory_space<vmem>> -> memref<1x128x80xf32, #tpu.memory_space<vmem>>
    %dma_wait3A_157 = tpu.memref_squeeze %dma_wait3A_156 : memref<1x128x80xf32, #tpu.memory_space<vmem>> -> memref<128x80xf32, #tpu.memory_space<vmem>>
    tpu.wait_dma2 semaphore(%dma_wait3A_151 : memref<!tpu.dma_semaphore, #tpu.memory_space<semaphore_mem>>) src(%dma_wait3A_157 : memref<128x80xf32, #tpu.memory_space<vmem>>) dst(%dma_wait3A_153 : memref<128x80xf32, #tpu.memory_space<hbm>>)
    %mul3A_158 = arith.constant 5120 : i32
    %mul3A_159 = arith.muli %add3A, %mul3A_158 : i32
    %add3A_160 = arith.constant 4992 : i32
    %add3A_161 = arith.addi %mul3A_159, %add3A_160 : i32
    %dma_wait3A_162 = arith.constant 3 : i32
    %dma_wait3A_163 = arith.constant 3 : i32
    %dma_wait3A_164 = arith.constant 0 : i32
    %dma_wait3A_165 = arith.constant 0 : i32
    %dma_wait3A_166 = tpu.memref_slice %arg9[%dma_wait3A_162, %dma_wait3A_164, %dma_wait3A_165] : memref<4x128x80xf32, #tpu.memory_space<vmem>> -> memref<1x128x80xf32, #tpu.memory_space<vmem>>
    %dma_wait3A_167 = tpu.memref_squeeze %dma_wait3A_166 : memref<1x128x80xf32, #tpu.memory_space<vmem>> -> memref<128x80xf32, #tpu.memory_space<vmem>>
    %dma_wait3A_168 = arith.constant 0 : i32
    %dma_wait3A_169 = tpu.memref_slice %arg6[%add3A_161, %dma_wait3A_168] : memref<163840x80xf32, #tpu.memory_space<hbm>> -> memref<128x80xf32, #tpu.memory_space<hbm>>
    %dma_wait3A_170 = tpu.memref_slice %arg12[%dma_wait3A_163] : memref<4x!tpu.dma_semaphore, #tpu.memory_space<semaphore_mem>> -> memref<1x!tpu.dma_semaphore, #tpu.memory_space<semaphore_mem>>
    %dma_wait3A_171 = tpu.memref_squeeze %dma_wait3A_170 : memref<1x!tpu.dma_semaphore, #tpu.memory_space<semaphore_mem>> -> memref<!tpu.dma_semaphore, #tpu.memory_space<semaphore_mem>>
    %dma_wait3A_172 = arith.constant 0 : i32
    %dma_wait3A_173 = tpu.memref_slice %arg6[%add3A_161, %dma_wait3A_172] : memref<163840x80xf32, #tpu.memory_space<hbm>> -> memref<128x80xf32, #tpu.memory_space<hbm>>
    %dma_wait3A_174 = arith.constant 0 : i32
    %dma_wait3A_175 = arith.constant 0 : i32
    %dma_wait3A_176 = tpu.memref_slice %arg9[%dma_wait3A_162, %dma_wait3A_174, %dma_wait3A_175] : memref<4x128x80xf32, #tpu.memory_space<vmem>> -> memref<1x128x80xf32, #tpu.memory_space<vmem>>
    %dma_wait3A_177 = tpu.memref_squeeze %dma_wait3A_176 : memref<1x128x80xf32, #tpu.memory_space<vmem>> -> memref<128x80xf32, #tpu.memory_space<vmem>>
    tpu.wait_dma2 semaphore(%dma_wait3A_171 : memref<!tpu.dma_semaphore, #tpu.memory_space<semaphore_mem>>) src(%dma_wait3A_177 : memref<128x80xf32, #tpu.memory_space<vmem>>) dst(%dma_wait3A_173 : memref<128x80xf32, #tpu.memory_space<hbm>>)
    return
  }
}

#map = affine_map<(d0, d1) -> (0, 0)>
module attributes {stable_mosaic.version = 14 : i64} {
  func.func @_sc_gather(%arg0: i32, %arg1: i32, %arg2: memref<10240x80xf32, #tpu.memory_space<hbm>>, %arg3: memref<10240x80xf32, #tpu.memory_space<hbm>>, %arg4: memref<1280x128xi32, #tpu.memory_space<hbm>>, %arg5: memref<1280x128xi32, #tpu.memory_space<hbm>>, %arg6: memref<163840x80xf32, #tpu.memory_space<hbm>>, %arg7: memref<40x128xi32, #tpu.memory_space<vmem>>, %arg8: memref<40x128xi32, #tpu.memory_space<vmem>>, %arg9: memref<4x128x80xf32, #tpu.memory_space<vmem>>, %arg10: memref<4x128x80xf32, #tpu.memory_space<vmem>>, %arg11: memref<4x!tpu.dma_semaphore, #tpu.memory_space<semaphore_mem>>, %arg12: memref<4x!tpu.dma_semaphore, #tpu.memory_space<semaphore_mem>>) attributes {dimension_semantics = [#tpu.dimension_semantics<core_parallel>, #tpu.dimension_semantics<subcore_parallel>], iteration_bounds = array<i64: 2, 16>, scalar_prefetch = 0 : i64, scratch_operands = 6 : i64, tpu.core_type = #tpu.core_type<sc_vector_subcore>, window_params = [{transform_indices = #map}, {transform_indices = #map}, {transform_indices = #map}, {transform_indices = #map}, {transform_indices = #map}]} {
    %mul3A = arith.constant 2 : i32
    %mul3A_0 = arith.muli %arg1, %mul3A : i32
    %add3A = arith.addi %mul3A_0, %arg0 : i32
    %mul3A_1 = arith.constant 40 : i32
    %mul3A_2 = arith.muli %add3A, %mul3A_1 : i32
    "tpu.region"() ({
      %run_scoped3A = tpu.sem_alloc : memref<!tpu.dma_semaphore, #tpu.memory_space<semaphore_mem>>
      %dma_start3A_178 = arith.constant 0 : i32
      %dma_start3A_179 = tpu.memref_slice %arg4[%mul3A_2, %dma_start3A_178] : memref<1280x128xi32, #tpu.memory_space<hbm>> -> memref<40x128xi32, #tpu.memory_space<hbm>>
      %dma_start3A_180 = arith.constant 0 : i32
      %dma_start3A_181 = tpu.memref_slice %arg4[%mul3A_2, %dma_start3A_180] : memref<1280x128xi32, #tpu.memory_space<hbm>> -> memref<40x128xi32, #tpu.memory_space<hbm>>
      tpu.enqueue_dma source(%dma_start3A_181 : memref<40x128xi32, #tpu.memory_space<hbm>>) target(%arg7 : memref<40x128xi32, #tpu.memory_space<vmem>>) target_semaphore(%run_scoped3A : memref<!tpu.dma_semaphore, #tpu.memory_space<semaphore_mem>>)
      %dma_wait3A_182 = arith.constant 0 : i32
      %dma_wait3A_183 = tpu.memref_slice %arg4[%mul3A_2, %dma_wait3A_182] : memref<1280x128xi32, #tpu.memory_space<hbm>> -> memref<40x128xi32, #tpu.memory_space<hbm>>
      %dma_wait3A_184 = arith.constant 0 : i32
      %dma_wait3A_185 = tpu.memref_slice %arg4[%mul3A_2, %dma_wait3A_184] : memref<1280x128xi32, #tpu.memory_space<hbm>> -> memref<40x128xi32, #tpu.memory_space<hbm>>
      tpu.wait_dma2 semaphore(%run_scoped3A : memref<!tpu.dma_semaphore, #tpu.memory_space<semaphore_mem>>) src(%dma_wait3A_185 : memref<40x128xi32, #tpu.memory_space<hbm>>) dst(%arg7 : memref<40x128xi32, #tpu.memory_space<vmem>>)
      tpu.yield
    }) : () -> ()
    %mul3A_3 = arith.constant 40 : i32
    %mul3A_4 = arith.muli %add3A, %mul3A_3 : i32
    "tpu.region"() ({
      %run_scoped3A = tpu.sem_alloc : memref<!tpu.dma_semaphore, #tpu.memory_space<semaphore_mem>>
      %dma_start3A_178 = arith.constant 0 : i32
      %dma_start3A_179 = tpu.memref_slice %arg5[%mul3A_4, %dma_start3A_178] : memref<1280x128xi32, #tpu.memory_space<hbm>> -> memref<40x128xi32, #tpu.memory_space<hbm>>
      %dma_start3A_180 = arith.constant 0 : i32
      %dma_start3A_181 = tpu.memref_slice %arg5[%mul3A_4, %dma_start3A_180] : memref<1280x128xi32, #tpu.memory_space<hbm>> -> memref<40x128xi32, #tpu.memory_space<hbm>>
      tpu.enqueue_dma source(%dma_start3A_181 : memref<40x128xi32, #tpu.memory_space<hbm>>) target(%arg8 : memref<40x128xi32, #tpu.memory_space<vmem>>) target_semaphore(%run_scoped3A : memref<!tpu.dma_semaphore, #tpu.memory_space<semaphore_mem>>)
      %dma_wait3A_182 = arith.constant 0 : i32
      %dma_wait3A_183 = tpu.memref_slice %arg5[%mul3A_4, %dma_wait3A_182] : memref<1280x128xi32, #tpu.memory_space<hbm>> -> memref<40x128xi32, #tpu.memory_space<hbm>>
      %dma_wait3A_184 = arith.constant 0 : i32
      %dma_wait3A_185 = tpu.memref_slice %arg5[%mul3A_4, %dma_wait3A_184] : memref<1280x128xi32, #tpu.memory_space<hbm>> -> memref<40x128xi32, #tpu.memory_space<hbm>>
      tpu.wait_dma2 semaphore(%run_scoped3A : memref<!tpu.dma_semaphore, #tpu.memory_space<semaphore_mem>>) src(%dma_wait3A_185 : memref<40x128xi32, #tpu.memory_space<hbm>>) dst(%arg8 : memref<40x128xi32, #tpu.memory_space<vmem>>)
      tpu.yield
    }) : () -> ()
    %dma_start3A = arith.constant 0 : i32
    %dma_start3A_5 = arith.constant 0 : i32
    %dma_start3A_6 = arith.constant 0 : i32
    %dma_start3A_7 = arith.constant 0 : i32
    %dma_start3A_8 = arith.constant 0 : i32
    %dma_start3A_9 = tpu.memref_slice %arg9[%dma_start3A_5, %dma_start3A_7, %dma_start3A_8] : memref<4x128x80xf32, #tpu.memory_space<vmem>> -> memref<1x128x80xf32, #tpu.memory_space<vmem>>
    %dma_start3A_10 = tpu.memref_squeeze %dma_start3A_9 : memref<1x128x80xf32, #tpu.memory_space<vmem>> -> memref<128x80xf32, #tpu.memory_space<vmem>>
    %dma_start3A_11 = arith.constant 0 : i32
    %dma_start3A_12 = tpu.memref_slice %arg7[%dma_start3A, %dma_start3A_11] : memref<40x128xi32, #tpu.memory_space<vmem>> -> memref<1x128xi32, #tpu.memory_space<vmem>>
    %dma_start3A_13 = tpu.memref_squeeze %dma_start3A_12 : memref<1x128xi32, #tpu.memory_space<vmem>> -> memref<128xi32, #tpu.memory_space<vmem>>
    %dma_start3A_14 = arith.constant 0 : i32
    %dma_start3A_15 = arith.constant 0 : i32
    %dma_start3A_16 = tpu.memref_slice %arg2[%dma_start3A_14, %dma_start3A_15] : memref<10240x80xf32, #tpu.memory_space<hbm>> -> memref<10240x80xf32, #tpu.memory_space<hbm>>
    %dma_start3A_17 = tpu.memref_slice %arg11[%dma_start3A_6] : memref<4x!tpu.dma_semaphore, #tpu.memory_space<semaphore_mem>> -> memref<1x!tpu.dma_semaphore, #tpu.memory_space<semaphore_mem>>
    %dma_start3A_18 = tpu.memref_squeeze %dma_start3A_17 : memref<1x!tpu.dma_semaphore, #tpu.memory_space<semaphore_mem>> -> memref<!tpu.dma_semaphore, #tpu.memory_space<semaphore_mem>>
    tpu.enqueue_indirect_dma source(%dma_start3A_16 : memref<10240x80xf32, #tpu.memory_space<hbm>>) target(%dma_start3A_10 : memref<128x80xf32, #tpu.memory_space<vmem>>) offsets(%dma_start3A_13 : memref<128xi32, #tpu.memory_space<vmem>>) semaphore(%dma_start3A_18 : memref<!tpu.dma_semaphore, #tpu.memory_space<semaphore_mem>>)
    %dma_start3A_19 = arith.constant 0 : i32
    %dma_start3A_20 = arith.constant 0 : i32
    %dma_start3A_21 = arith.constant 0 : i32
    %dma_start3A_22 = arith.constant 0 : i32
    %dma_start3A_23 = arith.constant 0 : i32
    %dma_start3A_24 = tpu.memref_slice %arg10[%dma_start3A_20, %dma_start3A_22, %dma_start3A_23] : memref<4x128x80xf32, #tpu.memory_space<vmem>> -> memref<1x128x80xf32, #tpu.memory_space<vmem>>
    %dma_start3A_25 = tpu.memref_squeeze %dma_start3A_24 : memref<1x128x80xf32, #tpu.memory_space<vmem>> -> memref<128x80xf32, #tpu.memory_space<vmem>>
    %dma_start3A_26 = arith.constant 0 : i32
    %dma_start3A_27 = tpu.memref_slice %arg8[%dma_start3A_19, %dma_start3A_26] : memref<40x128xi32, #tpu.memory_space<vmem>> -> memref<1x128xi32, #tpu.memory_space<vmem>>
    %dma_start3A_28 = tpu.memref_squeeze %dma_start3A_27 : memref<1x128xi32, #tpu.memory_space<vmem>> -> memref<128xi32, #tpu.memory_space<vmem>>
    %dma_start3A_29 = arith.constant 0 : i32
    %dma_start3A_30 = arith.constant 0 : i32
    %dma_start3A_31 = tpu.memref_slice %arg3[%dma_start3A_29, %dma_start3A_30] : memref<10240x80xf32, #tpu.memory_space<hbm>> -> memref<10240x80xf32, #tpu.memory_space<hbm>>
    %dma_start3A_32 = tpu.memref_slice %arg11[%dma_start3A_21] : memref<4x!tpu.dma_semaphore, #tpu.memory_space<semaphore_mem>> -> memref<1x!tpu.dma_semaphore, #tpu.memory_space<semaphore_mem>>
    %dma_start3A_33 = tpu.memref_squeeze %dma_start3A_32 : memref<1x!tpu.dma_semaphore, #tpu.memory_space<semaphore_mem>> -> memref<!tpu.dma_semaphore, #tpu.memory_space<semaphore_mem>>
    tpu.enqueue_indirect_dma source(%dma_start3A_31 : memref<10240x80xf32, #tpu.memory_space<hbm>>) target(%dma_start3A_25 : memref<128x80xf32, #tpu.memory_space<vmem>>) offsets(%dma_start3A_28 : memref<128xi32, #tpu.memory_space<vmem>>) semaphore(%dma_start3A_33 : memref<!tpu.dma_semaphore, #tpu.memory_space<semaphore_mem>>)
    %dma_start3A_34 = arith.constant 1 : i32
    %dma_start3A_35 = arith.constant 1 : i32
    %dma_start3A_36 = arith.constant 1 : i32
    %dma_start3A_37 = arith.constant 0 : i32
    %dma_start3A_38 = arith.constant 0 : i32
    %dma_start3A_39 = tpu.memref_slice %arg9[%dma_start3A_35, %dma_start3A_37, %dma_start3A_38] : memref<4x128x80xf32, #tpu.memory_space<vmem>> -> memref<1x128x80xf32, #tpu.memory_space<vmem>>
    %dma_start3A_40 = tpu.memref_squeeze %dma_start3A_39 : memref<1x128x80xf32, #tpu.memory_space<vmem>> -> memref<128x80xf32, #tpu.memory_space<vmem>>
    %dma_start3A_41 = arith.constant 0 : i32
    %dma_start3A_42 = tpu.memref_slice %arg7[%dma_start3A_34, %dma_start3A_41] : memref<40x128xi32, #tpu.memory_space<vmem>> -> memref<1x128xi32, #tpu.memory_space<vmem>>
    %dma_start3A_43 = tpu.memref_squeeze %dma_start3A_42 : memref<1x128xi32, #tpu.memory_space<vmem>> -> memref<128xi32, #tpu.memory_space<vmem>>
    %dma_start3A_44 = arith.constant 0 : i32
    %dma_start3A_45 = arith.constant 0 : i32
    %dma_start3A_46 = tpu.memref_slice %arg2[%dma_start3A_44, %dma_start3A_45] : memref<10240x80xf32, #tpu.memory_space<hbm>> -> memref<10240x80xf32, #tpu.memory_space<hbm>>
    %dma_start3A_47 = tpu.memref_slice %arg11[%dma_start3A_36] : memref<4x!tpu.dma_semaphore, #tpu.memory_space<semaphore_mem>> -> memref<1x!tpu.dma_semaphore, #tpu.memory_space<semaphore_mem>>
    %dma_start3A_48 = tpu.memref_squeeze %dma_start3A_47 : memref<1x!tpu.dma_semaphore, #tpu.memory_space<semaphore_mem>> -> memref<!tpu.dma_semaphore, #tpu.memory_space<semaphore_mem>>
    tpu.enqueue_indirect_dma source(%dma_start3A_46 : memref<10240x80xf32, #tpu.memory_space<hbm>>) target(%dma_start3A_40 : memref<128x80xf32, #tpu.memory_space<vmem>>) offsets(%dma_start3A_43 : memref<128xi32, #tpu.memory_space<vmem>>) semaphore(%dma_start3A_48 : memref<!tpu.dma_semaphore, #tpu.memory_space<semaphore_mem>>)
    %dma_start3A_49 = arith.constant 1 : i32
    %dma_start3A_50 = arith.constant 1 : i32
    %dma_start3A_51 = arith.constant 1 : i32
    %dma_start3A_52 = arith.constant 0 : i32
    %dma_start3A_53 = arith.constant 0 : i32
    %dma_start3A_54 = tpu.memref_slice %arg10[%dma_start3A_50, %dma_start3A_52, %dma_start3A_53] : memref<4x128x80xf32, #tpu.memory_space<vmem>> -> memref<1x128x80xf32, #tpu.memory_space<vmem>>
    %dma_start3A_55 = tpu.memref_squeeze %dma_start3A_54 : memref<1x128x80xf32, #tpu.memory_space<vmem>> -> memref<128x80xf32, #tpu.memory_space<vmem>>
    %dma_start3A_56 = arith.constant 0 : i32
    %dma_start3A_57 = tpu.memref_slice %arg8[%dma_start3A_49, %dma_start3A_56] : memref<40x128xi32, #tpu.memory_space<vmem>> -> memref<1x128xi32, #tpu.memory_space<vmem>>
    %dma_start3A_58 = tpu.memref_squeeze %dma_start3A_57 : memref<1x128xi32, #tpu.memory_space<vmem>> -> memref<128xi32, #tpu.memory_space<vmem>>
    %dma_start3A_59 = arith.constant 0 : i32
    %dma_start3A_60 = arith.constant 0 : i32
    %dma_start3A_61 = tpu.memref_slice %arg3[%dma_start3A_59, %dma_start3A_60] : memref<10240x80xf32, #tpu.memory_space<hbm>> -> memref<10240x80xf32, #tpu.memory_space<hbm>>
    %dma_start3A_62 = tpu.memref_slice %arg11[%dma_start3A_51] : memref<4x!tpu.dma_semaphore, #tpu.memory_space<semaphore_mem>> -> memref<1x!tpu.dma_semaphore, #tpu.memory_space<semaphore_mem>>
    %dma_start3A_63 = tpu.memref_squeeze %dma_start3A_62 : memref<1x!tpu.dma_semaphore, #tpu.memory_space<semaphore_mem>> -> memref<!tpu.dma_semaphore, #tpu.memory_space<semaphore_mem>>
    tpu.enqueue_indirect_dma source(%dma_start3A_61 : memref<10240x80xf32, #tpu.memory_space<hbm>>) target(%dma_start3A_55 : memref<128x80xf32, #tpu.memory_space<vmem>>) offsets(%dma_start3A_58 : memref<128xi32, #tpu.memory_space<vmem>>) semaphore(%dma_start3A_63 : memref<!tpu.dma_semaphore, #tpu.memory_space<semaphore_mem>>)
    %dma_start3A_64 = arith.constant 2 : i32
    %dma_start3A_65 = arith.constant 2 : i32
    %dma_start3A_66 = arith.constant 2 : i32
    %dma_start3A_67 = arith.constant 0 : i32
    %dma_start3A_68 = arith.constant 0 : i32
    %dma_start3A_69 = tpu.memref_slice %arg9[%dma_start3A_65, %dma_start3A_67, %dma_start3A_68] : memref<4x128x80xf32, #tpu.memory_space<vmem>> -> memref<1x128x80xf32, #tpu.memory_space<vmem>>
    %dma_start3A_70 = tpu.memref_squeeze %dma_start3A_69 : memref<1x128x80xf32, #tpu.memory_space<vmem>> -> memref<128x80xf32, #tpu.memory_space<vmem>>
    %dma_start3A_71 = arith.constant 0 : i32
    %dma_start3A_72 = tpu.memref_slice %arg7[%dma_start3A_64, %dma_start3A_71] : memref<40x128xi32, #tpu.memory_space<vmem>> -> memref<1x128xi32, #tpu.memory_space<vmem>>
    %dma_start3A_73 = tpu.memref_squeeze %dma_start3A_72 : memref<1x128xi32, #tpu.memory_space<vmem>> -> memref<128xi32, #tpu.memory_space<vmem>>
    %dma_start3A_74 = arith.constant 0 : i32
    %dma_start3A_75 = arith.constant 0 : i32
    %dma_start3A_76 = tpu.memref_slice %arg2[%dma_start3A_74, %dma_start3A_75] : memref<10240x80xf32, #tpu.memory_space<hbm>> -> memref<10240x80xf32, #tpu.memory_space<hbm>>
    %dma_start3A_77 = tpu.memref_slice %arg11[%dma_start3A_66] : memref<4x!tpu.dma_semaphore, #tpu.memory_space<semaphore_mem>> -> memref<1x!tpu.dma_semaphore, #tpu.memory_space<semaphore_mem>>
    %dma_start3A_78 = tpu.memref_squeeze %dma_start3A_77 : memref<1x!tpu.dma_semaphore, #tpu.memory_space<semaphore_mem>> -> memref<!tpu.dma_semaphore, #tpu.memory_space<semaphore_mem>>
    tpu.enqueue_indirect_dma source(%dma_start3A_76 : memref<10240x80xf32, #tpu.memory_space<hbm>>) target(%dma_start3A_70 : memref<128x80xf32, #tpu.memory_space<vmem>>) offsets(%dma_start3A_73 : memref<128xi32, #tpu.memory_space<vmem>>) semaphore(%dma_start3A_78 : memref<!tpu.dma_semaphore, #tpu.memory_space<semaphore_mem>>)
    %dma_start3A_79 = arith.constant 2 : i32
    %dma_start3A_80 = arith.constant 2 : i32
    %dma_start3A_81 = arith.constant 2 : i32
    %dma_start3A_82 = arith.constant 0 : i32
    %dma_start3A_83 = arith.constant 0 : i32
    %dma_start3A_84 = tpu.memref_slice %arg10[%dma_start3A_80, %dma_start3A_82, %dma_start3A_83] : memref<4x128x80xf32, #tpu.memory_space<vmem>> -> memref<1x128x80xf32, #tpu.memory_space<vmem>>
    %dma_start3A_85 = tpu.memref_squeeze %dma_start3A_84 : memref<1x128x80xf32, #tpu.memory_space<vmem>> -> memref<128x80xf32, #tpu.memory_space<vmem>>
    %dma_start3A_86 = arith.constant 0 : i32
    %dma_start3A_87 = tpu.memref_slice %arg8[%dma_start3A_79, %dma_start3A_86] : memref<40x128xi32, #tpu.memory_space<vmem>> -> memref<1x128xi32, #tpu.memory_space<vmem>>
    %dma_start3A_88 = tpu.memref_squeeze %dma_start3A_87 : memref<1x128xi32, #tpu.memory_space<vmem>> -> memref<128xi32, #tpu.memory_space<vmem>>
    %dma_start3A_89 = arith.constant 0 : i32
    %dma_start3A_90 = arith.constant 0 : i32
    %dma_start3A_91 = tpu.memref_slice %arg3[%dma_start3A_89, %dma_start3A_90] : memref<10240x80xf32, #tpu.memory_space<hbm>> -> memref<10240x80xf32, #tpu.memory_space<hbm>>
    %dma_start3A_92 = tpu.memref_slice %arg11[%dma_start3A_81] : memref<4x!tpu.dma_semaphore, #tpu.memory_space<semaphore_mem>> -> memref<1x!tpu.dma_semaphore, #tpu.memory_space<semaphore_mem>>
    %dma_start3A_93 = tpu.memref_squeeze %dma_start3A_92 : memref<1x!tpu.dma_semaphore, #tpu.memory_space<semaphore_mem>> -> memref<!tpu.dma_semaphore, #tpu.memory_space<semaphore_mem>>
    tpu.enqueue_indirect_dma source(%dma_start3A_91 : memref<10240x80xf32, #tpu.memory_space<hbm>>) target(%dma_start3A_85 : memref<128x80xf32, #tpu.memory_space<vmem>>) offsets(%dma_start3A_88 : memref<128xi32, #tpu.memory_space<vmem>>) semaphore(%dma_start3A_93 : memref<!tpu.dma_semaphore, #tpu.memory_space<semaphore_mem>>)
    %scan3A = arith.constant 0 : i32
    %scan3A_94 = arith.constant 0 : i32
    %scan3A_95 = arith.constant 10 : i32
    %scan3A_96 = arith.addi %scan3A_94, %scan3A_95 : i32
    %scan3A_97 = arith.constant 1 : i32
    scf.for %scan3A_178 = %scan3A_94 to %scan3A_96 step %scan3A_97  : i32 {
      %mul3A_179 = arith.constant 4 : i32
      %mul3A_180 = arith.muli %scan3A_178, %mul3A_179 : i32
      %add3A_181 = arith.constant 0 : i32
      %add3A_182 = arith.addi %mul3A_180, %add3A_181 : i32
      %dma_wait3A_183 = arith.constant 0 : i32
      %dma_wait3A_184 = arith.constant 0 : i32
      %dma_wait3A_185 = arith.constant 0 : i32
      %dma_wait3A_186 = arith.constant 0 : i32
      %dma_wait3A_187 = tpu.memref_slice %arg9[%dma_wait3A_183, %dma_wait3A_185, %dma_wait3A_186] : memref<4x128x80xf32, #tpu.memory_space<vmem>> -> memref<1x128x80xf32, #tpu.memory_space<vmem>>
      %dma_wait3A_188 = tpu.memref_squeeze %dma_wait3A_187 : memref<1x128x80xf32, #tpu.memory_space<vmem>> -> memref<128x80xf32, #tpu.memory_space<vmem>>
      %dma_wait3A_189 = arith.constant 0 : i32
      %dma_wait3A_190 = tpu.memref_slice %arg7[%add3A_182, %dma_wait3A_189] : memref<40x128xi32, #tpu.memory_space<vmem>> -> memref<1x128xi32, #tpu.memory_space<vmem>>
      %dma_wait3A_191 = tpu.memref_squeeze %dma_wait3A_190 : memref<1x128xi32, #tpu.memory_space<vmem>> -> memref<128xi32, #tpu.memory_space<vmem>>
      %dma_wait3A_192 = arith.constant 0 : i32
      %dma_wait3A_193 = arith.constant 0 : i32
      %dma_wait3A_194 = tpu.memref_slice %arg2[%dma_wait3A_192, %dma_wait3A_193] : memref<10240x80xf32, #tpu.memory_space<hbm>> -> memref<10240x80xf32, #tpu.memory_space<hbm>>
      %dma_wait3A_195 = tpu.memref_slice %arg11[%dma_wait3A_184] : memref<4x!tpu.dma_semaphore, #tpu.memory_space<semaphore_mem>> -> memref<1x!tpu.dma_semaphore, #tpu.memory_space<semaphore_mem>>
      %dma_wait3A_196 = tpu.memref_squeeze %dma_wait3A_195 : memref<1x!tpu.dma_semaphore, #tpu.memory_space<semaphore_mem>> -> memref<!tpu.dma_semaphore, #tpu.memory_space<semaphore_mem>>
      tpu.wait_indirect_dma semaphore(%dma_wait3A_196 : memref<!tpu.dma_semaphore, #tpu.memory_space<semaphore_mem>>) src(%dma_wait3A_194 : memref<10240x80xf32, #tpu.memory_space<hbm>>) dst(%dma_wait3A_188 : memref<128x80xf32, #tpu.memory_space<vmem>>)
      %dma_wait3A_197 = arith.constant 0 : i32
      %dma_wait3A_198 = arith.constant 0 : i32
      %dma_wait3A_199 = arith.constant 0 : i32
      %dma_wait3A_200 = arith.constant 0 : i32
      %dma_wait3A_201 = tpu.memref_slice %arg10[%dma_wait3A_197, %dma_wait3A_199, %dma_wait3A_200] : memref<4x128x80xf32, #tpu.memory_space<vmem>> -> memref<1x128x80xf32, #tpu.memory_space<vmem>>
      %dma_wait3A_202 = tpu.memref_squeeze %dma_wait3A_201 : memref<1x128x80xf32, #tpu.memory_space<vmem>> -> memref<128x80xf32, #tpu.memory_space<vmem>>
      %dma_wait3A_203 = arith.constant 0 : i32
      %dma_wait3A_204 = tpu.memref_slice %arg8[%add3A_182, %dma_wait3A_203] : memref<40x128xi32, #tpu.memory_space<vmem>> -> memref<1x128xi32, #tpu.memory_space<vmem>>
      %dma_wait3A_205 = tpu.memref_squeeze %dma_wait3A_204 : memref<1x128xi32, #tpu.memory_space<vmem>> -> memref<128xi32, #tpu.memory_space<vmem>>
      %dma_wait3A_206 = arith.constant 0 : i32
      %dma_wait3A_207 = arith.constant 0 : i32
      %dma_wait3A_208 = tpu.memref_slice %arg3[%dma_wait3A_206, %dma_wait3A_207] : memref<10240x80xf32, #tpu.memory_space<hbm>> -> memref<10240x80xf32, #tpu.memory_space<hbm>>
      %dma_wait3A_209 = tpu.memref_slice %arg11[%dma_wait3A_198] : memref<4x!tpu.dma_semaphore, #tpu.memory_space<semaphore_mem>> -> memref<1x!tpu.dma_semaphore, #tpu.memory_space<semaphore_mem>>
      %dma_wait3A_210 = tpu.memref_squeeze %dma_wait3A_209 : memref<1x!tpu.dma_semaphore, #tpu.memory_space<semaphore_mem>> -> memref<!tpu.dma_semaphore, #tpu.memory_space<semaphore_mem>>
      tpu.wait_indirect_dma semaphore(%dma_wait3A_210 : memref<!tpu.dma_semaphore, #tpu.memory_space<semaphore_mem>>) src(%dma_wait3A_208 : memref<10240x80xf32, #tpu.memory_space<hbm>>) dst(%dma_wait3A_202 : memref<128x80xf32, #tpu.memory_space<vmem>>)
      %scan3A_211 = arith.constant 0 : i32
      %scan3A_212 = arith.constant 0 : i32
      %scan3A_213 = arith.constant 128 : i32
      %scan3A_214 = arith.addi %scan3A_212, %scan3A_213 : i32
      %scan3A_215 = arith.constant 2 : i32
      scf.for %scan3A_440 = %scan3A_212 to %scan3A_214 step %scan3A_215  : i32 {
        %get3A = arith.constant 0 : i32
        %get3A_441 = arith.index_cast %get3A : i32 to index
        %get3A_442 = arith.index_cast %scan3A_440 : i32 to index
        %get3A_443 = arith.constant 0 : index
        %get3A_444 = tpu.vector_load %arg9[%get3A_441, %get3A_442, %get3A_443] {strides = array<i32>} : memref<4x128x80xf32, #tpu.memory_space<vmem>>, vector<1x1x16xf32>,
        %get3A_445 = vector.shape_cast %get3A_444 : vector<1x1x16xf32> to vector<16xf32>
        %get3A_446 = arith.constant 0 : i32
        %get3A_447 = arith.index_cast %get3A_446 : i32 to index
        %get3A_448 = arith.index_cast %scan3A_440 : i32 to index
        %get3A_449 = arith.constant 0 : index
        %get3A_450 = tpu.vector_load %arg10[%get3A_447, %get3A_448, %get3A_449] {strides = array<i32>} : memref<4x128x80xf32, #tpu.memory_space<vmem>>, vector<1x1x16xf32>,
        %get3A_451 = vector.shape_cast %get3A_450 : vector<1x1x16xf32> to vector<16xf32>
        %add3A_452 = arith.addf %get3A_445, %get3A_451 : vector<16xf32>
        %swap3A = arith.constant 0 : i32
        %swap3A_453 = arith.index_cast %swap3A : i32 to index
        %swap3A_454 = arith.index_cast %scan3A_440 : i32 to index
        %swap3A_455 = arith.constant 0 : index
        %swap3A_456 = tpu.vector_load %arg9[%swap3A_453, %swap3A_454, %swap3A_455] {strides = array<i32>} : memref<4x128x80xf32, #tpu.memory_space<vmem>>, vector<1x1x16xf32>,
        %swap3A_457 = vector.shape_cast %swap3A_456 : vector<1x1x16xf32> to vector<16xf32>
        %swap3A_458 = vector.shape_cast %add3A_452 : vector<16xf32> to vector<1x1x16xf32>
        tpu.vector_store %arg9[%swap3A_453, %swap3A_454, %swap3A_455], %swap3A_458 {strides = array<i32>} : memref<4x128x80xf32, #tpu.memory_space<vmem>>, vector<1x1x16xf32>,
        %get3A_459 = arith.constant 0 : i32
        %get3A_460 = arith.index_cast %get3A_459 : i32 to index
        %get3A_461 = arith.index_cast %scan3A_440 : i32 to index
        %get3A_462 = arith.constant 16 : index
        %get3A_463 = tpu.vector_load %arg9[%get3A_460, %get3A_461, %get3A_462] {strides = array<i32>} : memref<4x128x80xf32, #tpu.memory_space<vmem>>, vector<1x1x16xf32>,
        %get3A_464 = vector.shape_cast %get3A_463 : vector<1x1x16xf32> to vector<16xf32>
        %get3A_465 = arith.constant 0 : i32
        %get3A_466 = arith.index_cast %get3A_465 : i32 to index
        %get3A_467 = arith.index_cast %scan3A_440 : i32 to index
        %get3A_468 = arith.constant 16 : index
        %get3A_469 = tpu.vector_load %arg10[%get3A_466, %get3A_467, %get3A_468] {strides = array<i32>} : memref<4x128x80xf32, #tpu.memory_space<vmem>>, vector<1x1x16xf32>,
        %get3A_470 = vector.shape_cast %get3A_469 : vector<1x1x16xf32> to vector<16xf32>
        %add3A_471 = arith.addf %get3A_464, %get3A_470 : vector<16xf32>
        %swap3A_472 = arith.constant 0 : i32
        %swap3A_473 = arith.index_cast %swap3A_472 : i32 to index
        %swap3A_474 = arith.index_cast %scan3A_440 : i32 to index
        %swap3A_475 = arith.constant 16 : index
        %swap3A_476 = tpu.vector_load %arg9[%swap3A_473, %swap3A_474, %swap3A_475] {strides = array<i32>} : memref<4x128x80xf32, #tpu.memory_space<vmem>>, vector<1x1x16xf32>,
        %swap3A_477 = vector.shape_cast %swap3A_476 : vector<1x1x16xf32> to vector<16xf32>
        %swap3A_478 = vector.shape_cast %add3A_471 : vector<16xf32> to vector<1x1x16xf32>
        tpu.vector_store %arg9[%swap3A_473, %swap3A_474, %swap3A_475], %swap3A_478 {strides = array<i32>} : memref<4x128x80xf32, #tpu.memory_space<vmem>>, vector<1x1x16xf32>,
        %get3A_479 = arith.constant 0 : i32
        %get3A_480 = arith.index_cast %get3A_479 : i32 to index
        %get3A_481 = arith.index_cast %scan3A_440 : i32 to index
        %get3A_482 = arith.constant 32 : index
        %get3A_483 = tpu.vector_load %arg9[%get3A_480, %get3A_481, %get3A_482] {strides = array<i32>} : memref<4x128x80xf32, #tpu.memory_space<vmem>>, vector<1x1x16xf32>,
        %get3A_484 = vector.shape_cast %get3A_483 : vector<1x1x16xf32> to vector<16xf32>
        %get3A_485 = arith.constant 0 : i32
        %get3A_486 = arith.index_cast %get3A_485 : i32 to index
        %get3A_487 = arith.index_cast %scan3A_440 : i32 to index
        %get3A_488 = arith.constant 32 : index
        %get3A_489 = tpu.vector_load %arg10[%get3A_486, %get3A_487, %get3A_488] {strides = array<i32>} : memref<4x128x80xf32, #tpu.memory_space<vmem>>, vector<1x1x16xf32>,
        %get3A_490 = vector.shape_cast %get3A_489 : vector<1x1x16xf32> to vector<16xf32>
        %add3A_491 = arith.addf %get3A_484, %get3A_490 : vector<16xf32>
        %swap3A_492 = arith.constant 0 : i32
        %swap3A_493 = arith.index_cast %swap3A_492 : i32 to index
        %swap3A_494 = arith.index_cast %scan3A_440 : i32 to index
        %swap3A_495 = arith.constant 32 : index
        %swap3A_496 = tpu.vector_load %arg9[%swap3A_493, %swap3A_494, %swap3A_495] {strides = array<i32>} : memref<4x128x80xf32, #tpu.memory_space<vmem>>, vector<1x1x16xf32>,
        %swap3A_497 = vector.shape_cast %swap3A_496 : vector<1x1x16xf32> to vector<16xf32>
        %swap3A_498 = vector.shape_cast %add3A_491 : vector<16xf32> to vector<1x1x16xf32>
        tpu.vector_store %arg9[%swap3A_493, %swap3A_494, %swap3A_495], %swap3A_498 {strides = array<i32>} : memref<4x128x80xf32, #tpu.memory_space<vmem>>, vector<1x1x16xf32>,
        %get3A_499 = arith.constant 0 : i32
        %get3A_500 = arith.index_cast %get3A_499 : i32 to index
        %get3A_501 = arith.index_cast %scan3A_440 : i32 to index
        %get3A_502 = arith.constant 48 : index
        %get3A_503 = tpu.vector_load %arg9[%get3A_500, %get3A_501, %get3A_502] {strides = array<i32>} : memref<4x128x80xf32, #tpu.memory_space<vmem>>, vector<1x1x16xf32>,
        %get3A_504 = vector.shape_cast %get3A_503 : vector<1x1x16xf32> to vector<16xf32>
        %get3A_505 = arith.constant 0 : i32
        %get3A_506 = arith.index_cast %get3A_505 : i32 to index
        %get3A_507 = arith.index_cast %scan3A_440 : i32 to index
        %get3A_508 = arith.constant 48 : index
        %get3A_509 = tpu.vector_load %arg10[%get3A_506, %get3A_507, %get3A_508] {strides = array<i32>} : memref<4x128x80xf32, #tpu.memory_space<vmem>>, vector<1x1x16xf32>,
        %get3A_510 = vector.shape_cast %get3A_509 : vector<1x1x16xf32> to vector<16xf32>
        %add3A_511 = arith.addf %get3A_504, %get3A_510 : vector<16xf32>
        %swap3A_512 = arith.constant 0 : i32
        %swap3A_513 = arith.index_cast %swap3A_512 : i32 to index
        %swap3A_514 = arith.index_cast %scan3A_440 : i32 to index
        %swap3A_515 = arith.constant 48 : index
        %swap3A_516 = tpu.vector_load %arg9[%swap3A_513, %swap3A_514, %swap3A_515] {strides = array<i32>} : memref<4x128x80xf32, #tpu.memory_space<vmem>>, vector<1x1x16xf32>,
        %swap3A_517 = vector.shape_cast %swap3A_516 : vector<1x1x16xf32> to vector<16xf32>
        %swap3A_518 = vector.shape_cast %add3A_511 : vector<16xf32> to vector<1x1x16xf32>
        tpu.vector_store %arg9[%swap3A_513, %swap3A_514, %swap3A_515], %swap3A_518 {strides = array<i32>} : memref<4x128x80xf32, #tpu.memory_space<vmem>>, vector<1x1x16xf32>,
        %get3A_519 = arith.constant 0 : i32
        %get3A_520 = arith.index_cast %get3A_519 : i32 to index
        %get3A_521 = arith.index_cast %scan3A_440 : i32 to index
        %get3A_522 = arith.constant 64 : index
        %get3A_523 = tpu.vector_load %arg9[%get3A_520, %get3A_521, %get3A_522] {strides = array<i32>} : memref<4x128x80xf32, #tpu.memory_space<vmem>>, vector<1x1x16xf32>,
        %get3A_524 = vector.shape_cast %get3A_523 : vector<1x1x16xf32> to vector<16xf32>
        %get3A_525 = arith.constant 0 : i32
        %get3A_526 = arith.index_cast %get3A_525 : i32 to index
        %get3A_527 = arith.index_cast %scan3A_440 : i32 to index
        %get3A_528 = arith.constant 64 : index
        %get3A_529 = tpu.vector_load %arg10[%get3A_526, %get3A_527, %get3A_528] {strides = array<i32>} : memref<4x128x80xf32, #tpu.memory_space<vmem>>, vector<1x1x16xf32>,
        %get3A_530 = vector.shape_cast %get3A_529 : vector<1x1x16xf32> to vector<16xf32>
        %add3A_531 = arith.addf %get3A_524, %get3A_530 : vector<16xf32>
        %swap3A_532 = arith.constant 0 : i32
        %swap3A_533 = arith.index_cast %swap3A_532 : i32 to index
        %swap3A_534 = arith.index_cast %scan3A_440 : i32 to index
        %swap3A_535 = arith.constant 64 : index
        %swap3A_536 = tpu.vector_load %arg9[%swap3A_533, %swap3A_534, %swap3A_535] {strides = array<i32>} : memref<4x128x80xf32, #tpu.memory_space<vmem>>, vector<1x1x16xf32>,
        %swap3A_537 = vector.shape_cast %swap3A_536 : vector<1x1x16xf32> to vector<16xf32>
        %swap3A_538 = vector.shape_cast %add3A_531 : vector<16xf32> to vector<1x1x16xf32>
        tpu.vector_store %arg9[%swap3A_533, %swap3A_534, %swap3A_535], %swap3A_538 {strides = array<i32>} : memref<4x128x80xf32, #tpu.memory_space<vmem>>, vector<1x1x16xf32>,
        %scan3A_539 = arith.constant 1 : i32
        %scan3A_540 = arith.addi %scan3A_440, %scan3A_539 : i32
        %get3A_541 = arith.constant 0 : i32
        %get3A_542 = arith.index_cast %get3A_541 : i32 to index
        %get3A_543 = arith.index_cast %scan3A_540 : i32 to index
        %get3A_544 = arith.constant 0 : index
        %get3A_545 = tpu.vector_load %arg9[%get3A_542, %get3A_543, %get3A_544] {strides = array<i32>} : memref<4x128x80xf32, #tpu.memory_space<vmem>>, vector<1x1x16xf32>,
        %get3A_546 = vector.shape_cast %get3A_545 : vector<1x1x16xf32> to vector<16xf32>
        %get3A_547 = arith.constant 0 : i32
        %get3A_548 = arith.index_cast %get3A_547 : i32 to index
        %get3A_549 = arith.index_cast %scan3A_540 : i32 to index
        %get3A_550 = arith.constant 0 : index
        %get3A_551 = tpu.vector_load %arg10[%get3A_548, %get3A_549, %get3A_550] {strides = array<i32>} : memref<4x128x80xf32, #tpu.memory_space<vmem>>, vector<1x1x16xf32>,
        %get3A_552 = vector.shape_cast %get3A_551 : vector<1x1x16xf32> to vector<16xf32>
        %add3A_553 = arith.addf %get3A_546, %get3A_552 : vector<16xf32>
        %swap3A_554 = arith.constant 0 : i32
        %swap3A_555 = arith.index_cast %swap3A_554 : i32 to index
        %swap3A_556 = arith.index_cast %scan3A_540 : i32 to index
        %swap3A_557 = arith.constant 0 : index
        %swap3A_558 = tpu.vector_load %arg9[%swap3A_555, %swap3A_556, %swap3A_557] {strides = array<i32>} : memref<4x128x80xf32, #tpu.memory_space<vmem>>, vector<1x1x16xf32>,
        %swap3A_559 = vector.shape_cast %swap3A_558 : vector<1x1x16xf32> to vector<16xf32>
        %swap3A_560 = vector.shape_cast %add3A_553 : vector<16xf32> to vector<1x1x16xf32>
        tpu.vector_store %arg9[%swap3A_555, %swap3A_556, %swap3A_557], %swap3A_560 {strides = array<i32>} : memref<4x128x80xf32, #tpu.memory_space<vmem>>, vector<1x1x16xf32>,
        %get3A_561 = arith.constant 0 : i32
        %get3A_562 = arith.index_cast %get3A_561 : i32 to index
        %get3A_563 = arith.index_cast %scan3A_540 : i32 to index
        %get3A_564 = arith.constant 16 : index
        %get3A_565 = tpu.vector_load %arg9[%get3A_562, %get3A_563, %get3A_564] {strides = array<i32>} : memref<4x128x80xf32, #tpu.memory_space<vmem>>, vector<1x1x16xf32>,
        %get3A_566 = vector.shape_cast %get3A_565 : vector<1x1x16xf32> to vector<16xf32>
        %get3A_567 = arith.constant 0 : i32
        %get3A_568 = arith.index_cast %get3A_567 : i32 to index
        %get3A_569 = arith.index_cast %scan3A_540 : i32 to index
        %get3A_570 = arith.constant 16 : index
        %get3A_571 = tpu.vector_load %arg10[%get3A_568, %get3A_569, %get3A_570] {strides = array<i32>} : memref<4x128x80xf32, #tpu.memory_space<vmem>>, vector<1x1x16xf32>,
        %get3A_572 = vector.shape_cast %get3A_571 : vector<1x1x16xf32> to vector<16xf32>
        %add3A_573 = arith.addf %get3A_566, %get3A_572 : vector<16xf32>
        %swap3A_574 = arith.constant 0 : i32
        %swap3A_575 = arith.index_cast %swap3A_574 : i32 to index
        %swap3A_576 = arith.index_cast %scan3A_540 : i32 to index
        %swap3A_577 = arith.constant 16 : index
        %swap3A_578 = tpu.vector_load %arg9[%swap3A_575, %swap3A_576, %swap3A_577] {strides = array<i32>} : memref<4x128x80xf32, #tpu.memory_space<vmem>>, vector<1x1x16xf32>,
        %swap3A_579 = vector.shape_cast %swap3A_578 : vector<1x1x16xf32> to vector<16xf32>
        %swap3A_580 = vector.shape_cast %add3A_573 : vector<16xf32> to vector<1x1x16xf32>
        tpu.vector_store %arg9[%swap3A_575, %swap3A_576, %swap3A_577], %swap3A_580 {strides = array<i32>} : memref<4x128x80xf32, #tpu.memory_space<vmem>>, vector<1x1x16xf32>,
        %get3A_581 = arith.constant 0 : i32
        %get3A_582 = arith.index_cast %get3A_581 : i32 to index
        %get3A_583 = arith.index_cast %scan3A_540 : i32 to index
        %get3A_584 = arith.constant 32 : index
        %get3A_585 = tpu.vector_load %arg9[%get3A_582, %get3A_583, %get3A_584] {strides = array<i32>} : memref<4x128x80xf32, #tpu.memory_space<vmem>>, vector<1x1x16xf32>,
        %get3A_586 = vector.shape_cast %get3A_585 : vector<1x1x16xf32> to vector<16xf32>
        %get3A_587 = arith.constant 0 : i32
        %get3A_588 = arith.index_cast %get3A_587 : i32 to index
        %get3A_589 = arith.index_cast %scan3A_540 : i32 to index
        %get3A_590 = arith.constant 32 : index
        %get3A_591 = tpu.vector_load %arg10[%get3A_588, %get3A_589, %get3A_590] {strides = array<i32>} : memref<4x128x80xf32, #tpu.memory_space<vmem>>, vector<1x1x16xf32>,
        %get3A_592 = vector.shape_cast %get3A_591 : vector<1x1x16xf32> to vector<16xf32>
        %add3A_593 = arith.addf %get3A_586, %get3A_592 : vector<16xf32>
        %swap3A_594 = arith.constant 0 : i32
        %swap3A_595 = arith.index_cast %swap3A_594 : i32 to index
        %swap3A_596 = arith.index_cast %scan3A_540 : i32 to index
        %swap3A_597 = arith.constant 32 : index
        %swap3A_598 = tpu.vector_load %arg9[%swap3A_595, %swap3A_596, %swap3A_597] {strides = array<i32>} : memref<4x128x80xf32, #tpu.memory_space<vmem>>, vector<1x1x16xf32>,
        %swap3A_599 = vector.shape_cast %swap3A_598 : vector<1x1x16xf32> to vector<16xf32>
        %swap3A_600 = vector.shape_cast %add3A_593 : vector<16xf32> to vector<1x1x16xf32>
        tpu.vector_store %arg9[%swap3A_595, %swap3A_596, %swap3A_597], %swap3A_600 {strides = array<i32>} : memref<4x128x80xf32, #tpu.memory_space<vmem>>, vector<1x1x16xf32>,
        %get3A_601 = arith.constant 0 : i32
        %get3A_602 = arith.index_cast %get3A_601 : i32 to index
        %get3A_603 = arith.index_cast %scan3A_540 : i32 to index
        %get3A_604 = arith.constant 48 : index
        %get3A_605 = tpu.vector_load %arg9[%get3A_602, %get3A_603, %get3A_604] {strides = array<i32>} : memref<4x128x80xf32, #tpu.memory_space<vmem>>, vector<1x1x16xf32>,
        %get3A_606 = vector.shape_cast %get3A_605 : vector<1x1x16xf32> to vector<16xf32>
        %get3A_607 = arith.constant 0 : i32
        %get3A_608 = arith.index_cast %get3A_607 : i32 to index
        %get3A_609 = arith.index_cast %scan3A_540 : i32 to index
        %get3A_610 = arith.constant 48 : index
        %get3A_611 = tpu.vector_load %arg10[%get3A_608, %get3A_609, %get3A_610] {strides = array<i32>} : memref<4x128x80xf32, #tpu.memory_space<vmem>>, vector<1x1x16xf32>,
        %get3A_612 = vector.shape_cast %get3A_611 : vector<1x1x16xf32> to vector<16xf32>
        %add3A_613 = arith.addf %get3A_606, %get3A_612 : vector<16xf32>
        %swap3A_614 = arith.constant 0 : i32
        %swap3A_615 = arith.index_cast %swap3A_614 : i32 to index
        %swap3A_616 = arith.index_cast %scan3A_540 : i32 to index
        %swap3A_617 = arith.constant 48 : index
        %swap3A_618 = tpu.vector_load %arg9[%swap3A_615, %swap3A_616, %swap3A_617] {strides = array<i32>} : memref<4x128x80xf32, #tpu.memory_space<vmem>>, vector<1x1x16xf32>,
        %swap3A_619 = vector.shape_cast %swap3A_618 : vector<1x1x16xf32> to vector<16xf32>
        %swap3A_620 = vector.shape_cast %add3A_613 : vector<16xf32> to vector<1x1x16xf32>
        tpu.vector_store %arg9[%swap3A_615, %swap3A_616, %swap3A_617], %swap3A_620 {strides = array<i32>} : memref<4x128x80xf32, #tpu.memory_space<vmem>>, vector<1x1x16xf32>,
        %get3A_621 = arith.constant 0 : i32
        %get3A_622 = arith.index_cast %get3A_621 : i32 to index
        %get3A_623 = arith.index_cast %scan3A_540 : i32 to index
        %get3A_624 = arith.constant 64 : index
        %get3A_625 = tpu.vector_load %arg9[%get3A_622, %get3A_623, %get3A_624] {strides = array<i32>} : memref<4x128x80xf32, #tpu.memory_space<vmem>>, vector<1x1x16xf32>,
        %get3A_626 = vector.shape_cast %get3A_625 : vector<1x1x16xf32> to vector<16xf32>
        %get3A_627 = arith.constant 0 : i32
        %get3A_628 = arith.index_cast %get3A_627 : i32 to index
        %get3A_629 = arith.index_cast %scan3A_540 : i32 to index
        %get3A_630 = arith.constant 64 : index
        %get3A_631 = tpu.vector_load %arg10[%get3A_628, %get3A_629, %get3A_630] {strides = array<i32>} : memref<4x128x80xf32, #tpu.memory_space<vmem>>, vector<1x1x16xf32>,
        %get3A_632 = vector.shape_cast %get3A_631 : vector<1x1x16xf32> to vector<16xf32>
        %add3A_633 = arith.addf %get3A_626, %get3A_632 : vector<16xf32>
        %swap3A_634 = arith.constant 0 : i32
        %swap3A_635 = arith.index_cast %swap3A_634 : i32 to index
        %swap3A_636 = arith.index_cast %scan3A_540 : i32 to index
        %swap3A_637 = arith.constant 64 : index
        %swap3A_638 = tpu.vector_load %arg9[%swap3A_635, %swap3A_636, %swap3A_637] {strides = array<i32>} : memref<4x128x80xf32, #tpu.memory_space<vmem>>, vector<1x1x16xf32>,
        %swap3A_639 = vector.shape_cast %swap3A_638 : vector<1x1x16xf32> to vector<16xf32>
        %swap3A_640 = vector.shape_cast %add3A_633 : vector<16xf32> to vector<1x1x16xf32>
        tpu.vector_store %arg9[%swap3A_635, %swap3A_636, %swap3A_637], %swap3A_640 {strides = array<i32>} : memref<4x128x80xf32, #tpu.memory_space<vmem>>, vector<1x1x16xf32>,
      }
      %scan3A_216 = arith.constant 128 : i32
      %mul3A_217 = arith.constant 5120 : i32
      %mul3A_218 = arith.muli %add3A, %mul3A_217 : i32
      %mul3A_219 = arith.constant 128 : i32
      %mul3A_220 = arith.muli %add3A_182, %mul3A_219 : i32
      %add3A_221 = arith.addi %mul3A_218, %mul3A_220 : i32
      %dma_start3A_222 = arith.constant 0 : i32
      %dma_start3A_223 = arith.constant 0 : i32
      %dma_start3A_224 = arith.constant 0 : i32
      %dma_start3A_225 = arith.constant 0 : i32
      %dma_start3A_226 = tpu.memref_slice %arg9[%dma_start3A_222, %dma_start3A_224, %dma_start3A_225] : memref<4x128x80xf32, #tpu.memory_space<vmem>> -> memref<1x128x80xf32, #tpu.memory_space<vmem>>
      %dma_start3A_227 = tpu.memref_squeeze %dma_start3A_226 : memref<1x128x80xf32, #tpu.memory_space<vmem>> -> memref<128x80xf32, #tpu.memory_space<vmem>>
      %dma_start3A_228 = arith.constant 0 : i32
      %dma_start3A_229 = tpu.memref_slice %arg6[%add3A_221, %dma_start3A_228] : memref<163840x80xf32, #tpu.memory_space<hbm>> -> memref<128x80xf32, #tpu.memory_space<hbm>>
      %dma_start3A_230 = tpu.memref_slice %arg12[%dma_start3A_223] : memref<4x!tpu.dma_semaphore, #tpu.memory_space<semaphore_mem>> -> memref<1x!tpu.dma_semaphore, #tpu.memory_space<semaphore_mem>>
      %dma_start3A_231 = tpu.memref_squeeze %dma_start3A_230 : memref<1x!tpu.dma_semaphore, #tpu.memory_space<semaphore_mem>> -> memref<!tpu.dma_semaphore, #tpu.memory_space<semaphore_mem>>
      %dma_start3A_232 = arith.constant 0 : i32
      %dma_start3A_233 = tpu.memref_slice %arg6[%add3A_221, %dma_start3A_232] : memref<163840x80xf32, #tpu.memory_space<hbm>> -> memref<128x80xf32, #tpu.memory_space<hbm>>
      %dma_start3A_234 = arith.constant 0 : i32
      %dma_start3A_235 = arith.constant 0 : i32
      %dma_start3A_236 = tpu.memref_slice %arg9[%dma_start3A_222, %dma_start3A_234, %dma_start3A_235] : memref<4x128x80xf32, #tpu.memory_space<vmem>> -> memref<1x128x80xf32, #tpu.memory_space<vmem>>
      %dma_start3A_237 = tpu.memref_squeeze %dma_start3A_236 : memref<1x128x80xf32, #tpu.memory_space<vmem>> -> memref<128x80xf32, #tpu.memory_space<vmem>>
      tpu.enqueue_dma source(%dma_start3A_237 : memref<128x80xf32, #tpu.memory_space<vmem>>) target(%dma_start3A_233 : memref<128x80xf32, #tpu.memory_space<hbm>>) target_semaphore(%dma_start3A_231 : memref<!tpu.dma_semaphore, #tpu.memory_space<semaphore_mem>>)
      %add3A_238 = arith.constant 3 : i32
      %add3A_239 = arith.addi %add3A_182, %add3A_238 : i32
      %lt3A = arith.constant 40 : i32
      %lt3A_240 = arith.cmpi slt, %add3A_239, %lt3A : i32
      %convert_element_type3A = arith.extui %lt3A_240 : i1 to i32
      %cond3A = arith.constant 0 : i32
      %cond3A_241 = arith.cmpi ne, %convert_element_type3A, %cond3A : i32
      scf.if %cond3A_241 {
        %ge3A = arith.constant 1 : i32
        %ge3A_440 = arith.cmpi sge, %add3A_182, %ge3A : i32
        %convert_element_type3A_441 = arith.extui %ge3A_440 : i1 to i32
        %cond3A_442 = arith.constant 0 : i32
        %cond3A_443 = arith.cmpi ne, %convert_element_type3A_441, %cond3A_442 : i32
        scf.if %cond3A_443 {
          %sub3A = arith.constant 1 : i32
          %sub3A_474 = arith.subi %add3A_182, %sub3A : i32
          %mul3A_475 = arith.constant 5120 : i32
          %mul3A_476 = arith.muli %add3A, %mul3A_475 : i32
          %mul3A_477 = arith.constant 128 : i32
          %mul3A_478 = arith.muli %sub3A_474, %mul3A_477 : i32
          %add3A_479 = arith.addi %mul3A_476, %mul3A_478 : i32
          %dma_wait3A_480 = arith.constant 3 : i32
          %dma_wait3A_481 = arith.constant 3 : i32
          %dma_wait3A_482 = arith.constant 0 : i32
          %dma_wait3A_483 = arith.constant 0 : i32
          %dma_wait3A_484 = tpu.memref_slice %arg9[%dma_wait3A_480, %dma_wait3A_482, %dma_wait3A_483] : memref<4x128x80xf32, #tpu.memory_space<vmem>> -> memref<1x128x80xf32, #tpu.memory_space<vmem>>
          %dma_wait3A_485 = tpu.memref_squeeze %dma_wait3A_484 : memref<1x128x80xf32, #tpu.memory_space<vmem>> -> memref<128x80xf32, #tpu.memory_space<vmem>>
          %dma_wait3A_486 = arith.constant 0 : i32
          %dma_wait3A_487 = tpu.memref_slice %arg6[%add3A_479, %dma_wait3A_486] : memref<163840x80xf32, #tpu.memory_space<hbm>> -> memref<128x80xf32, #tpu.memory_space<hbm>>
          %dma_wait3A_488 = tpu.memref_slice %arg12[%dma_wait3A_481] : memref<4x!tpu.dma_semaphore, #tpu.memory_space<semaphore_mem>> -> memref<1x!tpu.dma_semaphore, #tpu.memory_space<semaphore_mem>>
          %dma_wait3A_489 = tpu.memref_squeeze %dma_wait3A_488 : memref<1x!tpu.dma_semaphore, #tpu.memory_space<semaphore_mem>> -> memref<!tpu.dma_semaphore, #tpu.memory_space<semaphore_mem>>
          %dma_wait3A_490 = arith.constant 0 : i32
          %dma_wait3A_491 = tpu.memref_slice %arg6[%add3A_479, %dma_wait3A_490] : memref<163840x80xf32, #tpu.memory_space<hbm>> -> memref<128x80xf32, #tpu.memory_space<hbm>>
          %dma_wait3A_492 = arith.constant 0 : i32
          %dma_wait3A_493 = arith.constant 0 : i32
          %dma_wait3A_494 = tpu.memref_slice %arg9[%dma_wait3A_480, %dma_wait3A_492, %dma_wait3A_493] : memref<4x128x80xf32, #tpu.memory_space<vmem>> -> memref<1x128x80xf32, #tpu.memory_space<vmem>>
          %dma_wait3A_495 = tpu.memref_squeeze %dma_wait3A_494 : memref<1x128x80xf32, #tpu.memory_space<vmem>> -> memref<128x80xf32, #tpu.memory_space<vmem>>
          tpu.wait_dma2 semaphore(%dma_wait3A_489 : memref<!tpu.dma_semaphore, #tpu.memory_space<semaphore_mem>>) src(%dma_wait3A_495 : memref<128x80xf32, #tpu.memory_space<vmem>>) dst(%dma_wait3A_491 : memref<128x80xf32, #tpu.memory_space<hbm>>)
        } else {
        }
        %add3A_444 = arith.constant 3 : i32
        %add3A_445 = arith.addi %add3A_182, %add3A_444 : i32
        %dma_start3A_446 = arith.constant 3 : i32
        %dma_start3A_447 = arith.constant 3 : i32
        %dma_start3A_448 = arith.constant 0 : i32
        %dma_start3A_449 = arith.constant 0 : i32
        %dma_start3A_450 = tpu.memref_slice %arg9[%dma_start3A_446, %dma_start3A_448, %dma_start3A_449] : memref<4x128x80xf32, #tpu.memory_space<vmem>> -> memref<1x128x80xf32, #tpu.memory_space<vmem>>
        %dma_start3A_451 = tpu.memref_squeeze %dma_start3A_450 : memref<1x128x80xf32, #tpu.memory_space<vmem>> -> memref<128x80xf32, #tpu.memory_space<vmem>>
        %dma_start3A_452 = arith.constant 0 : i32
        %dma_start3A_453 = tpu.memref_slice %arg7[%add3A_445, %dma_start3A_452] : memref<40x128xi32, #tpu.memory_space<vmem>> -> memref<1x128xi32, #tpu.memory_space<vmem>>
        %dma_start3A_454 = tpu.memref_squeeze %dma_start3A_453 : memref<1x128xi32, #tpu.memory_space<vmem>> -> memref<128xi32, #tpu.memory_space<vmem>>
        %dma_start3A_455 = arith.constant 0 : i32
        %dma_start3A_456 = arith.constant 0 : i32
        %dma_start3A_457 = tpu.memref_slice %arg2[%dma_start3A_455, %dma_start3A_456] : memref<10240x80xf32, #tpu.memory_space<hbm>> -> memref<10240x80xf32, #tpu.memory_space<hbm>>
        %dma_start3A_458 = tpu.memref_slice %arg11[%dma_start3A_447] : memref<4x!tpu.dma_semaphore, #tpu.memory_space<semaphore_mem>> -> memref<1x!tpu.dma_semaphore, #tpu.memory_space<semaphore_mem>>
        %dma_start3A_459 = tpu.memref_squeeze %dma_start3A_458 : memref<1x!tpu.dma_semaphore, #tpu.memory_space<semaphore_mem>> -> memref<!tpu.dma_semaphore, #tpu.memory_space<semaphore_mem>>
        tpu.enqueue_indirect_dma source(%dma_start3A_457 : memref<10240x80xf32, #tpu.memory_space<hbm>>) target(%dma_start3A_451 : memref<128x80xf32, #tpu.memory_space<vmem>>) offsets(%dma_start3A_454 : memref<128xi32, #tpu.memory_space<vmem>>) semaphore(%dma_start3A_459 : memref<!tpu.dma_semaphore, #tpu.memory_space<semaphore_mem>>)
        %dma_start3A_460 = arith.constant 3 : i32
        %dma_start3A_461 = arith.constant 3 : i32
        %dma_start3A_462 = arith.constant 0 : i32
        %dma_start3A_463 = arith.constant 0 : i32
        %dma_start3A_464 = tpu.memref_slice %arg10[%dma_start3A_460, %dma_start3A_462, %dma_start3A_463] : memref<4x128x80xf32, #tpu.memory_space<vmem>> -> memref<1x128x80xf32, #tpu.memory_space<vmem>>
        %dma_start3A_465 = tpu.memref_squeeze %dma_start3A_464 : memref<1x128x80xf32, #tpu.memory_space<vmem>> -> memref<128x80xf32, #tpu.memory_space<vmem>>
        %dma_start3A_466 = arith.constant 0 : i32
        %dma_start3A_467 = tpu.memref_slice %arg8[%add3A_445, %dma_start3A_466] : memref<40x128xi32, #tpu.memory_space<vmem>> -> memref<1x128xi32, #tpu.memory_space<vmem>>
        %dma_start3A_468 = tpu.memref_squeeze %dma_start3A_467 : memref<1x128xi32, #tpu.memory_space<vmem>> -> memref<128xi32, #tpu.memory_space<vmem>>
        %dma_start3A_469 = arith.constant 0 : i32
        %dma_start3A_470 = arith.constant 0 : i32
        %dma_start3A_471 = tpu.memref_slice %arg3[%dma_start3A_469, %dma_start3A_470] : memref<10240x80xf32, #tpu.memory_space<hbm>> -> memref<10240x80xf32, #tpu.memory_space<hbm>>
        %dma_start3A_472 = tpu.memref_slice %arg11[%dma_start3A_461] : memref<4x!tpu.dma_semaphore, #tpu.memory_space<semaphore_mem>> -> memref<1x!tpu.dma_semaphore, #tpu.memory_space<semaphore_mem>>
        %dma_start3A_473 = tpu.memref_squeeze %dma_start3A_472 : memref<1x!tpu.dma_semaphore, #tpu.memory_space<semaphore_mem>> -> memref<!tpu.dma_semaphore, #tpu.memory_space<semaphore_mem>>
        tpu.enqueue_indirect_dma source(%dma_start3A_471 : memref<10240x80xf32, #tpu.memory_space<hbm>>) target(%dma_start3A_465 : memref<128x80xf32, #tpu.memory_space<vmem>>) offsets(%dma_start3A_468 : memref<128xi32, #tpu.memory_space<vmem>>) semaphore(%dma_start3A_473 : memref<!tpu.dma_semaphore, #tpu.memory_space<semaphore_mem>>)
      } else {
      }
      %mul3A_242 = arith.constant 4 : i32
      %mul3A_243 = arith.muli %scan3A_178, %mul3A_242 : i32
      %add3A_244 = arith.constant 1 : i32
      %add3A_245 = arith.addi %mul3A_243, %add3A_244 : i32
      %dma_wait3A_246 = arith.constant 1 : i32
      %dma_wait3A_247 = arith.constant 1 : i32
      %dma_wait3A_248 = arith.constant 0 : i32
      %dma_wait3A_249 = arith.constant 0 : i32
      %dma_wait3A_250 = tpu.memref_slice %arg9[%dma_wait3A_246, %dma_wait3A_248, %dma_wait3A_249] : memref<4x128x80xf32, #tpu.memory_space<vmem>> -> memref<1x128x80xf32, #tpu.memory_space<vmem>>
      %dma_wait3A_251 = tpu.memref_squeeze %dma_wait3A_250 : memref<1x128x80xf32, #tpu.memory_space<vmem>> -> memref<128x80xf32, #tpu.memory_space<vmem>>
      %dma_wait3A_252 = arith.constant 0 : i32
      %dma_wait3A_253 = tpu.memref_slice %arg7[%add3A_245, %dma_wait3A_252] : memref<40x128xi32, #tpu.memory_space<vmem>> -> memref<1x128xi32, #tpu.memory_space<vmem>>
      %dma_wait3A_254 = tpu.memref_squeeze %dma_wait3A_253 : memref<1x128xi32, #tpu.memory_space<vmem>> -> memref<128xi32, #tpu.memory_space<vmem>>
      %dma_wait3A_255 = arith.constant 0 : i32
      %dma_wait3A_256 = arith.constant 0 : i32
      %dma_wait3A_257 = tpu.memref_slice %arg2[%dma_wait3A_255, %dma_wait3A_256] : memref<10240x80xf32, #tpu.memory_space<hbm>> -> memref<10240x80xf32, #tpu.memory_space<hbm>>
      %dma_wait3A_258 = tpu.memref_slice %arg11[%dma_wait3A_247] : memref<4x!tpu.dma_semaphore, #tpu.memory_space<semaphore_mem>> -> memref<1x!tpu.dma_semaphore, #tpu.memory_space<semaphore_mem>>
      %dma_wait3A_259 = tpu.memref_squeeze %dma_wait3A_258 : memref<1x!tpu.dma_semaphore, #tpu.memory_space<semaphore_mem>> -> memref<!tpu.dma_semaphore, #tpu.memory_space<semaphore_mem>>
      tpu.wait_indirect_dma semaphore(%dma_wait3A_259 : memref<!tpu.dma_semaphore, #tpu.memory_space<semaphore_mem>>) src(%dma_wait3A_257 : memref<10240x80xf32, #tpu.memory_space<hbm>>) dst(%dma_wait3A_251 : memref<128x80xf32, #tpu.memory_space<vmem>>)
      %dma_wait3A_260 = arith.constant 1 : i32
      %dma_wait3A_261 = arith.constant 1 : i32
      %dma_wait3A_262 = arith.constant 0 : i32
      %dma_wait3A_263 = arith.constant 0 : i32
      %dma_wait3A_264 = tpu.memref_slice %arg10[%dma_wait3A_260, %dma_wait3A_262, %dma_wait3A_263] : memref<4x128x80xf32, #tpu.memory_space<vmem>> -> memref<1x128x80xf32, #tpu.memory_space<vmem>>
      %dma_wait3A_265 = tpu.memref_squeeze %dma_wait3A_264 : memref<1x128x80xf32, #tpu.memory_space<vmem>> -> memref<128x80xf32, #tpu.memory_space<vmem>>
      %dma_wait3A_266 = arith.constant 0 : i32
      %dma_wait3A_267 = tpu.memref_slice %arg8[%add3A_245, %dma_wait3A_266] : memref<40x128xi32, #tpu.memory_space<vmem>> -> memref<1x128xi32, #tpu.memory_space<vmem>>
      %dma_wait3A_268 = tpu.memref_squeeze %dma_wait3A_267 : memref<1x128xi32, #tpu.memory_space<vmem>> -> memref<128xi32, #tpu.memory_space<vmem>>
      %dma_wait3A_269 = arith.constant 0 : i32
      %dma_wait3A_270 = arith.constant 0 : i32
      %dma_wait3A_271 = tpu.memref_slice %arg3[%dma_wait3A_269, %dma_wait3A_270] : memref<10240x80xf32, #tpu.memory_space<hbm>> -> memref<10240x80xf32, #tpu.memory_space<hbm>>
      %dma_wait3A_272 = tpu.memref_slice %arg11[%dma_wait3A_261] : memref<4x!tpu.dma_semaphore, #tpu.memory_space<semaphore_mem>> -> memref<1x!tpu.dma_semaphore, #tpu.memory_space<semaphore_mem>>
      %dma_wait3A_273 = tpu.memref_squeeze %dma_wait3A_272 : memref<1x!tpu.dma_semaphore, #tpu.memory_space<semaphore_mem>> -> memref<!tpu.dma_semaphore, #tpu.memory_space<semaphore_mem>>
      tpu.wait_indirect_dma semaphore(%dma_wait3A_273 : memref<!tpu.dma_semaphore, #tpu.memory_space<semaphore_mem>>) src(%dma_wait3A_271 : memref<10240x80xf32, #tpu.memory_space<hbm>>) dst(%dma_wait3A_265 : memref<128x80xf32, #tpu.memory_space<vmem>>)
      %scan3A_274 = arith.constant 0 : i32
      %scan3A_275 = arith.constant 0 : i32
      %scan3A_276 = arith.constant 128 : i32
      %scan3A_277 = arith.addi %scan3A_275, %scan3A_276 : i32
      %scan3A_278 = arith.constant 2 : i32
      scf.for %scan3A_440 = %scan3A_275 to %scan3A_277 step %scan3A_278  : i32 {
        %get3A = arith.constant 1 : i32
        %get3A_441 = arith.index_cast %get3A : i32 to index
        %get3A_442 = arith.index_cast %scan3A_440 : i32 to index
        %get3A_443 = arith.constant 0 : index
        %get3A_444 = tpu.vector_load %arg9[%get3A_441, %get3A_442, %get3A_443] {strides = array<i32>} : memref<4x128x80xf32, #tpu.memory_space<vmem>>, vector<1x1x16xf32>,
        %get3A_445 = vector.shape_cast %get3A_444 : vector<1x1x16xf32> to vector<16xf32>
        %get3A_446 = arith.constant 1 : i32
        %get3A_447 = arith.index_cast %get3A_446 : i32 to index
        %get3A_448 = arith.index_cast %scan3A_440 : i32 to index
        %get3A_449 = arith.constant 0 : index
        %get3A_450 = tpu.vector_load %arg10[%get3A_447, %get3A_448, %get3A_449] {strides = array<i32>} : memref<4x128x80xf32, #tpu.memory_space<vmem>>, vector<1x1x16xf32>,
        %get3A_451 = vector.shape_cast %get3A_450 : vector<1x1x16xf32> to vector<16xf32>
        %add3A_452 = arith.addf %get3A_445, %get3A_451 : vector<16xf32>
        %swap3A = arith.constant 1 : i32
        %swap3A_453 = arith.index_cast %swap3A : i32 to index
        %swap3A_454 = arith.index_cast %scan3A_440 : i32 to index
        %swap3A_455 = arith.constant 0 : index
        %swap3A_456 = tpu.vector_load %arg9[%swap3A_453, %swap3A_454, %swap3A_455] {strides = array<i32>} : memref<4x128x80xf32, #tpu.memory_space<vmem>>, vector<1x1x16xf32>,
        %swap3A_457 = vector.shape_cast %swap3A_456 : vector<1x1x16xf32> to vector<16xf32>
        %swap3A_458 = vector.shape_cast %add3A_452 : vector<16xf32> to vector<1x1x16xf32>
        tpu.vector_store %arg9[%swap3A_453, %swap3A_454, %swap3A_455], %swap3A_458 {strides = array<i32>} : memref<4x128x80xf32, #tpu.memory_space<vmem>>, vector<1x1x16xf32>,
        %get3A_459 = arith.constant 1 : i32
        %get3A_460 = arith.index_cast %get3A_459 : i32 to index
        %get3A_461 = arith.index_cast %scan3A_440 : i32 to index
        %get3A_462 = arith.constant 16 : index
        %get3A_463 = tpu.vector_load %arg9[%get3A_460, %get3A_461, %get3A_462] {strides = array<i32>} : memref<4x128x80xf32, #tpu.memory_space<vmem>>, vector<1x1x16xf32>,
        %get3A_464 = vector.shape_cast %get3A_463 : vector<1x1x16xf32> to vector<16xf32>
        %get3A_465 = arith.constant 1 : i32
        %get3A_466 = arith.index_cast %get3A_465 : i32 to index
        %get3A_467 = arith.index_cast %scan3A_440 : i32 to index
        %get3A_468 = arith.constant 16 : index
        %get3A_469 = tpu.vector_load %arg10[%get3A_466, %get3A_467, %get3A_468] {strides = array<i32>} : memref<4x128x80xf32, #tpu.memory_space<vmem>>, vector<1x1x16xf32>,
        %get3A_470 = vector.shape_cast %get3A_469 : vector<1x1x16xf32> to vector<16xf32>
        %add3A_471 = arith.addf %get3A_464, %get3A_470 : vector<16xf32>
        %swap3A_472 = arith.constant 1 : i32
        %swap3A_473 = arith.index_cast %swap3A_472 : i32 to index
        %swap3A_474 = arith.index_cast %scan3A_440 : i32 to index
        %swap3A_475 = arith.constant 16 : index
        %swap3A_476 = tpu.vector_load %arg9[%swap3A_473, %swap3A_474, %swap3A_475] {strides = array<i32>} : memref<4x128x80xf32, #tpu.memory_space<vmem>>, vector<1x1x16xf32>,
        %swap3A_477 = vector.shape_cast %swap3A_476 : vector<1x1x16xf32> to vector<16xf32>
        %swap3A_478 = vector.shape_cast %add3A_471 : vector<16xf32> to vector<1x1x16xf32>
        tpu.vector_store %arg9[%swap3A_473, %swap3A_474, %swap3A_475], %swap3A_478 {strides = array<i32>} : memref<4x128x80xf32, #tpu.memory_space<vmem>>, vector<1x1x16xf32>,
        %get3A_479 = arith.constant 1 : i32
        %get3A_480 = arith.index_cast %get3A_479 : i32 to index
        %get3A_481 = arith.index_cast %scan3A_440 : i32 to index
        %get3A_482 = arith.constant 32 : index
        %get3A_483 = tpu.vector_load %arg9[%get3A_480, %get3A_481, %get3A_482] {strides = array<i32>} : memref<4x128x80xf32, #tpu.memory_space<vmem>>, vector<1x1x16xf32>,
        %get3A_484 = vector.shape_cast %get3A_483 : vector<1x1x16xf32> to vector<16xf32>
        %get3A_485 = arith.constant 1 : i32
        %get3A_486 = arith.index_cast %get3A_485 : i32 to index
        %get3A_487 = arith.index_cast %scan3A_440 : i32 to index
        %get3A_488 = arith.constant 32 : index
        %get3A_489 = tpu.vector_load %arg10[%get3A_486, %get3A_487, %get3A_488] {strides = array<i32>} : memref<4x128x80xf32, #tpu.memory_space<vmem>>, vector<1x1x16xf32>,
        %get3A_490 = vector.shape_cast %get3A_489 : vector<1x1x16xf32> to vector<16xf32>
        %add3A_491 = arith.addf %get3A_484, %get3A_490 : vector<16xf32>
        %swap3A_492 = arith.constant 1 : i32
        %swap3A_493 = arith.index_cast %swap3A_492 : i32 to index
        %swap3A_494 = arith.index_cast %scan3A_440 : i32 to index
        %swap3A_495 = arith.constant 32 : index
        %swap3A_496 = tpu.vector_load %arg9[%swap3A_493, %swap3A_494, %swap3A_495] {strides = array<i32>} : memref<4x128x80xf32, #tpu.memory_space<vmem>>, vector<1x1x16xf32>,
        %swap3A_497 = vector.shape_cast %swap3A_496 : vector<1x1x16xf32> to vector<16xf32>
        %swap3A_498 = vector.shape_cast %add3A_491 : vector<16xf32> to vector<1x1x16xf32>
        tpu.vector_store %arg9[%swap3A_493, %swap3A_494, %swap3A_495], %swap3A_498 {strides = array<i32>} : memref<4x128x80xf32, #tpu.memory_space<vmem>>, vector<1x1x16xf32>,
        %get3A_499 = arith.constant 1 : i32
        %get3A_500 = arith.index_cast %get3A_499 : i32 to index
        %get3A_501 = arith.index_cast %scan3A_440 : i32 to index
        %get3A_502 = arith.constant 48 : index
        %get3A_503 = tpu.vector_load %arg9[%get3A_500, %get3A_501, %get3A_502] {strides = array<i32>} : memref<4x128x80xf32, #tpu.memory_space<vmem>>, vector<1x1x16xf32>,
        %get3A_504 = vector.shape_cast %get3A_503 : vector<1x1x16xf32> to vector<16xf32>
        %get3A_505 = arith.constant 1 : i32
        %get3A_506 = arith.index_cast %get3A_505 : i32 to index
        %get3A_507 = arith.index_cast %scan3A_440 : i32 to index
        %get3A_508 = arith.constant 48 : index
        %get3A_509 = tpu.vector_load %arg10[%get3A_506, %get3A_507, %get3A_508] {strides = array<i32>} : memref<4x128x80xf32, #tpu.memory_space<vmem>>, vector<1x1x16xf32>,
        %get3A_510 = vector.shape_cast %get3A_509 : vector<1x1x16xf32> to vector<16xf32>
        %add3A_511 = arith.addf %get3A_504, %get3A_510 : vector<16xf32>
        %swap3A_512 = arith.constant 1 : i32
        %swap3A_513 = arith.index_cast %swap3A_512 : i32 to index
        %swap3A_514 = arith.index_cast %scan3A_440 : i32 to index
        %swap3A_515 = arith.constant 48 : index
        %swap3A_516 = tpu.vector_load %arg9[%swap3A_513, %swap3A_514, %swap3A_515] {strides = array<i32>} : memref<4x128x80xf32, #tpu.memory_space<vmem>>, vector<1x1x16xf32>,
        %swap3A_517 = vector.shape_cast %swap3A_516 : vector<1x1x16xf32> to vector<16xf32>
        %swap3A_518 = vector.shape_cast %add3A_511 : vector<16xf32> to vector<1x1x16xf32>
        tpu.vector_store %arg9[%swap3A_513, %swap3A_514, %swap3A_515], %swap3A_518 {strides = array<i32>} : memref<4x128x80xf32, #tpu.memory_space<vmem>>, vector<1x1x16xf32>,
        %get3A_519 = arith.constant 1 : i32
        %get3A_520 = arith.index_cast %get3A_519 : i32 to index
        %get3A_521 = arith.index_cast %scan3A_440 : i32 to index
        %get3A_522 = arith.constant 64 : index
        %get3A_523 = tpu.vector_load %arg9[%get3A_520, %get3A_521, %get3A_522] {strides = array<i32>} : memref<4x128x80xf32, #tpu.memory_space<vmem>>, vector<1x1x16xf32>,
        %get3A_524 = vector.shape_cast %get3A_523 : vector<1x1x16xf32> to vector<16xf32>
        %get3A_525 = arith.constant 1 : i32
        %get3A_526 = arith.index_cast %get3A_525 : i32 to index
        %get3A_527 = arith.index_cast %scan3A_440 : i32 to index
        %get3A_528 = arith.constant 64 : index
        %get3A_529 = tpu.vector_load %arg10[%get3A_526, %get3A_527, %get3A_528] {strides = array<i32>} : memref<4x128x80xf32, #tpu.memory_space<vmem>>, vector<1x1x16xf32>,
        %get3A_530 = vector.shape_cast %get3A_529 : vector<1x1x16xf32> to vector<16xf32>
        %add3A_531 = arith.addf %get3A_524, %get3A_530 : vector<16xf32>
        %swap3A_532 = arith.constant 1 : i32
        %swap3A_533 = arith.index_cast %swap3A_532 : i32 to index
        %swap3A_534 = arith.index_cast %scan3A_440 : i32 to index
        %swap3A_535 = arith.constant 64 : index
        %swap3A_536 = tpu.vector_load %arg9[%swap3A_533, %swap3A_534, %swap3A_535] {strides = array<i32>} : memref<4x128x80xf32, #tpu.memory_space<vmem>>, vector<1x1x16xf32>,
        %swap3A_537 = vector.shape_cast %swap3A_536 : vector<1x1x16xf32> to vector<16xf32>
        %swap3A_538 = vector.shape_cast %add3A_531 : vector<16xf32> to vector<1x1x16xf32>
        tpu.vector_store %arg9[%swap3A_533, %swap3A_534, %swap3A_535], %swap3A_538 {strides = array<i32>} : memref<4x128x80xf32, #tpu.memory_space<vmem>>, vector<1x1x16xf32>,
        %scan3A_539 = arith.constant 1 : i32
        %scan3A_540 = arith.addi %scan3A_440, %scan3A_539 : i32
        %get3A_541 = arith.constant 1 : i32
        %get3A_542 = arith.index_cast %get3A_541 : i32 to index
        %get3A_543 = arith.index_cast %scan3A_540 : i32 to index
        %get3A_544 = arith.constant 0 : index
        %get3A_545 = tpu.vector_load %arg9[%get3A_542, %get3A_543, %get3A_544] {strides = array<i32>} : memref<4x128x80xf32, #tpu.memory_space<vmem>>, vector<1x1x16xf32>,
        %get3A_546 = vector.shape_cast %get3A_545 : vector<1x1x16xf32> to vector<16xf32>
        %get3A_547 = arith.constant 1 : i32
        %get3A_548 = arith.index_cast %get3A_547 : i32 to index
        %get3A_549 = arith.index_cast %scan3A_540 : i32 to index
        %get3A_550 = arith.constant 0 : index
        %get3A_551 = tpu.vector_load %arg10[%get3A_548, %get3A_549, %get3A_550] {strides = array<i32>} : memref<4x128x80xf32, #tpu.memory_space<vmem>>, vector<1x1x16xf32>,
        %get3A_552 = vector.shape_cast %get3A_551 : vector<1x1x16xf32> to vector<16xf32>
        %add3A_553 = arith.addf %get3A_546, %get3A_552 : vector<16xf32>
        %swap3A_554 = arith.constant 1 : i32
        %swap3A_555 = arith.index_cast %swap3A_554 : i32 to index
        %swap3A_556 = arith.index_cast %scan3A_540 : i32 to index
        %swap3A_557 = arith.constant 0 : index
        %swap3A_558 = tpu.vector_load %arg9[%swap3A_555, %swap3A_556, %swap3A_557] {strides = array<i32>} : memref<4x128x80xf32, #tpu.memory_space<vmem>>, vector<1x1x16xf32>,
        %swap3A_559 = vector.shape_cast %swap3A_558 : vector<1x1x16xf32> to vector<16xf32>
        %swap3A_560 = vector.shape_cast %add3A_553 : vector<16xf32> to vector<1x1x16xf32>
        tpu.vector_store %arg9[%swap3A_555, %swap3A_556, %swap3A_557], %swap3A_560 {strides = array<i32>} : memref<4x128x80xf32, #tpu.memory_space<vmem>>, vector<1x1x16xf32>,
        %get3A_561 = arith.constant 1 : i32
        %get3A_562 = arith.index_cast %get3A_561 : i32 to index
        %get3A_563 = arith.index_cast %scan3A_540 : i32 to index
        %get3A_564 = arith.constant 16 : index
        %get3A_565 = tpu.vector_load %arg9[%get3A_562, %get3A_563, %get3A_564] {strides = array<i32>} : memref<4x128x80xf32, #tpu.memory_space<vmem>>, vector<1x1x16xf32>,
        %get3A_566 = vector.shape_cast %get3A_565 : vector<1x1x16xf32> to vector<16xf32>
        %get3A_567 = arith.constant 1 : i32
        %get3A_568 = arith.index_cast %get3A_567 : i32 to index
        %get3A_569 = arith.index_cast %scan3A_540 : i32 to index
        %get3A_570 = arith.constant 16 : index
        %get3A_571 = tpu.vector_load %arg10[%get3A_568, %get3A_569, %get3A_570] {strides = array<i32>} : memref<4x128x80xf32, #tpu.memory_space<vmem>>, vector<1x1x16xf32>,
        %get3A_572 = vector.shape_cast %get3A_571 : vector<1x1x16xf32> to vector<16xf32>
        %add3A_573 = arith.addf %get3A_566, %get3A_572 : vector<16xf32>
        %swap3A_574 = arith.constant 1 : i32
        %swap3A_575 = arith.index_cast %swap3A_574 : i32 to index
        %swap3A_576 = arith.index_cast %scan3A_540 : i32 to index
        %swap3A_577 = arith.constant 16 : index
        %swap3A_578 = tpu.vector_load %arg9[%swap3A_575, %swap3A_576, %swap3A_577] {strides = array<i32>} : memref<4x128x80xf32, #tpu.memory_space<vmem>>, vector<1x1x16xf32>,
        %swap3A_579 = vector.shape_cast %swap3A_578 : vector<1x1x16xf32> to vector<16xf32>
        %swap3A_580 = vector.shape_cast %add3A_573 : vector<16xf32> to vector<1x1x16xf32>
        tpu.vector_store %arg9[%swap3A_575, %swap3A_576, %swap3A_577], %swap3A_580 {strides = array<i32>} : memref<4x128x80xf32, #tpu.memory_space<vmem>>, vector<1x1x16xf32>,
        %get3A_581 = arith.constant 1 : i32
        %get3A_582 = arith.index_cast %get3A_581 : i32 to index
        %get3A_583 = arith.index_cast %scan3A_540 : i32 to index
        %get3A_584 = arith.constant 32 : index
        %get3A_585 = tpu.vector_load %arg9[%get3A_582, %get3A_583, %get3A_584] {strides = array<i32>} : memref<4x128x80xf32, #tpu.memory_space<vmem>>, vector<1x1x16xf32>,
        %get3A_586 = vector.shape_cast %get3A_585 : vector<1x1x16xf32> to vector<16xf32>
        %get3A_587 = arith.constant 1 : i32
        %get3A_588 = arith.index_cast %get3A_587 : i32 to index
        %get3A_589 = arith.index_cast %scan3A_540 : i32 to index
        %get3A_590 = arith.constant 32 : index
        %get3A_591 = tpu.vector_load %arg10[%get3A_588, %get3A_589, %get3A_590] {strides = array<i32>} : memref<4x128x80xf32, #tpu.memory_space<vmem>>, vector<1x1x16xf32>,
        %get3A_592 = vector.shape_cast %get3A_591 : vector<1x1x16xf32> to vector<16xf32>
        %add3A_593 = arith.addf %get3A_586, %get3A_592 : vector<16xf32>
        %swap3A_594 = arith.constant 1 : i32
        %swap3A_595 = arith.index_cast %swap3A_594 : i32 to index
        %swap3A_596 = arith.index_cast %scan3A_540 : i32 to index
        %swap3A_597 = arith.constant 32 : index
        %swap3A_598 = tpu.vector_load %arg9[%swap3A_595, %swap3A_596, %swap3A_597] {strides = array<i32>} : memref<4x128x80xf32, #tpu.memory_space<vmem>>, vector<1x1x16xf32>,
        %swap3A_599 = vector.shape_cast %swap3A_598 : vector<1x1x16xf32> to vector<16xf32>
        %swap3A_600 = vector.shape_cast %add3A_593 : vector<16xf32> to vector<1x1x16xf32>
        tpu.vector_store %arg9[%swap3A_595, %swap3A_596, %swap3A_597], %swap3A_600 {strides = array<i32>} : memref<4x128x80xf32, #tpu.memory_space<vmem>>, vector<1x1x16xf32>,
        %get3A_601 = arith.constant 1 : i32
        %get3A_602 = arith.index_cast %get3A_601 : i32 to index
        %get3A_603 = arith.index_cast %scan3A_540 : i32 to index
        %get3A_604 = arith.constant 48 : index
        %get3A_605 = tpu.vector_load %arg9[%get3A_602, %get3A_603, %get3A_604] {strides = array<i32>} : memref<4x128x80xf32, #tpu.memory_space<vmem>>, vector<1x1x16xf32>,
        %get3A_606 = vector.shape_cast %get3A_605 : vector<1x1x16xf32> to vector<16xf32>
        %get3A_607 = arith.constant 1 : i32
        %get3A_608 = arith.index_cast %get3A_607 : i32 to index
        %get3A_609 = arith.index_cast %scan3A_540 : i32 to index
        %get3A_610 = arith.constant 48 : index
        %get3A_611 = tpu.vector_load %arg10[%get3A_608, %get3A_609, %get3A_610] {strides = array<i32>} : memref<4x128x80xf32, #tpu.memory_space<vmem>>, vector<1x1x16xf32>,
        %get3A_612 = vector.shape_cast %get3A_611 : vector<1x1x16xf32> to vector<16xf32>
        %add3A_613 = arith.addf %get3A_606, %get3A_612 : vector<16xf32>
        %swap3A_614 = arith.constant 1 : i32
        %swap3A_615 = arith.index_cast %swap3A_614 : i32 to index
        %swap3A_616 = arith.index_cast %scan3A_540 : i32 to index
        %swap3A_617 = arith.constant 48 : index
        %swap3A_618 = tpu.vector_load %arg9[%swap3A_615, %swap3A_616, %swap3A_617] {strides = array<i32>} : memref<4x128x80xf32, #tpu.memory_space<vmem>>, vector<1x1x16xf32>,
        %swap3A_619 = vector.shape_cast %swap3A_618 : vector<1x1x16xf32> to vector<16xf32>
        %swap3A_620 = vector.shape_cast %add3A_613 : vector<16xf32> to vector<1x1x16xf32>
        tpu.vector_store %arg9[%swap3A_615, %swap3A_616, %swap3A_617], %swap3A_620 {strides = array<i32>} : memref<4x128x80xf32, #tpu.memory_space<vmem>>, vector<1x1x16xf32>,
        %get3A_621 = arith.constant 1 : i32
        %get3A_622 = arith.index_cast %get3A_621 : i32 to index
        %get3A_623 = arith.index_cast %scan3A_540 : i32 to index
        %get3A_624 = arith.constant 64 : index
        %get3A_625 = tpu.vector_load %arg9[%get3A_622, %get3A_623, %get3A_624] {strides = array<i32>} : memref<4x128x80xf32, #tpu.memory_space<vmem>>, vector<1x1x16xf32>,
        %get3A_626 = vector.shape_cast %get3A_625 : vector<1x1x16xf32> to vector<16xf32>
        %get3A_627 = arith.constant 1 : i32
        %get3A_628 = arith.index_cast %get3A_627 : i32 to index
        %get3A_629 = arith.index_cast %scan3A_540 : i32 to index
        %get3A_630 = arith.constant 64 : index
        %get3A_631 = tpu.vector_load %arg10[%get3A_628, %get3A_629, %get3A_630] {strides = array<i32>} : memref<4x128x80xf32, #tpu.memory_space<vmem>>, vector<1x1x16xf32>,
        %get3A_632 = vector.shape_cast %get3A_631 : vector<1x1x16xf32> to vector<16xf32>
        %add3A_633 = arith.addf %get3A_626, %get3A_632 : vector<16xf32>
        %swap3A_634 = arith.constant 1 : i32
        %swap3A_635 = arith.index_cast %swap3A_634 : i32 to index
        %swap3A_636 = arith.index_cast %scan3A_540 : i32 to index
        %swap3A_637 = arith.constant 64 : index
        %swap3A_638 = tpu.vector_load %arg9[%swap3A_635, %swap3A_636, %swap3A_637] {strides = array<i32>} : memref<4x128x80xf32, #tpu.memory_space<vmem>>, vector<1x1x16xf32>,
        %swap3A_639 = vector.shape_cast %swap3A_638 : vector<1x1x16xf32> to vector<16xf32>
        %swap3A_640 = vector.shape_cast %add3A_633 : vector<16xf32> to vector<1x1x16xf32>
        tpu.vector_store %arg9[%swap3A_635, %swap3A_636, %swap3A_637], %swap3A_640 {strides = array<i32>} : memref<4x128x80xf32, #tpu.memory_space<vmem>>, vector<1x1x16xf32>,
      }
      %scan3A_279 = arith.constant 128 : i32
      %mul3A_280 = arith.constant 5120 : i32
      %mul3A_281 = arith.muli %add3A, %mul3A_280 : i32
      %mul3A_282 = arith.constant 128 : i32
      %mul3A_283 = arith.muli %add3A_245, %mul3A_282 : i32
      %add3A_284 = arith.addi %mul3A_281, %mul3A_283 : i32
      %dma_start3A_285 = arith.constant 1 : i32
      %dma_start3A_286 = arith.constant 1 : i32
      %dma_start3A_287 = arith.constant 0 : i32
      %dma_start3A_288 = arith.constant 0 : i32
      %dma_start3A_289 = tpu.memref_slice %arg9[%dma_start3A_285, %dma_start3A_287, %dma_start3A_288] : memref<4x128x80xf32, #tpu.memory_space<vmem>> -> memref<1x128x80xf32, #tpu.memory_space<vmem>>
      %dma_start3A_290 = tpu.memref_squeeze %dma_start3A_289 : memref<1x128x80xf32, #tpu.memory_space<vmem>> -> memref<128x80xf32, #tpu.memory_space<vmem>>
      %dma_start3A_291 = arith.constant 0 : i32
      %dma_start3A_292 = tpu.memref_slice %arg6[%add3A_284, %dma_start3A_291] : memref<163840x80xf32, #tpu.memory_space<hbm>> -> memref<128x80xf32, #tpu.memory_space<hbm>>
      %dma_start3A_293 = tpu.memref_slice %arg12[%dma_start3A_286] : memref<4x!tpu.dma_semaphore, #tpu.memory_space<semaphore_mem>> -> memref<1x!tpu.dma_semaphore, #tpu.memory_space<semaphore_mem>>
      %dma_start3A_294 = tpu.memref_squeeze %dma_start3A_293 : memref<1x!tpu.dma_semaphore, #tpu.memory_space<semaphore_mem>> -> memref<!tpu.dma_semaphore, #tpu.memory_space<semaphore_mem>>
      %dma_start3A_295 = arith.constant 0 : i32
      %dma_start3A_296 = tpu.memref_slice %arg6[%add3A_284, %dma_start3A_295] : memref<163840x80xf32, #tpu.memory_space<hbm>> -> memref<128x80xf32, #tpu.memory_space<hbm>>
      %dma_start3A_297 = arith.constant 0 : i32
      %dma_start3A_298 = arith.constant 0 : i32
      %dma_start3A_299 = tpu.memref_slice %arg9[%dma_start3A_285, %dma_start3A_297, %dma_start3A_298] : memref<4x128x80xf32, #tpu.memory_space<vmem>> -> memref<1x128x80xf32, #tpu.memory_space<vmem>>
      %dma_start3A_300 = tpu.memref_squeeze %dma_start3A_299 : memref<1x128x80xf32, #tpu.memory_space<vmem>> -> memref<128x80xf32, #tpu.memory_space<vmem>>
      tpu.enqueue_dma source(%dma_start3A_300 : memref<128x80xf32, #tpu.memory_space<vmem>>) target(%dma_start3A_296 : memref<128x80xf32, #tpu.memory_space<hbm>>) target_semaphore(%dma_start3A_294 : memref<!tpu.dma_semaphore, #tpu.memory_space<semaphore_mem>>)
      %add3A_301 = arith.constant 3 : i32
      %add3A_302 = arith.addi %add3A_245, %add3A_301 : i32
      %lt3A_303 = arith.constant 40 : i32
      %lt3A_304 = arith.cmpi slt, %add3A_302, %lt3A_303 : i32
      %convert_element_type3A_305 = arith.extui %lt3A_304 : i1 to i32
      %cond3A_306 = arith.constant 0 : i32
      %cond3A_307 = arith.cmpi ne, %convert_element_type3A_305, %cond3A_306 : i32
      scf.if %cond3A_307 {
        %ge3A = arith.constant 1 : i32
        %ge3A_440 = arith.cmpi sge, %add3A_245, %ge3A : i32
        %convert_element_type3A_441 = arith.extui %ge3A_440 : i1 to i32
        %cond3A_442 = arith.constant 0 : i32
        %cond3A_443 = arith.cmpi ne, %convert_element_type3A_441, %cond3A_442 : i32
        scf.if %cond3A_443 {
          %sub3A = arith.constant 1 : i32
          %sub3A_474 = arith.subi %add3A_245, %sub3A : i32
          %mul3A_475 = arith.constant 5120 : i32
          %mul3A_476 = arith.muli %add3A, %mul3A_475 : i32
          %mul3A_477 = arith.constant 128 : i32
          %mul3A_478 = arith.muli %sub3A_474, %mul3A_477 : i32
          %add3A_479 = arith.addi %mul3A_476, %mul3A_478 : i32
          %dma_wait3A_480 = arith.constant 0 : i32
          %dma_wait3A_481 = arith.constant 0 : i32
          %dma_wait3A_482 = arith.constant 0 : i32
          %dma_wait3A_483 = arith.constant 0 : i32
          %dma_wait3A_484 = tpu.memref_slice %arg9[%dma_wait3A_480, %dma_wait3A_482, %dma_wait3A_483] : memref<4x128x80xf32, #tpu.memory_space<vmem>> -> memref<1x128x80xf32, #tpu.memory_space<vmem>>
          %dma_wait3A_485 = tpu.memref_squeeze %dma_wait3A_484 : memref<1x128x80xf32, #tpu.memory_space<vmem>> -> memref<128x80xf32, #tpu.memory_space<vmem>>
          %dma_wait3A_486 = arith.constant 0 : i32
          %dma_wait3A_487 = tpu.memref_slice %arg6[%add3A_479, %dma_wait3A_486] : memref<163840x80xf32, #tpu.memory_space<hbm>> -> memref<128x80xf32, #tpu.memory_space<hbm>>
          %dma_wait3A_488 = tpu.memref_slice %arg12[%dma_wait3A_481] : memref<4x!tpu.dma_semaphore, #tpu.memory_space<semaphore_mem>> -> memref<1x!tpu.dma_semaphore, #tpu.memory_space<semaphore_mem>>
          %dma_wait3A_489 = tpu.memref_squeeze %dma_wait3A_488 : memref<1x!tpu.dma_semaphore, #tpu.memory_space<semaphore_mem>> -> memref<!tpu.dma_semaphore, #tpu.memory_space<semaphore_mem>>
          %dma_wait3A_490 = arith.constant 0 : i32
          %dma_wait3A_491 = tpu.memref_slice %arg6[%add3A_479, %dma_wait3A_490] : memref<163840x80xf32, #tpu.memory_space<hbm>> -> memref<128x80xf32, #tpu.memory_space<hbm>>
          %dma_wait3A_492 = arith.constant 0 : i32
          %dma_wait3A_493 = arith.constant 0 : i32
          %dma_wait3A_494 = tpu.memref_slice %arg9[%dma_wait3A_480, %dma_wait3A_492, %dma_wait3A_493] : memref<4x128x80xf32, #tpu.memory_space<vmem>> -> memref<1x128x80xf32, #tpu.memory_space<vmem>>
          %dma_wait3A_495 = tpu.memref_squeeze %dma_wait3A_494 : memref<1x128x80xf32, #tpu.memory_space<vmem>> -> memref<128x80xf32, #tpu.memory_space<vmem>>
          tpu.wait_dma2 semaphore(%dma_wait3A_489 : memref<!tpu.dma_semaphore, #tpu.memory_space<semaphore_mem>>) src(%dma_wait3A_495 : memref<128x80xf32, #tpu.memory_space<vmem>>) dst(%dma_wait3A_491 : memref<128x80xf32, #tpu.memory_space<hbm>>)
        } else {
        }
        %add3A_444 = arith.constant 3 : i32
        %add3A_445 = arith.addi %add3A_245, %add3A_444 : i32
        %dma_start3A_446 = arith.constant 0 : i32
        %dma_start3A_447 = arith.constant 0 : i32
        %dma_start3A_448 = arith.constant 0 : i32
        %dma_start3A_449 = arith.constant 0 : i32
        %dma_start3A_450 = tpu.memref_slice %arg9[%dma_start3A_446, %dma_start3A_448, %dma_start3A_449] : memref<4x128x80xf32, #tpu.memory_space<vmem>> -> memref<1x128x80xf32, #tpu.memory_space<vmem>>
        %dma_start3A_451 = tpu.memref_squeeze %dma_start3A_450 : memref<1x128x80xf32, #tpu.memory_space<vmem>> -> memref<128x80xf32, #tpu.memory_space<vmem>>
        %dma_start3A_452 = arith.constant 0 : i32
        %dma_start3A_453 = tpu.memref_slice %arg7[%add3A_445, %dma_start3A_452] : memref<40x128xi32, #tpu.memory_space<vmem>> -> memref<1x128xi32, #tpu.memory_space<vmem>>
        %dma_start3A_454 = tpu.memref_squeeze %dma_start3A_453 : memref<1x128xi32, #tpu.memory_space<vmem>> -> memref<128xi32, #tpu.memory_space<vmem>>
        %dma_start3A_455 = arith.constant 0 : i32
        %dma_start3A_456 = arith.constant 0 : i32
        %dma_start3A_457 = tpu.memref_slice %arg2[%dma_start3A_455, %dma_start3A_456] : memref<10240x80xf32, #tpu.memory_space<hbm>> -> memref<10240x80xf32, #tpu.memory_space<hbm>>
        %dma_start3A_458 = tpu.memref_slice %arg11[%dma_start3A_447] : memref<4x!tpu.dma_semaphore, #tpu.memory_space<semaphore_mem>> -> memref<1x!tpu.dma_semaphore, #tpu.memory_space<semaphore_mem>>
        %dma_start3A_459 = tpu.memref_squeeze %dma_start3A_458 : memref<1x!tpu.dma_semaphore, #tpu.memory_space<semaphore_mem>> -> memref<!tpu.dma_semaphore, #tpu.memory_space<semaphore_mem>>
        tpu.enqueue_indirect_dma source(%dma_start3A_457 : memref<10240x80xf32, #tpu.memory_space<hbm>>) target(%dma_start3A_451 : memref<128x80xf32, #tpu.memory_space<vmem>>) offsets(%dma_start3A_454 : memref<128xi32, #tpu.memory_space<vmem>>) semaphore(%dma_start3A_459 : memref<!tpu.dma_semaphore, #tpu.memory_space<semaphore_mem>>)
        %dma_start3A_460 = arith.constant 0 : i32
        %dma_start3A_461 = arith.constant 0 : i32
        %dma_start3A_462 = arith.constant 0 : i32
        %dma_start3A_463 = arith.constant 0 : i32
        %dma_start3A_464 = tpu.memref_slice %arg10[%dma_start3A_460, %dma_start3A_462, %dma_start3A_463] : memref<4x128x80xf32, #tpu.memory_space<vmem>> -> memref<1x128x80xf32, #tpu.memory_space<vmem>>
        %dma_start3A_465 = tpu.memref_squeeze %dma_start3A_464 : memref<1x128x80xf32, #tpu.memory_space<vmem>> -> memref<128x80xf32, #tpu.memory_space<vmem>>
        %dma_start3A_466 = arith.constant 0 : i32
        %dma_start3A_467 = tpu.memref_slice %arg8[%add3A_445, %dma_start3A_466] : memref<40x128xi32, #tpu.memory_space<vmem>> -> memref<1x128xi32, #tpu.memory_space<vmem>>
        %dma_start3A_468 = tpu.memref_squeeze %dma_start3A_467 : memref<1x128xi32, #tpu.memory_space<vmem>> -> memref<128xi32, #tpu.memory_space<vmem>>
        %dma_start3A_469 = arith.constant 0 : i32
        %dma_start3A_470 = arith.constant 0 : i32
        %dma_start3A_471 = tpu.memref_slice %arg3[%dma_start3A_469, %dma_start3A_470] : memref<10240x80xf32, #tpu.memory_space<hbm>> -> memref<10240x80xf32, #tpu.memory_space<hbm>>
        %dma_start3A_472 = tpu.memref_slice %arg11[%dma_start3A_461] : memref<4x!tpu.dma_semaphore, #tpu.memory_space<semaphore_mem>> -> memref<1x!tpu.dma_semaphore, #tpu.memory_space<semaphore_mem>>
        %dma_start3A_473 = tpu.memref_squeeze %dma_start3A_472 : memref<1x!tpu.dma_semaphore, #tpu.memory_space<semaphore_mem>> -> memref<!tpu.dma_semaphore, #tpu.memory_space<semaphore_mem>>
        tpu.enqueue_indirect_dma source(%dma_start3A_471 : memref<10240x80xf32, #tpu.memory_space<hbm>>) target(%dma_start3A_465 : memref<128x80xf32, #tpu.memory_space<vmem>>) offsets(%dma_start3A_468 : memref<128xi32, #tpu.memory_space<vmem>>) semaphore(%dma_start3A_473 : memref<!tpu.dma_semaphore, #tpu.memory_space<semaphore_mem>>)
      } else {
      }
      %mul3A_308 = arith.constant 4 : i32
      %mul3A_309 = arith.muli %scan3A_178, %mul3A_308 : i32
      %add3A_310 = arith.constant 2 : i32
      %add3A_311 = arith.addi %mul3A_309, %add3A_310 : i32
      %dma_wait3A_312 = arith.constant 2 : i32
      %dma_wait3A_313 = arith.constant 2 : i32
      %dma_wait3A_314 = arith.constant 0 : i32
      %dma_wait3A_315 = arith.constant 0 : i32
      %dma_wait3A_316 = tpu.memref_slice %arg9[%dma_wait3A_312, %dma_wait3A_314, %dma_wait3A_315] : memref<4x128x80xf32, #tpu.memory_space<vmem>> -> memref<1x128x80xf32, #tpu.memory_space<vmem>>
      %dma_wait3A_317 = tpu.memref_squeeze %dma_wait3A_316 : memref<1x128x80xf32, #tpu.memory_space<vmem>> -> memref<128x80xf32, #tpu.memory_space<vmem>>
      %dma_wait3A_318 = arith.constant 0 : i32
      %dma_wait3A_319 = tpu.memref_slice %arg7[%add3A_311, %dma_wait3A_318] : memref<40x128xi32, #tpu.memory_space<vmem>> -> memref<1x128xi32, #tpu.memory_space<vmem>>
      %dma_wait3A_320 = tpu.memref_squeeze %dma_wait3A_319 : memref<1x128xi32, #tpu.memory_space<vmem>> -> memref<128xi32, #tpu.memory_space<vmem>>
      %dma_wait3A_321 = arith.constant 0 : i32
      %dma_wait3A_322 = arith.constant 0 : i32
      %dma_wait3A_323 = tpu.memref_slice %arg2[%dma_wait3A_321, %dma_wait3A_322] : memref<10240x80xf32, #tpu.memory_space<hbm>> -> memref<10240x80xf32, #tpu.memory_space<hbm>>
      %dma_wait3A_324 = tpu.memref_slice %arg11[%dma_wait3A_313] : memref<4x!tpu.dma_semaphore, #tpu.memory_space<semaphore_mem>> -> memref<1x!tpu.dma_semaphore, #tpu.memory_space<semaphore_mem>>
      %dma_wait3A_325 = tpu.memref_squeeze %dma_wait3A_324 : memref<1x!tpu.dma_semaphore, #tpu.memory_space<semaphore_mem>> -> memref<!tpu.dma_semaphore, #tpu.memory_space<semaphore_mem>>
      tpu.wait_indirect_dma semaphore(%dma_wait3A_325 : memref<!tpu.dma_semaphore, #tpu.memory_space<semaphore_mem>>) src(%dma_wait3A_323 : memref<10240x80xf32, #tpu.memory_space<hbm>>) dst(%dma_wait3A_317 : memref<128x80xf32, #tpu.memory_space<vmem>>)
      %dma_wait3A_326 = arith.constant 2 : i32
      %dma_wait3A_327 = arith.constant 2 : i32
      %dma_wait3A_328 = arith.constant 0 : i32
      %dma_wait3A_329 = arith.constant 0 : i32
      %dma_wait3A_330 = tpu.memref_slice %arg10[%dma_wait3A_326, %dma_wait3A_328, %dma_wait3A_329] : memref<4x128x80xf32, #tpu.memory_space<vmem>> -> memref<1x128x80xf32, #tpu.memory_space<vmem>>
      %dma_wait3A_331 = tpu.memref_squeeze %dma_wait3A_330 : memref<1x128x80xf32, #tpu.memory_space<vmem>> -> memref<128x80xf32, #tpu.memory_space<vmem>>
      %dma_wait3A_332 = arith.constant 0 : i32
      %dma_wait3A_333 = tpu.memref_slice %arg8[%add3A_311, %dma_wait3A_332] : memref<40x128xi32, #tpu.memory_space<vmem>> -> memref<1x128xi32, #tpu.memory_space<vmem>>
      %dma_wait3A_334 = tpu.memref_squeeze %dma_wait3A_333 : memref<1x128xi32, #tpu.memory_space<vmem>> -> memref<128xi32, #tpu.memory_space<vmem>>
      %dma_wait3A_335 = arith.constant 0 : i32
      %dma_wait3A_336 = arith.constant 0 : i32
      %dma_wait3A_337 = tpu.memref_slice %arg3[%dma_wait3A_335, %dma_wait3A_336] : memref<10240x80xf32, #tpu.memory_space<hbm>> -> memref<10240x80xf32, #tpu.memory_space<hbm>>
      %dma_wait3A_338 = tpu.memref_slice %arg11[%dma_wait3A_327] : memref<4x!tpu.dma_semaphore, #tpu.memory_space<semaphore_mem>> -> memref<1x!tpu.dma_semaphore, #tpu.memory_space<semaphore_mem>>
      %dma_wait3A_339 = tpu.memref_squeeze %dma_wait3A_338 : memref<1x!tpu.dma_semaphore, #tpu.memory_space<semaphore_mem>> -> memref<!tpu.dma_semaphore, #tpu.memory_space<semaphore_mem>>
      tpu.wait_indirect_dma semaphore(%dma_wait3A_339 : memref<!tpu.dma_semaphore, #tpu.memory_space<semaphore_mem>>) src(%dma_wait3A_337 : memref<10240x80xf32, #tpu.memory_space<hbm>>) dst(%dma_wait3A_331 : memref<128x80xf32, #tpu.memory_space<vmem>>)
      %scan3A_340 = arith.constant 0 : i32
      %scan3A_341 = arith.constant 0 : i32
      %scan3A_342 = arith.constant 128 : i32
      %scan3A_343 = arith.addi %scan3A_341, %scan3A_342 : i32
      %scan3A_344 = arith.constant 2 : i32
      scf.for %scan3A_440 = %scan3A_341 to %scan3A_343 step %scan3A_344  : i32 {
        %get3A = arith.constant 2 : i32
        %get3A_441 = arith.index_cast %get3A : i32 to index
        %get3A_442 = arith.index_cast %scan3A_440 : i32 to index
        %get3A_443 = arith.constant 0 : index
        %get3A_444 = tpu.vector_load %arg9[%get3A_441, %get3A_442, %get3A_443] {strides = array<i32>} : memref<4x128x80xf32, #tpu.memory_space<vmem>>, vector<1x1x16xf32>,
        %get3A_445 = vector.shape_cast %get3A_444 : vector<1x1x16xf32> to vector<16xf32>
        %get3A_446 = arith.constant 2 : i32
        %get3A_447 = arith.index_cast %get3A_446 : i32 to index
        %get3A_448 = arith.index_cast %scan3A_440 : i32 to index
        %get3A_449 = arith.constant 0 : index
        %get3A_450 = tpu.vector_load %arg10[%get3A_447, %get3A_448, %get3A_449] {strides = array<i32>} : memref<4x128x80xf32, #tpu.memory_space<vmem>>, vector<1x1x16xf32>,
        %get3A_451 = vector.shape_cast %get3A_450 : vector<1x1x16xf32> to vector<16xf32>
        %add3A_452 = arith.addf %get3A_445, %get3A_451 : vector<16xf32>
        %swap3A = arith.constant 2 : i32
        %swap3A_453 = arith.index_cast %swap3A : i32 to index
        %swap3A_454 = arith.index_cast %scan3A_440 : i32 to index
        %swap3A_455 = arith.constant 0 : index
        %swap3A_456 = tpu.vector_load %arg9[%swap3A_453, %swap3A_454, %swap3A_455] {strides = array<i32>} : memref<4x128x80xf32, #tpu.memory_space<vmem>>, vector<1x1x16xf32>,
        %swap3A_457 = vector.shape_cast %swap3A_456 : vector<1x1x16xf32> to vector<16xf32>
        %swap3A_458 = vector.shape_cast %add3A_452 : vector<16xf32> to vector<1x1x16xf32>
        tpu.vector_store %arg9[%swap3A_453, %swap3A_454, %swap3A_455], %swap3A_458 {strides = array<i32>} : memref<4x128x80xf32, #tpu.memory_space<vmem>>, vector<1x1x16xf32>,
        %get3A_459 = arith.constant 2 : i32
        %get3A_460 = arith.index_cast %get3A_459 : i32 to index
        %get3A_461 = arith.index_cast %scan3A_440 : i32 to index
        %get3A_462 = arith.constant 16 : index
        %get3A_463 = tpu.vector_load %arg9[%get3A_460, %get3A_461, %get3A_462] {strides = array<i32>} : memref<4x128x80xf32, #tpu.memory_space<vmem>>, vector<1x1x16xf32>,
        %get3A_464 = vector.shape_cast %get3A_463 : vector<1x1x16xf32> to vector<16xf32>
        %get3A_465 = arith.constant 2 : i32
        %get3A_466 = arith.index_cast %get3A_465 : i32 to index
        %get3A_467 = arith.index_cast %scan3A_440 : i32 to index
        %get3A_468 = arith.constant 16 : index
        %get3A_469 = tpu.vector_load %arg10[%get3A_466, %get3A_467, %get3A_468] {strides = array<i32>} : memref<4x128x80xf32, #tpu.memory_space<vmem>>, vector<1x1x16xf32>,
        %get3A_470 = vector.shape_cast %get3A_469 : vector<1x1x16xf32> to vector<16xf32>
        %add3A_471 = arith.addf %get3A_464, %get3A_470 : vector<16xf32>
        %swap3A_472 = arith.constant 2 : i32
        %swap3A_473 = arith.index_cast %swap3A_472 : i32 to index
        %swap3A_474 = arith.index_cast %scan3A_440 : i32 to index
        %swap3A_475 = arith.constant 16 : index
        %swap3A_476 = tpu.vector_load %arg9[%swap3A_473, %swap3A_474, %swap3A_475] {strides = array<i32>} : memref<4x128x80xf32, #tpu.memory_space<vmem>>, vector<1x1x16xf32>,
        %swap3A_477 = vector.shape_cast %swap3A_476 : vector<1x1x16xf32> to vector<16xf32>
        %swap3A_478 = vector.shape_cast %add3A_471 : vector<16xf32> to vector<1x1x16xf32>
        tpu.vector_store %arg9[%swap3A_473, %swap3A_474, %swap3A_475], %swap3A_478 {strides = array<i32>} : memref<4x128x80xf32, #tpu.memory_space<vmem>>, vector<1x1x16xf32>,
        %get3A_479 = arith.constant 2 : i32
        %get3A_480 = arith.index_cast %get3A_479 : i32 to index
        %get3A_481 = arith.index_cast %scan3A_440 : i32 to index
        %get3A_482 = arith.constant 32 : index
        %get3A_483 = tpu.vector_load %arg9[%get3A_480, %get3A_481, %get3A_482] {strides = array<i32>} : memref<4x128x80xf32, #tpu.memory_space<vmem>>, vector<1x1x16xf32>,
        %get3A_484 = vector.shape_cast %get3A_483 : vector<1x1x16xf32> to vector<16xf32>
        %get3A_485 = arith.constant 2 : i32
        %get3A_486 = arith.index_cast %get3A_485 : i32 to index
        %get3A_487 = arith.index_cast %scan3A_440 : i32 to index
        %get3A_488 = arith.constant 32 : index
        %get3A_489 = tpu.vector_load %arg10[%get3A_486, %get3A_487, %get3A_488] {strides = array<i32>} : memref<4x128x80xf32, #tpu.memory_space<vmem>>, vector<1x1x16xf32>,
        %get3A_490 = vector.shape_cast %get3A_489 : vector<1x1x16xf32> to vector<16xf32>
        %add3A_491 = arith.addf %get3A_484, %get3A_490 : vector<16xf32>
        %swap3A_492 = arith.constant 2 : i32
        %swap3A_493 = arith.index_cast %swap3A_492 : i32 to index
        %swap3A_494 = arith.index_cast %scan3A_440 : i32 to index
        %swap3A_495 = arith.constant 32 : index
        %swap3A_496 = tpu.vector_load %arg9[%swap3A_493, %swap3A_494, %swap3A_495] {strides = array<i32>} : memref<4x128x80xf32, #tpu.memory_space<vmem>>, vector<1x1x16xf32>,
        %swap3A_497 = vector.shape_cast %swap3A_496 : vector<1x1x16xf32> to vector<16xf32>
        %swap3A_498 = vector.shape_cast %add3A_491 : vector<16xf32> to vector<1x1x16xf32>
        tpu.vector_store %arg9[%swap3A_493, %swap3A_494, %swap3A_495], %swap3A_498 {strides = array<i32>} : memref<4x128x80xf32, #tpu.memory_space<vmem>>, vector<1x1x16xf32>,
        %get3A_499 = arith.constant 2 : i32
        %get3A_500 = arith.index_cast %get3A_499 : i32 to index
        %get3A_501 = arith.index_cast %scan3A_440 : i32 to index
        %get3A_502 = arith.constant 48 : index
        %get3A_503 = tpu.vector_load %arg9[%get3A_500, %get3A_501, %get3A_502] {strides = array<i32>} : memref<4x128x80xf32, #tpu.memory_space<vmem>>, vector<1x1x16xf32>,
        %get3A_504 = vector.shape_cast %get3A_503 : vector<1x1x16xf32> to vector<16xf32>
        %get3A_505 = arith.constant 2 : i32
        %get3A_506 = arith.index_cast %get3A_505 : i32 to index
        %get3A_507 = arith.index_cast %scan3A_440 : i32 to index
        %get3A_508 = arith.constant 48 : index
        %get3A_509 = tpu.vector_load %arg10[%get3A_506, %get3A_507, %get3A_508] {strides = array<i32>} : memref<4x128x80xf32, #tpu.memory_space<vmem>>, vector<1x1x16xf32>,
        %get3A_510 = vector.shape_cast %get3A_509 : vector<1x1x16xf32> to vector<16xf32>
        %add3A_511 = arith.addf %get3A_504, %get3A_510 : vector<16xf32>
        %swap3A_512 = arith.constant 2 : i32
        %swap3A_513 = arith.index_cast %swap3A_512 : i32 to index
        %swap3A_514 = arith.index_cast %scan3A_440 : i32 to index
        %swap3A_515 = arith.constant 48 : index
        %swap3A_516 = tpu.vector_load %arg9[%swap3A_513, %swap3A_514, %swap3A_515] {strides = array<i32>} : memref<4x128x80xf32, #tpu.memory_space<vmem>>, vector<1x1x16xf32>,
        %swap3A_517 = vector.shape_cast %swap3A_516 : vector<1x1x16xf32> to vector<16xf32>
        %swap3A_518 = vector.shape_cast %add3A_511 : vector<16xf32> to vector<1x1x16xf32>
        tpu.vector_store %arg9[%swap3A_513, %swap3A_514, %swap3A_515], %swap3A_518 {strides = array<i32>} : memref<4x128x80xf32, #tpu.memory_space<vmem>>, vector<1x1x16xf32>,
        %get3A_519 = arith.constant 2 : i32
        %get3A_520 = arith.index_cast %get3A_519 : i32 to index
        %get3A_521 = arith.index_cast %scan3A_440 : i32 to index
        %get3A_522 = arith.constant 64 : index
        %get3A_523 = tpu.vector_load %arg9[%get3A_520, %get3A_521, %get3A_522] {strides = array<i32>} : memref<4x128x80xf32, #tpu.memory_space<vmem>>, vector<1x1x16xf32>,
        %get3A_524 = vector.shape_cast %get3A_523 : vector<1x1x16xf32> to vector<16xf32>
        %get3A_525 = arith.constant 2 : i32
        %get3A_526 = arith.index_cast %get3A_525 : i32 to index
        %get3A_527 = arith.index_cast %scan3A_440 : i32 to index
        %get3A_528 = arith.constant 64 : index
        %get3A_529 = tpu.vector_load %arg10[%get3A_526, %get3A_527, %get3A_528] {strides = array<i32>} : memref<4x128x80xf32, #tpu.memory_space<vmem>>, vector<1x1x16xf32>,
        %get3A_530 = vector.shape_cast %get3A_529 : vector<1x1x16xf32> to vector<16xf32>
        %add3A_531 = arith.addf %get3A_524, %get3A_530 : vector<16xf32>
        %swap3A_532 = arith.constant 2 : i32
        %swap3A_533 = arith.index_cast %swap3A_532 : i32 to index
        %swap3A_534 = arith.index_cast %scan3A_440 : i32 to index
        %swap3A_535 = arith.constant 64 : index
        %swap3A_536 = tpu.vector_load %arg9[%swap3A_533, %swap3A_534, %swap3A_535] {strides = array<i32>} : memref<4x128x80xf32, #tpu.memory_space<vmem>>, vector<1x1x16xf32>,
        %swap3A_537 = vector.shape_cast %swap3A_536 : vector<1x1x16xf32> to vector<16xf32>
        %swap3A_538 = vector.shape_cast %add3A_531 : vector<16xf32> to vector<1x1x16xf32>
        tpu.vector_store %arg9[%swap3A_533, %swap3A_534, %swap3A_535], %swap3A_538 {strides = array<i32>} : memref<4x128x80xf32, #tpu.memory_space<vmem>>, vector<1x1x16xf32>,
        %scan3A_539 = arith.constant 1 : i32
        %scan3A_540 = arith.addi %scan3A_440, %scan3A_539 : i32
        %get3A_541 = arith.constant 2 : i32
        %get3A_542 = arith.index_cast %get3A_541 : i32 to index
        %get3A_543 = arith.index_cast %scan3A_540 : i32 to index
        %get3A_544 = arith.constant 0 : index
        %get3A_545 = tpu.vector_load %arg9[%get3A_542, %get3A_543, %get3A_544] {strides = array<i32>} : memref<4x128x80xf32, #tpu.memory_space<vmem>>, vector<1x1x16xf32>,
        %get3A_546 = vector.shape_cast %get3A_545 : vector<1x1x16xf32> to vector<16xf32>
        %get3A_547 = arith.constant 2 : i32
        %get3A_548 = arith.index_cast %get3A_547 : i32 to index
        %get3A_549 = arith.index_cast %scan3A_540 : i32 to index
        %get3A_550 = arith.constant 0 : index
        %get3A_551 = tpu.vector_load %arg10[%get3A_548, %get3A_549, %get3A_550] {strides = array<i32>} : memref<4x128x80xf32, #tpu.memory_space<vmem>>, vector<1x1x16xf32>,
        %get3A_552 = vector.shape_cast %get3A_551 : vector<1x1x16xf32> to vector<16xf32>
        %add3A_553 = arith.addf %get3A_546, %get3A_552 : vector<16xf32>
        %swap3A_554 = arith.constant 2 : i32
        %swap3A_555 = arith.index_cast %swap3A_554 : i32 to index
        %swap3A_556 = arith.index_cast %scan3A_540 : i32 to index
        %swap3A_557 = arith.constant 0 : index
        %swap3A_558 = tpu.vector_load %arg9[%swap3A_555, %swap3A_556, %swap3A_557] {strides = array<i32>} : memref<4x128x80xf32, #tpu.memory_space<vmem>>, vector<1x1x16xf32>,
        %swap3A_559 = vector.shape_cast %swap3A_558 : vector<1x1x16xf32> to vector<16xf32>
        %swap3A_560 = vector.shape_cast %add3A_553 : vector<16xf32> to vector<1x1x16xf32>
        tpu.vector_store %arg9[%swap3A_555, %swap3A_556, %swap3A_557], %swap3A_560 {strides = array<i32>} : memref<4x128x80xf32, #tpu.memory_space<vmem>>, vector<1x1x16xf32>,
        %get3A_561 = arith.constant 2 : i32
        %get3A_562 = arith.index_cast %get3A_561 : i32 to index
        %get3A_563 = arith.index_cast %scan3A_540 : i32 to index
        %get3A_564 = arith.constant 16 : index
        %get3A_565 = tpu.vector_load %arg9[%get3A_562, %get3A_563, %get3A_564] {strides = array<i32>} : memref<4x128x80xf32, #tpu.memory_space<vmem>>, vector<1x1x16xf32>,
        %get3A_566 = vector.shape_cast %get3A_565 : vector<1x1x16xf32> to vector<16xf32>
        %get3A_567 = arith.constant 2 : i32
        %get3A_568 = arith.index_cast %get3A_567 : i32 to index
        %get3A_569 = arith.index_cast %scan3A_540 : i32 to index
        %get3A_570 = arith.constant 16 : index
        %get3A_571 = tpu.vector_load %arg10[%get3A_568, %get3A_569, %get3A_570] {strides = array<i32>} : memref<4x128x80xf32, #tpu.memory_space<vmem>>, vector<1x1x16xf32>,
        %get3A_572 = vector.shape_cast %get3A_571 : vector<1x1x16xf32> to vector<16xf32>
        %add3A_573 = arith.addf %get3A_566, %get3A_572 : vector<16xf32>
        %swap3A_574 = arith.constant 2 : i32
        %swap3A_575 = arith.index_cast %swap3A_574 : i32 to index
        %swap3A_576 = arith.index_cast %scan3A_540 : i32 to index
        %swap3A_577 = arith.constant 16 : index
        %swap3A_578 = tpu.vector_load %arg9[%swap3A_575, %swap3A_576, %swap3A_577] {strides = array<i32>} : memref<4x128x80xf32, #tpu.memory_space<vmem>>, vector<1x1x16xf32>,
        %swap3A_579 = vector.shape_cast %swap3A_578 : vector<1x1x16xf32> to vector<16xf32>
        %swap3A_580 = vector.shape_cast %add3A_573 : vector<16xf32> to vector<1x1x16xf32>
        tpu.vector_store %arg9[%swap3A_575, %swap3A_576, %swap3A_577], %swap3A_580 {strides = array<i32>} : memref<4x128x80xf32, #tpu.memory_space<vmem>>, vector<1x1x16xf32>,
        %get3A_581 = arith.constant 2 : i32
        %get3A_582 = arith.index_cast %get3A_581 : i32 to index
        %get3A_583 = arith.index_cast %scan3A_540 : i32 to index
        %get3A_584 = arith.constant 32 : index
        %get3A_585 = tpu.vector_load %arg9[%get3A_582, %get3A_583, %get3A_584] {strides = array<i32>} : memref<4x128x80xf32, #tpu.memory_space<vmem>>, vector<1x1x16xf32>,
        %get3A_586 = vector.shape_cast %get3A_585 : vector<1x1x16xf32> to vector<16xf32>
        %get3A_587 = arith.constant 2 : i32
        %get3A_588 = arith.index_cast %get3A_587 : i32 to index
        %get3A_589 = arith.index_cast %scan3A_540 : i32 to index
        %get3A_590 = arith.constant 32 : index
        %get3A_591 = tpu.vector_load %arg10[%get3A_588, %get3A_589, %get3A_590] {strides = array<i32>} : memref<4x128x80xf32, #tpu.memory_space<vmem>>, vector<1x1x16xf32>,
        %get3A_592 = vector.shape_cast %get3A_591 : vector<1x1x16xf32> to vector<16xf32>
        %add3A_593 = arith.addf %get3A_586, %get3A_592 : vector<16xf32>
        %swap3A_594 = arith.constant 2 : i32
        %swap3A_595 = arith.index_cast %swap3A_594 : i32 to index
        %swap3A_596 = arith.index_cast %scan3A_540 : i32 to index
        %swap3A_597 = arith.constant 32 : index
        %swap3A_598 = tpu.vector_load %arg9[%swap3A_595, %swap3A_596, %swap3A_597] {strides = array<i32>} : memref<4x128x80xf32, #tpu.memory_space<vmem>>, vector<1x1x16xf32>,
        %swap3A_599 = vector.shape_cast %swap3A_598 : vector<1x1x16xf32> to vector<16xf32>
        %swap3A_600 = vector.shape_cast %add3A_593 : vector<16xf32> to vector<1x1x16xf32>
        tpu.vector_store %arg9[%swap3A_595, %swap3A_596, %swap3A_597], %swap3A_600 {strides = array<i32>} : memref<4x128x80xf32, #tpu.memory_space<vmem>>, vector<1x1x16xf32>,
        %get3A_601 = arith.constant 2 : i32
        %get3A_602 = arith.index_cast %get3A_601 : i32 to index
        %get3A_603 = arith.index_cast %scan3A_540 : i32 to index
        %get3A_604 = arith.constant 48 : index
        %get3A_605 = tpu.vector_load %arg9[%get3A_602, %get3A_603, %get3A_604] {strides = array<i32>} : memref<4x128x80xf32, #tpu.memory_space<vmem>>, vector<1x1x16xf32>,
        %get3A_606 = vector.shape_cast %get3A_605 : vector<1x1x16xf32> to vector<16xf32>
        %get3A_607 = arith.constant 2 : i32
        %get3A_608 = arith.index_cast %get3A_607 : i32 to index
        %get3A_609 = arith.index_cast %scan3A_540 : i32 to index
        %get3A_610 = arith.constant 48 : index
        %get3A_611 = tpu.vector_load %arg10[%get3A_608, %get3A_609, %get3A_610] {strides = array<i32>} : memref<4x128x80xf32, #tpu.memory_space<vmem>>, vector<1x1x16xf32>,
        %get3A_612 = vector.shape_cast %get3A_611 : vector<1x1x16xf32> to vector<16xf32>
        %add3A_613 = arith.addf %get3A_606, %get3A_612 : vector<16xf32>
        %swap3A_614 = arith.constant 2 : i32
        %swap3A_615 = arith.index_cast %swap3A_614 : i32 to index
        %swap3A_616 = arith.index_cast %scan3A_540 : i32 to index
        %swap3A_617 = arith.constant 48 : index
        %swap3A_618 = tpu.vector_load %arg9[%swap3A_615, %swap3A_616, %swap3A_617] {strides = array<i32>} : memref<4x128x80xf32, #tpu.memory_space<vmem>>, vector<1x1x16xf32>,
        %swap3A_619 = vector.shape_cast %swap3A_618 : vector<1x1x16xf32> to vector<16xf32>
        %swap3A_620 = vector.shape_cast %add3A_613 : vector<16xf32> to vector<1x1x16xf32>
        tpu.vector_store %arg9[%swap3A_615, %swap3A_616, %swap3A_617], %swap3A_620 {strides = array<i32>} : memref<4x128x80xf32, #tpu.memory_space<vmem>>, vector<1x1x16xf32>,
        %get3A_621 = arith.constant 2 : i32
        %get3A_622 = arith.index_cast %get3A_621 : i32 to index
        %get3A_623 = arith.index_cast %scan3A_540 : i32 to index
        %get3A_624 = arith.constant 64 : index
        %get3A_625 = tpu.vector_load %arg9[%get3A_622, %get3A_623, %get3A_624] {strides = array<i32>} : memref<4x128x80xf32, #tpu.memory_space<vmem>>, vector<1x1x16xf32>,
        %get3A_626 = vector.shape_cast %get3A_625 : vector<1x1x16xf32> to vector<16xf32>
        %get3A_627 = arith.constant 2 : i32
        %get3A_628 = arith.index_cast %get3A_627 : i32 to index
        %get3A_629 = arith.index_cast %scan3A_540 : i32 to index
        %get3A_630 = arith.constant 64 : index
        %get3A_631 = tpu.vector_load %arg10[%get3A_628, %get3A_629, %get3A_630] {strides = array<i32>} : memref<4x128x80xf32, #tpu.memory_space<vmem>>, vector<1x1x16xf32>,
        %get3A_632 = vector.shape_cast %get3A_631 : vector<1x1x16xf32> to vector<16xf32>
        %add3A_633 = arith.addf %get3A_626, %get3A_632 : vector<16xf32>
        %swap3A_634 = arith.constant 2 : i32
        %swap3A_635 = arith.index_cast %swap3A_634 : i32 to index
        %swap3A_636 = arith.index_cast %scan3A_540 : i32 to index
        %swap3A_637 = arith.constant 64 : index
        %swap3A_638 = tpu.vector_load %arg9[%swap3A_635, %swap3A_636, %swap3A_637] {strides = array<i32>} : memref<4x128x80xf32, #tpu.memory_space<vmem>>, vector<1x1x16xf32>,
        %swap3A_639 = vector.shape_cast %swap3A_638 : vector<1x1x16xf32> to vector<16xf32>
        %swap3A_640 = vector.shape_cast %add3A_633 : vector<16xf32> to vector<1x1x16xf32>
        tpu.vector_store %arg9[%swap3A_635, %swap3A_636, %swap3A_637], %swap3A_640 {strides = array<i32>} : memref<4x128x80xf32, #tpu.memory_space<vmem>>, vector<1x1x16xf32>,
      }
      %scan3A_345 = arith.constant 128 : i32
      %mul3A_346 = arith.constant 5120 : i32
      %mul3A_347 = arith.muli %add3A, %mul3A_346 : i32
      %mul3A_348 = arith.constant 128 : i32
      %mul3A_349 = arith.muli %add3A_311, %mul3A_348 : i32
      %add3A_350 = arith.addi %mul3A_347, %mul3A_349 : i32
      %dma_start3A_351 = arith.constant 2 : i32
      %dma_start3A_352 = arith.constant 2 : i32
      %dma_start3A_353 = arith.constant 0 : i32
      %dma_start3A_354 = arith.constant 0 : i32
      %dma_start3A_355 = tpu.memref_slice %arg9[%dma_start3A_351, %dma_start3A_353, %dma_start3A_354] : memref<4x128x80xf32, #tpu.memory_space<vmem>> -> memref<1x128x80xf32, #tpu.memory_space<vmem>>
      %dma_start3A_356 = tpu.memref_squeeze %dma_start3A_355 : memref<1x128x80xf32, #tpu.memory_space<vmem>> -> memref<128x80xf32, #tpu.memory_space<vmem>>
      %dma_start3A_357 = arith.constant 0 : i32
      %dma_start3A_358 = tpu.memref_slice %arg6[%add3A_350, %dma_start3A_357] : memref<163840x80xf32, #tpu.memory_space<hbm>> -> memref<128x80xf32, #tpu.memory_space<hbm>>
      %dma_start3A_359 = tpu.memref_slice %arg12[%dma_start3A_352] : memref<4x!tpu.dma_semaphore, #tpu.memory_space<semaphore_mem>> -> memref<1x!tpu.dma_semaphore, #tpu.memory_space<semaphore_mem>>
      %dma_start3A_360 = tpu.memref_squeeze %dma_start3A_359 : memref<1x!tpu.dma_semaphore, #tpu.memory_space<semaphore_mem>> -> memref<!tpu.dma_semaphore, #tpu.memory_space<semaphore_mem>>
      %dma_start3A_361 = arith.constant 0 : i32
      %dma_start3A_362 = tpu.memref_slice %arg6[%add3A_350, %dma_start3A_361] : memref<163840x80xf32, #tpu.memory_space<hbm>> -> memref<128x80xf32, #tpu.memory_space<hbm>>
      %dma_start3A_363 = arith.constant 0 : i32
      %dma_start3A_364 = arith.constant 0 : i32
      %dma_start3A_365 = tpu.memref_slice %arg9[%dma_start3A_351, %dma_start3A_363, %dma_start3A_364] : memref<4x128x80xf32, #tpu.memory_space<vmem>> -> memref<1x128x80xf32, #tpu.memory_space<vmem>>
      %dma_start3A_366 = tpu.memref_squeeze %dma_start3A_365 : memref<1x128x80xf32, #tpu.memory_space<vmem>> -> memref<128x80xf32, #tpu.memory_space<vmem>>
      tpu.enqueue_dma source(%dma_start3A_366 : memref<128x80xf32, #tpu.memory_space<vmem>>) target(%dma_start3A_362 : memref<128x80xf32, #tpu.memory_space<hbm>>) target_semaphore(%dma_start3A_360 : memref<!tpu.dma_semaphore, #tpu.memory_space<semaphore_mem>>)
      %add3A_367 = arith.constant 3 : i32
      %add3A_368 = arith.addi %add3A_311, %add3A_367 : i32
      %lt3A_369 = arith.constant 40 : i32
      %lt3A_370 = arith.cmpi slt, %add3A_368, %lt3A_369 : i32
      %convert_element_type3A_371 = arith.extui %lt3A_370 : i1 to i32
      %cond3A_372 = arith.constant 0 : i32
      %cond3A_373 = arith.cmpi ne, %convert_element_type3A_371, %cond3A_372 : i32
      scf.if %cond3A_373 {
        %ge3A = arith.constant 1 : i32
        %ge3A_440 = arith.cmpi sge, %add3A_311, %ge3A : i32
        %convert_element_type3A_441 = arith.extui %ge3A_440 : i1 to i32
        %cond3A_442 = arith.constant 0 : i32
        %cond3A_443 = arith.cmpi ne, %convert_element_type3A_441, %cond3A_442 : i32
        scf.if %cond3A_443 {
          %sub3A = arith.constant 1 : i32
          %sub3A_474 = arith.subi %add3A_311, %sub3A : i32
          %mul3A_475 = arith.constant 5120 : i32
          %mul3A_476 = arith.muli %add3A, %mul3A_475 : i32
          %mul3A_477 = arith.constant 128 : i32
          %mul3A_478 = arith.muli %sub3A_474, %mul3A_477 : i32
          %add3A_479 = arith.addi %mul3A_476, %mul3A_478 : i32
          %dma_wait3A_480 = arith.constant 1 : i32
          %dma_wait3A_481 = arith.constant 1 : i32
          %dma_wait3A_482 = arith.constant 0 : i32
          %dma_wait3A_483 = arith.constant 0 : i32
          %dma_wait3A_484 = tpu.memref_slice %arg9[%dma_wait3A_480, %dma_wait3A_482, %dma_wait3A_483] : memref<4x128x80xf32, #tpu.memory_space<vmem>> -> memref<1x128x80xf32, #tpu.memory_space<vmem>>
          %dma_wait3A_485 = tpu.memref_squeeze %dma_wait3A_484 : memref<1x128x80xf32, #tpu.memory_space<vmem>> -> memref<128x80xf32, #tpu.memory_space<vmem>>
          %dma_wait3A_486 = arith.constant 0 : i32
          %dma_wait3A_487 = tpu.memref_slice %arg6[%add3A_479, %dma_wait3A_486] : memref<163840x80xf32, #tpu.memory_space<hbm>> -> memref<128x80xf32, #tpu.memory_space<hbm>>
          %dma_wait3A_488 = tpu.memref_slice %arg12[%dma_wait3A_481] : memref<4x!tpu.dma_semaphore, #tpu.memory_space<semaphore_mem>> -> memref<1x!tpu.dma_semaphore, #tpu.memory_space<semaphore_mem>>
          %dma_wait3A_489 = tpu.memref_squeeze %dma_wait3A_488 : memref<1x!tpu.dma_semaphore, #tpu.memory_space<semaphore_mem>> -> memref<!tpu.dma_semaphore, #tpu.memory_space<semaphore_mem>>
          %dma_wait3A_490 = arith.constant 0 : i32
          %dma_wait3A_491 = tpu.memref_slice %arg6[%add3A_479, %dma_wait3A_490] : memref<163840x80xf32, #tpu.memory_space<hbm>> -> memref<128x80xf32, #tpu.memory_space<hbm>>
          %dma_wait3A_492 = arith.constant 0 : i32
          %dma_wait3A_493 = arith.constant 0 : i32
          %dma_wait3A_494 = tpu.memref_slice %arg9[%dma_wait3A_480, %dma_wait3A_492, %dma_wait3A_493] : memref<4x128x80xf32, #tpu.memory_space<vmem>> -> memref<1x128x80xf32, #tpu.memory_space<vmem>>
          %dma_wait3A_495 = tpu.memref_squeeze %dma_wait3A_494 : memref<1x128x80xf32, #tpu.memory_space<vmem>> -> memref<128x80xf32, #tpu.memory_space<vmem>>
          tpu.wait_dma2 semaphore(%dma_wait3A_489 : memref<!tpu.dma_semaphore, #tpu.memory_space<semaphore_mem>>) src(%dma_wait3A_495 : memref<128x80xf32, #tpu.memory_space<vmem>>) dst(%dma_wait3A_491 : memref<128x80xf32, #tpu.memory_space<hbm>>)
        } else {
        }
        %add3A_444 = arith.constant 3 : i32
        %add3A_445 = arith.addi %add3A_311, %add3A_444 : i32
        %dma_start3A_446 = arith.constant 1 : i32
        %dma_start3A_447 = arith.constant 1 : i32
        %dma_start3A_448 = arith.constant 0 : i32
        %dma_start3A_449 = arith.constant 0 : i32
        %dma_start3A_450 = tpu.memref_slice %arg9[%dma_start3A_446, %dma_start3A_448, %dma_start3A_449] : memref<4x128x80xf32, #tpu.memory_space<vmem>> -> memref<1x128x80xf32, #tpu.memory_space<vmem>>
        %dma_start3A_451 = tpu.memref_squeeze %dma_start3A_450 : memref<1x128x80xf32, #tpu.memory_space<vmem>> -> memref<128x80xf32, #tpu.memory_space<vmem>>
        %dma_start3A_452 = arith.constant 0 : i32
        %dma_start3A_453 = tpu.memref_slice %arg7[%add3A_445, %dma_start3A_452] : memref<40x128xi32, #tpu.memory_space<vmem>> -> memref<1x128xi32, #tpu.memory_space<vmem>>
        %dma_start3A_454 = tpu.memref_squeeze %dma_start3A_453 : memref<1x128xi32, #tpu.memory_space<vmem>> -> memref<128xi32, #tpu.memory_space<vmem>>
        %dma_start3A_455 = arith.constant 0 : i32
        %dma_start3A_456 = arith.constant 0 : i32
        %dma_start3A_457 = tpu.memref_slice %arg2[%dma_start3A_455, %dma_start3A_456] : memref<10240x80xf32, #tpu.memory_space<hbm>> -> memref<10240x80xf32, #tpu.memory_space<hbm>>
        %dma_start3A_458 = tpu.memref_slice %arg11[%dma_start3A_447] : memref<4x!tpu.dma_semaphore, #tpu.memory_space<semaphore_mem>> -> memref<1x!tpu.dma_semaphore, #tpu.memory_space<semaphore_mem>>
        %dma_start3A_459 = tpu.memref_squeeze %dma_start3A_458 : memref<1x!tpu.dma_semaphore, #tpu.memory_space<semaphore_mem>> -> memref<!tpu.dma_semaphore, #tpu.memory_space<semaphore_mem>>
        tpu.enqueue_indirect_dma source(%dma_start3A_457 : memref<10240x80xf32, #tpu.memory_space<hbm>>) target(%dma_start3A_451 : memref<128x80xf32, #tpu.memory_space<vmem>>) offsets(%dma_start3A_454 : memref<128xi32, #tpu.memory_space<vmem>>) semaphore(%dma_start3A_459 : memref<!tpu.dma_semaphore, #tpu.memory_space<semaphore_mem>>)
        %dma_start3A_460 = arith.constant 1 : i32
        %dma_start3A_461 = arith.constant 1 : i32
        %dma_start3A_462 = arith.constant 0 : i32
        %dma_start3A_463 = arith.constant 0 : i32
        %dma_start3A_464 = tpu.memref_slice %arg10[%dma_start3A_460, %dma_start3A_462, %dma_start3A_463] : memref<4x128x80xf32, #tpu.memory_space<vmem>> -> memref<1x128x80xf32, #tpu.memory_space<vmem>>
        %dma_start3A_465 = tpu.memref_squeeze %dma_start3A_464 : memref<1x128x80xf32, #tpu.memory_space<vmem>> -> memref<128x80xf32, #tpu.memory_space<vmem>>
        %dma_start3A_466 = arith.constant 0 : i32
        %dma_start3A_467 = tpu.memref_slice %arg8[%add3A_445, %dma_start3A_466] : memref<40x128xi32, #tpu.memory_space<vmem>> -> memref<1x128xi32, #tpu.memory_space<vmem>>
        %dma_start3A_468 = tpu.memref_squeeze %dma_start3A_467 : memref<1x128xi32, #tpu.memory_space<vmem>> -> memref<128xi32, #tpu.memory_space<vmem>>
        %dma_start3A_469 = arith.constant 0 : i32
        %dma_start3A_470 = arith.constant 0 : i32
        %dma_start3A_471 = tpu.memref_slice %arg3[%dma_start3A_469, %dma_start3A_470] : memref<10240x80xf32, #tpu.memory_space<hbm>> -> memref<10240x80xf32, #tpu.memory_space<hbm>>
        %dma_start3A_472 = tpu.memref_slice %arg11[%dma_start3A_461] : memref<4x!tpu.dma_semaphore, #tpu.memory_space<semaphore_mem>> -> memref<1x!tpu.dma_semaphore, #tpu.memory_space<semaphore_mem>>
        %dma_start3A_473 = tpu.memref_squeeze %dma_start3A_472 : memref<1x!tpu.dma_semaphore, #tpu.memory_space<semaphore_mem>> -> memref<!tpu.dma_semaphore, #tpu.memory_space<semaphore_mem>>
        tpu.enqueue_indirect_dma source(%dma_start3A_471 : memref<10240x80xf32, #tpu.memory_space<hbm>>) target(%dma_start3A_465 : memref<128x80xf32, #tpu.memory_space<vmem>>) offsets(%dma_start3A_468 : memref<128xi32, #tpu.memory_space<vmem>>) semaphore(%dma_start3A_473 : memref<!tpu.dma_semaphore, #tpu.memory_space<semaphore_mem>>)
      } else {
      }
      %mul3A_374 = arith.constant 4 : i32
      %mul3A_375 = arith.muli %scan3A_178, %mul3A_374 : i32
      %add3A_376 = arith.constant 3 : i32
      %add3A_377 = arith.addi %mul3A_375, %add3A_376 : i32
      %dma_wait3A_378 = arith.constant 3 : i32
      %dma_wait3A_379 = arith.constant 3 : i32
      %dma_wait3A_380 = arith.constant 0 : i32
      %dma_wait3A_381 = arith.constant 0 : i32
      %dma_wait3A_382 = tpu.memref_slice %arg9[%dma_wait3A_378, %dma_wait3A_380, %dma_wait3A_381] : memref<4x128x80xf32, #tpu.memory_space<vmem>> -> memref<1x128x80xf32, #tpu.memory_space<vmem>>
      %dma_wait3A_383 = tpu.memref_squeeze %dma_wait3A_382 : memref<1x128x80xf32, #tpu.memory_space<vmem>> -> memref<128x80xf32, #tpu.memory_space<vmem>>
      %dma_wait3A_384 = arith.constant 0 : i32
      %dma_wait3A_385 = tpu.memref_slice %arg7[%add3A_377, %dma_wait3A_384] : memref<40x128xi32, #tpu.memory_space<vmem>> -> memref<1x128xi32, #tpu.memory_space<vmem>>
      %dma_wait3A_386 = tpu.memref_squeeze %dma_wait3A_385 : memref<1x128xi32, #tpu.memory_space<vmem>> -> memref<128xi32, #tpu.memory_space<vmem>>
      %dma_wait3A_387 = arith.constant 0 : i32
      %dma_wait3A_388 = arith.constant 0 : i32
      %dma_wait3A_389 = tpu.memref_slice %arg2[%dma_wait3A_387, %dma_wait3A_388] : memref<10240x80xf32, #tpu.memory_space<hbm>> -> memref<10240x80xf32, #tpu.memory_space<hbm>>
      %dma_wait3A_390 = tpu.memref_slice %arg11[%dma_wait3A_379] : memref<4x!tpu.dma_semaphore, #tpu.memory_space<semaphore_mem>> -> memref<1x!tpu.dma_semaphore, #tpu.memory_space<semaphore_mem>>
      %dma_wait3A_391 = tpu.memref_squeeze %dma_wait3A_390 : memref<1x!tpu.dma_semaphore, #tpu.memory_space<semaphore_mem>> -> memref<!tpu.dma_semaphore, #tpu.memory_space<semaphore_mem>>
      tpu.wait_indirect_dma semaphore(%dma_wait3A_391 : memref<!tpu.dma_semaphore, #tpu.memory_space<semaphore_mem>>) src(%dma_wait3A_389 : memref<10240x80xf32, #tpu.memory_space<hbm>>) dst(%dma_wait3A_383 : memref<128x80xf32, #tpu.memory_space<vmem>>)
      %dma_wait3A_392 = arith.constant 3 : i32
      %dma_wait3A_393 = arith.constant 3 : i32
      %dma_wait3A_394 = arith.constant 0 : i32
      %dma_wait3A_395 = arith.constant 0 : i32
      %dma_wait3A_396 = tpu.memref_slice %arg10[%dma_wait3A_392, %dma_wait3A_394, %dma_wait3A_395] : memref<4x128x80xf32, #tpu.memory_space<vmem>> -> memref<1x128x80xf32, #tpu.memory_space<vmem>>
      %dma_wait3A_397 = tpu.memref_squeeze %dma_wait3A_396 : memref<1x128x80xf32, #tpu.memory_space<vmem>> -> memref<128x80xf32, #tpu.memory_space<vmem>>
      %dma_wait3A_398 = arith.constant 0 : i32
      %dma_wait3A_399 = tpu.memref_slice %arg8[%add3A_377, %dma_wait3A_398] : memref<40x128xi32, #tpu.memory_space<vmem>> -> memref<1x128xi32, #tpu.memory_space<vmem>>
      %dma_wait3A_400 = tpu.memref_squeeze %dma_wait3A_399 : memref<1x128xi32, #tpu.memory_space<vmem>> -> memref<128xi32, #tpu.memory_space<vmem>>
      %dma_wait3A_401 = arith.constant 0 : i32
      %dma_wait3A_402 = arith.constant 0 : i32
      %dma_wait3A_403 = tpu.memref_slice %arg3[%dma_wait3A_401, %dma_wait3A_402] : memref<10240x80xf32, #tpu.memory_space<hbm>> -> memref<10240x80xf32, #tpu.memory_space<hbm>>
      %dma_wait3A_404 = tpu.memref_slice %arg11[%dma_wait3A_393] : memref<4x!tpu.dma_semaphore, #tpu.memory_space<semaphore_mem>> -> memref<1x!tpu.dma_semaphore, #tpu.memory_space<semaphore_mem>>
      %dma_wait3A_405 = tpu.memref_squeeze %dma_wait3A_404 : memref<1x!tpu.dma_semaphore, #tpu.memory_space<semaphore_mem>> -> memref<!tpu.dma_semaphore, #tpu.memory_space<semaphore_mem>>
      tpu.wait_indirect_dma semaphore(%dma_wait3A_405 : memref<!tpu.dma_semaphore, #tpu.memory_space<semaphore_mem>>) src(%dma_wait3A_403 : memref<10240x80xf32, #tpu.memory_space<hbm>>) dst(%dma_wait3A_397 : memref<128x80xf32, #tpu.memory_space<vmem>>)
      %scan3A_406 = arith.constant 0 : i32
      %scan3A_407 = arith.constant 0 : i32
      %scan3A_408 = arith.constant 128 : i32
      %scan3A_409 = arith.addi %scan3A_407, %scan3A_408 : i32
      %scan3A_410 = arith.constant 2 : i32
      scf.for %scan3A_440 = %scan3A_407 to %scan3A_409 step %scan3A_410  : i32 {
        %get3A = arith.constant 3 : i32
        %get3A_441 = arith.index_cast %get3A : i32 to index
        %get3A_442 = arith.index_cast %scan3A_440 : i32 to index
        %get3A_443 = arith.constant 0 : index
        %get3A_444 = tpu.vector_load %arg9[%get3A_441, %get3A_442, %get3A_443] {strides = array<i32>} : memref<4x128x80xf32, #tpu.memory_space<vmem>>, vector<1x1x16xf32>,
        %get3A_445 = vector.shape_cast %get3A_444 : vector<1x1x16xf32> to vector<16xf32>
        %get3A_446 = arith.constant 3 : i32
        %get3A_447 = arith.index_cast %get3A_446 : i32 to index
        %get3A_448 = arith.index_cast %scan3A_440 : i32 to index
        %get3A_449 = arith.constant 0 : index
        %get3A_450 = tpu.vector_load %arg10[%get3A_447, %get3A_448, %get3A_449] {strides = array<i32>} : memref<4x128x80xf32, #tpu.memory_space<vmem>>, vector<1x1x16xf32>,
        %get3A_451 = vector.shape_cast %get3A_450 : vector<1x1x16xf32> to vector<16xf32>
        %add3A_452 = arith.addf %get3A_445, %get3A_451 : vector<16xf32>
        %swap3A = arith.constant 3 : i32
        %swap3A_453 = arith.index_cast %swap3A : i32 to index
        %swap3A_454 = arith.index_cast %scan3A_440 : i32 to index
        %swap3A_455 = arith.constant 0 : index
        %swap3A_456 = tpu.vector_load %arg9[%swap3A_453, %swap3A_454, %swap3A_455] {strides = array<i32>} : memref<4x128x80xf32, #tpu.memory_space<vmem>>, vector<1x1x16xf32>,
        %swap3A_457 = vector.shape_cast %swap3A_456 : vector<1x1x16xf32> to vector<16xf32>
        %swap3A_458 = vector.shape_cast %add3A_452 : vector<16xf32> to vector<1x1x16xf32>
        tpu.vector_store %arg9[%swap3A_453, %swap3A_454, %swap3A_455], %swap3A_458 {strides = array<i32>} : memref<4x128x80xf32, #tpu.memory_space<vmem>>, vector<1x1x16xf32>,
        %get3A_459 = arith.constant 3 : i32
        %get3A_460 = arith.index_cast %get3A_459 : i32 to index
        %get3A_461 = arith.index_cast %scan3A_440 : i32 to index
        %get3A_462 = arith.constant 16 : index
        %get3A_463 = tpu.vector_load %arg9[%get3A_460, %get3A_461, %get3A_462] {strides = array<i32>} : memref<4x128x80xf32, #tpu.memory_space<vmem>>, vector<1x1x16xf32>,
        %get3A_464 = vector.shape_cast %get3A_463 : vector<1x1x16xf32> to vector<16xf32>
        %get3A_465 = arith.constant 3 : i32
        %get3A_466 = arith.index_cast %get3A_465 : i32 to index
        %get3A_467 = arith.index_cast %scan3A_440 : i32 to index
        %get3A_468 = arith.constant 16 : index
        %get3A_469 = tpu.vector_load %arg10[%get3A_466, %get3A_467, %get3A_468] {strides = array<i32>} : memref<4x128x80xf32, #tpu.memory_space<vmem>>, vector<1x1x16xf32>,
        %get3A_470 = vector.shape_cast %get3A_469 : vector<1x1x16xf32> to vector<16xf32>
        %add3A_471 = arith.addf %get3A_464, %get3A_470 : vector<16xf32>
        %swap3A_472 = arith.constant 3 : i32
        %swap3A_473 = arith.index_cast %swap3A_472 : i32 to index
        %swap3A_474 = arith.index_cast %scan3A_440 : i32 to index
        %swap3A_475 = arith.constant 16 : index
        %swap3A_476 = tpu.vector_load %arg9[%swap3A_473, %swap3A_474, %swap3A_475] {strides = array<i32>} : memref<4x128x80xf32, #tpu.memory_space<vmem>>, vector<1x1x16xf32>,
        %swap3A_477 = vector.shape_cast %swap3A_476 : vector<1x1x16xf32> to vector<16xf32>
        %swap3A_478 = vector.shape_cast %add3A_471 : vector<16xf32> to vector<1x1x16xf32>
        tpu.vector_store %arg9[%swap3A_473, %swap3A_474, %swap3A_475], %swap3A_478 {strides = array<i32>} : memref<4x128x80xf32, #tpu.memory_space<vmem>>, vector<1x1x16xf32>,
        %get3A_479 = arith.constant 3 : i32
        %get3A_480 = arith.index_cast %get3A_479 : i32 to index
        %get3A_481 = arith.index_cast %scan3A_440 : i32 to index
        %get3A_482 = arith.constant 32 : index
        %get3A_483 = tpu.vector_load %arg9[%get3A_480, %get3A_481, %get3A_482] {strides = array<i32>} : memref<4x128x80xf32, #tpu.memory_space<vmem>>, vector<1x1x16xf32>,
        %get3A_484 = vector.shape_cast %get3A_483 : vector<1x1x16xf32> to vector<16xf32>
        %get3A_485 = arith.constant 3 : i32
        %get3A_486 = arith.index_cast %get3A_485 : i32 to index
        %get3A_487 = arith.index_cast %scan3A_440 : i32 to index
        %get3A_488 = arith.constant 32 : index
        %get3A_489 = tpu.vector_load %arg10[%get3A_486, %get3A_487, %get3A_488] {strides = array<i32>} : memref<4x128x80xf32, #tpu.memory_space<vmem>>, vector<1x1x16xf32>,
        %get3A_490 = vector.shape_cast %get3A_489 : vector<1x1x16xf32> to vector<16xf32>
        %add3A_491 = arith.addf %get3A_484, %get3A_490 : vector<16xf32>
        %swap3A_492 = arith.constant 3 : i32
        %swap3A_493 = arith.index_cast %swap3A_492 : i32 to index
        %swap3A_494 = arith.index_cast %scan3A_440 : i32 to index
        %swap3A_495 = arith.constant 32 : index
        %swap3A_496 = tpu.vector_load %arg9[%swap3A_493, %swap3A_494, %swap3A_495] {strides = array<i32>} : memref<4x128x80xf32, #tpu.memory_space<vmem>>, vector<1x1x16xf32>,
        %swap3A_497 = vector.shape_cast %swap3A_496 : vector<1x1x16xf32> to vector<16xf32>
        %swap3A_498 = vector.shape_cast %add3A_491 : vector<16xf32> to vector<1x1x16xf32>
        tpu.vector_store %arg9[%swap3A_493, %swap3A_494, %swap3A_495], %swap3A_498 {strides = array<i32>} : memref<4x128x80xf32, #tpu.memory_space<vmem>>, vector<1x1x16xf32>,
        %get3A_499 = arith.constant 3 : i32
        %get3A_500 = arith.index_cast %get3A_499 : i32 to index
        %get3A_501 = arith.index_cast %scan3A_440 : i32 to index
        %get3A_502 = arith.constant 48 : index
        %get3A_503 = tpu.vector_load %arg9[%get3A_500, %get3A_501, %get3A_502] {strides = array<i32>} : memref<4x128x80xf32, #tpu.memory_space<vmem>>, vector<1x1x16xf32>,
        %get3A_504 = vector.shape_cast %get3A_503 : vector<1x1x16xf32> to vector<16xf32>
        %get3A_505 = arith.constant 3 : i32
        %get3A_506 = arith.index_cast %get3A_505 : i32 to index
        %get3A_507 = arith.index_cast %scan3A_440 : i32 to index
        %get3A_508 = arith.constant 48 : index
        %get3A_509 = tpu.vector_load %arg10[%get3A_506, %get3A_507, %get3A_508] {strides = array<i32>} : memref<4x128x80xf32, #tpu.memory_space<vmem>>, vector<1x1x16xf32>,
        %get3A_510 = vector.shape_cast %get3A_509 : vector<1x1x16xf32> to vector<16xf32>
        %add3A_511 = arith.addf %get3A_504, %get3A_510 : vector<16xf32>
        %swap3A_512 = arith.constant 3 : i32
        %swap3A_513 = arith.index_cast %swap3A_512 : i32 to index
        %swap3A_514 = arith.index_cast %scan3A_440 : i32 to index
        %swap3A_515 = arith.constant 48 : index
        %swap3A_516 = tpu.vector_load %arg9[%swap3A_513, %swap3A_514, %swap3A_515] {strides = array<i32>} : memref<4x128x80xf32, #tpu.memory_space<vmem>>, vector<1x1x16xf32>,
        %swap3A_517 = vector.shape_cast %swap3A_516 : vector<1x1x16xf32> to vector<16xf32>
        %swap3A_518 = vector.shape_cast %add3A_511 : vector<16xf32> to vector<1x1x16xf32>
        tpu.vector_store %arg9[%swap3A_513, %swap3A_514, %swap3A_515], %swap3A_518 {strides = array<i32>} : memref<4x128x80xf32, #tpu.memory_space<vmem>>, vector<1x1x16xf32>,
        %get3A_519 = arith.constant 3 : i32
        %get3A_520 = arith.index_cast %get3A_519 : i32 to index
        %get3A_521 = arith.index_cast %scan3A_440 : i32 to index
        %get3A_522 = arith.constant 64 : index
        %get3A_523 = tpu.vector_load %arg9[%get3A_520, %get3A_521, %get3A_522] {strides = array<i32>} : memref<4x128x80xf32, #tpu.memory_space<vmem>>, vector<1x1x16xf32>,
        %get3A_524 = vector.shape_cast %get3A_523 : vector<1x1x16xf32> to vector<16xf32>
        %get3A_525 = arith.constant 3 : i32
        %get3A_526 = arith.index_cast %get3A_525 : i32 to index
        %get3A_527 = arith.index_cast %scan3A_440 : i32 to index
        %get3A_528 = arith.constant 64 : index
        %get3A_529 = tpu.vector_load %arg10[%get3A_526, %get3A_527, %get3A_528] {strides = array<i32>} : memref<4x128x80xf32, #tpu.memory_space<vmem>>, vector<1x1x16xf32>,
        %get3A_530 = vector.shape_cast %get3A_529 : vector<1x1x16xf32> to vector<16xf32>
        %add3A_531 = arith.addf %get3A_524, %get3A_530 : vector<16xf32>
        %swap3A_532 = arith.constant 3 : i32
        %swap3A_533 = arith.index_cast %swap3A_532 : i32 to index
        %swap3A_534 = arith.index_cast %scan3A_440 : i32 to index
        %swap3A_535 = arith.constant 64 : index
        %swap3A_536 = tpu.vector_load %arg9[%swap3A_533, %swap3A_534, %swap3A_535] {strides = array<i32>} : memref<4x128x80xf32, #tpu.memory_space<vmem>>, vector<1x1x16xf32>,
        %swap3A_537 = vector.shape_cast %swap3A_536 : vector<1x1x16xf32> to vector<16xf32>
        %swap3A_538 = vector.shape_cast %add3A_531 : vector<16xf32> to vector<1x1x16xf32>
        tpu.vector_store %arg9[%swap3A_533, %swap3A_534, %swap3A_535], %swap3A_538 {strides = array<i32>} : memref<4x128x80xf32, #tpu.memory_space<vmem>>, vector<1x1x16xf32>,
        %scan3A_539 = arith.constant 1 : i32
        %scan3A_540 = arith.addi %scan3A_440, %scan3A_539 : i32
        %get3A_541 = arith.constant 3 : i32
        %get3A_542 = arith.index_cast %get3A_541 : i32 to index
        %get3A_543 = arith.index_cast %scan3A_540 : i32 to index
        %get3A_544 = arith.constant 0 : index
        %get3A_545 = tpu.vector_load %arg9[%get3A_542, %get3A_543, %get3A_544] {strides = array<i32>} : memref<4x128x80xf32, #tpu.memory_space<vmem>>, vector<1x1x16xf32>,
        %get3A_546 = vector.shape_cast %get3A_545 : vector<1x1x16xf32> to vector<16xf32>
        %get3A_547 = arith.constant 3 : i32
        %get3A_548 = arith.index_cast %get3A_547 : i32 to index
        %get3A_549 = arith.index_cast %scan3A_540 : i32 to index
        %get3A_550 = arith.constant 0 : index
        %get3A_551 = tpu.vector_load %arg10[%get3A_548, %get3A_549, %get3A_550] {strides = array<i32>} : memref<4x128x80xf32, #tpu.memory_space<vmem>>, vector<1x1x16xf32>,
        %get3A_552 = vector.shape_cast %get3A_551 : vector<1x1x16xf32> to vector<16xf32>
        %add3A_553 = arith.addf %get3A_546, %get3A_552 : vector<16xf32>
        %swap3A_554 = arith.constant 3 : i32
        %swap3A_555 = arith.index_cast %swap3A_554 : i32 to index
        %swap3A_556 = arith.index_cast %scan3A_540 : i32 to index
        %swap3A_557 = arith.constant 0 : index
        %swap3A_558 = tpu.vector_load %arg9[%swap3A_555, %swap3A_556, %swap3A_557] {strides = array<i32>} : memref<4x128x80xf32, #tpu.memory_space<vmem>>, vector<1x1x16xf32>,
        %swap3A_559 = vector.shape_cast %swap3A_558 : vector<1x1x16xf32> to vector<16xf32>
        %swap3A_560 = vector.shape_cast %add3A_553 : vector<16xf32> to vector<1x1x16xf32>
        tpu.vector_store %arg9[%swap3A_555, %swap3A_556, %swap3A_557], %swap3A_560 {strides = array<i32>} : memref<4x128x80xf32, #tpu.memory_space<vmem>>, vector<1x1x16xf32>,
        %get3A_561 = arith.constant 3 : i32
        %get3A_562 = arith.index_cast %get3A_561 : i32 to index
        %get3A_563 = arith.index_cast %scan3A_540 : i32 to index
        %get3A_564 = arith.constant 16 : index
        %get3A_565 = tpu.vector_load %arg9[%get3A_562, %get3A_563, %get3A_564] {strides = array<i32>} : memref<4x128x80xf32, #tpu.memory_space<vmem>>, vector<1x1x16xf32>,
        %get3A_566 = vector.shape_cast %get3A_565 : vector<1x1x16xf32> to vector<16xf32>
        %get3A_567 = arith.constant 3 : i32
        %get3A_568 = arith.index_cast %get3A_567 : i32 to index
        %get3A_569 = arith.index_cast %scan3A_540 : i32 to index
        %get3A_570 = arith.constant 16 : index
        %get3A_571 = tpu.vector_load %arg10[%get3A_568, %get3A_569, %get3A_570] {strides = array<i32>} : memref<4x128x80xf32, #tpu.memory_space<vmem>>, vector<1x1x16xf32>,
        %get3A_572 = vector.shape_cast %get3A_571 : vector<1x1x16xf32> to vector<16xf32>
        %add3A_573 = arith.addf %get3A_566, %get3A_572 : vector<16xf32>
        %swap3A_574 = arith.constant 3 : i32
        %swap3A_575 = arith.index_cast %swap3A_574 : i32 to index
        %swap3A_576 = arith.index_cast %scan3A_540 : i32 to index
        %swap3A_577 = arith.constant 16 : index
        %swap3A_578 = tpu.vector_load %arg9[%swap3A_575, %swap3A_576, %swap3A_577] {strides = array<i32>} : memref<4x128x80xf32, #tpu.memory_space<vmem>>, vector<1x1x16xf32>,
        %swap3A_579 = vector.shape_cast %swap3A_578 : vector<1x1x16xf32> to vector<16xf32>
        %swap3A_580 = vector.shape_cast %add3A_573 : vector<16xf32> to vector<1x1x16xf32>
        tpu.vector_store %arg9[%swap3A_575, %swap3A_576, %swap3A_577], %swap3A_580 {strides = array<i32>} : memref<4x128x80xf32, #tpu.memory_space<vmem>>, vector<1x1x16xf32>,
        %get3A_581 = arith.constant 3 : i32
        %get3A_582 = arith.index_cast %get3A_581 : i32 to index
        %get3A_583 = arith.index_cast %scan3A_540 : i32 to index
        %get3A_584 = arith.constant 32 : index
        %get3A_585 = tpu.vector_load %arg9[%get3A_582, %get3A_583, %get3A_584] {strides = array<i32>} : memref<4x128x80xf32, #tpu.memory_space<vmem>>, vector<1x1x16xf32>,
        %get3A_586 = vector.shape_cast %get3A_585 : vector<1x1x16xf32> to vector<16xf32>
        %get3A_587 = arith.constant 3 : i32
        %get3A_588 = arith.index_cast %get3A_587 : i32 to index
        %get3A_589 = arith.index_cast %scan3A_540 : i32 to index
        %get3A_590 = arith.constant 32 : index
        %get3A_591 = tpu.vector_load %arg10[%get3A_588, %get3A_589, %get3A_590] {strides = array<i32>} : memref<4x128x80xf32, #tpu.memory_space<vmem>>, vector<1x1x16xf32>,
        %get3A_592 = vector.shape_cast %get3A_591 : vector<1x1x16xf32> to vector<16xf32>
        %add3A_593 = arith.addf %get3A_586, %get3A_592 : vector<16xf32>
        %swap3A_594 = arith.constant 3 : i32
        %swap3A_595 = arith.index_cast %swap3A_594 : i32 to index
        %swap3A_596 = arith.index_cast %scan3A_540 : i32 to index
        %swap3A_597 = arith.constant 32 : index
        %swap3A_598 = tpu.vector_load %arg9[%swap3A_595, %swap3A_596, %swap3A_597] {strides = array<i32>} : memref<4x128x80xf32, #tpu.memory_space<vmem>>, vector<1x1x16xf32>,
        %swap3A_599 = vector.shape_cast %swap3A_598 : vector<1x1x16xf32> to vector<16xf32>
        %swap3A_600 = vector.shape_cast %add3A_593 : vector<16xf32> to vector<1x1x16xf32>
        tpu.vector_store %arg9[%swap3A_595, %swap3A_596, %swap3A_597], %swap3A_600 {strides = array<i32>} : memref<4x128x80xf32, #tpu.memory_space<vmem>>, vector<1x1x16xf32>,
        %get3A_601 = arith.constant 3 : i32
        %get3A_602 = arith.index_cast %get3A_601 : i32 to index
        %get3A_603 = arith.index_cast %scan3A_540 : i32 to index
        %get3A_604 = arith.constant 48 : index
        %get3A_605 = tpu.vector_load %arg9[%get3A_602, %get3A_603, %get3A_604] {strides = array<i32>} : memref<4x128x80xf32, #tpu.memory_space<vmem>>, vector<1x1x16xf32>,
        %get3A_606 = vector.shape_cast %get3A_605 : vector<1x1x16xf32> to vector<16xf32>
        %get3A_607 = arith.constant 3 : i32
        %get3A_608 = arith.index_cast %get3A_607 : i32 to index
        %get3A_609 = arith.index_cast %scan3A_540 : i32 to index
        %get3A_610 = arith.constant 48 : index
        %get3A_611 = tpu.vector_load %arg10[%get3A_608, %get3A_609, %get3A_610] {strides = array<i32>} : memref<4x128x80xf32, #tpu.memory_space<vmem>>, vector<1x1x16xf32>,
        %get3A_612 = vector.shape_cast %get3A_611 : vector<1x1x16xf32> to vector<16xf32>
        %add3A_613 = arith.addf %get3A_606, %get3A_612 : vector<16xf32>
        %swap3A_614 = arith.constant 3 : i32
        %swap3A_615 = arith.index_cast %swap3A_614 : i32 to index
        %swap3A_616 = arith.index_cast %scan3A_540 : i32 to index
        %swap3A_617 = arith.constant 48 : index
        %swap3A_618 = tpu.vector_load %arg9[%swap3A_615, %swap3A_616, %swap3A_617] {strides = array<i32>} : memref<4x128x80xf32, #tpu.memory_space<vmem>>, vector<1x1x16xf32>,
        %swap3A_619 = vector.shape_cast %swap3A_618 : vector<1x1x16xf32> to vector<16xf32>
        %swap3A_620 = vector.shape_cast %add3A_613 : vector<16xf32> to vector<1x1x16xf32>
        tpu.vector_store %arg9[%swap3A_615, %swap3A_616, %swap3A_617], %swap3A_620 {strides = array<i32>} : memref<4x128x80xf32, #tpu.memory_space<vmem>>, vector<1x1x16xf32>,
        %get3A_621 = arith.constant 3 : i32
        %get3A_622 = arith.index_cast %get3A_621 : i32 to index
        %get3A_623 = arith.index_cast %scan3A_540 : i32 to index
        %get3A_624 = arith.constant 64 : index
        %get3A_625 = tpu.vector_load %arg9[%get3A_622, %get3A_623, %get3A_624] {strides = array<i32>} : memref<4x128x80xf32, #tpu.memory_space<vmem>>, vector<1x1x16xf32>,
        %get3A_626 = vector.shape_cast %get3A_625 : vector<1x1x16xf32> to vector<16xf32>
        %get3A_627 = arith.constant 3 : i32
        %get3A_628 = arith.index_cast %get3A_627 : i32 to index
        %get3A_629 = arith.index_cast %scan3A_540 : i32 to index
        %get3A_630 = arith.constant 64 : index
        %get3A_631 = tpu.vector_load %arg10[%get3A_628, %get3A_629, %get3A_630] {strides = array<i32>} : memref<4x128x80xf32, #tpu.memory_space<vmem>>, vector<1x1x16xf32>,
        %get3A_632 = vector.shape_cast %get3A_631 : vector<1x1x16xf32> to vector<16xf32>
        %add3A_633 = arith.addf %get3A_626, %get3A_632 : vector<16xf32>
        %swap3A_634 = arith.constant 3 : i32
        %swap3A_635 = arith.index_cast %swap3A_634 : i32 to index
        %swap3A_636 = arith.index_cast %scan3A_540 : i32 to index
        %swap3A_637 = arith.constant 64 : index
        %swap3A_638 = tpu.vector_load %arg9[%swap3A_635, %swap3A_636, %swap3A_637] {strides = array<i32>} : memref<4x128x80xf32, #tpu.memory_space<vmem>>, vector<1x1x16xf32>,
        %swap3A_639 = vector.shape_cast %swap3A_638 : vector<1x1x16xf32> to vector<16xf32>
        %swap3A_640 = vector.shape_cast %add3A_633 : vector<16xf32> to vector<1x1x16xf32>
        tpu.vector_store %arg9[%swap3A_635, %swap3A_636, %swap3A_637], %swap3A_640 {strides = array<i32>} : memref<4x128x80xf32, #tpu.memory_space<vmem>>, vector<1x1x16xf32>,
      }
      %scan3A_411 = arith.constant 128 : i32
      %mul3A_412 = arith.constant 5120 : i32
      %mul3A_413 = arith.muli %add3A, %mul3A_412 : i32
      %mul3A_414 = arith.constant 128 : i32
      %mul3A_415 = arith.muli %add3A_377, %mul3A_414 : i32
      %add3A_416 = arith.addi %mul3A_413, %mul3A_415 : i32
      %dma_start3A_417 = arith.constant 3 : i32
      %dma_start3A_418 = arith.constant 3 : i32
      %dma_start3A_419 = arith.constant 0 : i32
      %dma_start3A_420 = arith.constant 0 : i32
      %dma_start3A_421 = tpu.memref_slice %arg9[%dma_start3A_417, %dma_start3A_419, %dma_start3A_420] : memref<4x128x80xf32, #tpu.memory_space<vmem>> -> memref<1x128x80xf32, #tpu.memory_space<vmem>>
      %dma_start3A_422 = tpu.memref_squeeze %dma_start3A_421 : memref<1x128x80xf32, #tpu.memory_space<vmem>> -> memref<128x80xf32, #tpu.memory_space<vmem>>
      %dma_start3A_423 = arith.constant 0 : i32
      %dma_start3A_424 = tpu.memref_slice %arg6[%add3A_416, %dma_start3A_423] : memref<163840x80xf32, #tpu.memory_space<hbm>> -> memref<128x80xf32, #tpu.memory_space<hbm>>
      %dma_start3A_425 = tpu.memref_slice %arg12[%dma_start3A_418] : memref<4x!tpu.dma_semaphore, #tpu.memory_space<semaphore_mem>> -> memref<1x!tpu.dma_semaphore, #tpu.memory_space<semaphore_mem>>
      %dma_start3A_426 = tpu.memref_squeeze %dma_start3A_425 : memref<1x!tpu.dma_semaphore, #tpu.memory_space<semaphore_mem>> -> memref<!tpu.dma_semaphore, #tpu.memory_space<semaphore_mem>>
      %dma_start3A_427 = arith.constant 0 : i32
      %dma_start3A_428 = tpu.memref_slice %arg6[%add3A_416, %dma_start3A_427] : memref<163840x80xf32, #tpu.memory_space<hbm>> -> memref<128x80xf32, #tpu.memory_space<hbm>>
      %dma_start3A_429 = arith.constant 0 : i32
      %dma_start3A_430 = arith.constant 0 : i32
      %dma_start3A_431 = tpu.memref_slice %arg9[%dma_start3A_417, %dma_start3A_429, %dma_start3A_430] : memref<4x128x80xf32, #tpu.memory_space<vmem>> -> memref<1x128x80xf32, #tpu.memory_space<vmem>>
      %dma_start3A_432 = tpu.memref_squeeze %dma_start3A_431 : memref<1x128x80xf32, #tpu.memory_space<vmem>> -> memref<128x80xf32, #tpu.memory_space<vmem>>
      tpu.enqueue_dma source(%dma_start3A_432 : memref<128x80xf32, #tpu.memory_space<vmem>>) target(%dma_start3A_428 : memref<128x80xf32, #tpu.memory_space<hbm>>) target_semaphore(%dma_start3A_426 : memref<!tpu.dma_semaphore, #tpu.memory_space<semaphore_mem>>)
      %add3A_433 = arith.constant 3 : i32
      %add3A_434 = arith.addi %add3A_377, %add3A_433 : i32
      %lt3A_435 = arith.constant 40 : i32
      %lt3A_436 = arith.cmpi slt, %add3A_434, %lt3A_435 : i32
      %convert_element_type3A_437 = arith.extui %lt3A_436 : i1 to i32
      %cond3A_438 = arith.constant 0 : i32
      %cond3A_439 = arith.cmpi ne, %convert_element_type3A_437, %cond3A_438 : i32
      scf.if %cond3A_439 {
        %ge3A = arith.constant 1 : i32
        %ge3A_440 = arith.cmpi sge, %add3A_377, %ge3A : i32
        %convert_element_type3A_441 = arith.extui %ge3A_440 : i1 to i32
        %cond3A_442 = arith.constant 0 : i32
        %cond3A_443 = arith.cmpi ne, %convert_element_type3A_441, %cond3A_442 : i32
        scf.if %cond3A_443 {
          %sub3A = arith.constant 1 : i32
          %sub3A_474 = arith.subi %add3A_377, %sub3A : i32
          %mul3A_475 = arith.constant 5120 : i32
          %mul3A_476 = arith.muli %add3A, %mul3A_475 : i32
          %mul3A_477 = arith.constant 128 : i32
          %mul3A_478 = arith.muli %sub3A_474, %mul3A_477 : i32
          %add3A_479 = arith.addi %mul3A_476, %mul3A_478 : i32
          %dma_wait3A_480 = arith.constant 2 : i32
          %dma_wait3A_481 = arith.constant 2 : i32
          %dma_wait3A_482 = arith.constant 0 : i32
          %dma_wait3A_483 = arith.constant 0 : i32
          %dma_wait3A_484 = tpu.memref_slice %arg9[%dma_wait3A_480, %dma_wait3A_482, %dma_wait3A_483] : memref<4x128x80xf32, #tpu.memory_space<vmem>> -> memref<1x128x80xf32, #tpu.memory_space<vmem>>
          %dma_wait3A_485 = tpu.memref_squeeze %dma_wait3A_484 : memref<1x128x80xf32, #tpu.memory_space<vmem>> -> memref<128x80xf32, #tpu.memory_space<vmem>>
          %dma_wait3A_486 = arith.constant 0 : i32
          %dma_wait3A_487 = tpu.memref_slice %arg6[%add3A_479, %dma_wait3A_486] : memref<163840x80xf32, #tpu.memory_space<hbm>> -> memref<128x80xf32, #tpu.memory_space<hbm>>
          %dma_wait3A_488 = tpu.memref_slice %arg12[%dma_wait3A_481] : memref<4x!tpu.dma_semaphore, #tpu.memory_space<semaphore_mem>> -> memref<1x!tpu.dma_semaphore, #tpu.memory_space<semaphore_mem>>
          %dma_wait3A_489 = tpu.memref_squeeze %dma_wait3A_488 : memref<1x!tpu.dma_semaphore, #tpu.memory_space<semaphore_mem>> -> memref<!tpu.dma_semaphore, #tpu.memory_space<semaphore_mem>>
          %dma_wait3A_490 = arith.constant 0 : i32
          %dma_wait3A_491 = tpu.memref_slice %arg6[%add3A_479, %dma_wait3A_490] : memref<163840x80xf32, #tpu.memory_space<hbm>> -> memref<128x80xf32, #tpu.memory_space<hbm>>
          %dma_wait3A_492 = arith.constant 0 : i32
          %dma_wait3A_493 = arith.constant 0 : i32
          %dma_wait3A_494 = tpu.memref_slice %arg9[%dma_wait3A_480, %dma_wait3A_492, %dma_wait3A_493] : memref<4x128x80xf32, #tpu.memory_space<vmem>> -> memref<1x128x80xf32, #tpu.memory_space<vmem>>
          %dma_wait3A_495 = tpu.memref_squeeze %dma_wait3A_494 : memref<1x128x80xf32, #tpu.memory_space<vmem>> -> memref<128x80xf32, #tpu.memory_space<vmem>>
          tpu.wait_dma2 semaphore(%dma_wait3A_489 : memref<!tpu.dma_semaphore, #tpu.memory_space<semaphore_mem>>) src(%dma_wait3A_495 : memref<128x80xf32, #tpu.memory_space<vmem>>) dst(%dma_wait3A_491 : memref<128x80xf32, #tpu.memory_space<hbm>>)
        } else {
        }
        %add3A_444 = arith.constant 3 : i32
        %add3A_445 = arith.addi %add3A_377, %add3A_444 : i32
        %dma_start3A_446 = arith.constant 2 : i32
        %dma_start3A_447 = arith.constant 2 : i32
        %dma_start3A_448 = arith.constant 0 : i32
        %dma_start3A_449 = arith.constant 0 : i32
        %dma_start3A_450 = tpu.memref_slice %arg9[%dma_start3A_446, %dma_start3A_448, %dma_start3A_449] : memref<4x128x80xf32, #tpu.memory_space<vmem>> -> memref<1x128x80xf32, #tpu.memory_space<vmem>>
        %dma_start3A_451 = tpu.memref_squeeze %dma_start3A_450 : memref<1x128x80xf32, #tpu.memory_space<vmem>> -> memref<128x80xf32, #tpu.memory_space<vmem>>
        %dma_start3A_452 = arith.constant 0 : i32
        %dma_start3A_453 = tpu.memref_slice %arg7[%add3A_445, %dma_start3A_452] : memref<40x128xi32, #tpu.memory_space<vmem>> -> memref<1x128xi32, #tpu.memory_space<vmem>>
        %dma_start3A_454 = tpu.memref_squeeze %dma_start3A_453 : memref<1x128xi32, #tpu.memory_space<vmem>> -> memref<128xi32, #tpu.memory_space<vmem>>
        %dma_start3A_455 = arith.constant 0 : i32
        %dma_start3A_456 = arith.constant 0 : i32
        %dma_start3A_457 = tpu.memref_slice %arg2[%dma_start3A_455, %dma_start3A_456] : memref<10240x80xf32, #tpu.memory_space<hbm>> -> memref<10240x80xf32, #tpu.memory_space<hbm>>
        %dma_start3A_458 = tpu.memref_slice %arg11[%dma_start3A_447] : memref<4x!tpu.dma_semaphore, #tpu.memory_space<semaphore_mem>> -> memref<1x!tpu.dma_semaphore, #tpu.memory_space<semaphore_mem>>
        %dma_start3A_459 = tpu.memref_squeeze %dma_start3A_458 : memref<1x!tpu.dma_semaphore, #tpu.memory_space<semaphore_mem>> -> memref<!tpu.dma_semaphore, #tpu.memory_space<semaphore_mem>>
        tpu.enqueue_indirect_dma source(%dma_start3A_457 : memref<10240x80xf32, #tpu.memory_space<hbm>>) target(%dma_start3A_451 : memref<128x80xf32, #tpu.memory_space<vmem>>) offsets(%dma_start3A_454 : memref<128xi32, #tpu.memory_space<vmem>>) semaphore(%dma_start3A_459 : memref<!tpu.dma_semaphore, #tpu.memory_space<semaphore_mem>>)
        %dma_start3A_460 = arith.constant 2 : i32
        %dma_start3A_461 = arith.constant 2 : i32
        %dma_start3A_462 = arith.constant 0 : i32
        %dma_start3A_463 = arith.constant 0 : i32
        %dma_start3A_464 = tpu.memref_slice %arg10[%dma_start3A_460, %dma_start3A_462, %dma_start3A_463] : memref<4x128x80xf32, #tpu.memory_space<vmem>> -> memref<1x128x80xf32, #tpu.memory_space<vmem>>
        %dma_start3A_465 = tpu.memref_squeeze %dma_start3A_464 : memref<1x128x80xf32, #tpu.memory_space<vmem>> -> memref<128x80xf32, #tpu.memory_space<vmem>>
        %dma_start3A_466 = arith.constant 0 : i32
        %dma_start3A_467 = tpu.memref_slice %arg8[%add3A_445, %dma_start3A_466] : memref<40x128xi32, #tpu.memory_space<vmem>> -> memref<1x128xi32, #tpu.memory_space<vmem>>
        %dma_start3A_468 = tpu.memref_squeeze %dma_start3A_467 : memref<1x128xi32, #tpu.memory_space<vmem>> -> memref<128xi32, #tpu.memory_space<vmem>>
        %dma_start3A_469 = arith.constant 0 : i32
        %dma_start3A_470 = arith.constant 0 : i32
        %dma_start3A_471 = tpu.memref_slice %arg3[%dma_start3A_469, %dma_start3A_470] : memref<10240x80xf32, #tpu.memory_space<hbm>> -> memref<10240x80xf32, #tpu.memory_space<hbm>>
        %dma_start3A_472 = tpu.memref_slice %arg11[%dma_start3A_461] : memref<4x!tpu.dma_semaphore, #tpu.memory_space<semaphore_mem>> -> memref<1x!tpu.dma_semaphore, #tpu.memory_space<semaphore_mem>>
        %dma_start3A_473 = tpu.memref_squeeze %dma_start3A_472 : memref<1x!tpu.dma_semaphore, #tpu.memory_space<semaphore_mem>> -> memref<!tpu.dma_semaphore, #tpu.memory_space<semaphore_mem>>
        tpu.enqueue_indirect_dma source(%dma_start3A_471 : memref<10240x80xf32, #tpu.memory_space<hbm>>) target(%dma_start3A_465 : memref<128x80xf32, #tpu.memory_space<vmem>>) offsets(%dma_start3A_468 : memref<128xi32, #tpu.memory_space<vmem>>) semaphore(%dma_start3A_473 : memref<!tpu.dma_semaphore, #tpu.memory_space<semaphore_mem>>)
      } else {
      }
    }
    %scan3A_98 = arith.constant 10 : i32
    %mul3A_99 = arith.constant 5120 : i32
    %mul3A_100 = arith.muli %add3A, %mul3A_99 : i32
    %add3A_101 = arith.constant 4608 : i32
    %add3A_102 = arith.addi %mul3A_100, %add3A_101 : i32
    %dma_wait3A = arith.constant 0 : i32
    %dma_wait3A_103 = arith.constant 0 : i32
    %dma_wait3A_104 = arith.constant 0 : i32
    %dma_wait3A_105 = arith.constant 0 : i32
    %dma_wait3A_106 = tpu.memref_slice %arg9[%dma_wait3A, %dma_wait3A_104, %dma_wait3A_105] : memref<4x128x80xf32, #tpu.memory_space<vmem>> -> memref<1x128x80xf32, #tpu.memory_space<vmem>>
    %dma_wait3A_107 = tpu.memref_squeeze %dma_wait3A_106 : memref<1x128x80xf32, #tpu.memory_space<vmem>> -> memref<128x80xf32, #tpu.memory_space<vmem>>
    %dma_wait3A_108 = arith.constant 0 : i32
    %dma_wait3A_109 = tpu.memref_slice %arg6[%add3A_102, %dma_wait3A_108] : memref<163840x80xf32, #tpu.memory_space<hbm>> -> memref<128x80xf32, #tpu.memory_space<hbm>>
    %dma_wait3A_110 = tpu.memref_slice %arg12[%dma_wait3A_103] : memref<4x!tpu.dma_semaphore, #tpu.memory_space<semaphore_mem>> -> memref<1x!tpu.dma_semaphore, #tpu.memory_space<semaphore_mem>>
    %dma_wait3A_111 = tpu.memref_squeeze %dma_wait3A_110 : memref<1x!tpu.dma_semaphore, #tpu.memory_space<semaphore_mem>> -> memref<!tpu.dma_semaphore, #tpu.memory_space<semaphore_mem>>
    %dma_wait3A_112 = arith.constant 0 : i32
    %dma_wait3A_113 = tpu.memref_slice %arg6[%add3A_102, %dma_wait3A_112] : memref<163840x80xf32, #tpu.memory_space<hbm>> -> memref<128x80xf32, #tpu.memory_space<hbm>>
    %dma_wait3A_114 = arith.constant 0 : i32
    %dma_wait3A_115 = arith.constant 0 : i32
    %dma_wait3A_116 = tpu.memref_slice %arg9[%dma_wait3A, %dma_wait3A_114, %dma_wait3A_115] : memref<4x128x80xf32, #tpu.memory_space<vmem>> -> memref<1x128x80xf32, #tpu.memory_space<vmem>>
    %dma_wait3A_117 = tpu.memref_squeeze %dma_wait3A_116 : memref<1x128x80xf32, #tpu.memory_space<vmem>> -> memref<128x80xf32, #tpu.memory_space<vmem>>
    tpu.wait_dma2 semaphore(%dma_wait3A_111 : memref<!tpu.dma_semaphore, #tpu.memory_space<semaphore_mem>>) src(%dma_wait3A_117 : memref<128x80xf32, #tpu.memory_space<vmem>>) dst(%dma_wait3A_113 : memref<128x80xf32, #tpu.memory_space<hbm>>)
    %mul3A_118 = arith.constant 5120 : i32
    %mul3A_119 = arith.muli %add3A, %mul3A_118 : i32
    %add3A_120 = arith.constant 4736 : i32
    %add3A_121 = arith.addi %mul3A_119, %add3A_120 : i32
    %dma_wait3A_122 = arith.constant 1 : i32
    %dma_wait3A_123 = arith.constant 1 : i32
    %dma_wait3A_124 = arith.constant 0 : i32
    %dma_wait3A_125 = arith.constant 0 : i32
    %dma_wait3A_126 = tpu.memref_slice %arg9[%dma_wait3A_122, %dma_wait3A_124, %dma_wait3A_125] : memref<4x128x80xf32, #tpu.memory_space<vmem>> -> memref<1x128x80xf32, #tpu.memory_space<vmem>>
    %dma_wait3A_127 = tpu.memref_squeeze %dma_wait3A_126 : memref<1x128x80xf32, #tpu.memory_space<vmem>> -> memref<128x80xf32, #tpu.memory_space<vmem>>
    %dma_wait3A_128 = arith.constant 0 : i32
    %dma_wait3A_129 = tpu.memref_slice %arg6[%add3A_121, %dma_wait3A_128] : memref<163840x80xf32, #tpu.memory_space<hbm>> -> memref<128x80xf32, #tpu.memory_space<hbm>>
    %dma_wait3A_130 = tpu.memref_slice %arg12[%dma_wait3A_123] : memref<4x!tpu.dma_semaphore, #tpu.memory_space<semaphore_mem>> -> memref<1x!tpu.dma_semaphore, #tpu.memory_space<semaphore_mem>>
    %dma_wait3A_131 = tpu.memref_squeeze %dma_wait3A_130 : memref<1x!tpu.dma_semaphore, #tpu.memory_space<semaphore_mem>> -> memref<!tpu.dma_semaphore, #tpu.memory_space<semaphore_mem>>
    %dma_wait3A_132 = arith.constant 0 : i32
    %dma_wait3A_133 = tpu.memref_slice %arg6[%add3A_121, %dma_wait3A_132] : memref<163840x80xf32, #tpu.memory_space<hbm>> -> memref<128x80xf32, #tpu.memory_space<hbm>>
    %dma_wait3A_134 = arith.constant 0 : i32
    %dma_wait3A_135 = arith.constant 0 : i32
    %dma_wait3A_136 = tpu.memref_slice %arg9[%dma_wait3A_122, %dma_wait3A_134, %dma_wait3A_135] : memref<4x128x80xf32, #tpu.memory_space<vmem>> -> memref<1x128x80xf32, #tpu.memory_space<vmem>>
    %dma_wait3A_137 = tpu.memref_squeeze %dma_wait3A_136 : memref<1x128x80xf32, #tpu.memory_space<vmem>> -> memref<128x80xf32, #tpu.memory_space<vmem>>
    tpu.wait_dma2 semaphore(%dma_wait3A_131 : memref<!tpu.dma_semaphore, #tpu.memory_space<semaphore_mem>>) src(%dma_wait3A_137 : memref<128x80xf32, #tpu.memory_space<vmem>>) dst(%dma_wait3A_133 : memref<128x80xf32, #tpu.memory_space<hbm>>)
    %mul3A_138 = arith.constant 5120 : i32
    %mul3A_139 = arith.muli %add3A, %mul3A_138 : i32
    %add3A_140 = arith.constant 4864 : i32
    %add3A_141 = arith.addi %mul3A_139, %add3A_140 : i32
    %dma_wait3A_142 = arith.constant 2 : i32
    %dma_wait3A_143 = arith.constant 2 : i32
    %dma_wait3A_144 = arith.constant 0 : i32
    %dma_wait3A_145 = arith.constant 0 : i32
    %dma_wait3A_146 = tpu.memref_slice %arg9[%dma_wait3A_142, %dma_wait3A_144, %dma_wait3A_145] : memref<4x128x80xf32, #tpu.memory_space<vmem>> -> memref<1x128x80xf32, #tpu.memory_space<vmem>>
    %dma_wait3A_147 = tpu.memref_squeeze %dma_wait3A_146 : memref<1x128x80xf32, #tpu.memory_space<vmem>> -> memref<128x80xf32, #tpu.memory_space<vmem>>
    %dma_wait3A_148 = arith.constant 0 : i32
    %dma_wait3A_149 = tpu.memref_slice %arg6[%add3A_141, %dma_wait3A_148] : memref<163840x80xf32, #tpu.memory_space<hbm>> -> memref<128x80xf32, #tpu.memory_space<hbm>>
    %dma_wait3A_150 = tpu.memref_slice %arg12[%dma_wait3A_143] : memref<4x!tpu.dma_semaphore, #tpu.memory_space<semaphore_mem>> -> memref<1x!tpu.dma_semaphore, #tpu.memory_space<semaphore_mem>>
    %dma_wait3A_151 = tpu.memref_squeeze %dma_wait3A_150 : memref<1x!tpu.dma_semaphore, #tpu.memory_space<semaphore_mem>> -> memref<!tpu.dma_semaphore, #tpu.memory_space<semaphore_mem>>
    %dma_wait3A_152 = arith.constant 0 : i32
    %dma_wait3A_153 = tpu.memref_slice %arg6[%add3A_141, %dma_wait3A_152] : memref<163840x80xf32, #tpu.memory_space<hbm>> -> memref<128x80xf32, #tpu.memory_space<hbm>>
    %dma_wait3A_154 = arith.constant 0 : i32
    %dma_wait3A_155 = arith.constant 0 : i32
    %dma_wait3A_156 = tpu.memref_slice %arg9[%dma_wait3A_142, %dma_wait3A_154, %dma_wait3A_155] : memref<4x128x80xf32, #tpu.memory_space<vmem>> -> memref<1x128x80xf32, #tpu.memory_space<vmem>>
    %dma_wait3A_157 = tpu.memref_squeeze %dma_wait3A_156 : memref<1x128x80xf32, #tpu.memory_space<vmem>> -> memref<128x80xf32, #tpu.memory_space<vmem>>
    tpu.wait_dma2 semaphore(%dma_wait3A_151 : memref<!tpu.dma_semaphore, #tpu.memory_space<semaphore_mem>>) src(%dma_wait3A_157 : memref<128x80xf32, #tpu.memory_space<vmem>>) dst(%dma_wait3A_153 : memref<128x80xf32, #tpu.memory_space<hbm>>)
    %mul3A_158 = arith.constant 5120 : i32
    %mul3A_159 = arith.muli %add3A, %mul3A_158 : i32
    %add3A_160 = arith.constant 4992 : i32
    %add3A_161 = arith.addi %mul3A_159, %add3A_160 : i32
    %dma_wait3A_162 = arith.constant 3 : i32
    %dma_wait3A_163 = arith.constant 3 : i32
    %dma_wait3A_164 = arith.constant 0 : i32
    %dma_wait3A_165 = arith.constant 0 : i32
    %dma_wait3A_166 = tpu.memref_slice %arg9[%dma_wait3A_162, %dma_wait3A_164, %dma_wait3A_165] : memref<4x128x80xf32, #tpu.memory_space<vmem>> -> memref<1x128x80xf32, #tpu.memory_space<vmem>>
    %dma_wait3A_167 = tpu.memref_squeeze %dma_wait3A_166 : memref<1x128x80xf32, #tpu.memory_space<vmem>> -> memref<128x80xf32, #tpu.memory_space<vmem>>
    %dma_wait3A_168 = arith.constant 0 : i32
    %dma_wait3A_169 = tpu.memref_slice %arg6[%add3A_161, %dma_wait3A_168] : memref<163840x80xf32, #tpu.memory_space<hbm>> -> memref<128x80xf32, #tpu.memory_space<hbm>>
    %dma_wait3A_170 = tpu.memref_slice %arg12[%dma_wait3A_163] : memref<4x!tpu.dma_semaphore, #tpu.memory_space<semaphore_mem>> -> memref<1x!tpu.dma_semaphore, #tpu.memory_space<semaphore_mem>>
    %dma_wait3A_171 = tpu.memref_squeeze %dma_wait3A_170 : memref<1x!tpu.dma_semaphore, #tpu.memory_space<semaphore_mem>> -> memref<!tpu.dma_semaphore, #tpu.memory_space<semaphore_mem>>
    %dma_wait3A_172 = arith.constant 0 : i32
    %dma_wait3A_173 = tpu.memref_slice %arg6[%add3A_161, %dma_wait3A_172] : memref<163840x80xf32, #tpu.memory_space<hbm>> -> memref<128x80xf32, #tpu.memory_space<hbm>>
    %dma_wait3A_174 = arith.constant 0 : i32
    %dma_wait3A_175 = arith.constant 0 : i32
    %dma_wait3A_176 = tpu.memref_slice %arg9[%dma_wait3A_162, %dma_wait3A_174, %dma_wait3A_175] : memref<4x128x80xf32, #tpu.memory_space<vmem>> -> memref<1x128x80xf32, #tpu.memory_space<vmem>>
    %dma_wait3A_177 = tpu.memref_squeeze %dma_wait3A_176 : memref<1x128x80xf32, #tpu.memory_space<vmem>> -> memref<128x80xf32, #tpu.memory_space<vmem>>
    tpu.wait_dma2 semaphore(%dma_wait3A_171 : memref<!tpu.dma_semaphore, #tpu.memory_space<semaphore_mem>>) src(%dma_wait3A_177 : memref<128x80xf32, #tpu.memory_space<vmem>>) dst(%dma_wait3A_173 : memref<128x80xf32, #tpu.memory_space<hbm>>)
    return
  }
}

#map = affine_map<(d0, d1) -> (0, 0)>
#map1 = affine_map<(d0, d1) -> (0, 0, 0)>
module attributes {stable_mosaic.version = 14 : i64} {
  func.func @_sc_scatter(%arg0: i32, %arg1: i32, %arg2: memref<163840x80xf32, #tpu.memory_space<hbm>>, %arg3: memref<163840x80xf32, #tpu.memory_space<hbm>>, %arg4: memref<2560x128xi32, #tpu.memory_space<hbm>>, %arg5: memref<10240x80xf32, #tpu.memory_space<hbm>>, %arg6: memref<2x10240x80xf32, #tpu.memory_space<hbm>>, %arg7: memref<80x128xi32, #tpu.memory_space<vmem>>, %arg8: memref<2x128x80xf32, #tpu.memory_space<vmem>>, %arg9: memref<10240x80xf32, #tpu.memory_space<vmem_shared>>, %arg10: memref<2x!tpu.dma_semaphore, #tpu.memory_space<semaphore_mem>>) attributes {dimension_semantics = [#tpu.dimension_semantics<core_parallel>, #tpu.dimension_semantics<subcore_parallel>], iteration_bounds = array<i64: 2, 16>, scalar_prefetch = 0 : i64, scratch_operands = 4 : i64, tpu.core_type = #tpu.core_type<sc_vector_subcore>, window_params = [{transform_indices = #map}, {transform_indices = #map}, {transform_indices = #map}, {transform_indices = #map}, {transform_indices = #map1}]} {
    %mul3A = arith.constant 2 : i32
    %mul3A_0 = arith.muli %arg1, %mul3A : i32
    %add3A = arith.addi %mul3A_0, %arg0 : i32
    %eq3A = arith.constant 0 : i32
    %eq3A_1 = arith.cmpi eq, %arg1, %eq3A : i32
    %convert_element_type3A = arith.extui %eq3A_1 : i1 to i32
    %cond3A = arith.constant 0 : i32
    %cond3A_2 = arith.cmpi ne, %convert_element_type3A, %cond3A : i32
    scf.if %cond3A_2 {
      "tpu.region"() ({
        %run_scoped3A = tpu.sem_alloc : memref<!tpu.dma_semaphore, #tpu.memory_space<semaphore_mem>>
        tpu.enqueue_dma source(%arg5 : memref<10240x80xf32, #tpu.memory_space<hbm>>) target(%arg9 : memref<10240x80xf32, #tpu.memory_space<vmem_shared>>) target_semaphore(%run_scoped3A : memref<!tpu.dma_semaphore, #tpu.memory_space<semaphore_mem>>)
        tpu.wait_dma2 semaphore(%run_scoped3A : memref<!tpu.dma_semaphore, #tpu.memory_space<semaphore_mem>>) src(%arg5 : memref<10240x80xf32, #tpu.memory_space<hbm>>) dst(%arg9 : memref<10240x80xf32, #tpu.memory_space<vmem_shared>>)
        tpu.yield
      }) : () -> ()
    } else {
    }
    %barrier3A = arith.constant 0 : index
    tpu.barrier barrier_id(%barrier3A)
    %mul3A_3 = arith.constant 40 : i32
    %mul3A_4 = arith.muli %add3A, %mul3A_3 : i32
    "tpu.region"() ({
      %run_scoped3A = tpu.sem_alloc : memref<!tpu.dma_semaphore, #tpu.memory_space<semaphore_mem>>
      %dma_start3A_105 = arith.constant 0 : i32
      %dma_start3A_106 = arith.constant 0 : i32
      %dma_start3A_107 = tpu.memref_slice %arg7[%dma_start3A_105, %dma_start3A_106] : memref<80x128xi32, #tpu.memory_space<vmem>> -> memref<40x128xi32, #tpu.memory_space<vmem>>
      %dma_start3A_108 = arith.constant 0 : i32
      %dma_start3A_109 = tpu.memref_slice %arg4[%mul3A_4, %dma_start3A_108] : memref<2560x128xi32, #tpu.memory_space<hbm>> -> memref<40x128xi32, #tpu.memory_space<hbm>>
      %dma_start3A_110 = arith.constant 0 : i32
      %dma_start3A_111 = arith.constant 0 : i32
      %dma_start3A_112 = tpu.memref_slice %arg7[%dma_start3A_110, %dma_start3A_111] : memref<80x128xi32, #tpu.memory_space<vmem>> -> memref<40x128xi32, #tpu.memory_space<vmem>>
      %dma_start3A_113 = arith.constant 0 : i32
      %dma_start3A_114 = tpu.memref_slice %arg4[%mul3A_4, %dma_start3A_113] : memref<2560x128xi32, #tpu.memory_space<hbm>> -> memref<40x128xi32, #tpu.memory_space<hbm>>
      tpu.enqueue_dma source(%dma_start3A_114 : memref<40x128xi32, #tpu.memory_space<hbm>>) target(%dma_start3A_112 : memref<40x128xi32, #tpu.memory_space<vmem>>) target_semaphore(%run_scoped3A : memref<!tpu.dma_semaphore, #tpu.memory_space<semaphore_mem>>)
      %dma_wait3A = arith.constant 0 : i32
      %dma_wait3A_115 = arith.constant 0 : i32
      %dma_wait3A_116 = tpu.memref_slice %arg7[%dma_wait3A, %dma_wait3A_115] : memref<80x128xi32, #tpu.memory_space<vmem>> -> memref<40x128xi32, #tpu.memory_space<vmem>>
      %dma_wait3A_117 = arith.constant 0 : i32
      %dma_wait3A_118 = tpu.memref_slice %arg4[%mul3A_4, %dma_wait3A_117] : memref<2560x128xi32, #tpu.memory_space<hbm>> -> memref<40x128xi32, #tpu.memory_space<hbm>>
      %dma_wait3A_119 = arith.constant 0 : i32
      %dma_wait3A_120 = arith.constant 0 : i32
      %dma_wait3A_121 = tpu.memref_slice %arg7[%dma_wait3A_119, %dma_wait3A_120] : memref<80x128xi32, #tpu.memory_space<vmem>> -> memref<40x128xi32, #tpu.memory_space<vmem>>
      %dma_wait3A_122 = arith.constant 0 : i32
      %dma_wait3A_123 = tpu.memref_slice %arg4[%mul3A_4, %dma_wait3A_122] : memref<2560x128xi32, #tpu.memory_space<hbm>> -> memref<40x128xi32, #tpu.memory_space<hbm>>
      tpu.wait_dma2 semaphore(%run_scoped3A : memref<!tpu.dma_semaphore, #tpu.memory_space<semaphore_mem>>) src(%dma_wait3A_123 : memref<40x128xi32, #tpu.memory_space<hbm>>) dst(%dma_wait3A_121 : memref<40x128xi32, #tpu.memory_space<vmem>>)
      tpu.yield
    }) : () -> ()
    %mul3A_5 = arith.constant 40 : i32
    %mul3A_6 = arith.muli %add3A, %mul3A_5 : i32
    %add3A_7 = arith.constant 1280 : i32
    %add3A_8 = arith.addi %add3A_7, %mul3A_6 : i32
    "tpu.region"() ({
      %run_scoped3A = tpu.sem_alloc : memref<!tpu.dma_semaphore, #tpu.memory_space<semaphore_mem>>
      %dma_start3A_105 = arith.constant 40 : i32
      %dma_start3A_106 = arith.constant 0 : i32
      %dma_start3A_107 = tpu.memref_slice %arg7[%dma_start3A_105, %dma_start3A_106] : memref<80x128xi32, #tpu.memory_space<vmem>> -> memref<40x128xi32, #tpu.memory_space<vmem>>
      %dma_start3A_108 = arith.constant 0 : i32
      %dma_start3A_109 = tpu.memref_slice %arg4[%add3A_8, %dma_start3A_108] : memref<2560x128xi32, #tpu.memory_space<hbm>> -> memref<40x128xi32, #tpu.memory_space<hbm>>
      %dma_start3A_110 = arith.constant 40 : i32
      %dma_start3A_111 = arith.constant 0 : i32
      %dma_start3A_112 = tpu.memref_slice %arg7[%dma_start3A_110, %dma_start3A_111] : memref<80x128xi32, #tpu.memory_space<vmem>> -> memref<40x128xi32, #tpu.memory_space<vmem>>
      %dma_start3A_113 = arith.constant 0 : i32
      %dma_start3A_114 = tpu.memref_slice %arg4[%add3A_8, %dma_start3A_113] : memref<2560x128xi32, #tpu.memory_space<hbm>> -> memref<40x128xi32, #tpu.memory_space<hbm>>
      tpu.enqueue_dma source(%dma_start3A_114 : memref<40x128xi32, #tpu.memory_space<hbm>>) target(%dma_start3A_112 : memref<40x128xi32, #tpu.memory_space<vmem>>) target_semaphore(%run_scoped3A : memref<!tpu.dma_semaphore, #tpu.memory_space<semaphore_mem>>)
      %dma_wait3A = arith.constant 40 : i32
      %dma_wait3A_115 = arith.constant 0 : i32
      %dma_wait3A_116 = tpu.memref_slice %arg7[%dma_wait3A, %dma_wait3A_115] : memref<80x128xi32, #tpu.memory_space<vmem>> -> memref<40x128xi32, #tpu.memory_space<vmem>>
      %dma_wait3A_117 = arith.constant 0 : i32
      %dma_wait3A_118 = tpu.memref_slice %arg4[%add3A_8, %dma_wait3A_117] : memref<2560x128xi32, #tpu.memory_space<hbm>> -> memref<40x128xi32, #tpu.memory_space<hbm>>
      %dma_wait3A_119 = arith.constant 40 : i32
      %dma_wait3A_120 = arith.constant 0 : i32
      %dma_wait3A_121 = tpu.memref_slice %arg7[%dma_wait3A_119, %dma_wait3A_120] : memref<80x128xi32, #tpu.memory_space<vmem>> -> memref<40x128xi32, #tpu.memory_space<vmem>>
      %dma_wait3A_122 = arith.constant 0 : i32
      %dma_wait3A_123 = tpu.memref_slice %arg4[%add3A_8, %dma_wait3A_122] : memref<2560x128xi32, #tpu.memory_space<hbm>> -> memref<40x128xi32, #tpu.memory_space<hbm>>
      tpu.wait_dma2 semaphore(%run_scoped3A : memref<!tpu.dma_semaphore, #tpu.memory_space<semaphore_mem>>) src(%dma_wait3A_123 : memref<40x128xi32, #tpu.memory_space<hbm>>) dst(%dma_wait3A_121 : memref<40x128xi32, #tpu.memory_space<vmem>>)
      tpu.yield
    }) : () -> ()
    %mul3A_9 = arith.constant 5120 : i32
    %mul3A_10 = arith.muli %add3A, %mul3A_9 : i32
    %add3A_11 = arith.constant 0 : i32
    %add3A_12 = arith.addi %mul3A_10, %add3A_11 : i32
    %dma_start3A = arith.constant 0 : i32
    %dma_start3A_13 = arith.constant 0 : i32
    %dma_start3A_14 = arith.constant 0 : i32
    %dma_start3A_15 = arith.constant 0 : i32
    %dma_start3A_16 = tpu.memref_slice %arg8[%dma_start3A, %dma_start3A_14, %dma_start3A_15] : memref<2x128x80xf32, #tpu.memory_space<vmem>> -> memref<1x128x80xf32, #tpu.memory_space<vmem>>
    %dma_start3A_17 = tpu.memref_squeeze %dma_start3A_16 : memref<1x128x80xf32, #tpu.memory_space<vmem>> -> memref<128x80xf32, #tpu.memory_space<vmem>>
    %dma_start3A_18 = arith.constant 0 : i32
    %dma_start3A_19 = tpu.memref_slice %arg2[%add3A_12, %dma_start3A_18] : memref<163840x80xf32, #tpu.memory_space<hbm>> -> memref<128x80xf32, #tpu.memory_space<hbm>>
    %dma_start3A_20 = tpu.memref_slice %arg10[%dma_start3A_13] : memref<2x!tpu.dma_semaphore, #tpu.memory_space<semaphore_mem>> -> memref<1x!tpu.dma_semaphore, #tpu.memory_space<semaphore_mem>>
    %dma_start3A_21 = tpu.memref_squeeze %dma_start3A_20 : memref<1x!tpu.dma_semaphore, #tpu.memory_space<semaphore_mem>> -> memref<!tpu.dma_semaphore, #tpu.memory_space<semaphore_mem>>
    %dma_start3A_22 = arith.constant 0 : i32
    %dma_start3A_23 = arith.constant 0 : i32
    %dma_start3A_24 = tpu.memref_slice %arg8[%dma_start3A, %dma_start3A_22, %dma_start3A_23] : memref<2x128x80xf32, #tpu.memory_space<vmem>> -> memref<1x128x80xf32, #tpu.memory_space<vmem>>
    %dma_start3A_25 = tpu.memref_squeeze %dma_start3A_24 : memref<1x128x80xf32, #tpu.memory_space<vmem>> -> memref<128x80xf32, #tpu.memory_space<vmem>>
    %dma_start3A_26 = arith.constant 0 : i32
    %dma_start3A_27 = tpu.memref_slice %arg2[%add3A_12, %dma_start3A_26] : memref<163840x80xf32, #tpu.memory_space<hbm>> -> memref<128x80xf32, #tpu.memory_space<hbm>>
    tpu.enqueue_dma source(%dma_start3A_27 : memref<128x80xf32, #tpu.memory_space<hbm>>) target(%dma_start3A_25 : memref<128x80xf32, #tpu.memory_space<vmem>>) target_semaphore(%dma_start3A_21 : memref<!tpu.dma_semaphore, #tpu.memory_space<semaphore_mem>>)
    %mul3A_28 = arith.constant 5120 : i32
    %mul3A_29 = arith.muli %add3A, %mul3A_28 : i32
    %add3A_30 = arith.constant 128 : i32
    %add3A_31 = arith.addi %mul3A_29, %add3A_30 : i32
    %dma_start3A_32 = arith.constant 1 : i32
    %dma_start3A_33 = arith.constant 1 : i32
    %dma_start3A_34 = arith.constant 0 : i32
    %dma_start3A_35 = arith.constant 0 : i32
    %dma_start3A_36 = tpu.memref_slice %arg8[%dma_start3A_32, %dma_start3A_34, %dma_start3A_35] : memref<2x128x80xf32, #tpu.memory_space<vmem>> -> memref<1x128x80xf32, #tpu.memory_space<vmem>>
    %dma_start3A_37 = tpu.memref_squeeze %dma_start3A_36 : memref<1x128x80xf32, #tpu.memory_space<vmem>> -> memref<128x80xf32, #tpu.memory_space<vmem>>
    %dma_start3A_38 = arith.constant 0 : i32
    %dma_start3A_39 = tpu.memref_slice %arg2[%add3A_31, %dma_start3A_38] : memref<163840x80xf32, #tpu.memory_space<hbm>> -> memref<128x80xf32, #tpu.memory_space<hbm>>
    %dma_start3A_40 = tpu.memref_slice %arg10[%dma_start3A_33] : memref<2x!tpu.dma_semaphore, #tpu.memory_space<semaphore_mem>> -> memref<1x!tpu.dma_semaphore, #tpu.memory_space<semaphore_mem>>
    %dma_start3A_41 = tpu.memref_squeeze %dma_start3A_40 : memref<1x!tpu.dma_semaphore, #tpu.memory_space<semaphore_mem>> -> memref<!tpu.dma_semaphore, #tpu.memory_space<semaphore_mem>>
    %dma_start3A_42 = arith.constant 0 : i32
    %dma_start3A_43 = arith.constant 0 : i32
    %dma_start3A_44 = tpu.memref_slice %arg8[%dma_start3A_32, %dma_start3A_42, %dma_start3A_43] : memref<2x128x80xf32, #tpu.memory_space<vmem>> -> memref<1x128x80xf32, #tpu.memory_space<vmem>>
    %dma_start3A_45 = tpu.memref_squeeze %dma_start3A_44 : memref<1x128x80xf32, #tpu.memory_space<vmem>> -> memref<128x80xf32, #tpu.memory_space<vmem>>
    %dma_start3A_46 = arith.constant 0 : i32
    %dma_start3A_47 = tpu.memref_slice %arg2[%add3A_31, %dma_start3A_46] : memref<163840x80xf32, #tpu.memory_space<hbm>> -> memref<128x80xf32, #tpu.memory_space<hbm>>
    tpu.enqueue_dma source(%dma_start3A_47 : memref<128x80xf32, #tpu.memory_space<hbm>>) target(%dma_start3A_45 : memref<128x80xf32, #tpu.memory_space<vmem>>) target_semaphore(%dma_start3A_41 : memref<!tpu.dma_semaphore, #tpu.memory_space<semaphore_mem>>)
    %scan3A = arith.constant 0 : i32
    %scan3A_48 = arith.constant 0 : i32
    %scan3A_49 = arith.constant 20 : i32
    %scan3A_50 = arith.addi %scan3A_48, %scan3A_49 : i32
    %scan3A_51 = arith.constant 1 : i32
    scf.for %scan3A_105 = %scan3A_48 to %scan3A_50 step %scan3A_51  : i32 {
      %mul3A_106 = arith.constant 2 : i32
      %mul3A_107 = arith.muli %scan3A_105, %mul3A_106 : i32
      %add3A_108 = arith.constant 0 : i32
      %add3A_109 = arith.addi %mul3A_107, %add3A_108 : i32
      %mul3A_110 = arith.constant 5120 : i32
      %mul3A_111 = arith.muli %add3A, %mul3A_110 : i32
      %mul3A_112 = arith.constant 128 : i32
      %mul3A_113 = arith.muli %add3A_109, %mul3A_112 : i32
      %add3A_114 = arith.addi %mul3A_111, %mul3A_113 : i32
      %dma_wait3A = arith.constant 0 : i32
      %dma_wait3A_115 = arith.constant 0 : i32
      %dma_wait3A_116 = arith.constant 0 : i32
      %dma_wait3A_117 = arith.constant 0 : i32
      %dma_wait3A_118 = tpu.memref_slice %arg8[%dma_wait3A, %dma_wait3A_116, %dma_wait3A_117] : memref<2x128x80xf32, #tpu.memory_space<vmem>> -> memref<1x128x80xf32, #tpu.memory_space<vmem>>
      %dma_wait3A_119 = tpu.memref_squeeze %dma_wait3A_118 : memref<1x128x80xf32, #tpu.memory_space<vmem>> -> memref<128x80xf32, #tpu.memory_space<vmem>>
      %dma_wait3A_120 = arith.constant 0 : i32
      %dma_wait3A_121 = tpu.memref_slice %arg2[%add3A_114, %dma_wait3A_120] : memref<163840x80xf32, #tpu.memory_space<hbm>> -> memref<128x80xf32, #tpu.memory_space<hbm>>
      %dma_wait3A_122 = tpu.memref_slice %arg10[%dma_wait3A_115] : memref<2x!tpu.dma_semaphore, #tpu.memory_space<semaphore_mem>> -> memref<1x!tpu.dma_semaphore, #tpu.memory_space<semaphore_mem>>
      %dma_wait3A_123 = tpu.memref_squeeze %dma_wait3A_122 : memref<1x!tpu.dma_semaphore, #tpu.memory_space<semaphore_mem>> -> memref<!tpu.dma_semaphore, #tpu.memory_space<semaphore_mem>>
      %dma_wait3A_124 = arith.constant 0 : i32
      %dma_wait3A_125 = arith.constant 0 : i32
      %dma_wait3A_126 = tpu.memref_slice %arg8[%dma_wait3A, %dma_wait3A_124, %dma_wait3A_125] : memref<2x128x80xf32, #tpu.memory_space<vmem>> -> memref<1x128x80xf32, #tpu.memory_space<vmem>>
      %dma_wait3A_127 = tpu.memref_squeeze %dma_wait3A_126 : memref<1x128x80xf32, #tpu.memory_space<vmem>> -> memref<128x80xf32, #tpu.memory_space<vmem>>
      %dma_wait3A_128 = arith.constant 0 : i32
      %dma_wait3A_129 = tpu.memref_slice %arg2[%add3A_114, %dma_wait3A_128] : memref<163840x80xf32, #tpu.memory_space<hbm>> -> memref<128x80xf32, #tpu.memory_space<hbm>>
      tpu.wait_dma2 semaphore(%dma_wait3A_123 : memref<!tpu.dma_semaphore, #tpu.memory_space<semaphore_mem>>) src(%dma_wait3A_129 : memref<128x80xf32, #tpu.memory_space<hbm>>) dst(%dma_wait3A_127 : memref<128x80xf32, #tpu.memory_space<vmem>>)
      %add3A_130 = arith.constant 0 : i32
      %add3A_131 = arith.addi %add3A_130, %add3A_109 : i32
      %run_scoped3A = arith.constant 0 : i32
      "tpu.region"() ({
        %run_scoped3A_173 = tpu.sem_alloc : memref<!tpu.dma_semaphore, #tpu.memory_space<semaphore_mem>>
        %dma_start3A_174 = arith.constant 0 : i32
        %dma_start3A_175 = arith.constant 0 : i32
        %dma_start3A_176 = tpu.memref_slice %arg8[%run_scoped3A, %dma_start3A_174, %dma_start3A_175] : memref<2x128x80xf32, #tpu.memory_space<vmem>> -> memref<1x128x80xf32, #tpu.memory_space<vmem>>
        %dma_start3A_177 = tpu.memref_squeeze %dma_start3A_176 : memref<1x128x80xf32, #tpu.memory_space<vmem>> -> memref<128x80xf32, #tpu.memory_space<vmem>>
        %dma_start3A_178 = arith.constant 0 : i32
        %dma_start3A_179 = tpu.memref_slice %arg7[%add3A_131, %dma_start3A_178] : memref<80x128xi32, #tpu.memory_space<vmem>> -> memref<1x128xi32, #tpu.memory_space<vmem>>
        %dma_start3A_180 = tpu.memref_squeeze %dma_start3A_179 : memref<1x128xi32, #tpu.memory_space<vmem>> -> memref<128xi32, #tpu.memory_space<vmem>>
        %dma_start3A_181 = arith.constant 0 : i32
        %dma_start3A_182 = arith.constant 0 : i32
        %dma_start3A_183 = tpu.memref_slice %arg9[%dma_start3A_181, %dma_start3A_182] : memref<10240x80xf32, #tpu.memory_space<vmem_shared>> -> memref<10240x80xf32, #tpu.memory_space<vmem_shared>>
        tpu.enqueue_indirect_dma source(%dma_start3A_177 : memref<128x80xf32, #tpu.memory_space<vmem>>) target(%dma_start3A_183 : memref<10240x80xf32, #tpu.memory_space<vmem_shared>>) offsets(%dma_start3A_180 : memref<128xi32, #tpu.memory_space<vmem>>) semaphore(%run_scoped3A_173 : memref<!tpu.dma_semaphore, #tpu.memory_space<semaphore_mem>>) {add = true}
        %dma_wait3A_184 = arith.constant 0 : i32
        %dma_wait3A_185 = arith.constant 0 : i32
        %dma_wait3A_186 = tpu.memref_slice %arg8[%run_scoped3A, %dma_wait3A_184, %dma_wait3A_185] : memref<2x128x80xf32, #tpu.memory_space<vmem>> -> memref<1x128x80xf32, #tpu.memory_space<vmem>>
        %dma_wait3A_187 = tpu.memref_squeeze %dma_wait3A_186 : memref<1x128x80xf32, #tpu.memory_space<vmem>> -> memref<128x80xf32, #tpu.memory_space<vmem>>
        %dma_wait3A_188 = arith.constant 0 : i32
        %dma_wait3A_189 = tpu.memref_slice %arg7[%add3A_131, %dma_wait3A_188] : memref<80x128xi32, #tpu.memory_space<vmem>> -> memref<1x128xi32, #tpu.memory_space<vmem>>
        %dma_wait3A_190 = tpu.memref_squeeze %dma_wait3A_189 : memref<1x128xi32, #tpu.memory_space<vmem>> -> memref<128xi32, #tpu.memory_space<vmem>>
        %dma_wait3A_191 = arith.constant 0 : i32
        %dma_wait3A_192 = arith.constant 0 : i32
        %dma_wait3A_193 = tpu.memref_slice %arg9[%dma_wait3A_191, %dma_wait3A_192] : memref<10240x80xf32, #tpu.memory_space<vmem_shared>> -> memref<10240x80xf32, #tpu.memory_space<vmem_shared>>
        tpu.wait_indirect_dma semaphore(%run_scoped3A_173 : memref<!tpu.dma_semaphore, #tpu.memory_space<semaphore_mem>>) src(%dma_wait3A_187 : memref<128x80xf32, #tpu.memory_space<vmem>>) dst(%dma_wait3A_193 : memref<10240x80xf32, #tpu.memory_space<vmem_shared>>)
        tpu.yield
      }) : () -> ()
      %add3A_132 = arith.constant 2 : i32
      %add3A_133 = arith.addi %add3A_109, %add3A_132 : i32
      %lt3A = arith.constant 40 : i32
      %lt3A_134 = arith.cmpi slt, %add3A_133, %lt3A : i32
      %convert_element_type3A_135 = arith.extui %lt3A_134 : i1 to i32
      %cond3A_136 = arith.constant 0 : i32
      %cond3A_137 = arith.cmpi ne, %convert_element_type3A_135, %cond3A_136 : i32
      scf.if %cond3A_137 {
        %add3A_173 = arith.constant 2 : i32
        %add3A_174 = arith.addi %add3A_109, %add3A_173 : i32
        %mul3A_175 = arith.constant 5120 : i32
        %mul3A_176 = arith.muli %add3A, %mul3A_175 : i32
        %mul3A_177 = arith.constant 128 : i32
        %mul3A_178 = arith.muli %add3A_174, %mul3A_177 : i32
        %add3A_179 = arith.addi %mul3A_176, %mul3A_178 : i32
        %dma_start3A_180 = arith.constant 0 : i32
        %dma_start3A_181 = arith.constant 0 : i32
        %dma_start3A_182 = arith.constant 0 : i32
        %dma_start3A_183 = arith.constant 0 : i32
        %dma_start3A_184 = tpu.memref_slice %arg8[%dma_start3A_180, %dma_start3A_182, %dma_start3A_183] : memref<2x128x80xf32, #tpu.memory_space<vmem>> -> memref<1x128x80xf32, #tpu.memory_space<vmem>>
        %dma_start3A_185 = tpu.memref_squeeze %dma_start3A_184 : memref<1x128x80xf32, #tpu.memory_space<vmem>> -> memref<128x80xf32, #tpu.memory_space<vmem>>
        %dma_start3A_186 = arith.constant 0 : i32
        %dma_start3A_187 = tpu.memref_slice %arg2[%add3A_179, %dma_start3A_186] : memref<163840x80xf32, #tpu.memory_space<hbm>> -> memref<128x80xf32, #tpu.memory_space<hbm>>
        %dma_start3A_188 = tpu.memref_slice %arg10[%dma_start3A_181] : memref<2x!tpu.dma_semaphore, #tpu.memory_space<semaphore_mem>> -> memref<1x!tpu.dma_semaphore, #tpu.memory_space<semaphore_mem>>
        %dma_start3A_189 = tpu.memref_squeeze %dma_start3A_188 : memref<1x!tpu.dma_semaphore, #tpu.memory_space<semaphore_mem>> -> memref<!tpu.dma_semaphore, #tpu.memory_space<semaphore_mem>>
        %dma_start3A_190 = arith.constant 0 : i32
        %dma_start3A_191 = arith.constant 0 : i32
        %dma_start3A_192 = tpu.memref_slice %arg8[%dma_start3A_180, %dma_start3A_190, %dma_start3A_191] : memref<2x128x80xf32, #tpu.memory_space<vmem>> -> memref<1x128x80xf32, #tpu.memory_space<vmem>>
        %dma_start3A_193 = tpu.memref_squeeze %dma_start3A_192 : memref<1x128x80xf32, #tpu.memory_space<vmem>> -> memref<128x80xf32, #tpu.memory_space<vmem>>
        %dma_start3A_194 = arith.constant 0 : i32
        %dma_start3A_195 = tpu.memref_slice %arg2[%add3A_179, %dma_start3A_194] : memref<163840x80xf32, #tpu.memory_space<hbm>> -> memref<128x80xf32, #tpu.memory_space<hbm>>
        tpu.enqueue_dma source(%dma_start3A_195 : memref<128x80xf32, #tpu.memory_space<hbm>>) target(%dma_start3A_193 : memref<128x80xf32, #tpu.memory_space<vmem>>) target_semaphore(%dma_start3A_189 : memref<!tpu.dma_semaphore, #tpu.memory_space<semaphore_mem>>)
      } else {
      }
      %mul3A_138 = arith.constant 2 : i32
      %mul3A_139 = arith.muli %scan3A_105, %mul3A_138 : i32
      %add3A_140 = arith.constant 1 : i32
      %add3A_141 = arith.addi %mul3A_139, %add3A_140 : i32
      %mul3A_142 = arith.constant 5120 : i32
      %mul3A_143 = arith.muli %add3A, %mul3A_142 : i32
      %mul3A_144 = arith.constant 128 : i32
      %mul3A_145 = arith.muli %add3A_141, %mul3A_144 : i32
      %add3A_146 = arith.addi %mul3A_143, %mul3A_145 : i32
      %dma_wait3A_147 = arith.constant 1 : i32
      %dma_wait3A_148 = arith.constant 1 : i32
      %dma_wait3A_149 = arith.constant 0 : i32
      %dma_wait3A_150 = arith.constant 0 : i32
      %dma_wait3A_151 = tpu.memref_slice %arg8[%dma_wait3A_147, %dma_wait3A_149, %dma_wait3A_150] : memref<2x128x80xf32, #tpu.memory_space<vmem>> -> memref<1x128x80xf32, #tpu.memory_space<vmem>>
      %dma_wait3A_152 = tpu.memref_squeeze %dma_wait3A_151 : memref<1x128x80xf32, #tpu.memory_space<vmem>> -> memref<128x80xf32, #tpu.memory_space<vmem>>
      %dma_wait3A_153 = arith.constant 0 : i32
      %dma_wait3A_154 = tpu.memref_slice %arg2[%add3A_146, %dma_wait3A_153] : memref<163840x80xf32, #tpu.memory_space<hbm>> -> memref<128x80xf32, #tpu.memory_space<hbm>>
      %dma_wait3A_155 = tpu.memref_slice %arg10[%dma_wait3A_148] : memref<2x!tpu.dma_semaphore, #tpu.memory_space<semaphore_mem>> -> memref<1x!tpu.dma_semaphore, #tpu.memory_space<semaphore_mem>>
      %dma_wait3A_156 = tpu.memref_squeeze %dma_wait3A_155 : memref<1x!tpu.dma_semaphore, #tpu.memory_space<semaphore_mem>> -> memref<!tpu.dma_semaphore, #tpu.memory_space<semaphore_mem>>
      %dma_wait3A_157 = arith.constant 0 : i32
      %dma_wait3A_158 = arith.constant 0 : i32
      %dma_wait3A_159 = tpu.memref_slice %arg8[%dma_wait3A_147, %dma_wait3A_157, %dma_wait3A_158] : memref<2x128x80xf32, #tpu.memory_space<vmem>> -> memref<1x128x80xf32, #tpu.memory_space<vmem>>
      %dma_wait3A_160 = tpu.memref_squeeze %dma_wait3A_159 : memref<1x128x80xf32, #tpu.memory_space<vmem>> -> memref<128x80xf32, #tpu.memory_space<vmem>>
      %dma_wait3A_161 = arith.constant 0 : i32
      %dma_wait3A_162 = tpu.memref_slice %arg2[%add3A_146, %dma_wait3A_161] : memref<163840x80xf32, #tpu.memory_space<hbm>> -> memref<128x80xf32, #tpu.memory_space<hbm>>
      tpu.wait_dma2 semaphore(%dma_wait3A_156 : memref<!tpu.dma_semaphore, #tpu.memory_space<semaphore_mem>>) src(%dma_wait3A_162 : memref<128x80xf32, #tpu.memory_space<hbm>>) dst(%dma_wait3A_160 : memref<128x80xf32, #tpu.memory_space<vmem>>)
      %add3A_163 = arith.constant 0 : i32
      %add3A_164 = arith.addi %add3A_163, %add3A_141 : i32
      %run_scoped3A_165 = arith.constant 1 : i32
      "tpu.region"() ({
        %run_scoped3A_173 = tpu.sem_alloc : memref<!tpu.dma_semaphore, #tpu.memory_space<semaphore_mem>>
        %dma_start3A_174 = arith.constant 0 : i32
        %dma_start3A_175 = arith.constant 0 : i32
        %dma_start3A_176 = tpu.memref_slice %arg8[%run_scoped3A_165, %dma_start3A_174, %dma_start3A_175] : memref<2x128x80xf32, #tpu.memory_space<vmem>> -> memref<1x128x80xf32, #tpu.memory_space<vmem>>
        %dma_start3A_177 = tpu.memref_squeeze %dma_start3A_176 : memref<1x128x80xf32, #tpu.memory_space<vmem>> -> memref<128x80xf32, #tpu.memory_space<vmem>>
        %dma_start3A_178 = arith.constant 0 : i32
        %dma_start3A_179 = tpu.memref_slice %arg7[%add3A_164, %dma_start3A_178] : memref<80x128xi32, #tpu.memory_space<vmem>> -> memref<1x128xi32, #tpu.memory_space<vmem>>
        %dma_start3A_180 = tpu.memref_squeeze %dma_start3A_179 : memref<1x128xi32, #tpu.memory_space<vmem>> -> memref<128xi32, #tpu.memory_space<vmem>>
        %dma_start3A_181 = arith.constant 0 : i32
        %dma_start3A_182 = arith.constant 0 : i32
        %dma_start3A_183 = tpu.memref_slice %arg9[%dma_start3A_181, %dma_start3A_182] : memref<10240x80xf32, #tpu.memory_space<vmem_shared>> -> memref<10240x80xf32, #tpu.memory_space<vmem_shared>>
        tpu.enqueue_indirect_dma source(%dma_start3A_177 : memref<128x80xf32, #tpu.memory_space<vmem>>) target(%dma_start3A_183 : memref<10240x80xf32, #tpu.memory_space<vmem_shared>>) offsets(%dma_start3A_180 : memref<128xi32, #tpu.memory_space<vmem>>) semaphore(%run_scoped3A_173 : memref<!tpu.dma_semaphore, #tpu.memory_space<semaphore_mem>>) {add = true}
        %dma_wait3A_184 = arith.constant 0 : i32
        %dma_wait3A_185 = arith.constant 0 : i32
        %dma_wait3A_186 = tpu.memref_slice %arg8[%run_scoped3A_165, %dma_wait3A_184, %dma_wait3A_185] : memref<2x128x80xf32, #tpu.memory_space<vmem>> -> memref<1x128x80xf32, #tpu.memory_space<vmem>>
        %dma_wait3A_187 = tpu.memref_squeeze %dma_wait3A_186 : memref<1x128x80xf32, #tpu.memory_space<vmem>> -> memref<128x80xf32, #tpu.memory_space<vmem>>
        %dma_wait3A_188 = arith.constant 0 : i32
        %dma_wait3A_189 = tpu.memref_slice %arg7[%add3A_164, %dma_wait3A_188] : memref<80x128xi32, #tpu.memory_space<vmem>> -> memref<1x128xi32, #tpu.memory_space<vmem>>
        %dma_wait3A_190 = tpu.memref_squeeze %dma_wait3A_189 : memref<1x128xi32, #tpu.memory_space<vmem>> -> memref<128xi32, #tpu.memory_space<vmem>>
        %dma_wait3A_191 = arith.constant 0 : i32
        %dma_wait3A_192 = arith.constant 0 : i32
        %dma_wait3A_193 = tpu.memref_slice %arg9[%dma_wait3A_191, %dma_wait3A_192] : memref<10240x80xf32, #tpu.memory_space<vmem_shared>> -> memref<10240x80xf32, #tpu.memory_space<vmem_shared>>
        tpu.wait_indirect_dma semaphore(%run_scoped3A_173 : memref<!tpu.dma_semaphore, #tpu.memory_space<semaphore_mem>>) src(%dma_wait3A_187 : memref<128x80xf32, #tpu.memory_space<vmem>>) dst(%dma_wait3A_193 : memref<10240x80xf32, #tpu.memory_space<vmem_shared>>)
        tpu.yield
      }) : () -> ()
      %add3A_166 = arith.constant 2 : i32
      %add3A_167 = arith.addi %add3A_141, %add3A_166 : i32
      %lt3A_168 = arith.constant 40 : i32
      %lt3A_169 = arith.cmpi slt, %add3A_167, %lt3A_168 : i32
      %convert_element_type3A_170 = arith.extui %lt3A_169 : i1 to i32
      %cond3A_171 = arith.constant 0 : i32
      %cond3A_172 = arith.cmpi ne, %convert_element_type3A_170, %cond3A_171 : i32
      scf.if %cond3A_172 {
        %add3A_173 = arith.constant 2 : i32
        %add3A_174 = arith.addi %add3A_141, %add3A_173 : i32
        %mul3A_175 = arith.constant 5120 : i32
        %mul3A_176 = arith.muli %add3A, %mul3A_175 : i32
        %mul3A_177 = arith.constant 128 : i32
        %mul3A_178 = arith.muli %add3A_174, %mul3A_177 : i32
        %add3A_179 = arith.addi %mul3A_176, %mul3A_178 : i32
        %dma_start3A_180 = arith.constant 1 : i32
        %dma_start3A_181 = arith.constant 1 : i32
        %dma_start3A_182 = arith.constant 0 : i32
        %dma_start3A_183 = arith.constant 0 : i32
        %dma_start3A_184 = tpu.memref_slice %arg8[%dma_start3A_180, %dma_start3A_182, %dma_start3A_183] : memref<2x128x80xf32, #tpu.memory_space<vmem>> -> memref<1x128x80xf32, #tpu.memory_space<vmem>>
        %dma_start3A_185 = tpu.memref_squeeze %dma_start3A_184 : memref<1x128x80xf32, #tpu.memory_space<vmem>> -> memref<128x80xf32, #tpu.memory_space<vmem>>
        %dma_start3A_186 = arith.constant 0 : i32
        %dma_start3A_187 = tpu.memref_slice %arg2[%add3A_179, %dma_start3A_186] : memref<163840x80xf32, #tpu.memory_space<hbm>> -> memref<128x80xf32, #tpu.memory_space<hbm>>
        %dma_start3A_188 = tpu.memref_slice %arg10[%dma_start3A_181] : memref<2x!tpu.dma_semaphore, #tpu.memory_space<semaphore_mem>> -> memref<1x!tpu.dma_semaphore, #tpu.memory_space<semaphore_mem>>
        %dma_start3A_189 = tpu.memref_squeeze %dma_start3A_188 : memref<1x!tpu.dma_semaphore, #tpu.memory_space<semaphore_mem>> -> memref<!tpu.dma_semaphore, #tpu.memory_space<semaphore_mem>>
        %dma_start3A_190 = arith.constant 0 : i32
        %dma_start3A_191 = arith.constant 0 : i32
        %dma_start3A_192 = tpu.memref_slice %arg8[%dma_start3A_180, %dma_start3A_190, %dma_start3A_191] : memref<2x128x80xf32, #tpu.memory_space<vmem>> -> memref<1x128x80xf32, #tpu.memory_space<vmem>>
        %dma_start3A_193 = tpu.memref_squeeze %dma_start3A_192 : memref<1x128x80xf32, #tpu.memory_space<vmem>> -> memref<128x80xf32, #tpu.memory_space<vmem>>
        %dma_start3A_194 = arith.constant 0 : i32
        %dma_start3A_195 = tpu.memref_slice %arg2[%add3A_179, %dma_start3A_194] : memref<163840x80xf32, #tpu.memory_space<hbm>> -> memref<128x80xf32, #tpu.memory_space<hbm>>
        tpu.enqueue_dma source(%dma_start3A_195 : memref<128x80xf32, #tpu.memory_space<hbm>>) target(%dma_start3A_193 : memref<128x80xf32, #tpu.memory_space<vmem>>) target_semaphore(%dma_start3A_189 : memref<!tpu.dma_semaphore, #tpu.memory_space<semaphore_mem>>)
      } else {
      }
    }
    %scan3A_52 = arith.constant 20 : i32
    %mul3A_53 = arith.constant 5120 : i32
    %mul3A_54 = arith.muli %add3A, %mul3A_53 : i32
    %add3A_55 = arith.constant 0 : i32
    %add3A_56 = arith.addi %mul3A_54, %add3A_55 : i32
    %dma_start3A_57 = arith.constant 0 : i32
    %dma_start3A_58 = arith.constant 0 : i32
    %dma_start3A_59 = arith.constant 0 : i32
    %dma_start3A_60 = arith.constant 0 : i32
    %dma_start3A_61 = tpu.memref_slice %arg8[%dma_start3A_57, %dma_start3A_59, %dma_start3A_60] : memref<2x128x80xf32, #tpu.memory_space<vmem>> -> memref<1x128x80xf32, #tpu.memory_space<vmem>>
    %dma_start3A_62 = tpu.memref_squeeze %dma_start3A_61 : memref<1x128x80xf32, #tpu.memory_space<vmem>> -> memref<128x80xf32, #tpu.memory_space<vmem>>
    %dma_start3A_63 = arith.constant 0 : i32
    %dma_start3A_64 = tpu.memref_slice %arg3[%add3A_56, %dma_start3A_63] : memref<163840x80xf32, #tpu.memory_space<hbm>> -> memref<128x80xf32, #tpu.memory_space<hbm>>
    %dma_start3A_65 = tpu.memref_slice %arg10[%dma_start3A_58] : memref<2x!tpu.dma_semaphore, #tpu.memory_space<semaphore_mem>> -> memref<1x!tpu.dma_semaphore, #tpu.memory_space<semaphore_mem>>
    %dma_start3A_66 = tpu.memref_squeeze %dma_start3A_65 : memref<1x!tpu.dma_semaphore, #tpu.memory_space<semaphore_mem>> -> memref<!tpu.dma_semaphore, #tpu.memory_space<semaphore_mem>>
    %dma_start3A_67 = arith.constant 0 : i32
    %dma_start3A_68 = arith.constant 0 : i32
    %dma_start3A_69 = tpu.memref_slice %arg8[%dma_start3A_57, %dma_start3A_67, %dma_start3A_68] : memref<2x128x80xf32, #tpu.memory_space<vmem>> -> memref<1x128x80xf32, #tpu.memory_space<vmem>>
    %dma_start3A_70 = tpu.memref_squeeze %dma_start3A_69 : memref<1x128x80xf32, #tpu.memory_space<vmem>> -> memref<128x80xf32, #tpu.memory_space<vmem>>
    %dma_start3A_71 = arith.constant 0 : i32
    %dma_start3A_72 = tpu.memref_slice %arg3[%add3A_56, %dma_start3A_71] : memref<163840x80xf32, #tpu.memory_space<hbm>> -> memref<128x80xf32, #tpu.memory_space<hbm>>
    tpu.enqueue_dma source(%dma_start3A_72 : memref<128x80xf32, #tpu.memory_space<hbm>>) target(%dma_start3A_70 : memref<128x80xf32, #tpu.memory_space<vmem>>) target_semaphore(%dma_start3A_66 : memref<!tpu.dma_semaphore, #tpu.memory_space<semaphore_mem>>)
    %mul3A_73 = arith.constant 5120 : i32
    %mul3A_74 = arith.muli %add3A, %mul3A_73 : i32
    %add3A_75 = arith.constant 128 : i32
    %add3A_76 = arith.addi %mul3A_74, %add3A_75 : i32
    %dma_start3A_77 = arith.constant 1 : i32
    %dma_start3A_78 = arith.constant 1 : i32
    %dma_start3A_79 = arith.constant 0 : i32
    %dma_start3A_80 = arith.constant 0 : i32
    %dma_start3A_81 = tpu.memref_slice %arg8[%dma_start3A_77, %dma_start3A_79, %dma_start3A_80] : memref<2x128x80xf32, #tpu.memory_space<vmem>> -> memref<1x128x80xf32, #tpu.memory_space<vmem>>
    %dma_start3A_82 = tpu.memref_squeeze %dma_start3A_81 : memref<1x128x80xf32, #tpu.memory_space<vmem>> -> memref<128x80xf32, #tpu.memory_space<vmem>>
    %dma_start3A_83 = arith.constant 0 : i32
    %dma_start3A_84 = tpu.memref_slice %arg3[%add3A_76, %dma_start3A_83] : memref<163840x80xf32, #tpu.memory_space<hbm>> -> memref<128x80xf32, #tpu.memory_space<hbm>>
    %dma_start3A_85 = tpu.memref_slice %arg10[%dma_start3A_78] : memref<2x!tpu.dma_semaphore, #tpu.memory_space<semaphore_mem>> -> memref<1x!tpu.dma_semaphore, #tpu.memory_space<semaphore_mem>>
    %dma_start3A_86 = tpu.memref_squeeze %dma_start3A_85 : memref<1x!tpu.dma_semaphore, #tpu.memory_space<semaphore_mem>> -> memref<!tpu.dma_semaphore, #tpu.memory_space<semaphore_mem>>
    %dma_start3A_87 = arith.constant 0 : i32
    %dma_start3A_88 = arith.constant 0 : i32
    %dma_start3A_89 = tpu.memref_slice %arg8[%dma_start3A_77, %dma_start3A_87, %dma_start3A_88] : memref<2x128x80xf32, #tpu.memory_space<vmem>> -> memref<1x128x80xf32, #tpu.memory_space<vmem>>
    %dma_start3A_90 = tpu.memref_squeeze %dma_start3A_89 : memref<1x128x80xf32, #tpu.memory_space<vmem>> -> memref<128x80xf32, #tpu.memory_space<vmem>>
    %dma_start3A_91 = arith.constant 0 : i32
    %dma_start3A_92 = tpu.memref_slice %arg3[%add3A_76, %dma_start3A_91] : memref<163840x80xf32, #tpu.memory_space<hbm>> -> memref<128x80xf32, #tpu.memory_space<hbm>>
    tpu.enqueue_dma source(%dma_start3A_92 : memref<128x80xf32, #tpu.memory_space<hbm>>) target(%dma_start3A_90 : memref<128x80xf32, #tpu.memory_space<vmem>>) target_semaphore(%dma_start3A_86 : memref<!tpu.dma_semaphore, #tpu.memory_space<semaphore_mem>>)
    %scan3A_93 = arith.constant 0 : i32
    %scan3A_94 = arith.constant 0 : i32
    %scan3A_95 = arith.constant 20 : i32
    %scan3A_96 = arith.addi %scan3A_94, %scan3A_95 : i32
    %scan3A_97 = arith.constant 1 : i32
    scf.for %scan3A_105 = %scan3A_94 to %scan3A_96 step %scan3A_97  : i32 {
      %mul3A_106 = arith.constant 2 : i32
      %mul3A_107 = arith.muli %scan3A_105, %mul3A_106 : i32
      %add3A_108 = arith.constant 0 : i32
      %add3A_109 = arith.addi %mul3A_107, %add3A_108 : i32
      %mul3A_110 = arith.constant 5120 : i32
      %mul3A_111 = arith.muli %add3A, %mul3A_110 : i32
      %mul3A_112 = arith.constant 128 : i32
      %mul3A_113 = arith.muli %add3A_109, %mul3A_112 : i32
      %add3A_114 = arith.addi %mul3A_111, %mul3A_113 : i32
      %dma_wait3A = arith.constant 0 : i32
      %dma_wait3A_115 = arith.constant 0 : i32
      %dma_wait3A_116 = arith.constant 0 : i32
      %dma_wait3A_117 = arith.constant 0 : i32
      %dma_wait3A_118 = tpu.memref_slice %arg8[%dma_wait3A, %dma_wait3A_116, %dma_wait3A_117] : memref<2x128x80xf32, #tpu.memory_space<vmem>> -> memref<1x128x80xf32, #tpu.memory_space<vmem>>
      %dma_wait3A_119 = tpu.memref_squeeze %dma_wait3A_118 : memref<1x128x80xf32, #tpu.memory_space<vmem>> -> memref<128x80xf32, #tpu.memory_space<vmem>>
      %dma_wait3A_120 = arith.constant 0 : i32
      %dma_wait3A_121 = tpu.memref_slice %arg3[%add3A_114, %dma_wait3A_120] : memref<163840x80xf32, #tpu.memory_space<hbm>> -> memref<128x80xf32, #tpu.memory_space<hbm>>
      %dma_wait3A_122 = tpu.memref_slice %arg10[%dma_wait3A_115] : memref<2x!tpu.dma_semaphore, #tpu.memory_space<semaphore_mem>> -> memref<1x!tpu.dma_semaphore, #tpu.memory_space<semaphore_mem>>
      %dma_wait3A_123 = tpu.memref_squeeze %dma_wait3A_122 : memref<1x!tpu.dma_semaphore, #tpu.memory_space<semaphore_mem>> -> memref<!tpu.dma_semaphore, #tpu.memory_space<semaphore_mem>>
      %dma_wait3A_124 = arith.constant 0 : i32
      %dma_wait3A_125 = arith.constant 0 : i32
      %dma_wait3A_126 = tpu.memref_slice %arg8[%dma_wait3A, %dma_wait3A_124, %dma_wait3A_125] : memref<2x128x80xf32, #tpu.memory_space<vmem>> -> memref<1x128x80xf32, #tpu.memory_space<vmem>>
      %dma_wait3A_127 = tpu.memref_squeeze %dma_wait3A_126 : memref<1x128x80xf32, #tpu.memory_space<vmem>> -> memref<128x80xf32, #tpu.memory_space<vmem>>
      %dma_wait3A_128 = arith.constant 0 : i32
      %dma_wait3A_129 = tpu.memref_slice %arg3[%add3A_114, %dma_wait3A_128] : memref<163840x80xf32, #tpu.memory_space<hbm>> -> memref<128x80xf32, #tpu.memory_space<hbm>>
      tpu.wait_dma2 semaphore(%dma_wait3A_123 : memref<!tpu.dma_semaphore, #tpu.memory_space<semaphore_mem>>) src(%dma_wait3A_129 : memref<128x80xf32, #tpu.memory_space<hbm>>) dst(%dma_wait3A_127 : memref<128x80xf32, #tpu.memory_space<vmem>>)
      %add3A_130 = arith.constant 40 : i32
      %add3A_131 = arith.addi %add3A_130, %add3A_109 : i32
      %run_scoped3A = arith.constant 0 : i32
      "tpu.region"() ({
        %run_scoped3A_173 = tpu.sem_alloc : memref<!tpu.dma_semaphore, #tpu.memory_space<semaphore_mem>>
        %dma_start3A_174 = arith.constant 0 : i32
        %dma_start3A_175 = arith.constant 0 : i32
        %dma_start3A_176 = tpu.memref_slice %arg8[%run_scoped3A, %dma_start3A_174, %dma_start3A_175] : memref<2x128x80xf32, #tpu.memory_space<vmem>> -> memref<1x128x80xf32, #tpu.memory_space<vmem>>
        %dma_start3A_177 = tpu.memref_squeeze %dma_start3A_176 : memref<1x128x80xf32, #tpu.memory_space<vmem>> -> memref<128x80xf32, #tpu.memory_space<vmem>>
        %dma_start3A_178 = arith.constant 0 : i32
        %dma_start3A_179 = tpu.memref_slice %arg7[%add3A_131, %dma_start3A_178] : memref<80x128xi32, #tpu.memory_space<vmem>> -> memref<1x128xi32, #tpu.memory_space<vmem>>
        %dma_start3A_180 = tpu.memref_squeeze %dma_start3A_179 : memref<1x128xi32, #tpu.memory_space<vmem>> -> memref<128xi32, #tpu.memory_space<vmem>>
        %dma_start3A_181 = arith.constant 0 : i32
        %dma_start3A_182 = arith.constant 0 : i32
        %dma_start3A_183 = tpu.memref_slice %arg9[%dma_start3A_181, %dma_start3A_182] : memref<10240x80xf32, #tpu.memory_space<vmem_shared>> -> memref<10240x80xf32, #tpu.memory_space<vmem_shared>>
        tpu.enqueue_indirect_dma source(%dma_start3A_177 : memref<128x80xf32, #tpu.memory_space<vmem>>) target(%dma_start3A_183 : memref<10240x80xf32, #tpu.memory_space<vmem_shared>>) offsets(%dma_start3A_180 : memref<128xi32, #tpu.memory_space<vmem>>) semaphore(%run_scoped3A_173 : memref<!tpu.dma_semaphore, #tpu.memory_space<semaphore_mem>>) {add = true}
        %dma_wait3A_184 = arith.constant 0 : i32
        %dma_wait3A_185 = arith.constant 0 : i32
        %dma_wait3A_186 = tpu.memref_slice %arg8[%run_scoped3A, %dma_wait3A_184, %dma_wait3A_185] : memref<2x128x80xf32, #tpu.memory_space<vmem>> -> memref<1x128x80xf32, #tpu.memory_space<vmem>>
        %dma_wait3A_187 = tpu.memref_squeeze %dma_wait3A_186 : memref<1x128x80xf32, #tpu.memory_space<vmem>> -> memref<128x80xf32, #tpu.memory_space<vmem>>
        %dma_wait3A_188 = arith.constant 0 : i32
        %dma_wait3A_189 = tpu.memref_slice %arg7[%add3A_131, %dma_wait3A_188] : memref<80x128xi32, #tpu.memory_space<vmem>> -> memref<1x128xi32, #tpu.memory_space<vmem>>
        %dma_wait3A_190 = tpu.memref_squeeze %dma_wait3A_189 : memref<1x128xi32, #tpu.memory_space<vmem>> -> memref<128xi32, #tpu.memory_space<vmem>>
        %dma_wait3A_191 = arith.constant 0 : i32
        %dma_wait3A_192 = arith.constant 0 : i32
        %dma_wait3A_193 = tpu.memref_slice %arg9[%dma_wait3A_191, %dma_wait3A_192] : memref<10240x80xf32, #tpu.memory_space<vmem_shared>> -> memref<10240x80xf32, #tpu.memory_space<vmem_shared>>
        tpu.wait_indirect_dma semaphore(%run_scoped3A_173 : memref<!tpu.dma_semaphore, #tpu.memory_space<semaphore_mem>>) src(%dma_wait3A_187 : memref<128x80xf32, #tpu.memory_space<vmem>>) dst(%dma_wait3A_193 : memref<10240x80xf32, #tpu.memory_space<vmem_shared>>)
        tpu.yield
      }) : () -> ()
      %add3A_132 = arith.constant 2 : i32
      %add3A_133 = arith.addi %add3A_109, %add3A_132 : i32
      %lt3A = arith.constant 40 : i32
      %lt3A_134 = arith.cmpi slt, %add3A_133, %lt3A : i32
      %convert_element_type3A_135 = arith.extui %lt3A_134 : i1 to i32
      %cond3A_136 = arith.constant 0 : i32
      %cond3A_137 = arith.cmpi ne, %convert_element_type3A_135, %cond3A_136 : i32
      scf.if %cond3A_137 {
        %add3A_173 = arith.constant 2 : i32
        %add3A_174 = arith.addi %add3A_109, %add3A_173 : i32
        %mul3A_175 = arith.constant 5120 : i32
        %mul3A_176 = arith.muli %add3A, %mul3A_175 : i32
        %mul3A_177 = arith.constant 128 : i32
        %mul3A_178 = arith.muli %add3A_174, %mul3A_177 : i32
        %add3A_179 = arith.addi %mul3A_176, %mul3A_178 : i32
        %dma_start3A_180 = arith.constant 0 : i32
        %dma_start3A_181 = arith.constant 0 : i32
        %dma_start3A_182 = arith.constant 0 : i32
        %dma_start3A_183 = arith.constant 0 : i32
        %dma_start3A_184 = tpu.memref_slice %arg8[%dma_start3A_180, %dma_start3A_182, %dma_start3A_183] : memref<2x128x80xf32, #tpu.memory_space<vmem>> -> memref<1x128x80xf32, #tpu.memory_space<vmem>>
        %dma_start3A_185 = tpu.memref_squeeze %dma_start3A_184 : memref<1x128x80xf32, #tpu.memory_space<vmem>> -> memref<128x80xf32, #tpu.memory_space<vmem>>
        %dma_start3A_186 = arith.constant 0 : i32
        %dma_start3A_187 = tpu.memref_slice %arg3[%add3A_179, %dma_start3A_186] : memref<163840x80xf32, #tpu.memory_space<hbm>> -> memref<128x80xf32, #tpu.memory_space<hbm>>
        %dma_start3A_188 = tpu.memref_slice %arg10[%dma_start3A_181] : memref<2x!tpu.dma_semaphore, #tpu.memory_space<semaphore_mem>> -> memref<1x!tpu.dma_semaphore, #tpu.memory_space<semaphore_mem>>
        %dma_start3A_189 = tpu.memref_squeeze %dma_start3A_188 : memref<1x!tpu.dma_semaphore, #tpu.memory_space<semaphore_mem>> -> memref<!tpu.dma_semaphore, #tpu.memory_space<semaphore_mem>>
        %dma_start3A_190 = arith.constant 0 : i32
        %dma_start3A_191 = arith.constant 0 : i32
        %dma_start3A_192 = tpu.memref_slice %arg8[%dma_start3A_180, %dma_start3A_190, %dma_start3A_191] : memref<2x128x80xf32, #tpu.memory_space<vmem>> -> memref<1x128x80xf32, #tpu.memory_space<vmem>>
        %dma_start3A_193 = tpu.memref_squeeze %dma_start3A_192 : memref<1x128x80xf32, #tpu.memory_space<vmem>> -> memref<128x80xf32, #tpu.memory_space<vmem>>
        %dma_start3A_194 = arith.constant 0 : i32
        %dma_start3A_195 = tpu.memref_slice %arg3[%add3A_179, %dma_start3A_194] : memref<163840x80xf32, #tpu.memory_space<hbm>> -> memref<128x80xf32, #tpu.memory_space<hbm>>
        tpu.enqueue_dma source(%dma_start3A_195 : memref<128x80xf32, #tpu.memory_space<hbm>>) target(%dma_start3A_193 : memref<128x80xf32, #tpu.memory_space<vmem>>) target_semaphore(%dma_start3A_189 : memref<!tpu.dma_semaphore, #tpu.memory_space<semaphore_mem>>)
      } else {
      }
      %mul3A_138 = arith.constant 2 : i32
      %mul3A_139 = arith.muli %scan3A_105, %mul3A_138 : i32
      %add3A_140 = arith.constant 1 : i32
      %add3A_141 = arith.addi %mul3A_139, %add3A_140 : i32
      %mul3A_142 = arith.constant 5120 : i32
      %mul3A_143 = arith.muli %add3A, %mul3A_142 : i32
      %mul3A_144 = arith.constant 128 : i32
      %mul3A_145 = arith.muli %add3A_141, %mul3A_144 : i32
      %add3A_146 = arith.addi %mul3A_143, %mul3A_145 : i32
      %dma_wait3A_147 = arith.constant 1 : i32
      %dma_wait3A_148 = arith.constant 1 : i32
      %dma_wait3A_149 = arith.constant 0 : i32
      %dma_wait3A_150 = arith.constant 0 : i32
      %dma_wait3A_151 = tpu.memref_slice %arg8[%dma_wait3A_147, %dma_wait3A_149, %dma_wait3A_150] : memref<2x128x80xf32, #tpu.memory_space<vmem>> -> memref<1x128x80xf32, #tpu.memory_space<vmem>>
      %dma_wait3A_152 = tpu.memref_squeeze %dma_wait3A_151 : memref<1x128x80xf32, #tpu.memory_space<vmem>> -> memref<128x80xf32, #tpu.memory_space<vmem>>
      %dma_wait3A_153 = arith.constant 0 : i32
      %dma_wait3A_154 = tpu.memref_slice %arg3[%add3A_146, %dma_wait3A_153] : memref<163840x80xf32, #tpu.memory_space<hbm>> -> memref<128x80xf32, #tpu.memory_space<hbm>>
      %dma_wait3A_155 = tpu.memref_slice %arg10[%dma_wait3A_148] : memref<2x!tpu.dma_semaphore, #tpu.memory_space<semaphore_mem>> -> memref<1x!tpu.dma_semaphore, #tpu.memory_space<semaphore_mem>>
      %dma_wait3A_156 = tpu.memref_squeeze %dma_wait3A_155 : memref<1x!tpu.dma_semaphore, #tpu.memory_space<semaphore_mem>> -> memref<!tpu.dma_semaphore, #tpu.memory_space<semaphore_mem>>
      %dma_wait3A_157 = arith.constant 0 : i32
      %dma_wait3A_158 = arith.constant 0 : i32
      %dma_wait3A_159 = tpu.memref_slice %arg8[%dma_wait3A_147, %dma_wait3A_157, %dma_wait3A_158] : memref<2x128x80xf32, #tpu.memory_space<vmem>> -> memref<1x128x80xf32, #tpu.memory_space<vmem>>
      %dma_wait3A_160 = tpu.memref_squeeze %dma_wait3A_159 : memref<1x128x80xf32, #tpu.memory_space<vmem>> -> memref<128x80xf32, #tpu.memory_space<vmem>>
      %dma_wait3A_161 = arith.constant 0 : i32
      %dma_wait3A_162 = tpu.memref_slice %arg3[%add3A_146, %dma_wait3A_161] : memref<163840x80xf32, #tpu.memory_space<hbm>> -> memref<128x80xf32, #tpu.memory_space<hbm>>
      tpu.wait_dma2 semaphore(%dma_wait3A_156 : memref<!tpu.dma_semaphore, #tpu.memory_space<semaphore_mem>>) src(%dma_wait3A_162 : memref<128x80xf32, #tpu.memory_space<hbm>>) dst(%dma_wait3A_160 : memref<128x80xf32, #tpu.memory_space<vmem>>)
      %add3A_163 = arith.constant 40 : i32
      %add3A_164 = arith.addi %add3A_163, %add3A_141 : i32
      %run_scoped3A_165 = arith.constant 1 : i32
      "tpu.region"() ({
        %run_scoped3A_173 = tpu.sem_alloc : memref<!tpu.dma_semaphore, #tpu.memory_space<semaphore_mem>>
        %dma_start3A_174 = arith.constant 0 : i32
        %dma_start3A_175 = arith.constant 0 : i32
        %dma_start3A_176 = tpu.memref_slice %arg8[%run_scoped3A_165, %dma_start3A_174, %dma_start3A_175] : memref<2x128x80xf32, #tpu.memory_space<vmem>> -> memref<1x128x80xf32, #tpu.memory_space<vmem>>
        %dma_start3A_177 = tpu.memref_squeeze %dma_start3A_176 : memref<1x128x80xf32, #tpu.memory_space<vmem>> -> memref<128x80xf32, #tpu.memory_space<vmem>>
        %dma_start3A_178 = arith.constant 0 : i32
        %dma_start3A_179 = tpu.memref_slice %arg7[%add3A_164, %dma_start3A_178] : memref<80x128xi32, #tpu.memory_space<vmem>> -> memref<1x128xi32, #tpu.memory_space<vmem>>
        %dma_start3A_180 = tpu.memref_squeeze %dma_start3A_179 : memref<1x128xi32, #tpu.memory_space<vmem>> -> memref<128xi32, #tpu.memory_space<vmem>>
        %dma_start3A_181 = arith.constant 0 : i32
        %dma_start3A_182 = arith.constant 0 : i32
        %dma_start3A_183 = tpu.memref_slice %arg9[%dma_start3A_181, %dma_start3A_182] : memref<10240x80xf32, #tpu.memory_space<vmem_shared>> -> memref<10240x80xf32, #tpu.memory_space<vmem_shared>>
        tpu.enqueue_indirect_dma source(%dma_start3A_177 : memref<128x80xf32, #tpu.memory_space<vmem>>) target(%dma_start3A_183 : memref<10240x80xf32, #tpu.memory_space<vmem_shared>>) offsets(%dma_start3A_180 : memref<128xi32, #tpu.memory_space<vmem>>) semaphore(%run_scoped3A_173 : memref<!tpu.dma_semaphore, #tpu.memory_space<semaphore_mem>>) {add = true}
        %dma_wait3A_184 = arith.constant 0 : i32
        %dma_wait3A_185 = arith.constant 0 : i32
        %dma_wait3A_186 = tpu.memref_slice %arg8[%run_scoped3A_165, %dma_wait3A_184, %dma_wait3A_185] : memref<2x128x80xf32, #tpu.memory_space<vmem>> -> memref<1x128x80xf32, #tpu.memory_space<vmem>>
        %dma_wait3A_187 = tpu.memref_squeeze %dma_wait3A_186 : memref<1x128x80xf32, #tpu.memory_space<vmem>> -> memref<128x80xf32, #tpu.memory_space<vmem>>
        %dma_wait3A_188 = arith.constant 0 : i32
        %dma_wait3A_189 = tpu.memref_slice %arg7[%add3A_164, %dma_wait3A_188] : memref<80x128xi32, #tpu.memory_space<vmem>> -> memref<1x128xi32, #tpu.memory_space<vmem>>
        %dma_wait3A_190 = tpu.memref_squeeze %dma_wait3A_189 : memref<1x128xi32, #tpu.memory_space<vmem>> -> memref<128xi32, #tpu.memory_space<vmem>>
        %dma_wait3A_191 = arith.constant 0 : i32
        %dma_wait3A_192 = arith.constant 0 : i32
        %dma_wait3A_193 = tpu.memref_slice %arg9[%dma_wait3A_191, %dma_wait3A_192] : memref<10240x80xf32, #tpu.memory_space<vmem_shared>> -> memref<10240x80xf32, #tpu.memory_space<vmem_shared>>
        tpu.wait_indirect_dma semaphore(%run_scoped3A_173 : memref<!tpu.dma_semaphore, #tpu.memory_space<semaphore_mem>>) src(%dma_wait3A_187 : memref<128x80xf32, #tpu.memory_space<vmem>>) dst(%dma_wait3A_193 : memref<10240x80xf32, #tpu.memory_space<vmem_shared>>)
        tpu.yield
      }) : () -> ()
      %add3A_166 = arith.constant 2 : i32
      %add3A_167 = arith.addi %add3A_141, %add3A_166 : i32
      %lt3A_168 = arith.constant 40 : i32
      %lt3A_169 = arith.cmpi slt, %add3A_167, %lt3A_168 : i32
      %convert_element_type3A_170 = arith.extui %lt3A_169 : i1 to i32
      %cond3A_171 = arith.constant 0 : i32
      %cond3A_172 = arith.cmpi ne, %convert_element_type3A_170, %cond3A_171 : i32
      scf.if %cond3A_172 {
        %add3A_173 = arith.constant 2 : i32
        %add3A_174 = arith.addi %add3A_141, %add3A_173 : i32
        %mul3A_175 = arith.constant 5120 : i32
        %mul3A_176 = arith.muli %add3A, %mul3A_175 : i32
        %mul3A_177 = arith.constant 128 : i32
        %mul3A_178 = arith.muli %add3A_174, %mul3A_177 : i32
        %add3A_179 = arith.addi %mul3A_176, %mul3A_178 : i32
        %dma_start3A_180 = arith.constant 1 : i32
        %dma_start3A_181 = arith.constant 1 : i32
        %dma_start3A_182 = arith.constant 0 : i32
        %dma_start3A_183 = arith.constant 0 : i32
        %dma_start3A_184 = tpu.memref_slice %arg8[%dma_start3A_180, %dma_start3A_182, %dma_start3A_183] : memref<2x128x80xf32, #tpu.memory_space<vmem>> -> memref<1x128x80xf32, #tpu.memory_space<vmem>>
        %dma_start3A_185 = tpu.memref_squeeze %dma_start3A_184 : memref<1x128x80xf32, #tpu.memory_space<vmem>> -> memref<128x80xf32, #tpu.memory_space<vmem>>
        %dma_start3A_186 = arith.constant 0 : i32
        %dma_start3A_187 = tpu.memref_slice %arg3[%add3A_179, %dma_start3A_186] : memref<163840x80xf32, #tpu.memory_space<hbm>> -> memref<128x80xf32, #tpu.memory_space<hbm>>
        %dma_start3A_188 = tpu.memref_slice %arg10[%dma_start3A_181] : memref<2x!tpu.dma_semaphore, #tpu.memory_space<semaphore_mem>> -> memref<1x!tpu.dma_semaphore, #tpu.memory_space<semaphore_mem>>
        %dma_start3A_189 = tpu.memref_squeeze %dma_start3A_188 : memref<1x!tpu.dma_semaphore, #tpu.memory_space<semaphore_mem>> -> memref<!tpu.dma_semaphore, #tpu.memory_space<semaphore_mem>>
        %dma_start3A_190 = arith.constant 0 : i32
        %dma_start3A_191 = arith.constant 0 : i32
        %dma_start3A_192 = tpu.memref_slice %arg8[%dma_start3A_180, %dma_start3A_190, %dma_start3A_191] : memref<2x128x80xf32, #tpu.memory_space<vmem>> -> memref<1x128x80xf32, #tpu.memory_space<vmem>>
        %dma_start3A_193 = tpu.memref_squeeze %dma_start3A_192 : memref<1x128x80xf32, #tpu.memory_space<vmem>> -> memref<128x80xf32, #tpu.memory_space<vmem>>
        %dma_start3A_194 = arith.constant 0 : i32
        %dma_start3A_195 = tpu.memref_slice %arg3[%add3A_179, %dma_start3A_194] : memref<163840x80xf32, #tpu.memory_space<hbm>> -> memref<128x80xf32, #tpu.memory_space<hbm>>
        tpu.enqueue_dma source(%dma_start3A_195 : memref<128x80xf32, #tpu.memory_space<hbm>>) target(%dma_start3A_193 : memref<128x80xf32, #tpu.memory_space<vmem>>) target_semaphore(%dma_start3A_189 : memref<!tpu.dma_semaphore, #tpu.memory_space<semaphore_mem>>)
      } else {
      }
    }
    %scan3A_98 = arith.constant 20 : i32
    %barrier3A_99 = arith.constant 0 : index
    tpu.barrier barrier_id(%barrier3A_99)
    %eq3A_100 = arith.constant 0 : i32
    %eq3A_101 = arith.cmpi eq, %arg1, %eq3A_100 : i32
    %convert_element_type3A_102 = arith.extui %eq3A_101 : i1 to i32
    %cond3A_103 = arith.constant 0 : i32
    %cond3A_104 = arith.cmpi ne, %convert_element_type3A_102, %cond3A_103 : i32
    scf.if %cond3A_104 {
      "tpu.region"() ({
        %run_scoped3A = tpu.sem_alloc : memref<!tpu.dma_semaphore, #tpu.memory_space<semaphore_mem>>
        %dma_start3A_105 = arith.constant 0 : i32
        %dma_start3A_106 = arith.constant 0 : i32
        %dma_start3A_107 = tpu.memref_slice %arg6[%arg0, %dma_start3A_105, %dma_start3A_106] : memref<2x10240x80xf32, #tpu.memory_space<hbm>> -> memref<1x10240x80xf32, #tpu.memory_space<hbm>>
        %dma_start3A_108 = tpu.memref_squeeze %dma_start3A_107 : memref<1x10240x80xf32, #tpu.memory_space<hbm>> -> memref<10240x80xf32, #tpu.memory_space<hbm>>
        tpu.enqueue_dma source(%arg9 : memref<10240x80xf32, #tpu.memory_space<vmem_shared>>) target(%dma_start3A_108 : memref<10240x80xf32, #tpu.memory_space<hbm>>) target_semaphore(%run_scoped3A : memref<!tpu.dma_semaphore, #tpu.memory_space<semaphore_mem>>)
        %dma_wait3A = arith.constant 0 : i32
        %dma_wait3A_109 = arith.constant 0 : i32
        %dma_wait3A_110 = tpu.memref_slice %arg6[%arg0, %dma_wait3A, %dma_wait3A_109] : memref<2x10240x80xf32, #tpu.memory_space<hbm>> -> memref<1x10240x80xf32, #tpu.memory_space<hbm>>
        %dma_wait3A_111 = tpu.memref_squeeze %dma_wait3A_110 : memref<1x10240x80xf32, #tpu.memory_space<hbm>> -> memref<10240x80xf32, #tpu.memory_space<hbm>>
        tpu.wait_dma2 semaphore(%run_scoped3A : memref<!tpu.dma_semaphore, #tpu.memory_space<semaphore_mem>>) src(%arg9 : memref<10240x80xf32, #tpu.memory_space<vmem_shared>>) dst(%dma_wait3A_111 : memref<10240x80xf32, #tpu.memory_space<hbm>>)
        tpu.yield
      }) : () -> ()
    } else {
    }
    return
  }
}

module attributes {stable_mosaic.version = 14 : i64} {
  func.func @_node_pre_body(%arg0: i32, %arg1: memref<512x128xf32, #tpu.memory_space<vmem>>, %arg2: memref<512x8xf32, #tpu.memory_space<vmem>>, %arg3: memref<128x64xf32, #tpu.memory_space<vmem>>, %arg4: memref<1x64xf32, #tpu.memory_space<vmem>>, %arg5: memref<145x64xf32, #tpu.memory_space<vmem>>, %arg6: memref<512x64xf32, #tpu.memory_space<vmem>>, %arg7: memref<512x80xf32, #tpu.memory_space<vmem>>, %arg8: memref<512x80xf32, #tpu.memory_space<vmem>>) attributes {dimension_semantics = [#tpu.dimension_semantics<arbitrary>], iteration_bounds = array<i64: 20>, scalar_prefetch = 0 : i64, scratch_operands = 0 : i64, tpu.core_type = #tpu.core_type<tc>, window_params = [{transform_indices = @transform_0, window_bounds = array<i64: 512, 128>}, {transform_indices = @transform_1, window_bounds = array<i64: 512, 8>}, {pipeline_mode = #tpu.pipeline_mode<synchronous>, transform_indices = @transform_2, window_bounds = array<i64: 128, 64>}, {pipeline_mode = #tpu.pipeline_mode<synchronous>, transform_indices = @transform_3, window_bounds = array<i64: 1, 64>}, {pipeline_mode = #tpu.pipeline_mode<synchronous>, transform_indices = @transform_4, window_bounds = array<i64: 145, 64>}, {transform_indices = @transform_5, window_bounds = array<i64: 512, 64>}, {transform_indices = @transform_6, window_bounds = array<i64: 512, 80>}, {transform_indices = @transform_7, window_bounds = array<i64: 512, 80>}]} {
    %get3A = arith.constant 0 : index
    %get3A_0 = arith.constant 0 : index
    %get3A_1 = vector.load %arg1[%get3A, %get3A_0] : memref<512x128xf32, #tpu.memory_space<vmem>>, vector<512x128xf32>
    %get3A_2 = arith.constant 0 : index
    %get3A_3 = arith.constant 0 : index
    %get3A_4 = vector.load %arg3[%get3A_2, %get3A_3] : memref<128x64xf32, #tpu.memory_space<vmem>>, vector<128x64xf32>
    %dot_general3A = arith.constant dense<0.000000e+00> : vector<512x64xf32>
    %dot_general3A_5 = tpu.matmul %get3A_1, %get3A_4, %dot_general3A {dimension_numbers = #tpu.dot_dimension_numbers<[1], [0], [0], [1], [0, 0, 1, 1], [], []>, transpose_lhs_hint = false} : vector<512x128xf32>, vector<128x64xf32>, vector<512x64xf32> -> vector<512x64xf32>
    %get3A_6 = arith.constant 0 : index
    %get3A_7 = arith.constant 0 : index
    %get3A_8 = vector.load %arg4[%get3A_6, %get3A_7] : memref<1x64xf32, #tpu.memory_space<vmem>>, vector<1x64xf32>
    %add3A = vector.broadcast %get3A_8 : vector<1x64xf32> to vector<512x64xf32>
    %add3A_9 = arith.addf %dot_general3A_5, %add3A : vector<512x64xf32>
    %swap3A = arith.constant 0 : index
    %swap3A_10 = arith.constant 0 : index
    %swap3A_11 = vector.load %arg6[%swap3A, %swap3A_10] : memref<512x64xf32, #tpu.memory_space<vmem>>, vector<512x64xf32>
    tpu.vector_store %arg6[%swap3A, %swap3A_10], %add3A_9 {strides = array<i32>} : memref<512x64xf32, #tpu.memory_space<vmem>>, vector<512x64xf32>,
    %get3A_12 = arith.constant 0 : index
    %get3A_13 = arith.constant 0 : index
    %get3A_14 = vector.load %arg5[%get3A_12, %get3A_13] : memref<145x64xf32, #tpu.memory_space<vmem>>, vector<64x64xf32>
    %dot_general3A_15 = arith.constant dense<0.000000e+00> : vector<512x64xf32>
    %dot_general3A_16 = tpu.matmul %add3A_9, %get3A_14, %dot_general3A_15 {dimension_numbers = #tpu.dot_dimension_numbers<[1], [0], [0], [1], [0, 0, 1, 1], [], []>, transpose_lhs_hint = false} : vector<512x64xf32>, vector<64x64xf32>, vector<512x64xf32> -> vector<512x64xf32>
    %get3A_17 = arith.constant 64 : index
    %get3A_18 = arith.constant 0 : index
    %get3A_19 = vector.load %arg5[%get3A_17, %get3A_18] : memref<145x64xf32, #tpu.memory_space<vmem>>, vector<64x64xf32>
    %dot_general3A_20 = arith.constant dense<0.000000e+00> : vector<512x64xf32>
    %dot_general3A_21 = tpu.matmul %add3A_9, %get3A_19, %dot_general3A_20 {dimension_numbers = #tpu.dot_dimension_numbers<[1], [0], [0], [1], [0, 0, 1, 1], [], []>, transpose_lhs_hint = false} : vector<512x64xf32>, vector<64x64xf32>, vector<512x64xf32> -> vector<512x64xf32>
    %get3A_22 = arith.constant 0 : index
    %get3A_23 = arith.constant 0 : index
    %get3A_24 = vector.load %arg2[%get3A_22, %get3A_23] : memref<512x8xf32, #tpu.memory_space<vmem>>, vector<512x8xf32>
    %broadcast_in_dim3A = arith.constant 0.000000e+00 : f32
    %broadcast_in_dim3A_25 = vector.broadcast %broadcast_in_dim3A : f32 to vector<512x8xf32>
    %concatenate3A = tpu.concatenate %dot_general3A_16, %get3A_24, %broadcast_in_dim3A_25 in 1 : vector<512x64xf32>, vector<512x8xf32>, vector<512x8xf32> -> vector<512x80xf32>
    %swap3A_26 = arith.constant 0 : index
    %swap3A_27 = arith.constant 0 : index
    %swap3A_28 = vector.load %arg7[%swap3A_26, %swap3A_27] : memref<512x80xf32, #tpu.memory_space<vmem>>, vector<512x80xf32>
    tpu.vector_store %arg7[%swap3A_26, %swap3A_27], %concatenate3A {strides = array<i32>} : memref<512x80xf32, #tpu.memory_space<vmem>>, vector<512x80xf32>,
    %neg3A = arith.constant 0.000000e+00 : f32
    %neg3A_29 = vector.broadcast %neg3A : f32 to vector<512x8xf32>
    %neg3A_30 = arith.subf %neg3A_29, %get3A_24 : vector<512x8xf32>
    %concatenate3A_31 = tpu.concatenate %dot_general3A_21, %neg3A_30, %broadcast_in_dim3A_25 in 1 : vector<512x64xf32>, vector<512x8xf32>, vector<512x8xf32> -> vector<512x80xf32>
    %swap3A_32 = arith.constant 0 : index
    %swap3A_33 = arith.constant 0 : index
    %swap3A_34 = vector.load %arg8[%swap3A_32, %swap3A_33] : memref<512x80xf32, #tpu.memory_space<vmem>>, vector<512x80xf32>
    tpu.vector_store %arg8[%swap3A_32, %swap3A_33], %concatenate3A_31 {strides = array<i32>} : memref<512x80xf32, #tpu.memory_space<vmem>>, vector<512x80xf32>,
    return
  }
  func.func @transform_0(%arg0: i32) -> (i32, i32) {
    %c0_i32 = arith.constant 0 : i32
    %c0_i32_0 = arith.constant 0 : i32
    return %arg0, %c0_i32 : i32, i32
  }
  func.func @transform_1(%arg0: i32) -> (i32, i32) {
    %c0_i32 = arith.constant 0 : i32
    %c0_i32_0 = arith.constant 0 : i32
    return %arg0, %c0_i32 : i32, i32
  }
  func.func @transform_2(%arg0: i32) -> (i32, i32) {
    %c0_i32 = arith.constant 0 : i32
    %c0_i32_0 = arith.constant 0 : i32
    %c0_i32_1 = arith.constant 0 : i32
    return %c0_i32, %c0_i32_0 : i32, i32
  }
  func.func @transform_3(%arg0: i32) -> (i32, i32) {
    %c0_i32 = arith.constant 0 : i32
    %c0_i32_0 = arith.constant 0 : i32
    %c0_i32_1 = arith.constant 0 : i32
    return %c0_i32, %c0_i32_0 : i32, i32
  }
  func.func @transform_4(%arg0: i32) -> (i32, i32) {
    %c0_i32 = arith.constant 0 : i32
    %c0_i32_0 = arith.constant 0 : i32
    %c0_i32_1 = arith.constant 0 : i32
    return %c0_i32, %c0_i32_0 : i32, i32
  }
  func.func @transform_5(%arg0: i32) -> (i32, i32) {
    %c0_i32 = arith.constant 0 : i32
    %c0_i32_0 = arith.constant 0 : i32
    return %arg0, %c0_i32 : i32, i32
  }
  func.func @transform_6(%arg0: i32) -> (i32, i32) {
    %c0_i32 = arith.constant 0 : i32
    %c0_i32_0 = arith.constant 0 : i32
    return %arg0, %c0_i32 : i32, i32
  }
  func.func @transform_7(%arg0: i32) -> (i32, i32) {
    %c0_i32 = arith.constant 0 : i32
    %c0_i32_0 = arith.constant 0 : i32
    return %arg0, %c0_i32 : i32, i32
  }
}

module attributes {stable_mosaic.version = 14 : i64} {
  func.func @_edge_body(%arg0: i32, %arg1: memref<8192x80xf32, #tpu.memory_space<vmem>>, %arg2: memref<8192x16xf32, #tpu.memory_space<vmem>>, %arg3: memref<16x64xf32, #tpu.memory_space<vmem>>, %arg4: memref<1x64xf32, #tpu.memory_space<vmem>>, %arg5: memref<1x64xf32, #tpu.memory_space<vmem>>, %arg6: memref<64x64xf32, #tpu.memory_space<vmem>>, %arg7: memref<1x64xf32, #tpu.memory_space<vmem>>, %arg8: memref<64x64xf32, #tpu.memory_space<vmem>>, %arg9: memref<1x64xf32, #tpu.memory_space<vmem>>, %arg10: memref<1x64xf32, #tpu.memory_space<vmem>>, %arg11: memref<8192x80xf32, #tpu.memory_space<vmem>>) attributes {dimension_semantics = [#tpu.dimension_semantics<arbitrary>], iteration_bounds = array<i64: 20>, scalar_prefetch = 0 : i64, scratch_operands = 0 : i64, tpu.core_type = #tpu.core_type<tc>, window_params = [{transform_indices = @transform_0, window_bounds = array<i64: 8192, 80>}, {transform_indices = @transform_1, window_bounds = array<i64: 8192, 16>}, {pipeline_mode = #tpu.pipeline_mode<synchronous>, transform_indices = @transform_2, window_bounds = array<i64: 16, 64>}, {pipeline_mode = #tpu.pipeline_mode<synchronous>, transform_indices = @transform_3, window_bounds = array<i64: 1, 64>}, {pipeline_mode = #tpu.pipeline_mode<synchronous>, transform_indices = @transform_4, window_bounds = array<i64: 1, 64>}, {pipeline_mode = #tpu.pipeline_mode<synchronous>, transform_indices = @transform_5, window_bounds = array<i64: 64, 64>}, {pipeline_mode = #tpu.pipeline_mode<synchronous>, transform_indices = @transform_6, window_bounds = array<i64: 1, 64>}, {pipeline_mode = #tpu.pipeline_mode<synchronous>, transform_indices = @transform_7, window_bounds = array<i64: 64, 64>}, {pipeline_mode = #tpu.pipeline_mode<synchronous>, transform_indices = @transform_8, window_bounds = array<i64: 1, 64>}, {pipeline_mode = #tpu.pipeline_mode<synchronous>, transform_indices = @transform_9, window_bounds = array<i64: 1, 64>}, {transform_indices = @transform_10, window_bounds = array<i64: 8192, 80>}]} {
    %get3A = arith.constant 0 : index
    %get3A_0 = arith.constant 0 : index
    %get3A_1 = vector.load %arg1[%get3A, %get3A_0] : memref<8192x80xf32, #tpu.memory_space<vmem>>, vector<8192x80xf32>
    %slice3A = vector.extract_strided_slice %get3A_1 {offsets = [0, 64], sizes = [8192, 3], strides = [1, 1]} : vector<8192x80xf32> to vector<8192x3xf32>
    %mul3A = arith.mulf %slice3A, %slice3A : vector<8192x3xf32>
    %reduce_sum3A = arith.constant dense<0.000000e+00> : vector<8192xf32>
    %reduce_sum3A_2 = vector.multi_reduction <add>, %mul3A, %reduce_sum3A [1] : vector<8192x3xf32> to vector<8192xf32>
    %broadcast_in_dim3A = vector.shape_cast %reduce_sum3A_2 : vector<8192xf32> to vector<8192x1xf32>
    %slice3A_3 = vector.extract_strided_slice %get3A_1 {offsets = [0, 0], sizes = [8192, 64], strides = [1, 1]} : vector<8192x80xf32> to vector<8192x64xf32>
    %get3A_4 = arith.constant 0 : index
    %get3A_5 = arith.constant 0 : index
    %get3A_6 = vector.load %arg4[%get3A_4, %get3A_5] : memref<1x64xf32, #tpu.memory_space<vmem>>, vector<1x64xf32>
    %mul3A_7 = vector.broadcast %broadcast_in_dim3A : vector<8192x1xf32> to vector<8192x64xf32>
    %mul3A_8 = vector.broadcast %get3A_6 : vector<1x64xf32> to vector<8192x64xf32>
    %mul3A_9 = arith.mulf %mul3A_7, %mul3A_8 : vector<8192x64xf32>
    %add3A = arith.addf %slice3A_3, %mul3A_9 : vector<8192x64xf32>
    %get3A_10 = arith.constant 0 : index
    %get3A_11 = arith.constant 0 : index
    %get3A_12 = vector.load %arg2[%get3A_10, %get3A_11] : memref<8192x16xf32, #tpu.memory_space<vmem>>, vector<8192x16xf32>
    %get3A_13 = arith.constant 0 : index
    %get3A_14 = arith.constant 0 : index
    %get3A_15 = vector.load %arg3[%get3A_13, %get3A_14] : memref<16x64xf32, #tpu.memory_space<vmem>>, vector<16x64xf32>
    %dot_general3A = arith.constant dense<0.000000e+00> : vector<8192x64xf32>
    %dot_general3A_16 = tpu.matmul %get3A_12, %get3A_15, %dot_general3A {dimension_numbers = #tpu.dot_dimension_numbers<[1], [0], [0], [1], [0, 0, 1, 1], [], []>, transpose_lhs_hint = false} : vector<8192x16xf32>, vector<16x64xf32>, vector<8192x64xf32> -> vector<8192x64xf32>
    %add3A_17 = arith.addf %add3A, %dot_general3A_16 : vector<8192x64xf32>
    %get3A_18 = arith.constant 0 : index
    %get3A_19 = arith.constant 0 : index
    %get3A_20 = vector.load %arg5[%get3A_18, %get3A_19] : memref<1x64xf32, #tpu.memory_space<vmem>>, vector<1x64xf32>
    %add3A_21 = vector.broadcast %get3A_20 : vector<1x64xf32> to vector<8192x64xf32>
    %add3A_22 = arith.addf %add3A_17, %add3A_21 : vector<8192x64xf32>
    %max3A = arith.constant 0.000000e+00 : f32
    %max3A_23 = vector.broadcast %max3A : f32 to vector<8192x64xf32>
    %max3A_24 = arith.maximumf %add3A_22, %max3A_23 : vector<8192x64xf32>
    %get3A_25 = arith.constant 0 : index
    %get3A_26 = arith.constant 0 : index
    %get3A_27 = vector.load %arg6[%get3A_25, %get3A_26] : memref<64x64xf32, #tpu.memory_space<vmem>>, vector<64x64xf32>
    %dot_general3A_28 = arith.constant dense<0.000000e+00> : vector<8192x64xf32>
    %dot_general3A_29 = tpu.matmul %max3A_24, %get3A_27, %dot_general3A_28 {dimension_numbers = #tpu.dot_dimension_numbers<[1], [0], [0], [1], [0, 0, 1, 1], [], []>, transpose_lhs_hint = false} : vector<8192x64xf32>, vector<64x64xf32>, vector<8192x64xf32> -> vector<8192x64xf32>
    %get3A_30 = arith.constant 0 : index
    %get3A_31 = arith.constant 0 : index
    %get3A_32 = vector.load %arg7[%get3A_30, %get3A_31] : memref<1x64xf32, #tpu.memory_space<vmem>>, vector<1x64xf32>
    %add3A_33 = vector.broadcast %get3A_32 : vector<1x64xf32> to vector<8192x64xf32>
    %add3A_34 = arith.addf %dot_general3A_29, %add3A_33 : vector<8192x64xf32>
    %max3A_35 = arith.constant 0.000000e+00 : f32
    %max3A_36 = vector.broadcast %max3A_35 : f32 to vector<8192x64xf32>
    %max3A_37 = arith.maximumf %add3A_34, %max3A_36 : vector<8192x64xf32>
    %get3A_38 = arith.constant 0 : index
    %get3A_39 = arith.constant 0 : index
    %get3A_40 = vector.load %arg8[%get3A_38, %get3A_39] : memref<64x64xf32, #tpu.memory_space<vmem>>, vector<64x64xf32>
    %dot_general3A_41 = arith.constant dense<0.000000e+00> : vector<8192x64xf32>
    %dot_general3A_42 = tpu.matmul %max3A_37, %get3A_40, %dot_general3A_41 {dimension_numbers = #tpu.dot_dimension_numbers<[1], [0], [0], [1], [0, 0, 1, 1], [], []>, transpose_lhs_hint = false} : vector<8192x64xf32>, vector<64x64xf32>, vector<8192x64xf32> -> vector<8192x64xf32>
    %get3A_43 = arith.constant 0 : index
    %get3A_44 = arith.constant 0 : index
    %get3A_45 = vector.load %arg9[%get3A_43, %get3A_44] : memref<1x64xf32, #tpu.memory_space<vmem>>, vector<1x64xf32>
    %add3A_46 = vector.broadcast %get3A_45 : vector<1x64xf32> to vector<8192x64xf32>
    %add3A_47 = arith.addf %dot_general3A_42, %add3A_46 : vector<8192x64xf32>
    %max3A_48 = arith.constant 0.000000e+00 : f32
    %max3A_49 = vector.broadcast %max3A_48 : f32 to vector<8192x64xf32>
    %max3A_50 = arith.maximumf %add3A_47, %max3A_49 : vector<8192x64xf32>
    %get3A_51 = arith.constant 0 : index
    %get3A_52 = arith.constant 0 : index
    %get3A_53 = vector.load %arg10[%get3A_51, %get3A_52] : memref<1x64xf32, #tpu.memory_space<vmem>>, vector<1x64xf32>
    %mul3A_54 = vector.broadcast %get3A_53 : vector<1x64xf32> to vector<8192x64xf32>
    %mul3A_55 = arith.mulf %max3A_50, %mul3A_54 : vector<8192x64xf32>
    %reduce_sum3A_56 = arith.constant dense<0.000000e+00> : vector<8192xf32>
    %reduce_sum3A_57 = vector.multi_reduction <add>, %mul3A_55, %reduce_sum3A_56 [1] : vector<8192x64xf32> to vector<8192xf32>
    %broadcast_in_dim3A_58 = vector.shape_cast %reduce_sum3A_57 : vector<8192xf32> to vector<8192x1xf32>
    %mul3A_59 = vector.broadcast %broadcast_in_dim3A_58 : vector<8192x1xf32> to vector<8192x3xf32>
    %mul3A_60 = arith.mulf %slice3A, %mul3A_59 : vector<8192x3xf32>
    %broadcast_in_dim3A_61 = arith.constant 1.000000e+00 : f32
    %broadcast_in_dim3A_62 = vector.broadcast %broadcast_in_dim3A_61 : f32 to vector<8192x1xf32>
    %broadcast_in_dim3A_63 = arith.constant 0.000000e+00 : f32
    %broadcast_in_dim3A_64 = vector.broadcast %broadcast_in_dim3A_63 : f32 to vector<8192x12xf32>
    %concatenate3A = tpu.concatenate %max3A_37, %mul3A_60, %broadcast_in_dim3A_62, %broadcast_in_dim3A_64 in 1 : vector<8192x64xf32>, vector<8192x3xf32>, vector<8192x1xf32>, vector<8192x12xf32> -> vector<8192x80xf32>
    %swap3A = arith.constant 0 : index
    %swap3A_65 = arith.constant 0 : index
    %swap3A_66 = vector.load %arg11[%swap3A, %swap3A_65] : memref<8192x80xf32, #tpu.memory_space<vmem>>, vector<8192x80xf32>
    tpu.vector_store %arg11[%swap3A, %swap3A_65], %concatenate3A {strides = array<i32>} : memref<8192x80xf32, #tpu.memory_space<vmem>>, vector<8192x80xf32>,
    return
  }
  func.func @transform_0(%arg0: i32) -> (i32, i32) {
    %c0_i32 = arith.constant 0 : i32
    %c0_i32_0 = arith.constant 0 : i32
    return %arg0, %c0_i32 : i32, i32
  }
  func.func @transform_1(%arg0: i32) -> (i32, i32) {
    %c0_i32 = arith.constant 0 : i32
    %c0_i32_0 = arith.constant 0 : i32
    return %arg0, %c0_i32 : i32, i32
  }
  func.func @transform_2(%arg0: i32) -> (i32, i32) {
    %c0_i32 = arith.constant 0 : i32
    %c0_i32_0 = arith.constant 0 : i32
    %c0_i32_1 = arith.constant 0 : i32
    return %c0_i32, %c0_i32_0 : i32, i32
  }
  func.func @transform_3(%arg0: i32) -> (i32, i32) {
    %c0_i32 = arith.constant 0 : i32
    %c0_i32_0 = arith.constant 0 : i32
    %c0_i32_1 = arith.constant 0 : i32
    return %c0_i32, %c0_i32_0 : i32, i32
  }
  func.func @transform_4(%arg0: i32) -> (i32, i32) {
    %c0_i32 = arith.constant 0 : i32
    %c0_i32_0 = arith.constant 0 : i32
    %c0_i32_1 = arith.constant 0 : i32
    return %c0_i32, %c0_i32_0 : i32, i32
  }
  func.func @transform_5(%arg0: i32) -> (i32, i32) {
    %c0_i32 = arith.constant 0 : i32
    %c0_i32_0 = arith.constant 0 : i32
    %c0_i32_1 = arith.constant 0 : i32
    return %c0_i32, %c0_i32_0 : i32, i32
  }
  func.func @transform_6(%arg0: i32) -> (i32, i32) {
    %c0_i32 = arith.constant 0 : i32
    %c0_i32_0 = arith.constant 0 : i32
    %c0_i32_1 = arith.constant 0 : i32
    return %c0_i32, %c0_i32_0 : i32, i32
  }
  func.func @transform_7(%arg0: i32) -> (i32, i32) {
    %c0_i32 = arith.constant 0 : i32
    %c0_i32_0 = arith.constant 0 : i32
    %c0_i32_1 = arith.constant 0 : i32
    return %c0_i32, %c0_i32_0 : i32, i32
  }
  func.func @transform_8(%arg0: i32) -> (i32, i32) {
    %c0_i32 = arith.constant 0 : i32
    %c0_i32_0 = arith.constant 0 : i32
    %c0_i32_1 = arith.constant 0 : i32
    return %c0_i32, %c0_i32_0 : i32, i32
  }
  func.func @transform_9(%arg0: i32) -> (i32, i32) {
    %c0_i32 = arith.constant 0 : i32
    %c0_i32_0 = arith.constant 0 : i32
    %c0_i32_1 = arith.constant 0 : i32
    return %c0_i32, %c0_i32_0 : i32, i32
  }
  func.func @transform_10(%arg0: i32) -> (i32, i32) {
    %c0_i32 = arith.constant 0 : i32
    %c0_i32_0 = arith.constant 0 : i32
    return %arg0, %c0_i32 : i32, i32
  }
}

module attributes {stable_mosaic.version = 14 : i64} {
  func.func @_node_post_body(%arg0: i32, %arg1: memref<512x64xf32, #tpu.memory_space<vmem>>, %arg2: memref<512x8xf32, #tpu.memory_space<vmem>>, %arg3: memref<2x512x80xf32, #tpu.memory_space<vmem>>, %arg4: memref<128x64xf32, #tpu.memory_space<vmem>>, %arg5: memref<1x64xf32, #tpu.memory_space<vmem>>, %arg6: memref<64x64xf32, #tpu.memory_space<vmem>>, %arg7: memref<1x64xf32, #tpu.memory_space<vmem>>, %arg8: memref<64x128xf32, #tpu.memory_space<vmem>>, %arg9: memref<1x128xf32, #tpu.memory_space<vmem>>, %arg10: memref<512x128xf32, #tpu.memory_space<vmem>>, %arg11: memref<512x8xf32, #tpu.memory_space<vmem>>) attributes {dimension_semantics = [#tpu.dimension_semantics<arbitrary>], iteration_bounds = array<i64: 20>, scalar_prefetch = 0 : i64, scratch_operands = 0 : i64, tpu.core_type = #tpu.core_type<tc>, window_params = [{transform_indices = @transform_0, window_bounds = array<i64: 512, 64>}, {transform_indices = @transform_1, window_bounds = array<i64: 512, 8>}, {transform_indices = @transform_2, window_bounds = array<i64: 2, 512, 80>}, {pipeline_mode = #tpu.pipeline_mode<synchronous>, transform_indices = @transform_3, window_bounds = array<i64: 128, 64>}, {pipeline_mode = #tpu.pipeline_mode<synchronous>, transform_indices = @transform_4, window_bounds = array<i64: 1, 64>}, {pipeline_mode = #tpu.pipeline_mode<synchronous>, transform_indices = @transform_5, window_bounds = array<i64: 64, 64>}, {pipeline_mode = #tpu.pipeline_mode<synchronous>, transform_indices = @transform_6, window_bounds = array<i64: 1, 64>}, {pipeline_mode = #tpu.pipeline_mode<synchronous>, transform_indices = @transform_7, window_bounds = array<i64: 64, 128>}, {pipeline_mode = #tpu.pipeline_mode<synchronous>, transform_indices = @transform_8, window_bounds = array<i64: 1, 128>}, {transform_indices = @transform_9, window_bounds = array<i64: 512, 128>}, {transform_indices = @transform_10, window_bounds = array<i64: 512, 8>}]} {
    %get3A = arith.constant 0 : index
    %get3A_0 = arith.constant 0 : index
    %get3A_1 = arith.constant 0 : index
    %get3A_2 = vector.load %arg3[%get3A, %get3A_0, %get3A_1] : memref<2x512x80xf32, #tpu.memory_space<vmem>>, vector<1x512x80xf32>
    %get3A_3 = vector.shape_cast %get3A_2 : vector<1x512x80xf32> to vector<512x80xf32>
    %get3A_4 = arith.constant 1 : index
    %get3A_5 = arith.constant 0 : index
    %get3A_6 = arith.constant 0 : index
    %get3A_7 = vector.load %arg3[%get3A_4, %get3A_5, %get3A_6] : memref<2x512x80xf32, #tpu.memory_space<vmem>>, vector<1x512x80xf32>
    %get3A_8 = vector.shape_cast %get3A_7 : vector<1x512x80xf32> to vector<512x80xf32>
    %add3A = arith.addf %get3A_3, %get3A_8 : vector<512x80xf32>
    %slice3A = vector.extract_strided_slice %add3A {offsets = [0, 0], sizes = [512, 64], strides = [1, 1]} : vector<512x80xf32> to vector<512x64xf32>
    %slice3A_9 = vector.extract_strided_slice %add3A {offsets = [0, 64], sizes = [512, 3], strides = [1, 1]} : vector<512x80xf32> to vector<512x3xf32>
    %slice3A_10 = vector.extract_strided_slice %add3A {offsets = [0, 67], sizes = [512, 1], strides = [1, 1]} : vector<512x80xf32> to vector<512x1xf32>
    %get3A_11 = arith.constant 0 : index
    %get3A_12 = arith.constant 0 : index
    %get3A_13 = vector.load %arg2[%get3A_11, %get3A_12] : memref<512x8xf32, #tpu.memory_space<vmem>>, vector<512x8xf32>
    %slice3A_14 = vector.extract_strided_slice %get3A_13 {offsets = [0, 0], sizes = [512, 3], strides = [1, 1]} : vector<512x8xf32> to vector<512x3xf32>
    %max3A = arith.constant 1.000000e+00 : f32
    %max3A_15 = vector.broadcast %max3A : f32 to vector<512x1xf32>
    %max3A_16 = arith.maximumf %slice3A_10, %max3A_15 : vector<512x1xf32>
    %div3A = vector.broadcast %max3A_16 : vector<512x1xf32> to vector<512x3xf32>
    %div3A_17 = arith.divf %slice3A_9, %div3A : vector<512x3xf32>
    %add3A_18 = arith.addf %slice3A_14, %div3A_17 : vector<512x3xf32>
    %broadcast_in_dim3A = arith.constant 0.000000e+00 : f32
    %broadcast_in_dim3A_19 = vector.broadcast %broadcast_in_dim3A : f32 to vector<512x5xf32>
    %concatenate3A = tpu.concatenate %add3A_18, %broadcast_in_dim3A_19 in 1 : vector<512x3xf32>, vector<512x5xf32> -> vector<512x8xf32>
    %swap3A = arith.constant 0 : index
    %swap3A_20 = arith.constant 0 : index
    %swap3A_21 = vector.load %arg11[%swap3A, %swap3A_20] : memref<512x8xf32, #tpu.memory_space<vmem>>, vector<512x8xf32>
    tpu.vector_store %arg11[%swap3A, %swap3A_20], %concatenate3A {strides = array<i32>} : memref<512x8xf32, #tpu.memory_space<vmem>>, vector<512x8xf32>,
    %get3A_22 = arith.constant 0 : index
    %get3A_23 = arith.constant 0 : index
    %get3A_24 = vector.load %arg1[%get3A_22, %get3A_23] : memref<512x64xf32, #tpu.memory_space<vmem>>, vector<512x64xf32>
    %get3A_25 = arith.constant 0 : index
    %get3A_26 = arith.constant 0 : index
    %get3A_27 = vector.load %arg4[%get3A_25, %get3A_26] : memref<128x64xf32, #tpu.memory_space<vmem>>, vector<64x64xf32>
    %dot_general3A = arith.constant dense<0.000000e+00> : vector<512x64xf32>
    %dot_general3A_28 = tpu.matmul %get3A_24, %get3A_27, %dot_general3A {dimension_numbers = #tpu.dot_dimension_numbers<[1], [0], [0], [1], [0, 0, 1, 1], [], []>, transpose_lhs_hint = false} : vector<512x64xf32>, vector<64x64xf32>, vector<512x64xf32> -> vector<512x64xf32>
    %get3A_29 = arith.constant 64 : index
    %get3A_30 = arith.constant 0 : index
    %get3A_31 = vector.load %arg4[%get3A_29, %get3A_30] : memref<128x64xf32, #tpu.memory_space<vmem>>, vector<64x64xf32>
    %dot_general3A_32 = arith.constant dense<0.000000e+00> : vector<512x64xf32>
    %dot_general3A_33 = tpu.matmul %slice3A, %get3A_31, %dot_general3A_32 {dimension_numbers = #tpu.dot_dimension_numbers<[1], [0], [0], [1], [0, 0, 1, 1], [], []>, transpose_lhs_hint = false} : vector<512x64xf32>, vector<64x64xf32>, vector<512x64xf32> -> vector<512x64xf32>
    %add3A_34 = arith.addf %dot_general3A_28, %dot_general3A_33 : vector<512x64xf32>
    %get3A_35 = arith.constant 0 : index
    %get3A_36 = arith.constant 0 : index
    %get3A_37 = vector.load %arg5[%get3A_35, %get3A_36] : memref<1x64xf32, #tpu.memory_space<vmem>>, vector<1x64xf32>
    %add3A_38 = vector.broadcast %get3A_37 : vector<1x64xf32> to vector<512x64xf32>
    %add3A_39 = arith.addf %add3A_34, %add3A_38 : vector<512x64xf32>
    %max3A_40 = arith.constant 0.000000e+00 : f32
    %max3A_41 = vector.broadcast %max3A_40 : f32 to vector<512x64xf32>
    %max3A_42 = arith.maximumf %add3A_39, %max3A_41 : vector<512x64xf32>
    %get3A_43 = arith.constant 0 : index
    %get3A_44 = arith.constant 0 : index
    %get3A_45 = vector.load %arg6[%get3A_43, %get3A_44] : memref<64x64xf32, #tpu.memory_space<vmem>>, vector<64x64xf32>
    %dot_general3A_46 = arith.constant dense<0.000000e+00> : vector<512x64xf32>
    %dot_general3A_47 = tpu.matmul %max3A_42, %get3A_45, %dot_general3A_46 {dimension_numbers = #tpu.dot_dimension_numbers<[1], [0], [0], [1], [0, 0, 1, 1], [], []>, transpose_lhs_hint = false} : vector<512x64xf32>, vector<64x64xf32>, vector<512x64xf32> -> vector<512x64xf32>
    %add3A_48 = arith.addf %get3A_24, %dot_general3A_47 : vector<512x64xf32>
    %get3A_49 = arith.constant 0 : index
    %get3A_50 = arith.constant 0 : index
    %get3A_51 = vector.load %arg7[%get3A_49, %get3A_50] : memref<1x64xf32, #tpu.memory_space<vmem>>, vector<1x64xf32>
    %add3A_52 = vector.broadcast %get3A_51 : vector<1x64xf32> to vector<512x64xf32>
    %add3A_53 = arith.addf %add3A_48, %add3A_52 : vector<512x64xf32>
    %get3A_54 = arith.constant 0 : index
    %get3A_55 = arith.constant 0 : index
    %get3A_56 = vector.load %arg8[%get3A_54, %get3A_55] : memref<64x128xf32, #tpu.memory_space<vmem>>, vector<64x128xf32>
    %dot_general3A_57 = arith.constant dense<0.000000e+00> : vector<512x128xf32>
    %dot_general3A_58 = tpu.matmul %add3A_53, %get3A_56, %dot_general3A_57 {dimension_numbers = #tpu.dot_dimension_numbers<[1], [0], [0], [1], [0, 0, 1, 1], [], []>, transpose_lhs_hint = false} : vector<512x64xf32>, vector<64x128xf32>, vector<512x128xf32> -> vector<512x128xf32>
    %get3A_59 = arith.constant 0 : index
    %get3A_60 = arith.constant 0 : index
    %get3A_61 = vector.load %arg9[%get3A_59, %get3A_60] : memref<1x128xf32, #tpu.memory_space<vmem>>, vector<1x128xf32>
    %add3A_62 = vector.broadcast %get3A_61 : vector<1x128xf32> to vector<512x128xf32>
    %add3A_63 = arith.addf %dot_general3A_58, %add3A_62 : vector<512x128xf32>
    %swap3A_64 = arith.constant 0 : index
    %swap3A_65 = arith.constant 0 : index
    %swap3A_66 = vector.load %arg10[%swap3A_64, %swap3A_65] : memref<512x128xf32, #tpu.memory_space<vmem>>, vector<512x128xf32>
    tpu.vector_store %arg10[%swap3A_64, %swap3A_65], %add3A_63 {strides = array<i32>} : memref<512x128xf32, #tpu.memory_space<vmem>>, vector<512x128xf32>,
    return
  }
  func.func @transform_0(%arg0: i32) -> (i32, i32) {
    %c0_i32 = arith.constant 0 : i32
    %c0_i32_0 = arith.constant 0 : i32
    return %arg0, %c0_i32 : i32, i32
  }
  func.func @transform_1(%arg0: i32) -> (i32, i32) {
    %c0_i32 = arith.constant 0 : i32
    %c0_i32_0 = arith.constant 0 : i32
    return %arg0, %c0_i32 : i32, i32
  }
  func.func @transform_2(%arg0: i32) -> (i32, i32, i32) {
    %c0_i32 = arith.constant 0 : i32
    %c0_i32_0 = arith.constant 0 : i32
    %c0_i32_1 = arith.constant 0 : i32
    return %c0_i32, %arg0, %c0_i32_0 : i32, i32, i32
  }
  func.func @transform_3(%arg0: i32) -> (i32, i32) {
    %c0_i32 = arith.constant 0 : i32
    %c0_i32_0 = arith.constant 0 : i32
    %c0_i32_1 = arith.constant 0 : i32
    return %c0_i32, %c0_i32_0 : i32, i32
  }
  func.func @transform_4(%arg0: i32) -> (i32, i32) {
    %c0_i32 = arith.constant 0 : i32
    %c0_i32_0 = arith.constant 0 : i32
    %c0_i32_1 = arith.constant 0 : i32
    return %c0_i32, %c0_i32_0 : i32, i32
  }
  func.func @transform_5(%arg0: i32) -> (i32, i32) {
    %c0_i32 = arith.constant 0 : i32
    %c0_i32_0 = arith.constant 0 : i32
    %c0_i32_1 = arith.constant 0 : i32
    return %c0_i32, %c0_i32_0 : i32, i32
  }
  func.func @transform_6(%arg0: i32) -> (i32, i32) {
    %c0_i32 = arith.constant 0 : i32
    %c0_i32_0 = arith.constant 0 : i32
    %c0_i32_1 = arith.constant 0 : i32
    return %c0_i32, %c0_i32_0 : i32, i32
  }
  func.func @transform_7(%arg0: i32) -> (i32, i32) {
    %c0_i32 = arith.constant 0 : i32
    %c0_i32_0 = arith.constant 0 : i32
    %c0_i32_1 = arith.constant 0 : i32
    return %c0_i32, %c0_i32_0 : i32, i32
  }
  func.func @transform_8(%arg0: i32) -> (i32, i32) {
    %c0_i32 = arith.constant 0 : i32
    %c0_i32_0 = arith.constant 0 : i32
    %c0_i32_1 = arith.constant 0 : i32
    return %c0_i32, %c0_i32_0 : i32, i32
  }
  func.func @transform_9(%arg0: i32) -> (i32, i32) {
    %c0_i32 = arith.constant 0 : i32
    %c0_i32_0 = arith.constant 0 : i32
    return %arg0, %c0_i32 : i32, i32
  }
  func.func @transform_10(%arg0: i32) -> (i32, i32) {
    %c0_i32 = arith.constant 0 : i32
    %c0_i32_0 = arith.constant 0 : i32
    return %arg0, %c0_i32 : i32, i32
  }
}

</mosaic_0001>

<sc_bundles>
// kernel: kernel.12.cloned.1.call-start
scs
__scs_entry_jumppad:
0x0: {  	(pc) =	sbr.rel $0x88, $3  }
0x1: {  	(tag) =	ssettag $0x0;
	lr =	simm.s32 $0x1  }
0x2: {  	[smem:$0x3F8E] =	sst lr;
	_ =	strace $0xD0000000  }
0x3: {  	_ = 	snop  }
0x4: {  	_ = 	snop  }
0x5: {  	_ = 	snop  }
0x6: {  	_ = 	snop  }
0x7: {  	_ = 	snop  }
__scs_overlays_trampoline_lowered:
0x8: {  	[smem:$0x3F9D] =	sst s0  }
0x9: {  	[smem:$0x3F9E] =	sst s1  }
0xa: {  	[smem:$0x3F9F] =	sst s2  }
0xb: {  	[smem:$0x3FA0] =	sst s3  }
0xc: {  	[smem:$0x3FA1] =	sst s4  }
0xd: {  	[smem:$0x3FA2] =	sst s5  }
0xe: {  	[smem:$0x3FA3] =	sst s6  }
0xf: {  	[smem:$0x3FA4] =	sst s7  }
0x10: {  	[smem:$0x3FA5] =	sst s8  }
0x11: {  	[smem:$0x3FA6] =	sst s9;
	s0 =	simm.s32 @!p0 $0x0  }
0x12: {  	s1 =	sld [smem:$0x3F8C];
	s0 =	simm.s32 @p0 $0x1  }
0x13: {  	[smem:$0x3FA7] =	sst s0;
	s0 =	simm.s32 @!p1 $0x0  }
0x14: {  	s2 =	sld [smem:$0x3F8B];
	s0 =	simm.s32 @p1 $0x1  }
0x15: {  	[smem:$0x3FA8] =	sst s0;
	s0 =	simm.s32 @!p2 $0x0  }
0x16: {  	s3 =	sld [smem:$0x3FDB];
	s0 =	simm.s32 @p2 $0x1  }
0x17: {  	s4 =	simm.s32 $0x1BF5;
	[smem:$0x3FAA] =	sst s0  }
0x18: {  	s0 =	sld [smem:$0x3F8D];
	_ =	swait.ge [sflag:s4], $0x0  }
0x19: {  	s7 =	sld [smem:$0x3F8E]  }
0x1a: {  	s8 =	sadd.s32 $0xFFFFE003, lr  }
0x1b: {  	s9 =	sadd.s32 $0xFFFFFEF7, lr;
	s5 =	simm.s32 $0xFFFFFFFF;
	p2 =	slt.u32 s8, $0xFFFFF086  }
0x1c: {  	p1 =	slt.u32 s9, $0xF7A;
	s5 =	simm.s32 @!p2 $0x0  }
0x1d: {  	s5 =	simm.s32 @p1 $0x1;
	p0 =	seq.s32 s7, s2  }
0x1e: {  	s7 =	smul.u32 @!p0 $0xF7A, s2;
	p2 =	seq.s32 @!p0 s5, $0x0  }
0x1f: {  	s9 =	smul.u32 $0xF7A, s1;
	s8 =	simm.s32 @!p0 $0x1BF5;
	p2 =	por !p2, p0  }
0x20: {  	[sflag:s8] =	ssyncset.s32 @!p0 $0xFFFFF086;
	s6 =	sadd.s32 @!p0 s3, s7;
	s7 =	simm.s32 @!p0 $0x108  }
0x21: {  	s3 =	sadd.s32 s3, s9;
	s6 =	sadd.s32 @!p0 $0x88, s6;
	s7 =	simm.s32 @p2 $0x1082  }
0x22: {  	[simem:s7], [sflag:s8] =	dma.local @!p0 [hbm:s6], $0xF7A  }
0x23: {  	s9 =	sor.u32 $0xD0000000, s2;
	s6 =	simm.s32 $0x108;
	_ =	swait.ge @!p0 [sflag:s8], $0x0  }
0x24: {  	s3 =	sadd.s32 $0x88, s3;
	s6 =	simm.s32 @!p1 $0x1082;
	[sflag:s4] =	ssyncset.s32 $0xFFFFF086  }
0x25: {  	[simem:s6], [sflag:s4] =	dma.local [hbm:s3], $0xF7A  }
0x26: {  	[smem:$0x3F8E] =	sst s1;
	(tag) =	ssettag s2;
	_ =	strace s9  }
0x27: {  	s1 =	sld [smem:$0x3F9E]  }
0x28: {  	s2 =	sld [smem:$0x3F9F]  }
0x29: {  	s4 =	sld [smem:$0x3FA1]  }
0x2a: {  	p0 =	seq.s32 s5, $0x0;
	s5 =	sld [smem:$0x3FA2]  }
0x2b: {  	s6 =	sld [smem:$0x3FA3]  }
0x2c: {  	s7 =	sld [smem:$0x3FA4]  }
0x2d: {  	s3 =	simm.s32 $0x108;
	s8 =	sld [smem:$0x3FA5]  }
0x2e: {  	s3 =	simm.s32 @!p0 $0x1082;
	s9 =	sld [smem:$0x3FA6]  }
0x2f: {  	lr =	sadd.s32 s0, s3;
	s0 =	sld [smem:$0x3F9D]  }
0x30: {  	s3 =	sld [smem:$0x3FA0]  }
0x31: {  	[smem:$0x3FA9] =	sst s10  }
0x32: {  	s10 =	sld [smem:$0x3FA7];
	_ =	sdelay $0x3  }
0x33: {  	p0 =	seq.s32 s10, $0x1;
	s10 =	sld [smem:$0x3FA9];
	_ =	sdelay $0x3  }
0x34: {  	[smem:$0x3FA9] =	sst s10  }
0x35: {  	s10 =	sld [smem:$0x3FA8];
	_ =	sdelay $0x3  }
0x36: {  	p1 =	seq.s32 s10, $0x1;
	s10 =	sld [smem:$0x3FA9];
	_ =	sdelay $0x3  }
0x37: {  	[smem:$0x3FA9] =	sst s10  }
0x38: {  	s10 =	sld [smem:$0x3FAA]  }
0x39: {  	_ = 	snop;
	(pc) =	sbr.ind lr, $3  }
0x3a: {  	_ = 	snop  }
0x3b: {  	_ = 	snop  }
0x3c: {  	p2 =	seq.s32 s10, $0x1;
	s10 =	sld [smem:$0x3FA9]  }
0x3d: {  	_ =	shalt  }
0x3e: {  	_ =	shalt  }
0x3f: {  	_ =	shalt  }
0x40: {  	_ =	shalt  }
0x41: {  	_ =	shalt  }
0x42: {  	_ =	shalt  }
0x43: {  	_ =	shalt  }
0x44: {  	_ =	shalt  }
0x45: {  	_ =	shalt  }
0x46: {  	_ =	shalt  }
0x47: {  	_ =	shalt  }
0x48: {  	_ =	shalt  }
0x49: {  	_ =	shalt  }
0x4a: {  	_ =	shalt  }
0x4b: {  	_ =	shalt  }
0x4c: {  	_ =	shalt  }
0x4d: {  	_ =	shalt  }
0x4e: {  	_ =	shalt  }
0x4f: {  	_ =	shalt  }
0x50: {  	_ =	shalt  }
0x51: {  	_ =	shalt  }
0x52: {  	_ =	shalt  }
0x53: {  	_ =	shalt  }
0x54: {  	_ =	shalt  }
0x55: {  	_ =	shalt  }
0x56: {  	_ =	shalt  }
0x57: {  	_ =	shalt  }
0x58: {  	_ =	shalt  }
0x59: {  	_ =	shalt  }
0x5a: {  	_ =	shalt  }
0x5b: {  	_ =	shalt  }
0x5c: {  	_ =	shalt  }
0x5d: {  	_ =	shalt  }
0x5e: {  	_ =	shalt  }
0x5f: {  	_ =	shalt  }
0x60: {  	_ =	shalt  }
0x61: {  	_ =	shalt  }
0x62: {  	_ =	shalt  }
0x63: {  	_ =	shalt  }
0x64: {  	_ =	shalt  }
0x65: {  	_ =	shalt  }
0x66: {  	_ =	shalt  }
0x67: {  	_ =	shalt  }
0x68: {  	_ =	shalt  }
0x69: {  	_ =	shalt  }
0x6a: {  	_ =	shalt  }
0x6b: {  	_ =	shalt  }
0x6c: {  	_ =	shalt  }
0x6d: {  	_ =	shalt  }
0x6e: {  	_ =	shalt  }
0x6f: {  	_ =	shalt  }
0x70: {  	_ =	shalt  }
0x71: {  	_ =	shalt  }
0x72: {  	_ =	shalt  }
0x73: {  	_ =	shalt  }
0x74: {  	_ =	shalt  }
0x75: {  	_ =	shalt  }
0x76: {  	_ =	shalt  }
0x77: {  	_ =	shalt  }
0x78: {  	_ =	shalt  }
0x79: {  	_ =	shalt  }
0x7a: {  	_ =	shalt  }
0x7b: {  	_ =	shalt  }
0x7c: {  	_ =	shalt  }
0x7d: {  	_ =	shalt  }
0x7e: {  	_ =	shalt  }
0x7f: {  	_ =	shalt  }
0x80: {  	_ =	shalt  }
0x81: {  	_ =	shalt  }
0x82: {  	_ =	shalt  }
0x83: {  	_ =	shalt  }
0x84: {  	_ =	shalt  }
0x85: {  	_ =	shalt  }
0x86: {  	_ =	shalt  }
0x87: {  	_ =	shalt  }
.Lfunc_end0:
.L_simem_size_0:
called_computation.1_lowered:
.L_overlay_start_0:
0x88: {  	s2 =	sld [smem:$0x3FD9]  }
0x89: {  	s3 =	sld [smem:$0x3FFE];
	_ =	sdelay $0x1  }
0x8a: {  	s1 =	srdreg.scid  }
0x8b: {  	s0 =	sand.u32 $0x1, s1  }
0x8c: {  	s15 =	sshll.u32 s0, $0xA;
	s2 =	sadd.s32 s3, s2  }
0x8d: {  	s2 =	sadd.s32 s2, s15  }
0x8e: {  	[smem:$0x3FB5] =	sst s2  }
0x8f: {  	_ = 	snop  }
0x90: {  	s2 =	sld [smem:$0x3FD0];
	_ =	sdelay $0x2  }
0x91: {  	s16 =	simm.s32 $0xB;
	s4 =	simm.s32 $0x10  }
0x92: {  	[smem:s4], [sflag:s16] =	dma.local [hbm:s2], $0x1  }
0x93: {  	_ =	swait.eq [sflag:s16], $0x1  }
0x94: {  	[sflag:s16] =	ssyncset.done $0x0  }
0x95: {  	[sflag:s16] =	ssyncadd.s32 $0xFFFFFFFF  }
0x96: {  	s17 =	sld [smem:$0x10];
	(tm) =	ssettm $0x1  }
0x97: {  	s18 =	sld [smem:$0x3FFB];
	_ =	sdelay $0x3  }
0x98: {  	_ =	strace s18  }
0x99: {  	s2 =	sld [smem:$0x3FFC];
	_ =	sdelay $0x3  }
0x9a: {  	_ =	strace s2  }
0x9b: {  	s2 =	sld [smem:$0x3FFD];
	_ =	sdelay $0x3  }
0x9c: {  	_ =	strace s2  }
0x9d: {  	_ =	strace $0x8FFFFFFF  }
0x9e: {  	s19 =	sld [smem:$0x3FDB];
	_ =	sdelay $0x1  }
0x9f: {  	s20 =	simm.s32 $_scs_section_size  }
0xa0: {  	s5 =	simm.s32 $_size__tile_overlayer_lowered;
	s6 =	simm.s32 $_tile_overlayer_lowered  }
0xa1: {  	s7 =	simm.s32 $0x1BFF;
	s21 =	sshll.u32 s6, $0x1;
	s4 =	sadd.s32 s20, s19  }
0xa2: {  	s22 =	simm.s32 $0x0;
	s5 =	sshll.u32 s5, $0x1;
	s6 =	sadd.s32 s21, s4  }
0xa3: {  	[timem:s22], [sflag:s7] =	dma.local [hbm:s6], s5  }
0xa4: {  	_ =	swait.ge [sflag:s7], s5  }
0xa5: {  	s5 =	ssub.s32 $0x0, s5;
	[sflag:s7] =	ssyncset.done $0x0  }
0xa6: {  	[sflag:s7] =	ssyncadd.s32 s5;
	_ =	sdelay $0x1  }
0xa7: {  	s23 =	simm.s32 $0x1B8B  }
0xa8: {  	_ =	swait.ge [sflag:s23], $0x1  }
0xa9: {  	[sflag:s23] =	ssyncset.done $0x0  }
0xaa: {  	[sflag:s23] =	ssyncadd.s32 $0xFFFFFFFF  }
0xab: {  	s5 =	sld [smem:$0x0]  }
0xac: {  	s6 =	sand.u32 $0xFFFFFFFE, s1  }
0xad: {  	p0 =	sne.s32 s1, s6  }
0xae: {  	s6 =	sshll.u32 @p0 s6, $0xE  }
0xaf: {  	s6 =	sadd.s32 @p0 $0x11B8D, s6;
	s7 =	sshll.u32 @p0 s5, $0x11  }
0xb0: {  	s6 =	sor.u32 @p0 s7, s6  }
0xb1: {  	[sflag:s6] =	ssyncadd.remote.s32 @p0 $0x1;
	_ =	sdelay $0x1  }
0xb2: {  	s6 =	simm.s32 @p0 $0x1B8D  }
0xb3: {  	_ =	swait.eq @p0 [sflag:s6], $0x1  }
0xb4: {  	[sflag:s6] =	ssyncadd.s32 @p0 $0xFFFFFFFF  }
0xb5: {  	s7 =	sshll.u32 @!p0 s1, $0xE  }
0xb6: {  	s7 =	sor.u32 @!p0 $0x4000, s7;
	s6 =	simm.s32 @!p0 $0x1B8D  }
0xb7: {  	s5 =	sshll.u32 @!p0 s5, $0x11;
	s7 =	sadd.s32 @!p0 $0x11B8D, s7;
	_ =	swait.eq @!p0 [sflag:s6], $0x1  }
0xb8: {  	s5 =	sor.u32 @!p0 s5, s7;
	[sflag:s6] =	ssyncadd.s32 @!p0 $0xFFFFFFFF  }
0xb9: {  	s25 =	simm.s32 $0x1B8E;
	s24 =	sld [smem:$0x3FFE];
	[sflag:s5] =	ssyncadd.remote.s32 @!p0 $0x1  }
0xba: {  	s26 =	simm.s32 $execute0_lowered;
	[smem:$0x3FD2] =	sst s25  }
0xbb: {  	s6 =	sshll.u32 s26, $0x1;
	_ =	strace $0x80000049;
	[dreg:$0x1] =	wrdreg $0xFFFFFFFF  }
0xbc: {  	s28 =	simm.s32 $_size_execute0_lowered;
	s4 =	sadd.s32 s4, s6;
	[dreg:$0x0] =	wrdreg $0x0  }
0xbd: {  	s6 =	sshll.u32 s28, $0x1;
	[dreg:$0x2] =	wrdreg s4  }
0xbe: {  	[dreg:$0x3] =	wrdreg s6  }
0xbf: {  	[dreg:$0x4] =	wrdreg $0xC0  }
0xc0: {  	_ =	task [dreg:s22], $0x5FFFF  }
0xc1: {  	[dreg:$0x1] =	wrdreg $0xFFFFFFFF  }
0xc2: {  	[dreg:$0x0] =	wrdreg $0x60  }
0xc3: {  	[dreg:$0x2] =	wrdreg s17  }
0xc4: {  	[dreg:$0x3] =	wrdreg s24  }
0xc5: {  	[dreg:$0x4] =	wrdreg $0xA  }
0xc6: {  	_ =	task.clear_ibuf [dreg:s22], $0x5FFFF;
	_ =	strace $0x90000049  }
0xc7: {  	s29 =	simm.s32 $0xA;
	_ =	strace $0x8000004B  }
0xc8: {  	_ =	swait.ge [sflag:s29], $0x1  }
0xc9: {  	[sflag:s29] =	ssyncadd.s32 $0xFFFFFFFF  }
0xca: {  	_ =	strace $0x9000004B  }
0xcb: {  	_ =	sfence  }
0xcc: {  	s30 =	sld [smem:$0x0];
	_ =	sdelay $0x2  }
0xcd: {  	s31 =	sshll.u32 s1, $0xD;
	s1 =	sshrl.u32 s1, $0x2  }
0xce: {  	s4 =	sand.u32 $0x4000, s31;
	s1 =	sadd.s32 s1, s30  }
0xcf: {  	s0 =	sor.u32 s4, s0;
	s1 =	sshll.u32 s1, $0x11  }
0xd0: {  	s0 =	sor.u32 s1, s0  }
0xd1: {  	s0 =	sadd.s32 $0x8F2B, s0  }
0xd2: {  	[sflag:s0] =	ssyncadd.remote.s32 $0x1  }
0xd3: {  	_ =	sfence.sel $0xFFFF  }
0xd4: {  	[dreg:$0x0] =	wrdreg $0xFFFFFFFF;
	(pc) =	sbr.abs _section_cstart, $3  }
0xd5: {  	[dreg:$0x1] =	wrdreg $0xFFFFFFFF  }
0xd6: {  	_ =	task.clear_ibuf [dreg:s22], $0x2FFFF;
	_ =	strace $0x9FFFFFFF  }
0xd7: {  	(tm) =	ssettm $0x7FFFFFFF  }
tec
execute0_lowered:
.L_overlay_start_1:
0x0: {  	(tag) =	ssettag $0x1  }
0x1: {  	s2 =	rddreg [dreg:$0x0];
	s0 =	srdreg.scid  }
0x2: {  	s3 =	stileid.u32;
	s1 =	rddreg [dreg:$0x1];
	s12 =	simm.s32 $0x9  }
0x3: {  	s14 =	simm.s32 $0x80;
	s15 =	simm.s32 $0x2800;
	s17 =	simm.s32 $0x5000  }
0x4: {  	s21 =	simm.s32 $0x7800;
	s23 =	simm.s32 $0x11800;
	s24 =	simm.s32 $0x1  }
0x5: {  	s28 =	simm.s32 $0x2;
	s29 =	simm.s32 $0x3;
	s30 =	simm.s32 $0x4  }
0x6: {  	s31 =	simm.s32 $0x5;
	s16 =	simm.s32 $0x8;
	s18 =	simm.s32 $0x0  }
0x7: {  	s0 =	sand.u32 $0x1, s0;
	s4 =	sshll.u32 s3, $0x1;
	s3 =	simm.s32 $0x0  }
0x8: {  	s5 =	sor.u32 s0, s4;
	[smem:$0x7FF] =	sst s3;
	s0 =	ssub.s32 $0x2, s0  }
0x9: {  	s4 =	sadd.s32 $0x55A00, s1;
	s6 =	smul.u32 $0x280, s5;
	s8 =	sshrl.u32 s0, $0x1  }
0xa: {  	_ =	strace $0x8000004A;
	s5 =	smul.u32 $0x1400, s5;
	s0 =	ssub.s32 s0, s8  }
.Ltmp0:
0xb: {  	s7 =	sadd.s32 s6, s1;
	s6 =	sadd.s32 $0x21CA00, s1;
	(pc) =	sbr.rel .LBB2_1-.Ltmp0, $4  }
0xc: {  	s9 =	sor.u32 $0x80, s5;
	s10 =	sor.u32 $0x100, s5;
	s0 =	smax.u32 s0, $0x1  }
0xd: {  	s1 =	simm.s32 $0x6;
	s25 =	sadd.s32 $0x212A00, s7;
	[dreg:$0x5] =	wrdreg s0  }
0xe: {  	s26 =	sadd.s32 $0x217A00, s7;
	s0 =	simm.s32 $0x7;
	[dreg:$0x3] =	wrdreg s25  }
0xf: {  	[dreg:$0x4] =	wrdreg s26;
	s25 =	simm.s32 $0xA000;
	s26 =	simm.s32 $0x14000  }
.LBB2_12:
0x10: {  	_ =	swait.ge [sflag:s31], $0x2800  }
0x11: {  	[sflag:s31] =	ssyncset.done $0x0  }
0x12: {  	[sflag:s31] =	ssyncadd.s32 $0xFFFFD800  }
0x13: {  	_ =	swait.ge [sflag:s1], $0x2800  }
0x14: {  	[sflag:s1] =	ssyncset.done $0x0  }
0x15: {  	[sflag:s1] =	ssyncadd.s32 $0xFFFFD800  }
0x16: {  	_ =	swait.ge [sflag:s0], $0x2800  }
0x17: {  	[sflag:s0] =	ssyncset.done $0x0  }
0x18: {  	[sflag:s0] =	ssyncadd.s32 $0xFFFFD800  }
0x19: {  	_ =	swait.ge [sflag:s16], $0x2800  }
0x1a: {  	s18 =	sadd.s32 $0x1, s18;
	s7 =	rddreg [dreg:$0x5]  }
0x1b: {  	p0 =	sne.s32 s18, s7  }
.Ltmp1:
0x1c: {  	_ = 	snop;
	(pc) =	sbr.rel @!p0 .LBB2_13-.Ltmp1, $3  }
0x1d: {  	_ =	sdelay $0x1  }
0x1e: {  	[sflag:s16] =	ssyncset.done $0x0  }
0x1f: {  	[sflag:s16] =	ssyncadd.s32 $0xFFFFD800  }
.LBB2_1:
0x20: {  	s7 =	rddreg [dreg:$0x3]  }
0x21: {  	[tilespmem:s3], [sflag:$0x9] =	stream.linear.gather [hbm4b:s7+s3], $0x1400, $0x38;
	[tilespmem:$0x16800] =	vst v63  }
0x22: {  	_ =	swait.ge [sflag:s12], $0x1400  }
0x23: {  	[sflag:s12] =	ssyncset.done $0x0  }
0x24: {  	s8 =	simm.s32 $0x1400;
	s22 =	rddreg [dreg:$0x4];
	[sflag:s12] =	ssyncadd.s32 $0xFFFFEC00  }
0x25: {  	[tilespmem:s8], [sflag:$0x9] =	stream.linear.gather [hbm4b:s22+s3], $0x1400, $0x38;
	[tilespmem:$0x16800] =	vst v63  }
0x26: {  	_ =	swait.ge [sflag:s12], $0x1400  }
0x27: {  	[sflag:s12] =	ssyncset.done $0x0  }
0x28: {  	[sflag:s12] =	ssyncadd.s32 $0xFFFFEC00  }
0x29: {  	[tilespmem:s15], [sflag:$0x1] =	stream.indirect.gather [hbm4b:s2+s14], $0x50, s3, s14, $0xb8;
	[tilespmem:$0x16800] =	vst v63  }
0x2a: {  	s11 =	simm.s32 $0xC800  }
0x2b: {  	[tilespmem:s11], [sflag:$0x1] =	stream.indirect.gather [hbm4b:s4+s14], $0x50, s8, s14, $0xb8;
	[tilespmem:$0x16800] =	vst v63  }
0x2c: {  	_ = 	snop  }
0x2d: {  	[tilespmem:s17], [sflag:$0x2] =	stream.indirect.gather [hbm4b:s2+s14], $0x50, s14, s14, $0xb8;
	[tilespmem:$0x16800] =	vst v63  }
0x2e: {  	s13 =	simm.s32 $0x1480;
	s19 =	simm.s32 $0xF000  }
0x2f: {  	[tilespmem:s19], [sflag:$0x2] =	stream.indirect.gather [hbm4b:s4+s14], $0x50, s13, s14, $0xb8;
	[tilespmem:$0x16800] =	vst v63  }
0x30: {  	s20 =	simm.s32 $0x100  }
0x31: {  	[tilespmem:s21], [sflag:$0x3] =	stream.indirect.gather [hbm4b:s2+s14], $0x50, s20, s14, $0xb8;
	[tilespmem:$0x16800] =	vst v63  }
0x32: {  	s22 =	simm.s32 $0x1500;
	s19 =	simm.s32 $0x0  }
0x33: {  	[tilespmem:s23], [sflag:$0x3] =	stream.indirect.gather [hbm4b:s4+s14], $0x50, s22, s14, $0xb8;
	[tilespmem:$0x16800] =	vst v63  }
.LBB2_2:
0x34: {  	_ =	swait.ge [sflag:s24], $0x2800  }
0x35: {  	[sflag:s24] =	ssyncset.done $0x0  }
0x36: {  	[sflag:s24] =	ssyncadd.s32 $0xFFFFD800  }
0x37: {  	_ =	swait.ge [sflag:s24], $0x2800  }
0x38: {  	[sflag:s24] =	ssyncset.done $0x0  }
0x39: {  	s22 =	simm.s32 $0x2850;
	[sflag:s24] =	ssyncadd.s32 $0xFFFFD800  }
0x3a: {  	s13 =	simm.s32 $0xC850;
	v0 =	vld [tilespmem:s22+$0xFFFFFFB0]  }
0x3b: {  	v1 =	vld [tilespmem:s13+$0xFFFFFFB0];
	_ =	sdelay $0x4  }
0x3c: {  	v0 =	vadd.f32 v1, v0;
	_ =	sdelay $0x1  }
0x3d: {  	[tilespmem:s22+$0xFFFFFFB0] =	vst v0;
	v0 =	vld [tilespmem:s22+$0xFFFFFFC0]  }
0x3e: {  	v1 =	vld [tilespmem:s13+$0xFFFFFFC0];
	_ =	sdelay $0x4  }
0x3f: {  	v0 =	vadd.f32 v1, v0;
	_ =	sdelay $0x1  }
0x40: {  	[tilespmem:s22+$0xFFFFFFC0] =	vst v0;
	v0 =	vld [tilespmem:s22+$0xFFFFFFD0]  }
0x41: {  	v1 =	vld [tilespmem:s13+$0xFFFFFFD0];
	_ =	sdelay $0x4  }
0x42: {  	v0 =	vadd.f32 v1, v0;
	_ =	sdelay $0x1  }
0x43: {  	[tilespmem:s22+$0xFFFFFFD0] =	vst v0;
	v0 =	vld [tilespmem:s22+$0xFFFFFFE0]  }
0x44: {  	v1 =	vld [tilespmem:s13+$0xFFFFFFE0];
	_ =	sdelay $0x4  }
0x45: {  	v0 =	vadd.f32 v1, v0;
	_ =	sdelay $0x1  }
0x46: {  	[tilespmem:s22+$0xFFFFFFE0] =	vst v0;
	v0 =	vld [tilespmem:s22+$0xFFFFFFF0]  }
0x47: {  	v1 =	vld [tilespmem:s13+$0xFFFFFFF0];
	_ =	sdelay $0x4  }
0x48: {  	v0 =	vadd.f32 v1, v0;
	_ =	sdelay $0x1  }
0x49: {  	[tilespmem:s22+$0xFFFFFFF0] =	vst v0;
	v0 =	vld [tilespmem:s22+$0x0]  }
0x4a: {  	v1 =	vld [tilespmem:s13+$0x0];
	_ =	sdelay $0x4  }
0x4b: {  	v0 =	vadd.f32 v1, v0;
	_ =	sdelay $0x1  }
0x4c: {  	[tilespmem:s22+$0x0] =	vst v0;
	v0 =	vld [tilespmem:s22+$0x10]  }
0x4d: {  	v1 =	vld [tilespmem:s13+$0x10];
	_ =	sdelay $0x4  }
0x4e: {  	v0 =	vadd.f32 v1, v0;
	_ =	sdelay $0x1  }
0x4f: {  	[tilespmem:s22+$0x10] =	vst v0;
	v0 =	vld [tilespmem:s22+$0x20]  }
0x50: {  	v1 =	vld [tilespmem:s13+$0x20];
	_ =	sdelay $0x4  }
0x51: {  	v0 =	vadd.f32 v1, v0;
	_ =	sdelay $0x1  }
0x52: {  	[tilespmem:s22+$0x20] =	vst v0;
	v0 =	vld [tilespmem:s22+$0x30]  }
0x53: {  	v1 =	vld [tilespmem:s13+$0x30];
	_ =	sdelay $0x4  }
0x54: {  	v0 =	vadd.f32 v1, v0;
	_ =	sdelay $0x1  }
0x55: {  	[tilespmem:s22+$0x30] =	vst v0;
	v0 =	vld [tilespmem:s22+$0x40]  }
0x56: {  	v1 =	vld [tilespmem:s13+$0x40];
	_ =	sdelay $0x4  }
0x57: {  	v0 =	vadd.f32 v1, v0  }
0x58: {  	s7 =	simm.s32 $0x0;
	s8 =	simm.s32 $0x28F0  }
.LBB2_3:
0x59: {  	v1 =	vld [tilespmem:s8+$0xFFFFFFB0];
	[tilespmem:s22+$0x40] =	vst v0;
	s13 =	sadd.s32 $0xA0, s13;
	s22 =	smov.u32 s8  }
0x5a: {  	s7 =	sadd.s32 $0x2, s7;
	v0 =	vld [tilespmem:s13+$0xFFFFFFB0]  }
0x5b: {  	p0 =	slt.u32 s7, $0x7E;
	_ =	sdelay $0x3  }
0x5c: {  	v0 =	vadd.f32 v0, v1;
	_ =	sdelay $0x1  }
0x5d: {  	[tilespmem:s8+$0xFFFFFFB0] =	vst v0;
	v0 =	vld [tilespmem:s8+$0xFFFFFFC0]  }
0x5e: {  	v1 =	vld [tilespmem:s13+$0xFFFFFFC0];
	_ =	sdelay $0x4  }
0x5f: {  	v0 =	vadd.f32 v1, v0;
	_ =	sdelay $0x1  }
0x60: {  	[tilespmem:s8+$0xFFFFFFC0] =	vst v0;
	v0 =	vld [tilespmem:s8+$0xFFFFFFD0]  }
0x61: {  	v1 =	vld [tilespmem:s13+$0xFFFFFFD0];
	_ =	sdelay $0x4  }
0x62: {  	v0 =	vadd.f32 v1, v0;
	_ =	sdelay $0x1  }
0x63: {  	[tilespmem:s8+$0xFFFFFFD0] =	vst v0;
	v0 =	vld [tilespmem:s8+$0xFFFFFFE0]  }
0x64: {  	v1 =	vld [tilespmem:s13+$0xFFFFFFE0];
	_ =	sdelay $0x4  }
0x65: {  	v0 =	vadd.f32 v1, v0;
	_ =	sdelay $0x1  }
0x66: {  	[tilespmem:s8+$0xFFFFFFE0] =	vst v0;
	v0 =	vld [tilespmem:s8+$0xFFFFFFF0]  }
0x67: {  	v1 =	vld [tilespmem:s13+$0xFFFFFFF0];
	_ =	sdelay $0x4  }
0x68: {  	v0 =	vadd.f32 v1, v0;
	_ =	sdelay $0x1  }
0x69: {  	[tilespmem:s8+$0xFFFFFFF0] =	vst v0;
	v0 =	vld [tilespmem:s8+$0x0]  }
0x6a: {  	v1 =	vld [tilespmem:s13+$0x0];
	_ =	sdelay $0x4  }
0x6b: {  	v0 =	vadd.f32 v1, v0;
	_ =	sdelay $0x1  }
0x6c: {  	[tilespmem:s8+$0x0] =	vst v0;
	v0 =	vld [tilespmem:s8+$0x10]  }
0x6d: {  	v1 =	vld [tilespmem:s13+$0x10];
	_ =	sdelay $0x4  }
0x6e: {  	v0 =	vadd.f32 v1, v0;
	_ =	sdelay $0x1  }
0x6f: {  	[tilespmem:s8+$0x10] =	vst v0;
	v0 =	vld [tilespmem:s8+$0x20]  }
0x70: {  	v1 =	vld [tilespmem:s13+$0x20];
	_ =	sdelay $0x4  }
0x71: {  	v0 =	vadd.f32 v1, v0;
	_ =	sdelay $0x1  }
0x72: {  	[tilespmem:s8+$0x20] =	vst v0;
	v0 =	vld [tilespmem:s8+$0x30]  }
0x73: {  	v1 =	vld [tilespmem:s13+$0x30];
	_ =	sdelay $0x4  }
0x74: {  	v0 =	vadd.f32 v1, v0;
	_ =	sdelay $0x1  }
0x75: {  	[tilespmem:s8+$0x30] =	vst v0;
	v0 =	vld [tilespmem:s8+$0x40]  }
0x76: {  	v1 =	vld [tilespmem:s13+$0x40];
	_ =	sdelay $0x1  }
.Ltmp2:
0x77: {  	(pc) =	sbr.rel @p0 .LBB2_3-.Ltmp2, $3  }
0x78: {  	_ =	sdelay $0x1  }
0x79: {  	v0 =	vadd.f32 v1, v0  }
0x7a: {  	s8 =	sadd.s32 $0xA0, s8  }
0x7b: {  	s20 =	sshll.u32 s19, $0x9  }
0x7c: {  	s7 =	sadd.s32 s5, s20  }
0x7d: {  	s7 =	smul.u32 $0xA, s7;
	_ =	sdelay $0x1  }
0x7e: {  	[tilespmem:s22+$0x40] =	vst v0;
	p0 =	seq.s32 s19, $0x0;
	s7 =	sadd.s32 s6, s7  }
0x7f: {  	[hbm4b:s7+s3] =	stream.linear.scatter [tilespmem:s15], [sflag:$0x5], $0x2800, $0x38;
	[tilespmem:$0x16800] =	vst v63  }
0x80: {  	s7 =	simm.s32 @!p0 $0x8  }
0x81: {  	_ =	swait.ge @!p0 [sflag:s7], $0x2800  }
0x82: {  	[sflag:s7] =	ssyncset.done @!p0 $0x0  }
0x83: {  	s22 =	sor.u32 $0x180, s20;
	[sflag:s7] =	ssyncadd.s32 @!p0 $0xFFFFD800  }
0x84: {  	[tilespmem:s25], [sflag:$0x4] =	stream.indirect.gather [hbm4b:s2+s14], $0x50, s22, s14, $0xb8;
	[tilespmem:$0x16800] =	vst v63  }
0x85: {  	s13 =	sadd.s32 $0x1400, s22  }
0x86: {  	[tilespmem:s26], [sflag:$0x4] =	stream.indirect.gather [hbm4b:s4+s14], $0x50, s13, s14, $0xb8;
	[tilespmem:$0x16800] =	vst v63  }
0x87: {  	_ =	swait.ge [sflag:s28], $0x2800  }
0x88: {  	[sflag:s28] =	ssyncset.done $0x0  }
0x89: {  	[sflag:s28] =	ssyncadd.s32 $0xFFFFD800  }
0x8a: {  	_ =	swait.ge [sflag:s28], $0x2800  }
0x8b: {  	[sflag:s28] =	ssyncset.done $0x0  }
0x8c: {  	s13 =	simm.s32 $0x5090;
	[sflag:s28] =	ssyncadd.s32 $0xFFFFD800  }
0x8d: {  	s7 =	simm.s32 $0xF090;
	v0 =	vld [tilespmem:s13+$0xFFFFFF70]  }
0x8e: {  	v1 =	vld [tilespmem:s7+$0xFFFFFF70];
	_ =	sdelay $0x4  }
0x8f: {  	v0 =	vadd.f32 v1, v0;
	_ =	sdelay $0x1  }
0x90: {  	[tilespmem:s13+$0xFFFFFF70] =	vst v0;
	v0 =	vld [tilespmem:s13+$0xFFFFFF80]  }
0x91: {  	v1 =	vld [tilespmem:s7+$0xFFFFFF80];
	_ =	sdelay $0x4  }
0x92: {  	v0 =	vadd.f32 v1, v0;
	_ =	sdelay $0x1  }
0x93: {  	[tilespmem:s13+$0xFFFFFF80] =	vst v0;
	v0 =	vld [tilespmem:s13+$0xFFFFFF90]  }
0x94: {  	v1 =	vld [tilespmem:s7+$0xFFFFFF90];
	_ =	sdelay $0x4  }
0x95: {  	v0 =	vadd.f32 v1, v0;
	_ =	sdelay $0x1  }
0x96: {  	[tilespmem:s13+$0xFFFFFF90] =	vst v0;
	v0 =	vld [tilespmem:s13+$0xFFFFFFA0]  }
0x97: {  	v1 =	vld [tilespmem:s7+$0xFFFFFFA0];
	_ =	sdelay $0x4  }
0x98: {  	v0 =	vadd.f32 v1, v0;
	_ =	sdelay $0x1  }
0x99: {  	[tilespmem:s13+$0xFFFFFFA0] =	vst v0;
	v0 =	vld [tilespmem:s13+$0xFFFFFFB0]  }
0x9a: {  	v1 =	vld [tilespmem:s7+$0xFFFFFFB0];
	_ =	sdelay $0x4  }
0x9b: {  	v0 =	vadd.f32 v1, v0;
	_ =	sdelay $0x1  }
0x9c: {  	[tilespmem:s13+$0xFFFFFFB0] =	vst v0;
	v0 =	vld [tilespmem:s13+$0xFFFFFFC0]  }
0x9d: {  	v1 =	vld [tilespmem:s7+$0xFFFFFFC0];
	_ =	sdelay $0x4  }
0x9e: {  	v0 =	vadd.f32 v1, v0;
	_ =	sdelay $0x1  }
0x9f: {  	[tilespmem:s13+$0xFFFFFFC0] =	vst v0;
	v0 =	vld [tilespmem:s13+$0xFFFFFFD0]  }
0xa0: {  	v1 =	vld [tilespmem:s7+$0xFFFFFFD0];
	_ =	sdelay $0x4  }
0xa1: {  	v0 =	vadd.f32 v1, v0;
	_ =	sdelay $0x1  }
0xa2: {  	[tilespmem:s13+$0xFFFFFFD0] =	vst v0;
	v0 =	vld [tilespmem:s13+$0xFFFFFFE0]  }
0xa3: {  	v1 =	vld [tilespmem:s7+$0xFFFFFFE0];
	_ =	sdelay $0x4  }
0xa4: {  	v0 =	vadd.f32 v1, v0;
	_ =	sdelay $0x1  }
0xa5: {  	[tilespmem:s13+$0xFFFFFFE0] =	vst v0;
	v0 =	vld [tilespmem:s13+$0xFFFFFFF0]  }
0xa6: {  	v1 =	vld [tilespmem:s7+$0xFFFFFFF0];
	_ =	sdelay $0x4  }
0xa7: {  	v0 =	vadd.f32 v1, v0;
	_ =	sdelay $0x1  }
0xa8: {  	[tilespmem:s13+$0xFFFFFFF0] =	vst v0;
	v0 =	vld [tilespmem:s13+$0x0]  }
0xa9: {  	v1 =	vld [tilespmem:s7+$0x0];
	_ =	sdelay $0x4  }
0xaa: {  	v0 =	vadd.f32 v1, v0  }
0xab: {  	s8 =	simm.s32 $0x0;
	s11 =	simm.s32 $0x5130  }
.LBB2_5:
0xac: {  	v1 =	vld [tilespmem:s11+$0xFFFFFF70];
	[tilespmem:s13+$0x0] =	vst v0;
	s7 =	sadd.s32 $0xA0, s7;
	s13 =	smov.u32 s11  }
0xad: {  	s8 =	sadd.s32 $0x2, s8;
	v0 =	vld [tilespmem:s7+$0xFFFFFF70]  }
0xae: {  	p0 =	slt.u32 s8, $0x7E;
	_ =	sdelay $0x3  }
0xaf: {  	v0 =	vadd.f32 v0, v1;
	_ =	sdelay $0x1  }
0xb0: {  	[tilespmem:s11+$0xFFFFFF70] =	vst v0;
	v0 =	vld [tilespmem:s11+$0xFFFFFF80]  }
0xb1: {  	v1 =	vld [tilespmem:s7+$0xFFFFFF80];
	_ =	sdelay $0x4  }
0xb2: {  	v0 =	vadd.f32 v1, v0;
	_ =	sdelay $0x1  }
0xb3: {  	[tilespmem:s11+$0xFFFFFF80] =	vst v0;
	v0 =	vld [tilespmem:s11+$0xFFFFFF90]  }
0xb4: {  	v1 =	vld [tilespmem:s7+$0xFFFFFF90];
	_ =	sdelay $0x4  }
0xb5: {  	v0 =	vadd.f32 v1, v0;
	_ =	sdelay $0x1  }
0xb6: {  	[tilespmem:s11+$0xFFFFFF90] =	vst v0;
	v0 =	vld [tilespmem:s11+$0xFFFFFFA0]  }
0xb7: {  	v1 =	vld [tilespmem:s7+$0xFFFFFFA0];
	_ =	sdelay $0x4  }
0xb8: {  	v0 =	vadd.f32 v1, v0;
	_ =	sdelay $0x1  }
0xb9: {  	[tilespmem:s11+$0xFFFFFFA0] =	vst v0;
	v0 =	vld [tilespmem:s11+$0xFFFFFFB0]  }
0xba: {  	v1 =	vld [tilespmem:s7+$0xFFFFFFB0];
	_ =	sdelay $0x4  }
0xbb: {  	v0 =	vadd.f32 v1, v0;
	_ =	sdelay $0x1  }
0xbc: {  	[tilespmem:s11+$0xFFFFFFB0] =	vst v0;
	v0 =	vld [tilespmem:s11+$0xFFFFFFC0]  }
0xbd: {  	v1 =	vld [tilespmem:s7+$0xFFFFFFC0];
	_ =	sdelay $0x4  }
0xbe: {  	v0 =	vadd.f32 v1, v0;
	_ =	sdelay $0x1  }
0xbf: {  	[tilespmem:s11+$0xFFFFFFC0] =	vst v0;
	v0 =	vld [tilespmem:s11+$0xFFFFFFD0]  }
0xc0: {  	v1 =	vld [tilespmem:s7+$0xFFFFFFD0];
	_ =	sdelay $0x4  }
0xc1: {  	v0 =	vadd.f32 v1, v0;
	_ =	sdelay $0x1  }
0xc2: {  	[tilespmem:s11+$0xFFFFFFD0] =	vst v0;
	v0 =	vld [tilespmem:s11+$0xFFFFFFE0]  }
0xc3: {  	v1 =	vld [tilespmem:s7+$0xFFFFFFE0];
	_ =	sdelay $0x4  }
0xc4: {  	v0 =	vadd.f32 v1, v0;
	_ =	sdelay $0x1  }
0xc5: {  	[tilespmem:s11+$0xFFFFFFE0] =	vst v0;
	v0 =	vld [tilespmem:s11+$0xFFFFFFF0]  }
0xc6: {  	v1 =	vld [tilespmem:s7+$0xFFFFFFF0];
	_ =	sdelay $0x4  }
0xc7: {  	v0 =	vadd.f32 v1, v0;
	_ =	sdelay $0x1  }
0xc8: {  	[tilespmem:s11+$0xFFFFFFF0] =	vst v0;
	v0 =	vld [tilespmem:s11+$0x0]  }
0xc9: {  	v1 =	vld [tilespmem:s7+$0x0];
	_ =	sdelay $0x1  }
.Ltmp3:
0xca: {  	(pc) =	sbr.rel @p0 .LBB2_5-.Ltmp3, $3  }
0xcb: {  	_ =	sdelay $0x1  }
0xcc: {  	v0 =	vadd.f32 v1, v0  }
0xcd: {  	s11 =	sadd.s32 $0xA0, s11  }
0xce: {  	s7 =	sadd.s32 s20, s9  }
0xcf: {  	s7 =	smul.u32 $0xA, s7;
	_ =	sdelay $0x1  }
0xd0: {  	[tilespmem:s13+$0x0] =	vst v0;
	p0 =	seq.s32 s19, $0x9;
	s7 =	sadd.s32 s6, s7  }
0xd1: {  	[hbm4b:s7+s3] =	stream.linear.scatter [tilespmem:s17], [sflag:$0x6], $0x2800, $0x38;
	[tilespmem:$0x16800] =	vst v63  }
0xd2: {  	s7 =	simm.s32 @!p0 $0x5  }
0xd3: {  	_ =	swait.ge @!p0 [sflag:s7], $0x2800  }
0xd4: {  	s8 =	simm.s32 @!p0 $0x80;
	[sflag:s7] =	ssyncset.done @!p0 $0x0  }
0xd5: {  	s11 =	simm.s32 @!p0 $0x2800;
	[sflag:s7] =	ssyncadd.s32 @!p0 $0xFFFFD800;
	s7 =	sadd.s32 @!p0 $0x200, s20  }
0xd6: {  	[tilespmem:s11], [sflag:$0x1] =	stream.indirect.gather @!p0 [hbm4b:s2+s8], $0x50, s7, s8, $0xb8;
	[tilespmem:$0x16800] =	vst v63  }
0xd7: {  	s7 =	sadd.s32 @!p0 $0x1600, s20;
	s11 =	simm.s32 @!p0 $0xC800  }
0xd8: {  	[tilespmem:s11], [sflag:$0x1] =	stream.indirect.gather @!p0 [hbm4b:s4+s8], $0x50, s7, s8, $0xb8;
	[tilespmem:$0x16800] =	vst v63  }
0xd9: {  	_ =	swait.ge [sflag:s29], $0x2800  }
0xda: {  	[sflag:s29] =	ssyncset.done $0x0  }
0xdb: {  	[sflag:s29] =	ssyncadd.s32 $0xFFFFD800  }
0xdc: {  	_ =	swait.ge [sflag:s29], $0x2800  }
0xdd: {  	[sflag:s29] =	ssyncset.done $0x0  }
0xde: {  	s7 =	simm.s32 $0x0;
	[sflag:s29] =	ssyncadd.s32 $0xFFFFD800  }
0xdf: {  	v2 =	vld [tilespmem:s7+$0x11890]  }
0xe0: {  	v3 =	vld [tilespmem:s7+$0x7890]  }
0xe1: {  	v4 =	vld [tilespmem:s7+$0x11880]  }
0xe2: {  	v5 =	vld [tilespmem:s7+$0x7880]  }
0xe3: {  	v0 =	vld [tilespmem:s7+$0x11870]  }
0xe4: {  	v6 =	vld [tilespmem:s7+$0x11850]  }
0xe5: {  	v1 =	vld [tilespmem:s7+$0x7870]  }
0xe6: {  	v9 =	vld [tilespmem:s7+$0x7850]  }
0xe7: {  	v10 =	vld [tilespmem:s7+$0x11840]  }
0xe8: {  	v11 =	vld [tilespmem:s7+$0x7840]  }
0xe9: {  	v12 =	vld [tilespmem:s7+$0x11830]  }
0xea: {  	v13 =	vld [tilespmem:s7+$0x7830]  }
0xeb: {  	v8 =	vld [tilespmem:s7+$0x7810]  }
0xec: {  	v7 =	vadd.f32 v2, v3;
	v2 =	vld [tilespmem:s7+$0x11860]  }
0xed: {  	v3 =	vld [tilespmem:s7+$0x7860]  }
0xee: {  	v4 =	vadd.f32 v4, v5;
	v5 =	vld [tilespmem:s7+$0x11800]  }
0xef: {  	v14 =	vadd.f32 v6, v9;
	[tilespmem:s7+$0x7890] =	vst v7;
	v7 =	vld [tilespmem:s7+$0x11810]  }
0xf0: {  	v6 =	vld [tilespmem:s7+$0x7800];
	v9 =	vadd.f32 v10, v11;
	[tilespmem:s7+$0x7880] =	vst v4  }
0xf1: {  	s8 =	simm.s32 $0x0;
	s11 =	simm.s32 $0x280;
	v10 =	vadd.f32 v12, v13;
	v4 =	vld [tilespmem:s7+$0x7820];
	[tilespmem:s7+$0x7850] =	vst v14  }
.LBB2_7:
0xf2: {  	s13 =	sshra.s32 s11, $0x2;
	s8 =	sadd.s32 $0x2, s8;
	v11 =	vld [tilespmem:s7+$0x11820];
	[tilespmem:s7+$0x7840] =	vst v9  }
0xf3: {  	v9 =	vld [tilespmem:s13+$0x11890];
	p1 =	slt.u32 s8, $0x7E;
	[tilespmem:s7+$0x7830] =	vst v10  }
0xf4: {  	v10 =	vld [tilespmem:s13+$0x7890];
	v7 =	vadd.f32 v7, v8  }
0xf5: {  	v8 =	vld [tilespmem:s13+$0x11880]  }
0xf6: {  	v3 =	vadd.f32 v2, v3;
	v1 =	vadd.f32 v0, v1;
	v12 =	vld [tilespmem:s13+$0x7880];
	[tilespmem:s7+$0x7810] =	vst v7  }
0xf7: {  	v2 =	vadd.f32 v5, v6;
	v0 =	vld [tilespmem:s13+$0x11870];
	v4 =	vadd.f32 v11, v4  }
0xf8: {  	v5 =	vld [tilespmem:s13+$0x11850];
	[tilespmem:s7+$0x7870] =	vst v1  }
0xf9: {  	v1 =	vld [tilespmem:s13+$0x7870];
	v6 =	vadd.f32 v9, v10;
	[tilespmem:s7+$0x7800] =	vst v2  }
0xfa: {  	v10 =	vld [tilespmem:s13+$0x7850];
	[tilespmem:s7+$0x7820] =	vst v4  }
0xfb: {  	v2 =	vld [tilespmem:s13+$0x11860];
	v4 =	vadd.f32 v8, v12;
	[tilespmem:s7+$0x7860] =	vst v3;
	s7 =	smov.u32 s13  }
0xfc: {  	v3 =	vld [tilespmem:s7+$0x7860];
	[tilespmem:s7+$0x7890] =	vst v6  }
0xfd: {  	v6 =	vld [tilespmem:s7+$0x11840];
	[tilespmem:s7+$0x7880] =	vst v4  }
0xfe: {  	v9 =	vld [tilespmem:s7+$0x7840]  }
0xff: {  	v11 =	vld [tilespmem:s7+$0x11830]  }
0x100: {  	v12 =	vld [tilespmem:s7+$0x7830]  }
.Ltmp4:
0x101: {  	v4 =	vld [tilespmem:s7+$0x7820];
	(pc) =	sbr.rel @p1 .LBB2_7-.Ltmp4, $4  }
0x102: {  	v7 =	vld [tilespmem:s7+$0x11810]  }
0x103: {  	v13 =	vadd.f32 v5, v10;
	v8 =	vld [tilespmem:s7+$0x7810];
	v9 =	vadd.f32 v6, v9  }
0x104: {  	v5 =	vld [tilespmem:s7+$0x11800]  }
0x105: {  	s11 =	sadd.s32 $0x280, s11;
	v6 =	vld [tilespmem:s7+$0x7800];
	v10 =	vadd.f32 v11, v12;
	[tilespmem:s7+$0x7850] =	vst v13  }
0x106: {  	v11 =	vld [tilespmem:s7+$0x11820]  }
0x107: {  	[tilespmem:s7+$0x7840] =	vst v9;
	v0 =	vadd.f32 v0, v1  }
0x108: {  	[tilespmem:s7+$0x7830] =	vst v10;
	v7 =	vadd.f32 v7, v8  }
0x109: {  	[tilespmem:s7+$0x7870] =	vst v0;
	v0 =	vadd.f32 v2, v3  }
0x10a: {  	s8 =	sadd.s32 s20, s10;
	[tilespmem:s7+$0x7810] =	vst v7;
	v1 =	vadd.f32 v5, v6  }
0x10b: {  	s8 =	smul.u32 $0xA, s8;
	[tilespmem:s7+$0x7860] =	vst v0;
	v4 =	vadd.f32 v11, v4  }
0x10c: {  	[tilespmem:s7+$0x7800] =	vst v1  }
0x10d: {  	s13 =	sadd.s32 s6, s8;
	[tilespmem:s7+$0x7820] =	vst v4;
	s7 =	simm.s32 @!p0 $0x6  }
0x10e: {  	[hbm4b:s13+s3] =	stream.linear.scatter [tilespmem:s21], [sflag:$0x7], $0x2800, $0x38;
	[tilespmem:$0x16800] =	vst v63  }
0x10f: {  	_ =	swait.ge @!p0 [sflag:s7], $0x2800  }
0x110: {  	s11 =	simm.s32 @!p0 $0x5000;
	[sflag:s7] =	ssyncset.done @!p0 $0x0  }
0x111: {  	s8 =	simm.s32 @!p0 $0x80;
	[sflag:s7] =	ssyncadd.s32 @!p0 $0xFFFFD800;
	s7 =	sadd.s32 @!p0 $0x280, s20  }
0x112: {  	[tilespmem:s11], [sflag:$0x2] =	stream.indirect.gather @!p0 [hbm4b:s2+s8], $0x50, s7, s8, $0xb8;
	[tilespmem:$0x16800] =	vst v63  }
0x113: {  	s7 =	sadd.s32 @!p0 $0x1680, s20;
	s11 =	simm.s32 @!p0 $0xF000  }
0x114: {  	[tilespmem:s11], [sflag:$0x2] =	stream.indirect.gather @!p0 [hbm4b:s4+s8], $0x50, s7, s8, $0xb8;
	[tilespmem:$0x16800] =	vst v63  }
0x115: {  	_ =	swait.ge [sflag:s30], $0x2800  }
0x116: {  	[sflag:s30] =	ssyncset.done $0x0  }
0x117: {  	[sflag:s30] =	ssyncadd.s32 $0xFFFFD800  }
0x118: {  	_ =	swait.ge [sflag:s30], $0x2800  }
0x119: {  	[sflag:s30] =	ssyncset.done $0x0  }
0x11a: {  	s7 =	simm.s32 $0x0;
	[sflag:s30] =	ssyncadd.s32 $0xFFFFD800  }
0x11b: {  	v2 =	vld [tilespmem:s7+$0x14090]  }
0x11c: {  	v3 =	vld [tilespmem:s7+$0xA090]  }
0x11d: {  	v4 =	vld [tilespmem:s7+$0x14080]  }
0x11e: {  	v5 =	vld [tilespmem:s7+$0xA080]  }
0x11f: {  	v0 =	vld [tilespmem:s7+$0x14070]  }
0x120: {  	v6 =	vld [tilespmem:s7+$0x14050]  }
0x121: {  	v1 =	vld [tilespmem:s7+$0xA070]  }
0x122: {  	v9 =	vld [tilespmem:s7+$0xA050]  }
0x123: {  	v10 =	vld [tilespmem:s7+$0x14040]  }
0x124: {  	v11 =	vld [tilespmem:s7+$0xA040]  }
0x125: {  	v12 =	vld [tilespmem:s7+$0x14030]  }
0x126: {  	v13 =	vld [tilespmem:s7+$0xA030]  }
0x127: {  	v8 =	vld [tilespmem:s7+$0xA010]  }
0x128: {  	v7 =	vadd.f32 v2, v3;
	v2 =	vld [tilespmem:s7+$0x14060]  }
0x129: {  	v3 =	vld [tilespmem:s7+$0xA060]  }
0x12a: {  	v4 =	vadd.f32 v4, v5;
	v5 =	vld [tilespmem:s7+$0x14000]  }
0x12b: {  	v14 =	vadd.f32 v6, v9;
	[tilespmem:s7+$0xA090] =	vst v7;
	v7 =	vld [tilespmem:s7+$0x14010]  }
0x12c: {  	v6 =	vld [tilespmem:s7+$0xA000];
	v9 =	vadd.f32 v10, v11;
	[tilespmem:s7+$0xA080] =	vst v4  }
0x12d: {  	s8 =	simm.s32 $0x0;
	s11 =	simm.s32 $0x280;
	v10 =	vadd.f32 v12, v13;
	v4 =	vld [tilespmem:s7+$0xA020];
	[tilespmem:s7+$0xA050] =	vst v14  }
.LBB2_9:
0x12e: {  	s13 =	sshra.s32 s11, $0x2;
	s8 =	sadd.s32 $0x2, s8;
	v11 =	vld [tilespmem:s7+$0x14020];
	[tilespmem:s7+$0xA040] =	vst v9  }
0x12f: {  	v9 =	vld [tilespmem:s13+$0x14090];
	p1 =	slt.u32 s8, $0x7E;
	[tilespmem:s7+$0xA030] =	vst v10  }
0x130: {  	v10 =	vld [tilespmem:s13+$0xA090];
	v7 =	vadd.f32 v7, v8  }
0x131: {  	v8 =	vld [tilespmem:s13+$0x14080]  }
0x132: {  	v3 =	vadd.f32 v2, v3;
	v1 =	vadd.f32 v0, v1;
	v12 =	vld [tilespmem:s13+$0xA080];
	[tilespmem:s7+$0xA010] =	vst v7  }
0x133: {  	v2 =	vadd.f32 v5, v6;
	v0 =	vld [tilespmem:s13+$0x14070];
	v4 =	vadd.f32 v11, v4  }
0x134: {  	v5 =	vld [tilespmem:s13+$0x14050];
	[tilespmem:s7+$0xA070] =	vst v1  }
0x135: {  	v1 =	vld [tilespmem:s13+$0xA070];
	v6 =	vadd.f32 v9, v10;
	[tilespmem:s7+$0xA000] =	vst v2  }
0x136: {  	v10 =	vld [tilespmem:s13+$0xA050];
	[tilespmem:s7+$0xA020] =	vst v4  }
0x137: {  	v2 =	vld [tilespmem:s13+$0x14060];
	v4 =	vadd.f32 v8, v12;
	[tilespmem:s7+$0xA060] =	vst v3;
	s7 =	smov.u32 s13  }
0x138: {  	v3 =	vld [tilespmem:s7+$0xA060];
	[tilespmem:s7+$0xA090] =	vst v6  }
0x139: {  	v6 =	vld [tilespmem:s7+$0x14040];
	[tilespmem:s7+$0xA080] =	vst v4  }
0x13a: {  	v9 =	vld [tilespmem:s7+$0xA040]  }
0x13b: {  	v11 =	vld [tilespmem:s7+$0x14030]  }
0x13c: {  	v12 =	vld [tilespmem:s7+$0xA030]  }
.Ltmp5:
0x13d: {  	v4 =	vld [tilespmem:s7+$0xA020];
	(pc) =	sbr.rel @p1 .LBB2_9-.Ltmp5, $4  }
0x13e: {  	v7 =	vld [tilespmem:s7+$0x14010]  }
0x13f: {  	v13 =	vadd.f32 v5, v10;
	v8 =	vld [tilespmem:s7+$0xA010];
	v9 =	vadd.f32 v6, v9  }
0x140: {  	v5 =	vld [tilespmem:s7+$0x14000]  }
0x141: {  	s11 =	sadd.s32 $0x280, s11;
	v6 =	vld [tilespmem:s7+$0xA000];
	v10 =	vadd.f32 v11, v12;
	[tilespmem:s7+$0xA050] =	vst v13  }
0x142: {  	v11 =	vld [tilespmem:s7+$0x14020]  }
0x143: {  	[tilespmem:s7+$0xA040] =	vst v9;
	v0 =	vadd.f32 v0, v1  }
0x144: {  	v63 =	vadd.f32 v2, v3;
	[tilespmem:s7+$0xA030] =	vst v10  }
0x145: {  	v7 =	vadd.f32 v7, v8;
	[tilespmem:s7+$0xA070] =	vst v0  }
.Ltmp6:
0x146: {  	s8 =	sadd.s32 s5, s22;
	[tilespmem:s7+$0xA060] =	vst v63;
	v62 =	vadd.f32 v5, v6;
	(pc) =	sbr.rel @p0 .LBB2_12-.Ltmp6, $4  }
0x147: {  	s8 =	smul.u32 $0xA, s8;
	[tilespmem:s7+$0xA010] =	vst v7;
	v4 =	vadd.f32 v11, v4  }
0x148: {  	[tilespmem:s7+$0xA000] =	vst v62  }
0x149: {  	s22 =	sadd.s32 s6, s8;
	[tilespmem:s7+$0xA020] =	vst v4  }
0x14a: {  	[hbm4b:s22+s3] =	stream.linear.scatter [tilespmem:s25], [sflag:$0x8], $0x2800, $0x38;
	[tilespmem:$0x16800] =	vst v63  }
0x14b: {  	_ =	swait.ge [sflag:s0], $0x2800  }
.Ltmp7:
0x14c: {  	[sflag:s0] =	ssyncset.done $0x0;
	(pc) =	sbr.rel .LBB2_2-.Ltmp7, $4  }
0x14d: {  	s7 =	sadd.s32 $0x300, s20;
	[sflag:s0] =	ssyncadd.s32 $0xFFFFD800  }
0x14e: {  	[tilespmem:s21], [sflag:$0x3] =	stream.indirect.gather [hbm4b:s2+s14], $0x50, s7, s14, $0xb8;
	[tilespmem:$0x16800] =	vst v63  }
0x14f: {  	s22 =	sadd.s32 $0x1700, s20;
	s19 =	sadd.s32 $0x1, s19  }
0x150: {  	[tilespmem:s23], [sflag:$0x3] =	stream.indirect.gather [hbm4b:s4+s14], $0x50, s22, s14, $0xb8;
	[tilespmem:$0x16800] =	vst v63  }
.LBB2_13:
0x151: {  	_ =	sfence.sel $0x180000  }
0x152: {  	[bflag:$0x0] =	sbarrier.arrive $0xFFFF  }
0x153: {  	_ =	strace $0x9000004A  }
0x154: {  	s0 =	stileid.u32;
	[bflag:$0x2] =	sbarrier.arrive $0xFFFF  }
0x155: {  	p0 =	sne.s32 s0, $0x0;
	s0 =	rddreg [dreg:$0x2]  }
0x156: {  	s0 =	sadd.s32 @!p0 $0x100000, s0  }
0x157: {  	[sflag:s0] =	ssyncadd.tile.s32 @!p0 $0x1;
	_ =	shalt  }
.Lfunc_end2:
_tile_overlayer_lowered:
.L_overlay_start_2:
0x158: {  	(tag) =	ssettag $0x2  }
0x159: {  	s0 =	rddreg [dreg:$0x0];
	s2 =	stileid.u32  }
0x15a: {  	s1 =	rddreg [dreg:$0x1];
	p0 =	sne.s32 s2, $0x0  }
0x15b: {  	s3 =	rddreg [dreg:$0x2];
	[bflag:$0x3] =	sbarrier.arrive $0xFFFF;
	s2 =	simm.s32 @!p0 $0x1C09  }
0x15c: {  	[timem:s3], [sflag:s2] =	dma.local @!p0 [hbm:s0], s1  }
0x15d: {  	s0 =	simm.s32 @!p0 $0x9  }
0x15e: {  	_ =	swait.ge @!p0 [sflag:s0], s1  }
0x15f: {  	s1 =	ssub.s32 @!p0 $0x0, s1;
	[sflag:s0] =	ssyncset.done @!p0 $0x0  }
0x160: {  	[sflag:s0] =	ssyncadd.s32 @!p0 s1  }
0x161: {  	[bflag:$0x3] =	sbarrier.arrive $0xFFFF  }
0x162: {  	_ =	shalt  }

// kernel: kernel.15.cloned.1.call-start
scs
__scs_entry_jumppad:
0x0: {  	(pc) =	sbr.rel $0x88, $3  }
0x1: {  	(tag) =	ssettag $0x0;
	lr =	simm.s32 $0x1  }
0x2: {  	[smem:$0x3F8E] =	sst lr;
	_ =	strace $0xD0000000  }
0x3: {  	_ = 	snop  }
0x4: {  	_ = 	snop  }
0x5: {  	_ = 	snop  }
0x6: {  	_ = 	snop  }
0x7: {  	_ = 	snop  }
__scs_overlays_trampoline_lowered:
0x8: {  	[smem:$0x3F9D] =	sst s0  }
0x9: {  	[smem:$0x3F9E] =	sst s1  }
0xa: {  	[smem:$0x3F9F] =	sst s2  }
0xb: {  	[smem:$0x3FA0] =	sst s3  }
0xc: {  	[smem:$0x3FA1] =	sst s4  }
0xd: {  	[smem:$0x3FA2] =	sst s5  }
0xe: {  	[smem:$0x3FA3] =	sst s6  }
0xf: {  	[smem:$0x3FA4] =	sst s7  }
0x10: {  	[smem:$0x3FA5] =	sst s8  }
0x11: {  	[smem:$0x3FA6] =	sst s9;
	s0 =	simm.s32 @!p0 $0x0  }
0x12: {  	s1 =	sld [smem:$0x3F8C];
	s0 =	simm.s32 @p0 $0x1  }
0x13: {  	[smem:$0x3FA7] =	sst s0;
	s0 =	simm.s32 @!p1 $0x0  }
0x14: {  	s2 =	sld [smem:$0x3F8B];
	s0 =	simm.s32 @p1 $0x1  }
0x15: {  	[smem:$0x3FA8] =	sst s0;
	s0 =	simm.s32 @!p2 $0x0  }
0x16: {  	s3 =	sld [smem:$0x3FDB];
	s0 =	simm.s32 @p2 $0x1  }
0x17: {  	s4 =	simm.s32 $0x1BF5;
	[smem:$0x3FAA] =	sst s0  }
0x18: {  	s0 =	sld [smem:$0x3F8D];
	_ =	swait.ge [sflag:s4], $0x0  }
0x19: {  	s7 =	sld [smem:$0x3F8E]  }
0x1a: {  	s8 =	sadd.s32 $0xFFFFE003, lr  }
0x1b: {  	s9 =	sadd.s32 $0xFFFFFEF7, lr;
	s5 =	simm.s32 $0xFFFFFFFF;
	p2 =	slt.u32 s8, $0xFFFFF086  }
0x1c: {  	p1 =	slt.u32 s9, $0xF7A;
	s5 =	simm.s32 @!p2 $0x0  }
0x1d: {  	s5 =	simm.s32 @p1 $0x1;
	p0 =	seq.s32 s7, s2  }
0x1e: {  	s7 =	smul.u32 @!p0 $0xF7A, s2;
	p2 =	seq.s32 @!p0 s5, $0x0  }
0x1f: {  	s9 =	smul.u32 $0xF7A, s1;
	s8 =	simm.s32 @!p0 $0x1BF5;
	p2 =	por !p2, p0  }
0x20: {  	[sflag:s8] =	ssyncset.s32 @!p0 $0xFFFFF086;
	s6 =	sadd.s32 @!p0 s3, s7;
	s7 =	simm.s32 @!p0 $0x108  }
0x21: {  	s3 =	sadd.s32 s3, s9;
	s6 =	sadd.s32 @!p0 $0x88, s6;
	s7 =	simm.s32 @p2 $0x1082  }
0x22: {  	[simem:s7], [sflag:s8] =	dma.local @!p0 [hbm:s6], $0xF7A  }
0x23: {  	s9 =	sor.u32 $0xD0000000, s2;
	s6 =	simm.s32 $0x108;
	_ =	swait.ge @!p0 [sflag:s8], $0x0  }
0x24: {  	s3 =	sadd.s32 $0x88, s3;
	s6 =	simm.s32 @!p1 $0x1082;
	[sflag:s4] =	ssyncset.s32 $0xFFFFF086  }
0x25: {  	[simem:s6], [sflag:s4] =	dma.local [hbm:s3], $0xF7A  }
0x26: {  	[smem:$0x3F8E] =	sst s1;
	(tag) =	ssettag s2;
	_ =	strace s9  }
0x27: {  	s1 =	sld [smem:$0x3F9E]  }
0x28: {  	s2 =	sld [smem:$0x3F9F]  }
0x29: {  	s4 =	sld [smem:$0x3FA1]  }
0x2a: {  	p0 =	seq.s32 s5, $0x0;
	s5 =	sld [smem:$0x3FA2]  }
0x2b: {  	s6 =	sld [smem:$0x3FA3]  }
0x2c: {  	s7 =	sld [smem:$0x3FA4]  }
0x2d: {  	s3 =	simm.s32 $0x108;
	s8 =	sld [smem:$0x3FA5]  }
0x2e: {  	s3 =	simm.s32 @!p0 $0x1082;
	s9 =	sld [smem:$0x3FA6]  }
0x2f: {  	lr =	sadd.s32 s0, s3;
	s0 =	sld [smem:$0x3F9D]  }
0x30: {  	s3 =	sld [smem:$0x3FA0]  }
0x31: {  	[smem:$0x3FA9] =	sst s10  }
0x32: {  	s10 =	sld [smem:$0x3FA7];
	_ =	sdelay $0x3  }
0x33: {  	p0 =	seq.s32 s10, $0x1;
	s10 =	sld [smem:$0x3FA9];
	_ =	sdelay $0x3  }
0x34: {  	[smem:$0x3FA9] =	sst s10  }
0x35: {  	s10 =	sld [smem:$0x3FA8];
	_ =	sdelay $0x3  }
0x36: {  	p1 =	seq.s32 s10, $0x1;
	s10 =	sld [smem:$0x3FA9];
	_ =	sdelay $0x3  }
0x37: {  	[smem:$0x3FA9] =	sst s10  }
0x38: {  	s10 =	sld [smem:$0x3FAA]  }
0x39: {  	_ = 	snop;
	(pc) =	sbr.ind lr, $3  }
0x3a: {  	_ = 	snop  }
0x3b: {  	_ = 	snop  }
0x3c: {  	p2 =	seq.s32 s10, $0x1;
	s10 =	sld [smem:$0x3FA9]  }
0x3d: {  	_ =	shalt  }
0x3e: {  	_ =	shalt  }
0x3f: {  	_ =	shalt  }
0x40: {  	_ =	shalt  }
0x41: {  	_ =	shalt  }
0x42: {  	_ =	shalt  }
0x43: {  	_ =	shalt  }
0x44: {  	_ =	shalt  }
0x45: {  	_ =	shalt  }
0x46: {  	_ =	shalt  }
0x47: {  	_ =	shalt  }
0x48: {  	_ =	shalt  }
0x49: {  	_ =	shalt  }
0x4a: {  	_ =	shalt  }
0x4b: {  	_ =	shalt  }
0x4c: {  	_ =	shalt  }
0x4d: {  	_ =	shalt  }
0x4e: {  	_ =	shalt  }
0x4f: {  	_ =	shalt  }
0x50: {  	_ =	shalt  }
0x51: {  	_ =	shalt  }
0x52: {  	_ =	shalt  }
0x53: {  	_ =	shalt  }
0x54: {  	_ =	shalt  }
0x55: {  	_ =	shalt  }
0x56: {  	_ =	shalt  }
0x57: {  	_ =	shalt  }
0x58: {  	_ =	shalt  }
0x59: {  	_ =	shalt  }
0x5a: {  	_ =	shalt  }
0x5b: {  	_ =	shalt  }
0x5c: {  	_ =	shalt  }
0x5d: {  	_ =	shalt  }
0x5e: {  	_ =	shalt  }
0x5f: {  	_ =	shalt  }
0x60: {  	_ =	shalt  }
0x61: {  	_ =	shalt  }
0x62: {  	_ =	shalt  }
0x63: {  	_ =	shalt  }
0x64: {  	_ =	shalt  }
0x65: {  	_ =	shalt  }
0x66: {  	_ =	shalt  }
0x67: {  	_ =	shalt  }
0x68: {  	_ =	shalt  }
0x69: {  	_ =	shalt  }
0x6a: {  	_ =	shalt  }
0x6b: {  	_ =	shalt  }
0x6c: {  	_ =	shalt  }
0x6d: {  	_ =	shalt  }
0x6e: {  	_ =	shalt  }
0x6f: {  	_ =	shalt  }
0x70: {  	_ =	shalt  }
0x71: {  	_ =	shalt  }
0x72: {  	_ =	shalt  }
0x73: {  	_ =	shalt  }
0x74: {  	_ =	shalt  }
0x75: {  	_ =	shalt  }
0x76: {  	_ =	shalt  }
0x77: {  	_ =	shalt  }
0x78: {  	_ =	shalt  }
0x79: {  	_ =	shalt  }
0x7a: {  	_ =	shalt  }
0x7b: {  	_ =	shalt  }
0x7c: {  	_ =	shalt  }
0x7d: {  	_ =	shalt  }
0x7e: {  	_ =	shalt  }
0x7f: {  	_ =	shalt  }
0x80: {  	_ =	shalt  }
0x81: {  	_ =	shalt  }
0x82: {  	_ =	shalt  }
0x83: {  	_ =	shalt  }
0x84: {  	_ =	shalt  }
0x85: {  	_ =	shalt  }
0x86: {  	_ =	shalt  }
0x87: {  	_ =	shalt  }
.Lfunc_end0:
.L_simem_size_0:
called_computation.2_lowered:
.L_overlay_start_0:
0x88: {  	s2 =	sld [smem:$0x3FD9]  }
0x89: {  	s3 =	sld [smem:$0x3FFE];
	_ =	sdelay $0x1  }
0x8a: {  	s1 =	srdreg.scid  }
0x8b: {  	s0 =	sand.u32 $0x1, s1  }
0x8c: {  	s14 =	sshll.u32 s0, $0xA;
	s2 =	sadd.s32 s3, s2  }
0x8d: {  	s2 =	sadd.s32 s2, s14  }
0x8e: {  	[smem:$0x3FB5] =	sst s2  }
0x8f: {  	_ = 	snop  }
0x90: {  	s2 =	sld [smem:$0x3FD0];
	_ =	sdelay $0x2  }
0x91: {  	s15 =	simm.s32 $0xB;
	s4 =	simm.s32 $0x10  }
0x92: {  	[smem:s4], [sflag:s15] =	dma.local [hbm:s2], $0x1  }
0x93: {  	_ =	swait.eq [sflag:s15], $0x1  }
0x94: {  	[sflag:s15] =	ssyncset.done $0x0  }
0x95: {  	[sflag:s15] =	ssyncadd.s32 $0xFFFFFFFF  }
0x96: {  	s16 =	sld [smem:$0x10];
	(tm) =	ssettm $0x1  }
0x97: {  	s17 =	sld [smem:$0x3FFB];
	_ =	sdelay $0x3  }
0x98: {  	_ =	strace s17  }
0x99: {  	s3 =	sld [smem:$0x3FFC];
	_ =	sdelay $0x3  }
0x9a: {  	_ =	strace s3  }
0x9b: {  	s3 =	sld [smem:$0x3FFD];
	_ =	sdelay $0x3  }
0x9c: {  	_ =	strace s3  }
0x9d: {  	_ =	strace $0x8FFFFFFF  }
0x9e: {  	s18 =	sld [smem:$0x3FDB];
	_ =	sdelay $0x1  }
0x9f: {  	s19 =	simm.s32 $_scs_section_size  }
0xa0: {  	s5 =	simm.s32 $_size__tile_overlayer_lowered;
	s6 =	simm.s32 $_tile_overlayer_lowered  }
0xa1: {  	s22 =	simm.s32 $0x1BFF;
	s21 =	sshll.u32 s6, $0x1;
	s3 =	sadd.s32 s19, s18  }
0xa2: {  	s7 =	simm.s32 $0x0;
	s20 =	sshll.u32 s5, $0x1;
	s5 =	sadd.s32 s21, s3  }
0xa3: {  	[timem:s7], [sflag:s22] =	dma.local [hbm:s5], s20  }
0xa4: {  	_ =	swait.ge [sflag:s22], s20  }
0xa5: {  	s4 =	ssub.s32 $0x0, s20;
	[sflag:s22] =	ssyncset.done $0x0  }
0xa6: {  	[sflag:s22] =	ssyncadd.s32 s4;
	_ =	sdelay $0x1  }
0xa7: {  	s23 =	simm.s32 $0x1B8B  }
0xa8: {  	_ =	swait.ge [sflag:s23], $0x1  }
0xa9: {  	[sflag:s23] =	ssyncset.done $0x0  }
0xaa: {  	s25 =	simm.s32 $0x1B8E;
	s24 =	sld [smem:$0x3FFE];
	[sflag:s23] =	ssyncadd.s32 $0xFFFFFFFF  }
0xab: {  	s26 =	simm.s32 $execute0_lowered;
	[smem:$0x3FD2] =	sst s25  }
0xac: {  	s5 =	sshll.u32 s26, $0x1;
	_ =	strace $0x8000004C;
	[dreg:$0x1] =	wrdreg $0xFFFFFFFF  }
0xad: {  	s28 =	simm.s32 $_size_execute0_lowered;
	s3 =	sadd.s32 s3, s5;
	[dreg:$0x0] =	wrdreg $0x0  }
0xae: {  	s5 =	sshll.u32 s28, $0x1;
	[dreg:$0x2] =	wrdreg s3  }
0xaf: {  	[dreg:$0x3] =	wrdreg s5  }
0xb0: {  	[dreg:$0x4] =	wrdreg $0xC0  }
0xb1: {  	_ =	task [dreg:s7], $0x5FFFF  }
0xb2: {  	[dreg:$0x1] =	wrdreg $0xFFFFFFFF  }
0xb3: {  	[dreg:$0x0] =	wrdreg $0x60  }
0xb4: {  	[dreg:$0x2] =	wrdreg s24  }
0xb5: {  	[dreg:$0x3] =	wrdreg s16  }
0xb6: {  	[dreg:$0x4] =	wrdreg $0x78000  }
0xb7: {  	[dreg:$0x5] =	wrdreg $0x9  }
0xb8: {  	_ =	task.clear_ibuf [dreg:s7], $0x6FFFF;
	_ =	strace $0x9000004C  }
0xb9: {  	s29 =	simm.s32 $0x9;
	_ =	strace $0x8000004E  }
0xba: {  	_ =	swait.ge [sflag:s29], $0x1  }
0xbb: {  	[sflag:s29] =	ssyncadd.s32 $0xFFFFFFFF  }
0xbc: {  	_ =	strace $0x9000004E  }
0xbd: {  	_ =	sfence  }
0xbe: {  	s30 =	sld [smem:$0x0];
	_ =	sdelay $0x2  }
0xbf: {  	s31 =	sshll.u32 s1, $0xD;
	s1 =	sshrl.u32 s1, $0x2  }
0xc0: {  	s3 =	sand.u32 $0x4000, s31;
	s1 =	sadd.s32 s1, s30  }
0xc1: {  	s0 =	sor.u32 s3, s0;
	s1 =	sshll.u32 s1, $0x11  }
0xc2: {  	s0 =	sor.u32 s1, s0  }
0xc3: {  	s0 =	sadd.s32 $0x8F2B, s0  }
0xc4: {  	[sflag:s0] =	ssyncadd.remote.s32 $0x1  }
0xc5: {  	_ =	sfence.sel $0xFFFF  }
0xc6: {  	[dreg:$0x0] =	wrdreg $0xFFFFFFFF;
	(pc) =	sbr.abs _section_cstart, $3  }
0xc7: {  	[dreg:$0x1] =	wrdreg $0xFFFFFFFF  }
0xc8: {  	_ =	task.clear_ibuf [dreg:s7], $0x2FFFF;
	_ =	strace $0x9FFFFFFF  }
0xc9: {  	(tm) =	ssettm $0x7FFFFFFF  }
tec
execute0_lowered:
.L_overlay_start_1:
0x0: {  	(tag) =	ssettag $0x1  }
0x1: {  	s4 =	rddreg [dreg:$0x0]  }
0x2: {  	s1 =	rddreg [dreg:$0x1]  }
0x3: {  	s2 =	rddreg [dreg:$0x2];
	s3 =	simm.s32 $0x0  }
0x4: {  	s5 =	srdreg.scid;
	s12 =	stileid.u32;
	s18 =	simm.s32 $0x5000  }
0x5: {  	s19 =	simm.s32 $0x1;
	s20 =	simm.s32 $0x80;
	s21 =	simm.s32 $0x2  }
0x6: {  	s22 =	simm.s32 $0x1300;
	s23 =	simm.s32 $0x1380;
	s24 =	simm.s32 $0x2700  }
0x7: {  	[smem:$0x7FF] =	sst s3;
	s11 =	sand.u32 $0x1, s5;
	s31 =	smul.u32 $0x19000, s12  }
0x8: {  	s25 =	sshll.u32 s12, $0x1;
	s13 =	sadd.s32 $0x212A00, s4;
	s6 =	smul.u32 $0x19000, s11  }
0x9: {  	s14 =	sadd.s32 $0x6EA00, s4;
	s5 =	sor.u32 s11, s25;
	s17 =	smul.u32 $0xC800, s11  }
0xa: {  	s7 =	sadd.s32 $0x208A00, s4;
	p0 =	sne.s32 s12, $0x0;
	s8 =	smul.u32 $0x1400, s5  }
0xb: {  	_ =	strace $0x8000004D;
	s26 =	ssub.s32 $0x2, s11;
	s28 =	smul.u32 $0x280, s5  }
0xc: {  	s25 =	simm.s32 $0x2780;
	s9 =	sshrl.u32 s26, $0x1;
	s15 =	smul.u32 $0xC800, s5  }
0xd: {  	s10 =	sadd.s32 s6, s4;
	s16 =	ssub.s32 s26, s9;
	s26 =	simm.s32 $0x0  }
0xe: {  	s8 =	sshrl.u32 s8, $0x3;
	s4 =	sadd.s32 s7, s28;
	s6 =	sadd.s32 s14, s15  }
0xf: {  	s30 =	sor.u32 $0x500, s15;
	s10 =	sadd.s32 $0x3A2A00, s10;
	s11 =	smax.u32 s16, $0x1  }
0x10: {  	s16 =	simm.s32 $0x1400;
	s29 =	sadd.s32 s7, s8;
	s7 =	sadd.s32 s14, s30  }
0x11: {  	s8 =	sadd.s32 s13, s15;
	s9 =	sadd.s32 s13, s30;
	s14 =	sadd.s32 s31, s14  }
0x12: {  	s13 =	sadd.s32 s31, s13;
	s15 =	simm.s32 $0x3;
	s5 =	sadd.s32 $0x5000, s29  }
0x13: {  	s14 =	sadd.s32 s17, s14;
	s13 =	sadd.s32 s17, s13;
	s17 =	simm.s32 $0x2800  }
0x14: {  	s12 =	sadd.s32 $0xF00, s14;
	s13 =	sadd.s32 $0xF00, s13;
	s14 =	sshrl.u32 @!p0 s2, $0x3  }
.LBB2_1:
0x15: {  	s28 =	simm.s32 @!p0 $0x1C03  }
0x16: {  	[spmem:s14], [sflag:s28] =	dma.local @!p0 [hbm:s1], $0x19000  }
0x17: {  	s28 =	simm.s32 @!p0 $0x3  }
0x18: {  	_ =	swait.ge @!p0 [sflag:s28], $0x19000  }
0x19: {  	[sflag:s28] =	ssyncset.done @!p0 $0x0  }
0x1a: {  	[sflag:s28] =	ssyncadd.s32 @!p0 $0xFFFE7000  }
0x1b: {  	[bflag:$0x0] =	sbarrier.arrive $0xFFFF  }
0x1c: {  	[tilespmem:s3], [sflag:$0x3] =	stream.linear.gather [hbm4b:s4+s3], $0x1400, $0x38;
	[tilespmem:$0x14000] =	vst v63  }
0x1d: {  	_ =	swait.ge [sflag:s15], $0x1400  }
0x1e: {  	[sflag:s15] =	ssyncset.done $0x0  }
0x1f: {  	[sflag:s15] =	ssyncadd.s32 $0xFFFFEC00  }
0x20: {  	[tilespmem:s16], [sflag:$0x3] =	stream.linear.gather [hbm4b:s5+s3], $0x1400, $0x38;
	[tilespmem:$0x14000] =	vst v63  }
0x21: {  	_ =	swait.ge [sflag:s15], $0x1400  }
0x22: {  	[sflag:s15] =	ssyncset.done $0x0  }
0x23: {  	[sflag:s15] =	ssyncadd.s32 $0xFFFFEC00  }
0x24: {  	[tilespmem:s17], [sflag:$0x1] =	stream.linear.gather [hbm4b:s6+s3], $0x2800, $0x38;
	[tilespmem:$0x14000] =	vst v63  }
0x25: {  	_ = 	snop  }
0x26: {  	[tilespmem:s18], [sflag:$0x2] =	stream.linear.gather [hbm4b:s7+s3], $0x2800, $0x38;
	[tilespmem:$0x14000] =	vst v63  }
0x27: {  	_ =	swait.ge [sflag:s19], $0x2800  }
0x28: {  	[sflag:s19] =	ssyncset.done $0x0  }
0x29: {  	s28 =	simm.s32 $0x0;
	[sflag:s19] =	ssyncadd.s32 $0xFFFFD800  }
0x2a: {  	[spmem:s2] =	stream.indirect.scatter.add.f32 [tilespmem:s17], [sflag:$0x3], $0x50, s28, s20, $0xb8;
	[tilespmem:$0x14000] =	vst v63  }
0x2b: {  	_ =	swait.ge [sflag:s15], $0x2800  }
0x2c: {  	[sflag:s15] =	ssyncset.done $0x0  }
0x2d: {  	s28 =	sadd.s32 $0xFFFFFB00, s12;
	[sflag:s15] =	ssyncadd.s32 $0xFFFFD800  }
0x2e: {  	[tilespmem:s17], [sflag:$0x1] =	stream.linear.gather [hbm4b:s28+s3], $0x2800, $0x38;
	[tilespmem:$0x14000] =	vst v63  }
0x2f: {  	_ =	swait.ge [sflag:s21], $0x2800  }
0x30: {  	[sflag:s21] =	ssyncset.done $0x0  }
0x31: {  	s28 =	simm.s32 $0x80;
	[sflag:s21] =	ssyncadd.s32 $0xFFFFD800  }
0x32: {  	[spmem:s2] =	stream.indirect.scatter.add.f32 [tilespmem:s18], [sflag:$0x3], $0x50, s28, s20, $0xb8;
	[tilespmem:$0x14000] =	vst v63  }
0x33: {  	_ =	swait.ge [sflag:s15], $0x2800  }
0x34: {  	s29 =	sadd.s32 $0xA00, s12;
	[sflag:s15] =	ssyncset.done $0x0  }
0x35: {  	s30 =	smov.u32 s12;
	s28 =	simm.s32 $0x400;
	[sflag:s15] =	ssyncadd.s32 $0xFFFFD800  }
.LBB2_2:
0x36: {  	[tilespmem:s18], [sflag:$0x2] =	stream.linear.gather [hbm4b:s30+s3], $0x2800, $0x38;
	[tilespmem:$0x14000] =	vst v63  }
0x37: {  	s31 =	smov.u32 s28;
	s30 =	smov.u32 s29  }
0x38: {  	p1 =	sne.s32 s28, $0x4800;
	s28 =	sadd.s32 $0x400, s28;
	_ =	swait.ge [sflag:s19], $0x2800  }
0x39: {  	[sflag:s19] =	ssyncset.done $0x0  }
0x3a: {  	s31 =	sshra.s32 s31, $0x2;
	[sflag:s19] =	ssyncadd.s32 $0xFFFFD800  }
0x3b: {  	[spmem:s2] =	stream.indirect.scatter.add.f32 [tilespmem:s17], [sflag:$0x3], $0x50, s31, s20, $0xb8;
	[tilespmem:$0x14000] =	vst v63  }
0x3c: {  	_ =	swait.ge [sflag:s15], $0x2800  }
0x3d: {  	[sflag:s15] =	ssyncset.done $0x0  }
0x3e: {  	s0 =	sadd.s32 $0xFFFFFB00, s29;
	[sflag:s15] =	ssyncadd.s32 $0xFFFFD800  }
0x3f: {  	[tilespmem:s17], [sflag:$0x1] =	stream.linear.gather [hbm4b:s0+s3], $0x2800, $0x38;
	[tilespmem:$0x14000] =	vst v63  }
0x40: {  	_ =	swait.ge [sflag:s21], $0x2800  }
0x41: {  	[sflag:s21] =	ssyncset.done $0x0  }
.Ltmp0:
0x42: {  	s0 =	sadd.s32 $0x80, s31;
	[sflag:s21] =	ssyncadd.s32 $0xFFFFD800;
	(pc) =	sbr.rel @p1 .LBB2_2-.Ltmp0, $4  }
0x43: {  	[spmem:s2] =	stream.indirect.scatter.add.f32 [tilespmem:s18], [sflag:$0x3], $0x50, s0, s20, $0xb8;
	[tilespmem:$0x14000] =	vst v63  }
0x44: {  	_ =	swait.ge [sflag:s15], $0x2800  }
0x45: {  	[sflag:s15] =	ssyncset.done $0x0  }
0x46: {  	s29 =	sadd.s32 $0xA00, s29;
	[sflag:s15] =	ssyncadd.s32 $0xFFFFD800  }
0x47: {  	[tilespmem:s18], [sflag:$0x2] =	stream.linear.gather [hbm4b:s30+s3], $0x2800, $0x38;
	[tilespmem:$0x14000] =	vst v63  }
0x48: {  	_ =	swait.ge [sflag:s19], $0x2800  }
0x49: {  	[sflag:s19] =	ssyncset.done $0x0  }
0x4a: {  	[sflag:s19] =	ssyncadd.s32 $0xFFFFD800  }
0x4b: {  	[spmem:s2] =	stream.indirect.scatter.add.f32 [tilespmem:s17], [sflag:$0x3], $0x50, s22, s20, $0xb8;
	[tilespmem:$0x14000] =	vst v63  }
0x4c: {  	_ =	swait.ge [sflag:s15], $0x2800  }
0x4d: {  	[sflag:s15] =	ssyncset.done $0x0  }
0x4e: {  	[sflag:s15] =	ssyncadd.s32 $0xFFFFD800  }
0x4f: {  	_ =	swait.ge [sflag:s21], $0x2800  }
0x50: {  	[sflag:s21] =	ssyncset.done $0x0  }
0x51: {  	[sflag:s21] =	ssyncadd.s32 $0xFFFFD800  }
0x52: {  	[spmem:s2] =	stream.indirect.scatter.add.f32 [tilespmem:s18], [sflag:$0x3], $0x50, s23, s20, $0xb8;
	[tilespmem:$0x14000] =	vst v63  }
0x53: {  	_ =	swait.ge [sflag:s15], $0x2800  }
0x54: {  	[sflag:s15] =	ssyncset.done $0x0  }
0x55: {  	s0 =	simm.s32 $0x0;
	[sflag:s15] =	ssyncadd.s32 $0xFFFFD800  }
0x56: {  	[tilespmem:s17], [sflag:$0x1] =	stream.linear.gather [hbm4b:s8+s0], $0x2800, $0x38;
	[tilespmem:$0x14000] =	vst v63  }
0x57: {  	_ = 	snop  }
0x58: {  	[tilespmem:s18], [sflag:$0x2] =	stream.linear.gather [hbm4b:s9+s0], $0x2800, $0x38;
	[tilespmem:$0x14000] =	vst v63  }
0x59: {  	_ =	swait.ge [sflag:s19], $0x2800  }
0x5a: {  	[sflag:s19] =	ssyncset.done $0x0  }
0x5b: {  	s31 =	simm.s32 $0x1400;
	[sflag:s19] =	ssyncadd.s32 $0xFFFFD800  }
0x5c: {  	[spmem:s2] =	stream.indirect.scatter.add.f32 [tilespmem:s17], [sflag:$0x3], $0x50, s31, s20, $0xb8;
	[tilespmem:$0x14000] =	vst v63  }
0x5d: {  	_ =	swait.ge [sflag:s15], $0x2800  }
0x5e: {  	[sflag:s15] =	ssyncset.done $0x0  }
0x5f: {  	s31 =	sadd.s32 $0xFFFFFB00, s13;
	[sflag:s15] =	ssyncadd.s32 $0xFFFFD800  }
0x60: {  	[tilespmem:s17], [sflag:$0x1] =	stream.linear.gather [hbm4b:s31+s3], $0x2800, $0x38;
	[tilespmem:$0x14000] =	vst v63  }
0x61: {  	_ =	swait.ge [sflag:s21], $0x2800  }
0x62: {  	[sflag:s21] =	ssyncset.done $0x0  }
0x63: {  	s31 =	simm.s32 $0x1480;
	[sflag:s21] =	ssyncadd.s32 $0xFFFFD800  }
0x64: {  	[spmem:s2] =	stream.indirect.scatter.add.f32 [tilespmem:s18], [sflag:$0x3], $0x50, s31, s20, $0xb8;
	[tilespmem:$0x14000] =	vst v63  }
0x65: {  	_ =	swait.ge [sflag:s15], $0x2800  }
0x66: {  	s28 =	simm.s32 $0x400;
	[sflag:s15] =	ssyncset.done $0x0  }
0x67: {  	s29 =	sadd.s32 $0xA00, s13;
	s30 =	smov.u32 s13;
	[sflag:s15] =	ssyncadd.s32 $0xFFFFD800  }
.LBB2_4:
0x68: {  	[tilespmem:s18], [sflag:$0x2] =	stream.linear.gather [hbm4b:s30+s3], $0x2800, $0x38;
	[tilespmem:$0x14000] =	vst v63  }
0x69: {  	s0 =	smov.u32 s28;
	s30 =	smov.u32 s29  }
0x6a: {  	p1 =	sne.s32 s28, $0x4800;
	s28 =	sadd.s32 $0x400, s28;
	_ =	swait.ge [sflag:s19], $0x2800  }
0x6b: {  	s0 =	sshra.s32 s0, $0x2;
	[sflag:s19] =	ssyncset.done $0x0  }
0x6c: {  	s31 =	sadd.s32 $0x1400, s0;
	[sflag:s19] =	ssyncadd.s32 $0xFFFFD800  }
0x6d: {  	[spmem:s2] =	stream.indirect.scatter.add.f32 [tilespmem:s17], [sflag:$0x3], $0x50, s31, s20, $0xb8;
	[tilespmem:$0x14000] =	vst v63  }
0x6e: {  	_ =	swait.ge [sflag:s15], $0x2800  }
0x6f: {  	[sflag:s15] =	ssyncset.done $0x0  }
0x70: {  	s31 =	sadd.s32 $0xFFFFFB00, s29;
	[sflag:s15] =	ssyncadd.s32 $0xFFFFD800  }
0x71: {  	[tilespmem:s17], [sflag:$0x1] =	stream.linear.gather [hbm4b:s31+s3], $0x2800, $0x38;
	[tilespmem:$0x14000] =	vst v63  }
0x72: {  	_ =	swait.ge [sflag:s21], $0x2800  }
0x73: {  	[sflag:s21] =	ssyncset.done $0x0  }
.Ltmp1:
0x74: {  	s0 =	sadd.s32 $0x1480, s0;
	[sflag:s21] =	ssyncadd.s32 $0xFFFFD800;
	(pc) =	sbr.rel @p1 .LBB2_4-.Ltmp1, $4  }
0x75: {  	[spmem:s2] =	stream.indirect.scatter.add.f32 [tilespmem:s18], [sflag:$0x3], $0x50, s0, s20, $0xb8;
	[tilespmem:$0x14000] =	vst v63  }
0x76: {  	_ =	swait.ge [sflag:s15], $0x2800  }
0x77: {  	[sflag:s15] =	ssyncset.done $0x0  }
0x78: {  	s29 =	sadd.s32 $0xA00, s29;
	[sflag:s15] =	ssyncadd.s32 $0xFFFFD800  }
0x79: {  	[tilespmem:s18], [sflag:$0x2] =	stream.linear.gather [hbm4b:s30+s3], $0x2800, $0x38;
	[tilespmem:$0x14000] =	vst v63  }
0x7a: {  	_ =	swait.ge [sflag:s19], $0x2800  }
0x7b: {  	[sflag:s19] =	ssyncset.done $0x0  }
0x7c: {  	[sflag:s19] =	ssyncadd.s32 $0xFFFFD800  }
0x7d: {  	[spmem:s2] =	stream.indirect.scatter.add.f32 [tilespmem:s17], [sflag:$0x3], $0x50, s24, s20, $0xb8;
	[tilespmem:$0x14000] =	vst v63  }
0x7e: {  	_ =	swait.ge [sflag:s15], $0x2800  }
0x7f: {  	[sflag:s15] =	ssyncset.done $0x0  }
0x80: {  	[sflag:s15] =	ssyncadd.s32 $0xFFFFD800  }
0x81: {  	_ =	swait.ge [sflag:s21], $0x2800  }
0x82: {  	[sflag:s21] =	ssyncset.done $0x0  }
0x83: {  	[sflag:s21] =	ssyncadd.s32 $0xFFFFD800  }
0x84: {  	[spmem:s2] =	stream.indirect.scatter.add.f32 [tilespmem:s18], [sflag:$0x3], $0x50, s25, s20, $0xb8;
	[tilespmem:$0x14000] =	vst v63  }
0x85: {  	_ =	swait.ge [sflag:s15], $0x2800  }
0x86: {  	[sflag:s15] =	ssyncset.done $0x0  }
0x87: {  	s26 =	sadd.s32 $0x1, s26;
	[sflag:s15] =	ssyncadd.s32 $0xFFFFD800  }
0x88: {  	s0 =	simm.s32 @!p0 $0x1C03;
	p1 =	sne.s32 s26, s11;
	[bflag:$0x0] =	sbarrier.arrive $0xFFFF  }
0x89: {  	[hbm:s10], [sflag:s0] =	dma.local @!p0 [spmem:s14], $0x19000  }
.Ltmp2:
0x8a: {  	_ = 	snop;
	(pc) =	sbr.rel @p1 .LBB2_1-.Ltmp2, $4  }
0x8b: {  	s0 =	simm.s32 @!p0 $0x3  }
0x8c: {  	_ =	swait.ge @!p0 [sflag:s0], $0x19000  }
0x8d: {  	[sflag:s0] =	ssyncset.done @!p0 $0x0  }
0x8e: {  	[sflag:s0] =	ssyncadd.s32 @!p0 $0xFFFE7000  }
0x8f: {  	_ =	sfence.sel $0x180000  }
0x90: {  	[bflag:$0x0] =	sbarrier.arrive $0xFFFF  }
0x91: {  	_ =	strace $0x9000004D  }
0x92: {  	[bflag:$0x2] =	sbarrier.arrive $0xFFFF  }
0x93: {  	s0 =	rddreg [dreg:$0x3]  }
0x94: {  	s0 =	sadd.s32 @!p0 $0x100000, s0  }
0x95: {  	[sflag:s0] =	ssyncadd.tile.s32 @!p0 $0x1;
	_ =	shalt  }
.Lfunc_end2:
_tile_overlayer_lowered:
.L_overlay_start_2:
0x96: {  	(tag) =	ssettag $0x2  }
0x97: {  	s0 =	rddreg [dreg:$0x0];
	s2 =	stileid.u32  }
0x98: {  	s1 =	rddreg [dreg:$0x1];
	p0 =	sne.s32 s2, $0x0  }
0x99: {  	s3 =	rddreg [dreg:$0x2];
	[bflag:$0x3] =	sbarrier.arrive $0xFFFF;
	s2 =	simm.s32 @!p0 $0x1C03  }
0x9a: {  	[timem:s3], [sflag:s2] =	dma.local @!p0 [hbm:s0], s1  }
0x9b: {  	s0 =	simm.s32 @!p0 $0x3  }
0x9c: {  	_ =	swait.ge @!p0 [sflag:s0], s1  }
0x9d: {  	s1 =	ssub.s32 @!p0 $0x0, s1;
	[sflag:s0] =	ssyncset.done @!p0 $0x0  }
0x9e: {  	[sflag:s0] =	ssyncadd.s32 @!p0 s1  }
0x9f: {  	[bflag:$0x3] =	sbarrier.arrive $0xFFFF  }
0xa0: {  	_ =	shalt  }

// kernel: kernel.9.cloned.1.call-start
scs
__scs_entry_jumppad:
0x0: {  	(pc) =	sbr.rel $0x88, $3  }
0x1: {  	(tag) =	ssettag $0x0;
	lr =	simm.s32 $0x1  }
0x2: {  	[smem:$0x3F8E] =	sst lr;
	_ =	strace $0xD0000000  }
0x3: {  	_ = 	snop  }
0x4: {  	_ = 	snop  }
0x5: {  	_ = 	snop  }
0x6: {  	_ = 	snop  }
0x7: {  	_ = 	snop  }
__scs_overlays_trampoline_lowered:
0x8: {  	[smem:$0x3F9D] =	sst s0  }
0x9: {  	[smem:$0x3F9E] =	sst s1  }
0xa: {  	[smem:$0x3F9F] =	sst s2  }
0xb: {  	[smem:$0x3FA0] =	sst s3  }
0xc: {  	[smem:$0x3FA1] =	sst s4  }
0xd: {  	[smem:$0x3FA2] =	sst s5  }
0xe: {  	[smem:$0x3FA3] =	sst s6  }
0xf: {  	[smem:$0x3FA4] =	sst s7  }
0x10: {  	[smem:$0x3FA5] =	sst s8  }
0x11: {  	[smem:$0x3FA6] =	sst s9;
	s0 =	simm.s32 @!p0 $0x0  }
0x12: {  	s1 =	sld [smem:$0x3F8C];
	s0 =	simm.s32 @p0 $0x1  }
0x13: {  	[smem:$0x3FA7] =	sst s0;
	s0 =	simm.s32 @!p1 $0x0  }
0x14: {  	s2 =	sld [smem:$0x3F8B];
	s0 =	simm.s32 @p1 $0x1  }
0x15: {  	[smem:$0x3FA8] =	sst s0;
	s0 =	simm.s32 @!p2 $0x0  }
0x16: {  	s3 =	sld [smem:$0x3FDB];
	s0 =	simm.s32 @p2 $0x1  }
0x17: {  	s4 =	simm.s32 $0x1BF5;
	[smem:$0x3FAA] =	sst s0  }
0x18: {  	s0 =	sld [smem:$0x3F8D];
	_ =	swait.ge [sflag:s4], $0x0  }
0x19: {  	s7 =	sld [smem:$0x3F8E]  }
0x1a: {  	s8 =	sadd.s32 $0xFFFFE003, lr  }
0x1b: {  	s9 =	sadd.s32 $0xFFFFFEF7, lr;
	s5 =	simm.s32 $0xFFFFFFFF;
	p2 =	slt.u32 s8, $0xFFFFF086  }
0x1c: {  	p1 =	slt.u32 s9, $0xF7A;
	s5 =	simm.s32 @!p2 $0x0  }
0x1d: {  	s5 =	simm.s32 @p1 $0x1;
	p0 =	seq.s32 s7, s2  }
0x1e: {  	s7 =	smul.u32 @!p0 $0xF7A, s2;
	p2 =	seq.s32 @!p0 s5, $0x0  }
0x1f: {  	s9 =	smul.u32 $0xF7A, s1;
	s8 =	simm.s32 @!p0 $0x1BF5;
	p2 =	por !p2, p0  }
0x20: {  	[sflag:s8] =	ssyncset.s32 @!p0 $0xFFFFF086;
	s6 =	sadd.s32 @!p0 s3, s7;
	s7 =	simm.s32 @!p0 $0x108  }
0x21: {  	s3 =	sadd.s32 s3, s9;
	s6 =	sadd.s32 @!p0 $0x88, s6;
	s7 =	simm.s32 @p2 $0x1082  }
0x22: {  	[simem:s7], [sflag:s8] =	dma.local @!p0 [hbm:s6], $0xF7A  }
0x23: {  	s9 =	sor.u32 $0xD0000000, s2;
	s6 =	simm.s32 $0x108;
	_ =	swait.ge @!p0 [sflag:s8], $0x0  }
0x24: {  	s3 =	sadd.s32 $0x88, s3;
	s6 =	simm.s32 @!p1 $0x1082;
	[sflag:s4] =	ssyncset.s32 $0xFFFFF086  }
0x25: {  	[simem:s6], [sflag:s4] =	dma.local [hbm:s3], $0xF7A  }
0x26: {  	[smem:$0x3F8E] =	sst s1;
	(tag) =	ssettag s2;
	_ =	strace s9  }
0x27: {  	s1 =	sld [smem:$0x3F9E]  }
0x28: {  	s2 =	sld [smem:$0x3F9F]  }
0x29: {  	s4 =	sld [smem:$0x3FA1]  }
0x2a: {  	p0 =	seq.s32 s5, $0x0;
	s5 =	sld [smem:$0x3FA2]  }
0x2b: {  	s6 =	sld [smem:$0x3FA3]  }
0x2c: {  	s7 =	sld [smem:$0x3FA4]  }
0x2d: {  	s3 =	simm.s32 $0x108;
	s8 =	sld [smem:$0x3FA5]  }
0x2e: {  	s3 =	simm.s32 @!p0 $0x1082;
	s9 =	sld [smem:$0x3FA6]  }
0x2f: {  	lr =	sadd.s32 s0, s3;
	s0 =	sld [smem:$0x3F9D]  }
0x30: {  	s3 =	sld [smem:$0x3FA0]  }
0x31: {  	[smem:$0x3FA9] =	sst s10  }
0x32: {  	s10 =	sld [smem:$0x3FA7];
	_ =	sdelay $0x3  }
0x33: {  	p0 =	seq.s32 s10, $0x1;
	s10 =	sld [smem:$0x3FA9];
	_ =	sdelay $0x3  }
0x34: {  	[smem:$0x3FA9] =	sst s10  }
0x35: {  	s10 =	sld [smem:$0x3FA8];
	_ =	sdelay $0x3  }
0x36: {  	p1 =	seq.s32 s10, $0x1;
	s10 =	sld [smem:$0x3FA9];
	_ =	sdelay $0x3  }
0x37: {  	[smem:$0x3FA9] =	sst s10  }
0x38: {  	s10 =	sld [smem:$0x3FAA]  }
0x39: {  	_ = 	snop;
	(pc) =	sbr.ind lr, $3  }
0x3a: {  	_ = 	snop  }
0x3b: {  	_ = 	snop  }
0x3c: {  	p2 =	seq.s32 s10, $0x1;
	s10 =	sld [smem:$0x3FA9]  }
0x3d: {  	_ =	shalt  }
0x3e: {  	_ =	shalt  }
0x3f: {  	_ =	shalt  }
0x40: {  	_ =	shalt  }
0x41: {  	_ =	shalt  }
0x42: {  	_ =	shalt  }
0x43: {  	_ =	shalt  }
0x44: {  	_ =	shalt  }
0x45: {  	_ =	shalt  }
0x46: {  	_ =	shalt  }
0x47: {  	_ =	shalt  }
0x48: {  	_ =	shalt  }
0x49: {  	_ =	shalt  }
0x4a: {  	_ =	shalt  }
0x4b: {  	_ =	shalt  }
0x4c: {  	_ =	shalt  }
0x4d: {  	_ =	shalt  }
0x4e: {  	_ =	shalt  }
0x4f: {  	_ =	shalt  }
0x50: {  	_ =	shalt  }
0x51: {  	_ =	shalt  }
0x52: {  	_ =	shalt  }
0x53: {  	_ =	shalt  }
0x54: {  	_ =	shalt  }
0x55: {  	_ =	shalt  }
0x56: {  	_ =	shalt  }
0x57: {  	_ =	shalt  }
0x58: {  	_ =	shalt  }
0x59: {  	_ =	shalt  }
0x5a: {  	_ =	shalt  }
0x5b: {  	_ =	shalt  }
0x5c: {  	_ =	shalt  }
0x5d: {  	_ =	shalt  }
0x5e: {  	_ =	shalt  }
0x5f: {  	_ =	shalt  }
0x60: {  	_ =	shalt  }
0x61: {  	_ =	shalt  }
0x62: {  	_ =	shalt  }
0x63: {  	_ =	shalt  }
0x64: {  	_ =	shalt  }
0x65: {  	_ =	shalt  }
0x66: {  	_ =	shalt  }
0x67: {  	_ =	shalt  }
0x68: {  	_ =	shalt  }
0x69: {  	_ =	shalt  }
0x6a: {  	_ =	shalt  }
0x6b: {  	_ =	shalt  }
0x6c: {  	_ =	shalt  }
0x6d: {  	_ =	shalt  }
0x6e: {  	_ =	shalt  }
0x6f: {  	_ =	shalt  }
0x70: {  	_ =	shalt  }
0x71: {  	_ =	shalt  }
0x72: {  	_ =	shalt  }
0x73: {  	_ =	shalt  }
0x74: {  	_ =	shalt  }
0x75: {  	_ =	shalt  }
0x76: {  	_ =	shalt  }
0x77: {  	_ =	shalt  }
0x78: {  	_ =	shalt  }
0x79: {  	_ =	shalt  }
0x7a: {  	_ =	shalt  }
0x7b: {  	_ =	shalt  }
0x7c: {  	_ =	shalt  }
0x7d: {  	_ =	shalt  }
0x7e: {  	_ =	shalt  }
0x7f: {  	_ =	shalt  }
0x80: {  	_ =	shalt  }
0x81: {  	_ =	shalt  }
0x82: {  	_ =	shalt  }
0x83: {  	_ =	shalt  }
0x84: {  	_ =	shalt  }
0x85: {  	_ =	shalt  }
0x86: {  	_ =	shalt  }
0x87: {  	_ =	shalt  }
.Lfunc_end0:
.L_simem_size_0:
called_computation_lowered:
.L_overlay_start_0:
0x88: {  	s2 =	sld [smem:$0x3FD9]  }
0x89: {  	s3 =	sld [smem:$0x3FFE];
	_ =	sdelay $0x1  }
0x8a: {  	s1 =	srdreg.scid  }
0x8b: {  	s0 =	sand.u32 $0x1, s1  }
0x8c: {  	s14 =	sshll.u32 s0, $0xA;
	s2 =	sadd.s32 s3, s2  }
0x8d: {  	s2 =	sadd.s32 s2, s14  }
0x8e: {  	[smem:$0x3FB5] =	sst s2  }
0x8f: {  	_ = 	snop  }
0x90: {  	s2 =	sld [smem:$0x3FD0];
	_ =	sdelay $0x2  }
0x91: {  	s15 =	simm.s32 $0xB;
	s4 =	simm.s32 $0x10  }
0x92: {  	[smem:s4], [sflag:s15] =	dma.local [hbm:s2], $0x1  }
0x93: {  	_ =	swait.eq [sflag:s15], $0x1  }
0x94: {  	[sflag:s15] =	ssyncset.done $0x0  }
0x95: {  	[sflag:s15] =	ssyncadd.s32 $0xFFFFFFFF  }
0x96: {  	s16 =	sld [smem:$0x10];
	(tm) =	ssettm $0x1  }
0x97: {  	s17 =	sld [smem:$0x3FFB];
	_ =	sdelay $0x3  }
0x98: {  	_ =	strace s17  }
0x99: {  	s3 =	sld [smem:$0x3FFC];
	_ =	sdelay $0x3  }
0x9a: {  	_ =	strace s3  }
0x9b: {  	s3 =	sld [smem:$0x3FFD];
	_ =	sdelay $0x3  }
0x9c: {  	_ =	strace s3  }
0x9d: {  	_ =	strace $0x8FFFFFFF  }
0x9e: {  	s18 =	sld [smem:$0x3FDB];
	_ =	sdelay $0x1  }
0x9f: {  	s19 =	simm.s32 $_scs_section_size  }
0xa0: {  	s5 =	simm.s32 $_size__tile_overlayer_lowered;
	s6 =	simm.s32 $_tile_overlayer_lowered  }
0xa1: {  	s22 =	simm.s32 $0x1BFF;
	s21 =	sshll.u32 s6, $0x1;
	s3 =	sadd.s32 s19, s18  }
0xa2: {  	s7 =	simm.s32 $0x0;
	s20 =	sshll.u32 s5, $0x1;
	s5 =	sadd.s32 s21, s3  }
0xa3: {  	[timem:s7], [sflag:s22] =	dma.local [hbm:s5], s20  }
0xa4: {  	_ =	swait.ge [sflag:s22], s20  }
0xa5: {  	s4 =	ssub.s32 $0x0, s20;
	[sflag:s22] =	ssyncset.done $0x0  }
0xa6: {  	[sflag:s22] =	ssyncadd.s32 s4;
	_ =	sdelay $0x1  }
0xa7: {  	s23 =	simm.s32 $0x1B8B  }
0xa8: {  	_ =	swait.ge [sflag:s23], $0x1  }
0xa9: {  	[sflag:s23] =	ssyncset.done $0x0  }
0xaa: {  	s25 =	simm.s32 $0x1B8E;
	s24 =	sld [smem:$0x3FFE];
	[sflag:s23] =	ssyncadd.s32 $0xFFFFFFFF  }
0xab: {  	s26 =	simm.s32 $execute0_lowered;
	[smem:$0x3FD2] =	sst s25  }
0xac: {  	s5 =	sshll.u32 s26, $0x1;
	_ =	strace $0x80000046;
	[dreg:$0x1] =	wrdreg $0xFFFFFFFF  }
0xad: {  	s28 =	simm.s32 $_size_execute0_lowered;
	s3 =	sadd.s32 s3, s5;
	[dreg:$0x0] =	wrdreg $0x0  }
0xae: {  	s5 =	sshll.u32 s28, $0x1;
	[dreg:$0x2] =	wrdreg s3  }
0xaf: {  	[dreg:$0x3] =	wrdreg s5  }
0xb0: {  	[dreg:$0x4] =	wrdreg $0xC0  }
0xb1: {  	_ =	task [dreg:s7], $0x5FFFF  }
0xb2: {  	[dreg:$0x1] =	wrdreg $0xFFFFFFFF  }
0xb3: {  	[dreg:$0x0] =	wrdreg $0x60  }
0xb4: {  	[dreg:$0x2] =	wrdreg s16  }
0xb5: {  	[dreg:$0x3] =	wrdreg s24  }
0xb6: {  	[dreg:$0x4] =	wrdreg $0x9  }
0xb7: {  	_ =	task.clear_ibuf [dreg:s7], $0x5FFFF;
	_ =	strace $0x90000046  }
0xb8: {  	s29 =	simm.s32 $0x9;
	_ =	strace $0x80000048  }
0xb9: {  	_ =	swait.ge [sflag:s29], $0x1  }
0xba: {  	[sflag:s29] =	ssyncadd.s32 $0xFFFFFFFF  }
0xbb: {  	_ =	strace $0x90000048  }
0xbc: {  	_ =	sfence  }
0xbd: {  	s30 =	sld [smem:$0x0];
	_ =	sdelay $0x2  }
0xbe: {  	s31 =	sshll.u32 s1, $0xD;
	s1 =	sshrl.u32 s1, $0x2  }
0xbf: {  	s3 =	sand.u32 $0x4000, s31;
	s1 =	sadd.s32 s1, s30  }
0xc0: {  	s0 =	sor.u32 s3, s0;
	s1 =	sshll.u32 s1, $0x11  }
0xc1: {  	s0 =	sor.u32 s1, s0  }
0xc2: {  	s0 =	sadd.s32 $0x8F2B, s0  }
0xc3: {  	[sflag:s0] =	ssyncadd.remote.s32 $0x1  }
0xc4: {  	_ =	sfence.sel $0xFFFF  }
0xc5: {  	[dreg:$0x0] =	wrdreg $0xFFFFFFFF;
	(pc) =	sbr.abs _section_cstart, $3  }
0xc6: {  	[dreg:$0x1] =	wrdreg $0xFFFFFFFF  }
0xc7: {  	_ =	task.clear_ibuf [dreg:s7], $0x2FFFF;
	_ =	strace $0x9FFFFFFF  }
0xc8: {  	(tm) =	ssettm $0x7FFFFFFF  }
0xc9: {  	_ =	shalt  }
tec
execute0_lowered:
.L_overlay_start_1:
0x0: {  	(tag) =	ssettag $0x1  }
0x1: {  	s2 =	rddreg [dreg:$0x0];
	s0 =	srdreg.scid  }
0x2: {  	s3 =	stileid.u32;
	s1 =	rddreg [dreg:$0x1];
	s12 =	simm.s32 $0x9  }
0x3: {  	s14 =	simm.s32 $0x80;
	s15 =	simm.s32 $0x2800;
	s17 =	simm.s32 $0x5000  }
0x4: {  	s21 =	simm.s32 $0x7800;
	s23 =	simm.s32 $0x11800;
	s24 =	simm.s32 $0x1  }
0x5: {  	s28 =	simm.s32 $0x2;
	s29 =	simm.s32 $0x3;
	s30 =	simm.s32 $0x4  }
0x6: {  	s31 =	simm.s32 $0x5;
	s16 =	simm.s32 $0x8;
	s18 =	simm.s32 $0x0  }
0x7: {  	s0 =	sand.u32 $0x1, s0;
	s4 =	sshll.u32 s3, $0x1;
	s3 =	simm.s32 $0x0  }
0x8: {  	s5 =	sor.u32 s0, s4;
	[smem:$0x7FF] =	sst s3;
	s0 =	ssub.s32 $0x2, s0  }
0x9: {  	s4 =	sadd.s32 $0x55A00, s1;
	s6 =	smul.u32 $0x280, s5;
	s8 =	sshrl.u32 s0, $0x1  }
0xa: {  	_ =	strace $0x80000047;
	s5 =	smul.u32 $0x1400, s5;
	s0 =	ssub.s32 s0, s8  }
.Ltmp0:
0xb: {  	s7 =	sadd.s32 s6, s1;
	s6 =	sadd.s32 $0x78A00, s1;
	(pc) =	sbr.rel .LBB2_1-.Ltmp0, $4  }
0xc: {  	s9 =	sor.u32 $0x80, s5;
	s10 =	sor.u32 $0x100, s5;
	s0 =	smax.u32 s0, $0x1  }
0xd: {  	s1 =	simm.s32 $0x6;
	s25 =	sadd.s32 $0x73A00, s7;
	[dreg:$0x5] =	wrdreg s0  }
0xe: {  	s26 =	sadd.s32 $0x6EA00, s7;
	s0 =	simm.s32 $0x7;
	[dreg:$0x3] =	wrdreg s25  }
0xf: {  	[dreg:$0x4] =	wrdreg s26;
	s25 =	simm.s32 $0xA000;
	s26 =	simm.s32 $0x14000  }
.LBB2_12:
0x10: {  	_ =	swait.ge [sflag:s31], $0x2800  }
0x11: {  	[sflag:s31] =	ssyncset.done $0x0  }
0x12: {  	[sflag:s31] =	ssyncadd.s32 $0xFFFFD800  }
0x13: {  	_ =	swait.ge [sflag:s1], $0x2800  }
0x14: {  	[sflag:s1] =	ssyncset.done $0x0  }
0x15: {  	[sflag:s1] =	ssyncadd.s32 $0xFFFFD800  }
0x16: {  	_ =	swait.ge [sflag:s0], $0x2800  }
0x17: {  	[sflag:s0] =	ssyncset.done $0x0  }
0x18: {  	[sflag:s0] =	ssyncadd.s32 $0xFFFFD800  }
0x19: {  	_ =	swait.ge [sflag:s16], $0x2800  }
0x1a: {  	s18 =	sadd.s32 $0x1, s18;
	s7 =	rddreg [dreg:$0x5]  }
0x1b: {  	p0 =	sne.s32 s18, s7  }
.Ltmp1:
0x1c: {  	_ = 	snop;
	(pc) =	sbr.rel @!p0 .LBB2_13-.Ltmp1, $3  }
0x1d: {  	_ =	sdelay $0x1  }
0x1e: {  	[sflag:s16] =	ssyncset.done $0x0  }
0x1f: {  	[sflag:s16] =	ssyncadd.s32 $0xFFFFD800  }
.LBB2_1:
0x20: {  	s7 =	rddreg [dreg:$0x3]  }
0x21: {  	[tilespmem:s3], [sflag:$0x9] =	stream.linear.gather [hbm4b:s7+s3], $0x1400, $0x38;
	[tilespmem:$0x16800] =	vst v63  }
0x22: {  	_ =	swait.ge [sflag:s12], $0x1400  }
0x23: {  	[sflag:s12] =	ssyncset.done $0x0  }
0x24: {  	s8 =	simm.s32 $0x1400;
	s22 =	rddreg [dreg:$0x4];
	[sflag:s12] =	ssyncadd.s32 $0xFFFFEC00  }
0x25: {  	[tilespmem:s8], [sflag:$0x9] =	stream.linear.gather [hbm4b:s22+s3], $0x1400, $0x38;
	[tilespmem:$0x16800] =	vst v63  }
0x26: {  	_ =	swait.ge [sflag:s12], $0x1400  }
0x27: {  	[sflag:s12] =	ssyncset.done $0x0  }
0x28: {  	[sflag:s12] =	ssyncadd.s32 $0xFFFFEC00  }
0x29: {  	[tilespmem:s15], [sflag:$0x1] =	stream.indirect.gather [hbm4b:s2+s14], $0x50, s3, s14, $0xb8;
	[tilespmem:$0x16800] =	vst v63  }
0x2a: {  	s11 =	simm.s32 $0xC800  }
0x2b: {  	[tilespmem:s11], [sflag:$0x1] =	stream.indirect.gather [hbm4b:s4+s14], $0x50, s8, s14, $0xb8;
	[tilespmem:$0x16800] =	vst v63  }
0x2c: {  	_ = 	snop  }
0x2d: {  	[tilespmem:s17], [sflag:$0x2] =	stream.indirect.gather [hbm4b:s2+s14], $0x50, s14, s14, $0xb8;
	[tilespmem:$0x16800] =	vst v63  }
0x2e: {  	s13 =	simm.s32 $0x1480;
	s19 =	simm.s32 $0xF000  }
0x2f: {  	[tilespmem:s19], [sflag:$0x2] =	stream.indirect.gather [hbm4b:s4+s14], $0x50, s13, s14, $0xb8;
	[tilespmem:$0x16800] =	vst v63  }
0x30: {  	s20 =	simm.s32 $0x100  }
0x31: {  	[tilespmem:s21], [sflag:$0x3] =	stream.indirect.gather [hbm4b:s2+s14], $0x50, s20, s14, $0xb8;
	[tilespmem:$0x16800] =	vst v63  }
0x32: {  	s22 =	simm.s32 $0x1500;
	s19 =	simm.s32 $0x0  }
0x33: {  	[tilespmem:s23], [sflag:$0x3] =	stream.indirect.gather [hbm4b:s4+s14], $0x50, s22, s14, $0xb8;
	[tilespmem:$0x16800] =	vst v63  }
.LBB2_2:
0x34: {  	_ =	swait.ge [sflag:s24], $0x2800  }
0x35: {  	[sflag:s24] =	ssyncset.done $0x0  }
0x36: {  	[sflag:s24] =	ssyncadd.s32 $0xFFFFD800  }
0x37: {  	_ =	swait.ge [sflag:s24], $0x2800  }
0x38: {  	[sflag:s24] =	ssyncset.done $0x0  }
0x39: {  	s22 =	simm.s32 $0x2850;
	[sflag:s24] =	ssyncadd.s32 $0xFFFFD800  }
0x3a: {  	s13 =	simm.s32 $0xC850;
	v0 =	vld [tilespmem:s22+$0xFFFFFFB0]  }
0x3b: {  	v1 =	vld [tilespmem:s13+$0xFFFFFFB0];
	_ =	sdelay $0x4  }
0x3c: {  	v0 =	vadd.f32 v1, v0;
	_ =	sdelay $0x1  }
0x3d: {  	[tilespmem:s22+$0xFFFFFFB0] =	vst v0;
	v0 =	vld [tilespmem:s22+$0xFFFFFFC0]  }
0x3e: {  	v1 =	vld [tilespmem:s13+$0xFFFFFFC0];
	_ =	sdelay $0x4  }
0x3f: {  	v0 =	vadd.f32 v1, v0;
	_ =	sdelay $0x1  }
0x40: {  	[tilespmem:s22+$0xFFFFFFC0] =	vst v0;
	v0 =	vld [tilespmem:s22+$0xFFFFFFD0]  }
0x41: {  	v1 =	vld [tilespmem:s13+$0xFFFFFFD0];
	_ =	sdelay $0x4  }
0x42: {  	v0 =	vadd.f32 v1, v0;
	_ =	sdelay $0x1  }
0x43: {  	[tilespmem:s22+$0xFFFFFFD0] =	vst v0;
	v0 =	vld [tilespmem:s22+$0xFFFFFFE0]  }
0x44: {  	v1 =	vld [tilespmem:s13+$0xFFFFFFE0];
	_ =	sdelay $0x4  }
0x45: {  	v0 =	vadd.f32 v1, v0;
	_ =	sdelay $0x1  }
0x46: {  	[tilespmem:s22+$0xFFFFFFE0] =	vst v0;
	v0 =	vld [tilespmem:s22+$0xFFFFFFF0]  }
0x47: {  	v1 =	vld [tilespmem:s13+$0xFFFFFFF0];
	_ =	sdelay $0x4  }
0x48: {  	v0 =	vadd.f32 v1, v0;
	_ =	sdelay $0x1  }
0x49: {  	[tilespmem:s22+$0xFFFFFFF0] =	vst v0;
	v0 =	vld [tilespmem:s22+$0x0]  }
0x4a: {  	v1 =	vld [tilespmem:s13+$0x0];
	_ =	sdelay $0x4  }
0x4b: {  	v0 =	vadd.f32 v1, v0;
	_ =	sdelay $0x1  }
0x4c: {  	[tilespmem:s22+$0x0] =	vst v0;
	v0 =	vld [tilespmem:s22+$0x10]  }
0x4d: {  	v1 =	vld [tilespmem:s13+$0x10];
	_ =	sdelay $0x4  }
0x4e: {  	v0 =	vadd.f32 v1, v0;
	_ =	sdelay $0x1  }
0x4f: {  	[tilespmem:s22+$0x10] =	vst v0;
	v0 =	vld [tilespmem:s22+$0x20]  }
0x50: {  	v1 =	vld [tilespmem:s13+$0x20];
	_ =	sdelay $0x4  }
0x51: {  	v0 =	vadd.f32 v1, v0;
	_ =	sdelay $0x1  }
0x52: {  	[tilespmem:s22+$0x20] =	vst v0;
	v0 =	vld [tilespmem:s22+$0x30]  }
0x53: {  	v1 =	vld [tilespmem:s13+$0x30];
	_ =	sdelay $0x4  }
0x54: {  	v0 =	vadd.f32 v1, v0;
	_ =	sdelay $0x1  }
0x55: {  	[tilespmem:s22+$0x30] =	vst v0;
	v0 =	vld [tilespmem:s22+$0x40]  }
0x56: {  	v1 =	vld [tilespmem:s13+$0x40];
	_ =	sdelay $0x4  }
0x57: {  	v0 =	vadd.f32 v1, v0  }
0x58: {  	s7 =	simm.s32 $0x0;
	s8 =	simm.s32 $0x28F0  }
.LBB2_3:
0x59: {  	v1 =	vld [tilespmem:s8+$0xFFFFFFB0];
	[tilespmem:s22+$0x40] =	vst v0;
	s13 =	sadd.s32 $0xA0, s13;
	s22 =	smov.u32 s8  }
0x5a: {  	s7 =	sadd.s32 $0x2, s7;
	v0 =	vld [tilespmem:s13+$0xFFFFFFB0]  }
0x5b: {  	p0 =	slt.u32 s7, $0x7E;
	_ =	sdelay $0x3  }
0x5c: {  	v0 =	vadd.f32 v0, v1;
	_ =	sdelay $0x1  }
0x5d: {  	[tilespmem:s8+$0xFFFFFFB0] =	vst v0;
	v0 =	vld [tilespmem:s8+$0xFFFFFFC0]  }
0x5e: {  	v1 =	vld [tilespmem:s13+$0xFFFFFFC0];
	_ =	sdelay $0x4  }
0x5f: {  	v0 =	vadd.f32 v1, v0;
	_ =	sdelay $0x1  }
0x60: {  	[tilespmem:s8+$0xFFFFFFC0] =	vst v0;
	v0 =	vld [tilespmem:s8+$0xFFFFFFD0]  }
0x61: {  	v1 =	vld [tilespmem:s13+$0xFFFFFFD0];
	_ =	sdelay $0x4  }
0x62: {  	v0 =	vadd.f32 v1, v0;
	_ =	sdelay $0x1  }
0x63: {  	[tilespmem:s8+$0xFFFFFFD0] =	vst v0;
	v0 =	vld [tilespmem:s8+$0xFFFFFFE0]  }
0x64: {  	v1 =	vld [tilespmem:s13+$0xFFFFFFE0];
	_ =	sdelay $0x4  }
0x65: {  	v0 =	vadd.f32 v1, v0;
	_ =	sdelay $0x1  }
0x66: {  	[tilespmem:s8+$0xFFFFFFE0] =	vst v0;
	v0 =	vld [tilespmem:s8+$0xFFFFFFF0]  }
0x67: {  	v1 =	vld [tilespmem:s13+$0xFFFFFFF0];
	_ =	sdelay $0x4  }
0x68: {  	v0 =	vadd.f32 v1, v0;
	_ =	sdelay $0x1  }
0x69: {  	[tilespmem:s8+$0xFFFFFFF0] =	vst v0;
	v0 =	vld [tilespmem:s8+$0x0]  }
0x6a: {  	v1 =	vld [tilespmem:s13+$0x0];
	_ =	sdelay $0x4  }
0x6b: {  	v0 =	vadd.f32 v1, v0;
	_ =	sdelay $0x1  }
0x6c: {  	[tilespmem:s8+$0x0] =	vst v0;
	v0 =	vld [tilespmem:s8+$0x10]  }
0x6d: {  	v1 =	vld [tilespmem:s13+$0x10];
	_ =	sdelay $0x4  }
0x6e: {  	v0 =	vadd.f32 v1, v0;
	_ =	sdelay $0x1  }
0x6f: {  	[tilespmem:s8+$0x10] =	vst v0;
	v0 =	vld [tilespmem:s8+$0x20]  }
0x70: {  	v1 =	vld [tilespmem:s13+$0x20];
	_ =	sdelay $0x4  }
0x71: {  	v0 =	vadd.f32 v1, v0;
	_ =	sdelay $0x1  }
0x72: {  	[tilespmem:s8+$0x20] =	vst v0;
	v0 =	vld [tilespmem:s8+$0x30]  }
0x73: {  	v1 =	vld [tilespmem:s13+$0x30];
	_ =	sdelay $0x4  }
0x74: {  	v0 =	vadd.f32 v1, v0;
	_ =	sdelay $0x1  }
0x75: {  	[tilespmem:s8+$0x30] =	vst v0;
	v0 =	vld [tilespmem:s8+$0x40]  }
0x76: {  	v1 =	vld [tilespmem:s13+$0x40];
	_ =	sdelay $0x1  }
.Ltmp2:
0x77: {  	(pc) =	sbr.rel @p0 .LBB2_3-.Ltmp2, $3  }
0x78: {  	_ =	sdelay $0x1  }
0x79: {  	v0 =	vadd.f32 v1, v0  }
0x7a: {  	s8 =	sadd.s32 $0xA0, s8  }
0x7b: {  	s20 =	sshll.u32 s19, $0x9  }
0x7c: {  	s7 =	sadd.s32 s5, s20  }
0x7d: {  	s7 =	smul.u32 $0xA, s7;
	_ =	sdelay $0x1  }
0x7e: {  	[tilespmem:s22+$0x40] =	vst v0;
	p0 =	seq.s32 s19, $0x0;
	s7 =	sadd.s32 s6, s7  }
0x7f: {  	[hbm4b:s7+s3] =	stream.linear.scatter [tilespmem:s15], [sflag:$0x5], $0x2800, $0x38;
	[tilespmem:$0x16800] =	vst v63  }
0x80: {  	s7 =	simm.s32 @!p0 $0x8  }
0x81: {  	_ =	swait.ge @!p0 [sflag:s7], $0x2800  }
0x82: {  	[sflag:s7] =	ssyncset.done @!p0 $0x0  }
0x83: {  	s22 =	sor.u32 $0x180, s20;
	[sflag:s7] =	ssyncadd.s32 @!p0 $0xFFFFD800  }
0x84: {  	[tilespmem:s25], [sflag:$0x4] =	stream.indirect.gather [hbm4b:s2+s14], $0x50, s22, s14, $0xb8;
	[tilespmem:$0x16800] =	vst v63  }
0x85: {  	s13 =	sadd.s32 $0x1400, s22  }
0x86: {  	[tilespmem:s26], [sflag:$0x4] =	stream.indirect.gather [hbm4b:s4+s14], $0x50, s13, s14, $0xb8;
	[tilespmem:$0x16800] =	vst v63  }
0x87: {  	_ =	swait.ge [sflag:s28], $0x2800  }
0x88: {  	[sflag:s28] =	ssyncset.done $0x0  }
0x89: {  	[sflag:s28] =	ssyncadd.s32 $0xFFFFD800  }
0x8a: {  	_ =	swait.ge [sflag:s28], $0x2800  }
0x8b: {  	[sflag:s28] =	ssyncset.done $0x0  }
0x8c: {  	s13 =	simm.s32 $0x5090;
	[sflag:s28] =	ssyncadd.s32 $0xFFFFD800  }
0x8d: {  	s7 =	simm.s32 $0xF090;
	v0 =	vld [tilespmem:s13+$0xFFFFFF70]  }
0x8e: {  	v1 =	vld [tilespmem:s7+$0xFFFFFF70];
	_ =	sdelay $0x4  }
0x8f: {  	v0 =	vadd.f32 v1, v0;
	_ =	sdelay $0x1  }
0x90: {  	[tilespmem:s13+$0xFFFFFF70] =	vst v0;
	v0 =	vld [tilespmem:s13+$0xFFFFFF80]  }
0x91: {  	v1 =	vld [tilespmem:s7+$0xFFFFFF80];
	_ =	sdelay $0x4  }
0x92: {  	v0 =	vadd.f32 v1, v0;
	_ =	sdelay $0x1  }
0x93: {  	[tilespmem:s13+$0xFFFFFF80] =	vst v0;
	v0 =	vld [tilespmem:s13+$0xFFFFFF90]  }
0x94: {  	v1 =	vld [tilespmem:s7+$0xFFFFFF90];
	_ =	sdelay $0x4  }
0x95: {  	v0 =	vadd.f32 v1, v0;
	_ =	sdelay $0x1  }
0x96: {  	[tilespmem:s13+$0xFFFFFF90] =	vst v0;
	v0 =	vld [tilespmem:s13+$0xFFFFFFA0]  }
0x97: {  	v1 =	vld [tilespmem:s7+$0xFFFFFFA0];
	_ =	sdelay $0x4  }
0x98: {  	v0 =	vadd.f32 v1, v0;
	_ =	sdelay $0x1  }
0x99: {  	[tilespmem:s13+$0xFFFFFFA0] =	vst v0;
	v0 =	vld [tilespmem:s13+$0xFFFFFFB0]  }
0x9a: {  	v1 =	vld [tilespmem:s7+$0xFFFFFFB0];
	_ =	sdelay $0x4  }
0x9b: {  	v0 =	vadd.f32 v1, v0;
	_ =	sdelay $0x1  }
0x9c: {  	[tilespmem:s13+$0xFFFFFFB0] =	vst v0;
	v0 =	vld [tilespmem:s13+$0xFFFFFFC0]  }
0x9d: {  	v1 =	vld [tilespmem:s7+$0xFFFFFFC0];
	_ =	sdelay $0x4  }
0x9e: {  	v0 =	vadd.f32 v1, v0;
	_ =	sdelay $0x1  }
0x9f: {  	[tilespmem:s13+$0xFFFFFFC0] =	vst v0;
	v0 =	vld [tilespmem:s13+$0xFFFFFFD0]  }
0xa0: {  	v1 =	vld [tilespmem:s7+$0xFFFFFFD0];
	_ =	sdelay $0x4  }
0xa1: {  	v0 =	vadd.f32 v1, v0;
	_ =	sdelay $0x1  }
0xa2: {  	[tilespmem:s13+$0xFFFFFFD0] =	vst v0;
	v0 =	vld [tilespmem:s13+$0xFFFFFFE0]  }
0xa3: {  	v1 =	vld [tilespmem:s7+$0xFFFFFFE0];
	_ =	sdelay $0x4  }
0xa4: {  	v0 =	vadd.f32 v1, v0;
	_ =	sdelay $0x1  }
0xa5: {  	[tilespmem:s13+$0xFFFFFFE0] =	vst v0;
	v0 =	vld [tilespmem:s13+$0xFFFFFFF0]  }
0xa6: {  	v1 =	vld [tilespmem:s7+$0xFFFFFFF0];
	_ =	sdelay $0x4  }
0xa7: {  	v0 =	vadd.f32 v1, v0;
	_ =	sdelay $0x1  }
0xa8: {  	[tilespmem:s13+$0xFFFFFFF0] =	vst v0;
	v0 =	vld [tilespmem:s13+$0x0]  }
0xa9: {  	v1 =	vld [tilespmem:s7+$0x0];
	_ =	sdelay $0x4  }
0xaa: {  	v0 =	vadd.f32 v1, v0  }
0xab: {  	s8 =	simm.s32 $0x0;
	s11 =	simm.s32 $0x5130  }
.LBB2_5:
0xac: {  	v1 =	vld [tilespmem:s11+$0xFFFFFF70];
	[tilespmem:s13+$0x0] =	vst v0;
	s7 =	sadd.s32 $0xA0, s7;
	s13 =	smov.u32 s11  }
0xad: {  	s8 =	sadd.s32 $0x2, s8;
	v0 =	vld [tilespmem:s7+$0xFFFFFF70]  }
0xae: {  	p0 =	slt.u32 s8, $0x7E;
	_ =	sdelay $0x3  }
0xaf: {  	v0 =	vadd.f32 v0, v1;
	_ =	sdelay $0x1  }
0xb0: {  	[tilespmem:s11+$0xFFFFFF70] =	vst v0;
	v0 =	vld [tilespmem:s11+$0xFFFFFF80]  }
0xb1: {  	v1 =	vld [tilespmem:s7+$0xFFFFFF80];
	_ =	sdelay $0x4  }
0xb2: {  	v0 =	vadd.f32 v1, v0;
	_ =	sdelay $0x1  }
0xb3: {  	[tilespmem:s11+$0xFFFFFF80] =	vst v0;
	v0 =	vld [tilespmem:s11+$0xFFFFFF90]  }
0xb4: {  	v1 =	vld [tilespmem:s7+$0xFFFFFF90];
	_ =	sdelay $0x4  }
0xb5: {  	v0 =	vadd.f32 v1, v0;
	_ =	sdelay $0x1  }
0xb6: {  	[tilespmem:s11+$0xFFFFFF90] =	vst v0;
	v0 =	vld [tilespmem:s11+$0xFFFFFFA0]  }
0xb7: {  	v1 =	vld [tilespmem:s7+$0xFFFFFFA0];
	_ =	sdelay $0x4  }
0xb8: {  	v0 =	vadd.f32 v1, v0;
	_ =	sdelay $0x1  }
0xb9: {  	[tilespmem:s11+$0xFFFFFFA0] =	vst v0;
	v0 =	vld [tilespmem:s11+$0xFFFFFFB0]  }
0xba: {  	v1 =	vld [tilespmem:s7+$0xFFFFFFB0];
	_ =	sdelay $0x4  }
0xbb: {  	v0 =	vadd.f32 v1, v0;
	_ =	sdelay $0x1  }
0xbc: {  	[tilespmem:s11+$0xFFFFFFB0] =	vst v0;
	v0 =	vld [tilespmem:s11+$0xFFFFFFC0]  }
0xbd: {  	v1 =	vld [tilespmem:s7+$0xFFFFFFC0];
	_ =	sdelay $0x4  }
0xbe: {  	v0 =	vadd.f32 v1, v0;
	_ =	sdelay $0x1  }
0xbf: {  	[tilespmem:s11+$0xFFFFFFC0] =	vst v0;
	v0 =	vld [tilespmem:s11+$0xFFFFFFD0]  }
0xc0: {  	v1 =	vld [tilespmem:s7+$0xFFFFFFD0];
	_ =	sdelay $0x4  }
0xc1: {  	v0 =	vadd.f32 v1, v0;
	_ =	sdelay $0x1  }
0xc2: {  	[tilespmem:s11+$0xFFFFFFD0] =	vst v0;
	v0 =	vld [tilespmem:s11+$0xFFFFFFE0]  }
0xc3: {  	v1 =	vld [tilespmem:s7+$0xFFFFFFE0];
	_ =	sdelay $0x4  }
0xc4: {  	v0 =	vadd.f32 v1, v0;
	_ =	sdelay $0x1  }
0xc5: {  	[tilespmem:s11+$0xFFFFFFE0] =	vst v0;
	v0 =	vld [tilespmem:s11+$0xFFFFFFF0]  }
0xc6: {  	v1 =	vld [tilespmem:s7+$0xFFFFFFF0];
	_ =	sdelay $0x4  }
0xc7: {  	v0 =	vadd.f32 v1, v0;
	_ =	sdelay $0x1  }
0xc8: {  	[tilespmem:s11+$0xFFFFFFF0] =	vst v0;
	v0 =	vld [tilespmem:s11+$0x0]  }
0xc9: {  	v1 =	vld [tilespmem:s7+$0x0];
	_ =	sdelay $0x1  }
.Ltmp3:
0xca: {  	(pc) =	sbr.rel @p0 .LBB2_5-.Ltmp3, $3  }
0xcb: {  	_ =	sdelay $0x1  }
0xcc: {  	v0 =	vadd.f32 v1, v0  }
0xcd: {  	s11 =	sadd.s32 $0xA0, s11  }
0xce: {  	s7 =	sadd.s32 s20, s9  }
0xcf: {  	s7 =	smul.u32 $0xA, s7;
	_ =	sdelay $0x1  }
0xd0: {  	[tilespmem:s13+$0x0] =	vst v0;
	p0 =	seq.s32 s19, $0x9;
	s7 =	sadd.s32 s6, s7  }
0xd1: {  	[hbm4b:s7+s3] =	stream.linear.scatter [tilespmem:s17], [sflag:$0x6], $0x2800, $0x38;
	[tilespmem:$0x16800] =	vst v63  }
0xd2: {  	s7 =	simm.s32 @!p0 $0x5  }
0xd3: {  	_ =	swait.ge @!p0 [sflag:s7], $0x2800  }
0xd4: {  	s8 =	simm.s32 @!p0 $0x80;
	[sflag:s7] =	ssyncset.done @!p0 $0x0  }
0xd5: {  	s11 =	simm.s32 @!p0 $0x2800;
	[sflag:s7] =	ssyncadd.s32 @!p0 $0xFFFFD800;
	s7 =	sadd.s32 @!p0 $0x200, s20  }
0xd6: {  	[tilespmem:s11], [sflag:$0x1] =	stream.indirect.gather @!p0 [hbm4b:s2+s8], $0x50, s7, s8, $0xb8;
	[tilespmem:$0x16800] =	vst v63  }
0xd7: {  	s7 =	sadd.s32 @!p0 $0x1600, s20;
	s11 =	simm.s32 @!p0 $0xC800  }
0xd8: {  	[tilespmem:s11], [sflag:$0x1] =	stream.indirect.gather @!p0 [hbm4b:s4+s8], $0x50, s7, s8, $0xb8;
	[tilespmem:$0x16800] =	vst v63  }
0xd9: {  	_ =	swait.ge [sflag:s29], $0x2800  }
0xda: {  	[sflag:s29] =	ssyncset.done $0x0  }
0xdb: {  	[sflag:s29] =	ssyncadd.s32 $0xFFFFD800  }
0xdc: {  	_ =	swait.ge [sflag:s29], $0x2800  }
0xdd: {  	[sflag:s29] =	ssyncset.done $0x0  }
0xde: {  	s7 =	simm.s32 $0x0;
	[sflag:s29] =	ssyncadd.s32 $0xFFFFD800  }
0xdf: {  	v2 =	vld [tilespmem:s7+$0x11890]  }
0xe0: {  	v3 =	vld [tilespmem:s7+$0x7890]  }
0xe1: {  	v4 =	vld [tilespmem:s7+$0x11880]  }
0xe2: {  	v5 =	vld [tilespmem:s7+$0x7880]  }
0xe3: {  	v0 =	vld [tilespmem:s7+$0x11870]  }
0xe4: {  	v6 =	vld [tilespmem:s7+$0x11850]  }
0xe5: {  	v1 =	vld [tilespmem:s7+$0x7870]  }
0xe6: {  	v9 =	vld [tilespmem:s7+$0x7850]  }
0xe7: {  	v10 =	vld [tilespmem:s7+$0x11840]  }
0xe8: {  	v11 =	vld [tilespmem:s7+$0x7840]  }
0xe9: {  	v12 =	vld [tilespmem:s7+$0x11830]  }
0xea: {  	v13 =	vld [tilespmem:s7+$0x7830]  }
0xeb: {  	v8 =	vld [tilespmem:s7+$0x7810]  }
0xec: {  	v7 =	vadd.f32 v2, v3;
	v2 =	vld [tilespmem:s7+$0x11860]  }
0xed: {  	v3 =	vld [tilespmem:s7+$0x7860]  }
0xee: {  	v4 =	vadd.f32 v4, v5;
	v5 =	vld [tilespmem:s7+$0x11800]  }
0xef: {  	v14 =	vadd.f32 v6, v9;
	[tilespmem:s7+$0x7890] =	vst v7;
	v7 =	vld [tilespmem:s7+$0x11810]  }
0xf0: {  	v6 =	vld [tilespmem:s7+$0x7800];
	v9 =	vadd.f32 v10, v11;
	[tilespmem:s7+$0x7880] =	vst v4  }
0xf1: {  	s8 =	simm.s32 $0x0;
	s11 =	simm.s32 $0x280;
	v10 =	vadd.f32 v12, v13;
	v4 =	vld [tilespmem:s7+$0x7820];
	[tilespmem:s7+$0x7850] =	vst v14  }
.LBB2_7:
0xf2: {  	s13 =	sshra.s32 s11, $0x2;
	s8 =	sadd.s32 $0x2, s8;
	v11 =	vld [tilespmem:s7+$0x11820];
	[tilespmem:s7+$0x7840] =	vst v9  }
0xf3: {  	v9 =	vld [tilespmem:s13+$0x11890];
	p1 =	slt.u32 s8, $0x7E;
	[tilespmem:s7+$0x7830] =	vst v10  }
0xf4: {  	v10 =	vld [tilespmem:s13+$0x7890];
	v7 =	vadd.f32 v7, v8  }
0xf5: {  	v8 =	vld [tilespmem:s13+$0x11880]  }
0xf6: {  	v3 =	vadd.f32 v2, v3;
	v1 =	vadd.f32 v0, v1;
	v12 =	vld [tilespmem:s13+$0x7880];
	[tilespmem:s7+$0x7810] =	vst v7  }
0xf7: {  	v2 =	vadd.f32 v5, v6;
	v0 =	vld [tilespmem:s13+$0x11870];
	v4 =	vadd.f32 v11, v4  }
0xf8: {  	v5 =	vld [tilespmem:s13+$0x11850];
	[tilespmem:s7+$0x7870] =	vst v1  }
0xf9: {  	v1 =	vld [tilespmem:s13+$0x7870];
	v6 =	vadd.f32 v9, v10;
	[tilespmem:s7+$0x7800] =	vst v2  }
0xfa: {  	v10 =	vld [tilespmem:s13+$0x7850];
	[tilespmem:s7+$0x7820] =	vst v4  }
0xfb: {  	v2 =	vld [tilespmem:s13+$0x11860];
	v4 =	vadd.f32 v8, v12;
	[tilespmem:s7+$0x7860] =	vst v3;
	s7 =	smov.u32 s13  }
0xfc: {  	v3 =	vld [tilespmem:s7+$0x7860];
	[tilespmem:s7+$0x7890] =	vst v6  }
0xfd: {  	v6 =	vld [tilespmem:s7+$0x11840];
	[tilespmem:s7+$0x7880] =	vst v4  }
0xfe: {  	v9 =	vld [tilespmem:s7+$0x7840]  }
0xff: {  	v11 =	vld [tilespmem:s7+$0x11830]  }
0x100: {  	v12 =	vld [tilespmem:s7+$0x7830]  }
.Ltmp4:
0x101: {  	v4 =	vld [tilespmem:s7+$0x7820];
	(pc) =	sbr.rel @p1 .LBB2_7-.Ltmp4, $4  }
0x102: {  	v7 =	vld [tilespmem:s7+$0x11810]  }
0x103: {  	v13 =	vadd.f32 v5, v10;
	v8 =	vld [tilespmem:s7+$0x7810];
	v9 =	vadd.f32 v6, v9  }
0x104: {  	v5 =	vld [tilespmem:s7+$0x11800]  }
0x105: {  	s11 =	sadd.s32 $0x280, s11;
	v6 =	vld [tilespmem:s7+$0x7800];
	v10 =	vadd.f32 v11, v12;
	[tilespmem:s7+$0x7850] =	vst v13  }
0x106: {  	v11 =	vld [tilespmem:s7+$0x11820]  }
0x107: {  	[tilespmem:s7+$0x7840] =	vst v9;
	v0 =	vadd.f32 v0, v1  }
0x108: {  	[tilespmem:s7+$0x7830] =	vst v10;
	v7 =	vadd.f32 v7, v8  }
0x109: {  	[tilespmem:s7+$0x7870] =	vst v0;
	v0 =	vadd.f32 v2, v3  }
0x10a: {  	s8 =	sadd.s32 s20, s10;
	[tilespmem:s7+$0x7810] =	vst v7;
	v1 =	vadd.f32 v5, v6  }
0x10b: {  	s8 =	smul.u32 $0xA, s8;
	[tilespmem:s7+$0x7860] =	vst v0;
	v4 =	vadd.f32 v11, v4  }
0x10c: {  	[tilespmem:s7+$0x7800] =	vst v1  }
0x10d: {  	s13 =	sadd.s32 s6, s8;
	[tilespmem:s7+$0x7820] =	vst v4;
	s7 =	simm.s32 @!p0 $0x6  }
0x10e: {  	[hbm4b:s13+s3] =	stream.linear.scatter [tilespmem:s21], [sflag:$0x7], $0x2800, $0x38;
	[tilespmem:$0x16800] =	vst v63  }
0x10f: {  	_ =	swait.ge @!p0 [sflag:s7], $0x2800  }
0x110: {  	s11 =	simm.s32 @!p0 $0x5000;
	[sflag:s7] =	ssyncset.done @!p0 $0x0  }
0x111: {  	s8 =	simm.s32 @!p0 $0x80;
	[sflag:s7] =	ssyncadd.s32 @!p0 $0xFFFFD800;
	s7 =	sadd.s32 @!p0 $0x280, s20  }
0x112: {  	[tilespmem:s11], [sflag:$0x2] =	stream.indirect.gather @!p0 [hbm4b:s2+s8], $0x50, s7, s8, $0xb8;
	[tilespmem:$0x16800] =	vst v63  }
0x113: {  	s7 =	sadd.s32 @!p0 $0x1680, s20;
	s11 =	simm.s32 @!p0 $0xF000  }
0x114: {  	[tilespmem:s11], [sflag:$0x2] =	stream.indirect.gather @!p0 [hbm4b:s4+s8], $0x50, s7, s8, $0xb8;
	[tilespmem:$0x16800] =	vst v63  }
0x115: {  	_ =	swait.ge [sflag:s30], $0x2800  }
0x116: {  	[sflag:s30] =	ssyncset.done $0x0  }
0x117: {  	[sflag:s30] =	ssyncadd.s32 $0xFFFFD800  }
0x118: {  	_ =	swait.ge [sflag:s30], $0x2800  }
0x119: {  	[sflag:s30] =	ssyncset.done $0x0  }
0x11a: {  	s7 =	simm.s32 $0x0;
	[sflag:s30] =	ssyncadd.s32 $0xFFFFD800  }
0x11b: {  	v2 =	vld [tilespmem:s7+$0x14090]  }
0x11c: {  	v3 =	vld [tilespmem:s7+$0xA090]  }
0x11d: {  	v4 =	vld [tilespmem:s7+$0x14080]  }
0x11e: {  	v5 =	vld [tilespmem:s7+$0xA080]  }
0x11f: {  	v0 =	vld [tilespmem:s7+$0x14070]  }
0x120: {  	v6 =	vld [tilespmem:s7+$0x14050]  }
0x121: {  	v1 =	vld [tilespmem:s7+$0xA070]  }
0x122: {  	v9 =	vld [tilespmem:s7+$0xA050]  }
0x123: {  	v10 =	vld [tilespmem:s7+$0x14040]  }
0x124: {  	v11 =	vld [tilespmem:s7+$0xA040]  }
0x125: {  	v12 =	vld [tilespmem:s7+$0x14030]  }
0x126: {  	v13 =	vld [tilespmem:s7+$0xA030]  }
0x127: {  	v8 =	vld [tilespmem:s7+$0xA010]  }
0x128: {  	v7 =	vadd.f32 v2, v3;
	v2 =	vld [tilespmem:s7+$0x14060]  }
0x129: {  	v3 =	vld [tilespmem:s7+$0xA060]  }
0x12a: {  	v4 =	vadd.f32 v4, v5;
	v5 =	vld [tilespmem:s7+$0x14000]  }
0x12b: {  	v14 =	vadd.f32 v6, v9;
	[tilespmem:s7+$0xA090] =	vst v7;
	v7 =	vld [tilespmem:s7+$0x14010]  }
0x12c: {  	v6 =	vld [tilespmem:s7+$0xA000];
	v9 =	vadd.f32 v10, v11;
	[tilespmem:s7+$0xA080] =	vst v4  }
0x12d: {  	s8 =	simm.s32 $0x0;
	s11 =	simm.s32 $0x280;
	v10 =	vadd.f32 v12, v13;
	v4 =	vld [tilespmem:s7+$0xA020];
	[tilespmem:s7+$0xA050] =	vst v14  }
.LBB2_9:
0x12e: {  	s13 =	sshra.s32 s11, $0x2;
	s8 =	sadd.s32 $0x2, s8;
	v11 =	vld [tilespmem:s7+$0x14020];
	[tilespmem:s7+$0xA040] =	vst v9  }
0x12f: {  	v9 =	vld [tilespmem:s13+$0x14090];
	p1 =	slt.u32 s8, $0x7E;
	[tilespmem:s7+$0xA030] =	vst v10  }
0x130: {  	v10 =	vld [tilespmem:s13+$0xA090];
	v7 =	vadd.f32 v7, v8  }
0x131: {  	v8 =	vld [tilespmem:s13+$0x14080]  }
0x132: {  	v3 =	vadd.f32 v2, v3;
	v1 =	vadd.f32 v0, v1;
	v12 =	vld [tilespmem:s13+$0xA080];
	[tilespmem:s7+$0xA010] =	vst v7  }
0x133: {  	v2 =	vadd.f32 v5, v6;
	v0 =	vld [tilespmem:s13+$0x14070];
	v4 =	vadd.f32 v11, v4  }
0x134: {  	v5 =	vld [tilespmem:s13+$0x14050];
	[tilespmem:s7+$0xA070] =	vst v1  }
0x135: {  	v1 =	vld [tilespmem:s13+$0xA070];
	v6 =	vadd.f32 v9, v10;
	[tilespmem:s7+$0xA000] =	vst v2  }
0x136: {  	v10 =	vld [tilespmem:s13+$0xA050];
	[tilespmem:s7+$0xA020] =	vst v4  }
0x137: {  	v2 =	vld [tilespmem:s13+$0x14060];
	v4 =	vadd.f32 v8, v12;
	[tilespmem:s7+$0xA060] =	vst v3;
	s7 =	smov.u32 s13  }
0x138: {  	v3 =	vld [tilespmem:s7+$0xA060];
	[tilespmem:s7+$0xA090] =	vst v6  }
0x139: {  	v6 =	vld [tilespmem:s7+$0x14040];
	[tilespmem:s7+$0xA080] =	vst v4  }
0x13a: {  	v9 =	vld [tilespmem:s7+$0xA040]  }
0x13b: {  	v11 =	vld [tilespmem:s7+$0x14030]  }
0x13c: {  	v12 =	vld [tilespmem:s7+$0xA030]  }
.Ltmp5:
0x13d: {  	v4 =	vld [tilespmem:s7+$0xA020];
	(pc) =	sbr.rel @p1 .LBB2_9-.Ltmp5, $4  }
0x13e: {  	v7 =	vld [tilespmem:s7+$0x14010]  }
0x13f: {  	v13 =	vadd.f32 v5, v10;
	v8 =	vld [tilespmem:s7+$0xA010];
	v9 =	vadd.f32 v6, v9  }
0x140: {  	v5 =	vld [tilespmem:s7+$0x14000]  }
0x141: {  	s11 =	sadd.s32 $0x280, s11;
	v6 =	vld [tilespmem:s7+$0xA000];
	v10 =	vadd.f32 v11, v12;
	[tilespmem:s7+$0xA050] =	vst v13  }
0x142: {  	v11 =	vld [tilespmem:s7+$0x14020]  }
0x143: {  	[tilespmem:s7+$0xA040] =	vst v9;
	v0 =	vadd.f32 v0, v1  }
0x144: {  	v63 =	vadd.f32 v2, v3;
	[tilespmem:s7+$0xA030] =	vst v10  }
0x145: {  	v7 =	vadd.f32 v7, v8;
	[tilespmem:s7+$0xA070] =	vst v0  }
.Ltmp6:
0x146: {  	s8 =	sadd.s32 s5, s22;
	[tilespmem:s7+$0xA060] =	vst v63;
	v62 =	vadd.f32 v5, v6;
	(pc) =	sbr.rel @p0 .LBB2_12-.Ltmp6, $4  }
0x147: {  	s8 =	smul.u32 $0xA, s8;
	[tilespmem:s7+$0xA010] =	vst v7;
	v4 =	vadd.f32 v11, v4  }
0x148: {  	[tilespmem:s7+$0xA000] =	vst v62  }
0x149: {  	s22 =	sadd.s32 s6, s8;
	[tilespmem:s7+$0xA020] =	vst v4  }
0x14a: {  	[hbm4b:s22+s3] =	stream.linear.scatter [tilespmem:s25], [sflag:$0x8], $0x2800, $0x38;
	[tilespmem:$0x16800] =	vst v63  }
0x14b: {  	_ =	swait.ge [sflag:s0], $0x2800  }
.Ltmp7:
0x14c: {  	[sflag:s0] =	ssyncset.done $0x0;
	(pc) =	sbr.rel .LBB2_2-.Ltmp7, $4  }
0x14d: {  	s7 =	sadd.s32 $0x300, s20;
	[sflag:s0] =	ssyncadd.s32 $0xFFFFD800  }
0x14e: {  	[tilespmem:s21], [sflag:$0x3] =	stream.indirect.gather [hbm4b:s2+s14], $0x50, s7, s14, $0xb8;
	[tilespmem:$0x16800] =	vst v63  }
0x14f: {  	s22 =	sadd.s32 $0x1700, s20;
	s19 =	sadd.s32 $0x1, s19  }
0x150: {  	[tilespmem:s23], [sflag:$0x3] =	stream.indirect.gather [hbm4b:s4+s14], $0x50, s22, s14, $0xb8;
	[tilespmem:$0x16800] =	vst v63  }
.LBB2_13:
0x151: {  	_ =	sfence.sel $0x180000  }
0x152: {  	[bflag:$0x0] =	sbarrier.arrive $0xFFFF  }
0x153: {  	_ =	strace $0x90000047  }
0x154: {  	s0 =	stileid.u32;
	[bflag:$0x2] =	sbarrier.arrive $0xFFFF  }
0x155: {  	p0 =	sne.s32 s0, $0x0;
	s0 =	rddreg [dreg:$0x2]  }
0x156: {  	s0 =	sadd.s32 @!p0 $0x100000, s0  }
0x157: {  	[sflag:s0] =	ssyncadd.tile.s32 @!p0 $0x1;
	_ =	shalt  }
.Lfunc_end2:
_tile_overlayer_lowered:
.L_overlay_start_2:
0x158: {  	(tag) =	ssettag $0x2  }
0x159: {  	s0 =	rddreg [dreg:$0x0];
	s2 =	stileid.u32  }
0x15a: {  	s1 =	rddreg [dreg:$0x1];
	p0 =	sne.s32 s2, $0x0  }
0x15b: {  	s3 =	rddreg [dreg:$0x2];
	[bflag:$0x3] =	sbarrier.arrive $0xFFFF;
	s2 =	simm.s32 @!p0 $0x1C09  }
0x15c: {  	[timem:s3], [sflag:s2] =	dma.local @!p0 [hbm:s0], s1  }
0x15d: {  	s0 =	simm.s32 @!p0 $0x9  }
0x15e: {  	_ =	swait.ge @!p0 [sflag:s0], s1  }
0x15f: {  	s1 =	ssub.s32 @!p0 $0x0, s1;
	[sflag:s0] =	ssyncset.done @!p0 $0x0  }
0x160: {  	[sflag:s0] =	ssyncadd.s32 @!p0 s1  }
0x161: {  	[bflag:$0x3] =	sbarrier.arrive $0xFFFF  }
0x162: {  	_ =	shalt  }

</sc_bundles>
